<compile_context>
chip_gen: v7x
topology: tpu7x:2x2x1
jax: 0.10.2.dev20260603
libtpu: 0.0.44.dev20260713+nightly
codegen_flags: <defaults>
</compile_context>

<pallas_src>
import functools

import jax
import jax.numpy as jnp
from jax import lax
from jax.experimental import pallas as pl
from jax.experimental.pallas import tpu as pltpu
from jax.experimental.pallas import tpu_sc as plsc

N = 10000
K = 20
H = 128

NP = 10016
RPW = NP // 32
OW = 32
NV = N // 16
CAND = 512
BIG = 3.0e38


def _knn_body(px_h, py_h, pz_h, sq_h, out_h, px, py, pz, sq, drow,
              cd, ci, ob):
    wid = lax.axis_index("s") * 2 + lax.axis_index("c")
    pltpu.sync_copy(px_h, px)
    pltpu.sync_copy(py_h, py)
    pltpu.sync_copy(pz_h, pz)
    pltpu.sync_copy(sq_h, sq)

    iota = lax.iota(jnp.int32, 16)
    infv = jnp.full((16,), BIG, jnp.float32)
    negv = jnp.full((16,), -1, jnp.int32)
    bigp = jnp.full((16,), 1 << 30, jnp.int32)
    base = wid * RPW

    def shuf(v, lanes):
        return lax.gather(
            v, lanes[:, None],
            lax.GatherDimensionNumbers(offset_dims=(), collapsed_slice_dims=(0,),
                                       start_index_map=(0,)),
            (1,), mode=lax.GatherScatterMode.PROMISE_IN_BOUNDS)

    def splat_at(ref, p):
        blk = (p // 16) * 16
        v = ref[pl.ds(blk, 16)]
        return shuf(v, jnp.full((16,), p - blk, jnp.int32))

    def row_body(rl, _):
        r = base + rl
        s = splat_at(sq, r)
        a = -2.0 * splat_at(px, r)
        b = -2.0 * splat_at(py, r)
        c = -2.0 * splat_at(pz, r)

        def dpair(j):
            jb = 16 * j
            xv = px[pl.ds(jb, 16)]
            yv = py[pl.ds(jb, 16)]
            zv = pz[pl.ds(jb, 16)]
            tv = sq[pl.ds(jb, 16)]
            d = (tv + s) + ((a * xv + b * yv) + c * zv)
            jv = iota + jb
            d = jnp.where(jv == r, BIG, d)
            drow[pl.ds(jb, 16)] = d
            return d

        def dbody(i, carry):
            m1, m2 = carry
            m1 = jnp.minimum(m1, dpair(2 * i))
            m2 = jnp.minimum(m2, dpair(2 * i + 1))
            return m1, m2

        m1, m2 = lax.fori_loop(0, NV // 2, dbody, (infv, infv), unroll=4)
        m1 = jnp.minimum(m1, dpair(NV - 1))

        s1 = jnp.sort(m1)
        s2 = jnp.sort(m2)
        tau = jnp.maximum(s1[9], s2[9])

        zerov = jnp.zeros((16,), jnp.int32)
        lane15 = jnp.full((16,), 15, jnp.int32)

        def cgroup(g, off):
            jb = 64 * g
            ds = [drow[pl.ds(jb + 16 * u, 16)] for u in range(4)]
            masks = [d <= tau for d in ds]
            csums = [plsc.cumsum(jnp.where(m, 1, 0)) for m in masks]
            tots = [shuf(cs, lane15) for cs in csums]
            bases = [off, off + tots[0], off + (tots[0] + tots[1]),
                     off + (tots[0] + tots[1]) + tots[2]]
            for u in range(4):
                pos = jnp.minimum(bases[u] + csums[u] - 1, CAND - 1)
                plsc.store_scatter(cd, [pos], ds[u], mask=masks[u])
                plsc.store_scatter(ci, [pos], iota + (jb + 16 * u),
                                   mask=masks[u])
            return off + ((tots[0] + tots[1]) + (tots[2] + tots[3]))

        off_v = lax.fori_loop(0, NV // 4, cgroup, zerov)

        dt = drow[pl.ds(16 * (NV - 1), 16)]
        maskt = dt <= tau
        csumt = plsc.cumsum(jnp.where(maskt, 1, 0))
        post = jnp.minimum(off_v + csumt - 1, CAND - 1)
        plsc.store_scatter(cd, [post], dt, mask=maskt)
        plsc.store_scatter(ci, [post], iota + 16 * (NV - 1), mask=maskt)
        off_v = off_v + shuf(csumt, lane15)
        nc = jnp.minimum(off_v[0], CAND)
        cd[pl.ds(nc, 16)] = infv
        nv = (nc + 15) // 16

        def fold2(v, carry):
            fv, fp = carry
            d = cd[pl.ds(16 * v, 16)]
            lt = d < fv
            return jnp.where(lt, d, fv), jnp.where(lt, 16 * v + iota, fp)

        acc1 = negv
        acc2 = negv
        for k in range(K):
            fv, fp = lax.fori_loop(0, nv, fold2, (infv, bigp))
            for sh in (8, 4, 2, 1):
                ov = shuf(fv, iota ^ sh)
                op = shuf(fp, iota ^ sh)
                sw = (ov < fv) | ((ov == fv) & (op < fp))
                fv = jnp.where(sw, ov, fv)
                fp = jnp.where(sw, op, fp)
            p = fp[0]
            idxs = splat_at(ci, p)
            if k < 16:
                acc1 = jnp.where(iota == k, idxs, acc1)
            else:
                acc2 = jnp.where(iota == (k - 16), idxs, acc2)
            blk = (p // 16) * 16
            vv = cd[pl.ds(blk, 16)]
            cd[pl.ds(blk, 16)] = jnp.where(iota == p - blk, BIG, vv)
        ob[pl.ds(rl * OW, 16)] = acc1
        ob[pl.ds(rl * OW + 16, 16)] = acc2
        return 0

    lax.fori_loop(0, RPW, row_body, 0)
    pltpu.sync_copy(ob, out_h.at[pl.ds(base * OW, RPW * OW)])


@jax.jit
def _knn_sc(px, py, pz, sq):
    mesh = plsc.VectorSubcoreMesh(core_axis_name="c", subcore_axis_name="s")
    fn = pl.kernel(
        _knn_body,
        mesh=mesh,
        compiler_params=pltpu.CompilerParams(needs_layout_passes=False),
        out_type=jax.ShapeDtypeStruct((NP * OW,), jnp.int32),
        scratch_types=[
            pltpu.VMEM((NP,), jnp.float32),
            pltpu.VMEM((NP,), jnp.float32),
            pltpu.VMEM((NP,), jnp.float32),
            pltpu.VMEM((NP,), jnp.float32),
            pltpu.VMEM((N,), jnp.float32),
            pltpu.VMEM((CAND + 16,), jnp.float32),
            pltpu.VMEM((CAND,), jnp.int32),
            pltpu.VMEM((RPW * OW,), jnp.int32),
        ],
    )
    return fn(px, py, pz, sq)


def _layer_body(h_ref, mx_ref, pp_ref, wx_ref, wd_ref, wp_ref, b_ref, o_ref):
    h = h_ref[...]
    mx = mx_ref[...]
    acc = jnp.dot(mx, wx_ref[...], preferred_element_type=jnp.float32,
                  precision=lax.Precision.HIGHEST)
    acc += jnp.dot(h - mx, wd_ref[...], preferred_element_type=jnp.float32,
                   precision=lax.Precision.HIGHEST)
    acc += jnp.dot(pp_ref[...], wp_ref[...], preferred_element_type=jnp.float32,
                   precision=lax.Precision.HIGHEST)
    o_ref[...] = jnp.maximum(acc + b_ref[...], 0.0)


@functools.partial(jax.jit, static_argnames=("blk",))
def _layer(h, mx, pp, wx, wd, wp, b, blk=1000):
    n = h.shape[0]
    grid = (n // blk,)
    return pl.pallas_call(
        _layer_body,
        grid=grid,
        in_specs=[
            pl.BlockSpec((blk, H), lambda i: (i, 0)),
            pl.BlockSpec((blk, H), lambda i: (i, 0)),
            pl.BlockSpec((blk, 8), lambda i: (i, 0)),
            pl.BlockSpec((H, H), lambda i: (0, 0)),
            pl.BlockSpec((H, H), lambda i: (0, 0)),
            pl.BlockSpec((8, H), lambda i: (0, 0)),
            pl.BlockSpec((1, H), lambda i: (0, 0)),
        ],
        out_specs=pl.BlockSpec((blk, H), lambda i: (i, 0)),
        out_shape=jax.ShapeDtypeStruct((n, H), jnp.float32),
    )(h, mx, pp, wx, wd, wp, b)


def _final_body(h_ref, wf_ref, o_ref):
    h = h_ref[...]
    wf = wf_ref[...]
    logits = jnp.sum(h * wf, axis=1, keepdims=True)
    m = jnp.max(logits)
    e = jnp.exp(logits - m)
    o_ref[...] = e / jnp.sum(e)


def _final(h, wf):
    n = h.shape[0]
    return pl.pallas_call(
        _final_body,
        out_shape=jax.ShapeDtypeStruct((n, 1), jnp.float32),
    )(h, wf.reshape(1, H))


def kernel(x, pos, W0, b0, W1, b1, W2, b2, Wf, bf):
    sq = jnp.sum(pos * pos, axis=1)
    posr = pos.astype(jnp.bfloat16).astype(jnp.float32)
    posp = jnp.pad(posr, ((0, NP - N), (0, 0)))
    sqp = jnp.pad(sq, (0, NP - N))
    idx_flat = _knn_sc(posp[:, 0], posp[:, 1], posp[:, 2], sqp)
    idx = idx_flat.reshape(NP, OW)[:N, :K]

    nbr2 = idx[idx]
    mut = jnp.any(nbr2 == jnp.arange(N)[:, None, None], axis=-1)
    w = 1.0 - mut.astype(jnp.float32)
    flat_t = idx.reshape(-1)
    cnt = K + jax.ops.segment_sum(w.reshape(-1), flat_t, num_segments=N)

    t_eff = jnp.where(mut, N, idx).reshape(-1)

    def agg(h):
        g = h[idx].sum(1)
        s = jax.ops.segment_sum(jnp.repeat(h, K, axis=0), t_eff, num_segments=N)
        return (g + s) / cnt[:, None]

    m_p = agg(pos)
    pp = jnp.pad(pos - m_p, ((0, 0), (0, 5)))

    h = x
    for W, b in [(W0, b0), (W1, b1), (W2, b2)]:
        d = h.shape[1]
        wx, wd = W[:d], W[d:2 * d]
        wp = jnp.pad(W[2 * d:], ((0, 5), (0, 0)))
        m_x = agg(h)
        h = _layer(h, m_x, pp, wx, wd, wp, b.reshape(1, H))

    return _final(h, Wf).reshape(N)

# --- scband reference (transcript-rebuilt; emitter-appended) ---
"""Pipeline reference for scband-face-classifier-3624952398794 (READ-ONLY COPY).

The authoritative reference and input builder live on the scoring server;
editing this copy changes nothing except your own understanding.
"""

import jax, jax.numpy as jnp
import numpy as np

N = 10000
IN = 128
H = 128
K = 20
L = 3


def setup_inputs(seed: int = 0) -> dict:
    key = jax.random.key(seed)
    ks = jax.random.split(key, 16)
    inp = {
        "x": jax.random.normal(ks[0], (N, IN), dtype=jnp.float32),
        "pos": jax.random.normal(ks[1], (N, 3), dtype=jnp.float32),
    }
    in_dims = [IN] + [H] * (L - 1)
    for i, d in enumerate(in_dims):
        fan = 2 * d + 3
        inp[f"W{i}"] = jax.random.normal(ks[2 + i], (fan, H), dtype=jnp.float32) / np.sqrt(fan)
        inp[f"b{i}"] = jnp.zeros((H,), dtype=jnp.float32)
    inp["Wf"] = jax.random.normal(ks[10], (H, 1), dtype=jnp.float32) / np.sqrt(H)
    inp["bf"] = jnp.zeros((1,), dtype=jnp.float32)
    return inp


def knn_graph(pos, k):
    n = pos.shape[0]
    sq = jnp.sum(pos * pos, axis=1)
    dist = sq[:, None] + sq[None, :] - 2.0 * (pos @ pos.T)
    dist = dist.at[jnp.arange(n), jnp.arange(n)].set(jnp.inf)
    _, idx = jax.lax.top_k(-dist, k)
    src = jnp.repeat(jnp.arange(n), k)
    dst = idx.reshape(-1)
    e = jnp.stack([src, dst])
    e = jnp.concatenate([e, e[::-1]], axis=1)
    code = e[0] * n + e[1]
    order = jnp.argsort(code, stable=True)
    code_sorted = code[order]
    e = e[:, order]
    first = jnp.concatenate(
        [jnp.ones((1,), dtype=bool), code_sorted[1:] != code_sorted[:-1]]
    )
    return e, first


def triconv(x, pos, edge_index, edge_mask, W, b):
    s, t = edge_index[0], edge_index[1]
    msg = jnp.concatenate([x[s], x[t] - x[s], pos[t] - pos[s]], axis=-1) @ W + b
    n = x.shape[0]
    t_eff = jnp.where(edge_mask, t, n)
    agg = jax.ops.segment_sum(msg, t_eff, num_segments=n)
    cnt = jax.ops.segment_sum(jnp.ones((edge_index.shape[1],), x.dtype), t_eff, num_segments=n)
    return agg / jnp.clip(cnt, 1.0)[:, None]


def reference(x, pos, W0, b0, W1, b1, W2, b2, Wf, bf):
    edge_index, edge_mask = knn_graph(pos, K)
    h = x
    for W, b in [(W0, b0), (W1, b1), (W2, b2)]:
        h = jax.nn.relu(triconv(h, pos, edge_index, edge_mask, W, b))
    logits = (h @ Wf + bf).squeeze(-1)
    return jax.nn.softmax(logits, axis=0)

if __name__ == "__main__":
    import jax
    _d = setup_inputs()
    print(jax.jit(kernel)(*tuple(_d.values())))

</pallas_src>

<mosaic_0001>
#map = affine_map<(d0, d1) -> (0)>
module attributes {stable_mosaic.version = 14 : i64} {
  func.func @_knn_body(%arg0: i32, %arg1: i32, %arg2: memref<10016xf32, #tpu.memory_space<hbm>>, %arg3: memref<10016xf32, #tpu.memory_space<hbm>>, %arg4: memref<10016xf32, #tpu.memory_space<hbm>>, %arg5: memref<10016xf32, #tpu.memory_space<hbm>>, %arg6: memref<320512xi32, #tpu.memory_space<hbm>>, %arg7: memref<10016xf32, #tpu.memory_space<vmem>>, %arg8: memref<10016xf32, #tpu.memory_space<vmem>>, %arg9: memref<10016xf32, #tpu.memory_space<vmem>>, %arg10: memref<10016xf32, #tpu.memory_space<vmem>>, %arg11: memref<10000xf32, #tpu.memory_space<vmem>>, %arg12: memref<528xf32, #tpu.memory_space<vmem>>, %arg13: memref<512xi32, #tpu.memory_space<vmem>>, %arg14: memref<10016xi32, #tpu.memory_space<vmem>>) attributes {dimension_semantics = [#tpu.dimension_semantics<core_parallel>, #tpu.dimension_semantics<subcore_parallel>], iteration_bounds = array<i64: 2, 16>, scalar_prefetch = 0 : i64, scratch_operands = 8 : i64, tpu.core_type = #tpu.core_type<sc_vector_subcore>, window_params = [{transform_indices = #map}, {transform_indices = #map}, {transform_indices = #map}, {transform_indices = #map}, {transform_indices = #map}]} {
    %mul3A = arith.constant 2 : i32
    %mul3A_0 = arith.muli %arg1, %mul3A : i32
    %add3A = arith.addi %mul3A_0, %arg0 : i32
    "tpu.region"() ({
      %run_scoped3A = tpu.sem_alloc : memref<!tpu.dma_semaphore, #tpu.memory_space<semaphore_mem>>
      tpu.enqueue_dma source(%arg2 : memref<10016xf32, #tpu.memory_space<hbm>>) target(%arg7 : memref<10016xf32, #tpu.memory_space<vmem>>) target_semaphore(%run_scoped3A : memref<!tpu.dma_semaphore, #tpu.memory_space<semaphore_mem>>)
      tpu.wait_dma2 semaphore(%run_scoped3A : memref<!tpu.dma_semaphore, #tpu.memory_space<semaphore_mem>>) src(%arg2 : memref<10016xf32, #tpu.memory_space<hbm>>) dst(%arg7 : memref<10016xf32, #tpu.memory_space<vmem>>)
      tpu.yield
    }) : () -> ()
    "tpu.region"() ({
      %run_scoped3A = tpu.sem_alloc : memref<!tpu.dma_semaphore, #tpu.memory_space<semaphore_mem>>
      tpu.enqueue_dma source(%arg3 : memref<10016xf32, #tpu.memory_space<hbm>>) target(%arg8 : memref<10016xf32, #tpu.memory_space<vmem>>) target_semaphore(%run_scoped3A : memref<!tpu.dma_semaphore, #tpu.memory_space<semaphore_mem>>)
      tpu.wait_dma2 semaphore(%run_scoped3A : memref<!tpu.dma_semaphore, #tpu.memory_space<semaphore_mem>>) src(%arg3 : memref<10016xf32, #tpu.memory_space<hbm>>) dst(%arg8 : memref<10016xf32, #tpu.memory_space<vmem>>)
      tpu.yield
    }) : () -> ()
    "tpu.region"() ({
      %run_scoped3A = tpu.sem_alloc : memref<!tpu.dma_semaphore, #tpu.memory_space<semaphore_mem>>
      tpu.enqueue_dma source(%arg4 : memref<10016xf32, #tpu.memory_space<hbm>>) target(%arg9 : memref<10016xf32, #tpu.memory_space<vmem>>) target_semaphore(%run_scoped3A : memref<!tpu.dma_semaphore, #tpu.memory_space<semaphore_mem>>)
      tpu.wait_dma2 semaphore(%run_scoped3A : memref<!tpu.dma_semaphore, #tpu.memory_space<semaphore_mem>>) src(%arg4 : memref<10016xf32, #tpu.memory_space<hbm>>) dst(%arg9 : memref<10016xf32, #tpu.memory_space<vmem>>)
      tpu.yield
    }) : () -> ()
    "tpu.region"() ({
      %run_scoped3A = tpu.sem_alloc : memref<!tpu.dma_semaphore, #tpu.memory_space<semaphore_mem>>
      tpu.enqueue_dma source(%arg5 : memref<10016xf32, #tpu.memory_space<hbm>>) target(%arg10 : memref<10016xf32, #tpu.memory_space<vmem>>) target_semaphore(%run_scoped3A : memref<!tpu.dma_semaphore, #tpu.memory_space<semaphore_mem>>)
      tpu.wait_dma2 semaphore(%run_scoped3A : memref<!tpu.dma_semaphore, #tpu.memory_space<semaphore_mem>>) src(%arg5 : memref<10016xf32, #tpu.memory_space<hbm>>) dst(%arg10 : memref<10016xf32, #tpu.memory_space<vmem>>)
      tpu.yield
    }) : () -> ()
    %iota3A = tpu.iota {dimensions = array<i32: 0>} : vector<16xi32>
    %broadcast_in_dim3A = arith.constant 3.000000e+38 : f32
    %broadcast_in_dim3A_1 = vector.broadcast %broadcast_in_dim3A : f32 to vector<16xf32>
    %broadcast_in_dim3A_2 = arith.constant -1 : i32
    %broadcast_in_dim3A_3 = vector.broadcast %broadcast_in_dim3A_2 : i32 to vector<16xi32>
    %broadcast_in_dim3A_4 = arith.constant 1073741824 : i32
    %broadcast_in_dim3A_5 = vector.broadcast %broadcast_in_dim3A_4 : i32 to vector<16xi32>
    %mul3A_6 = arith.constant 313 : i32
    %mul3A_7 = arith.muli %add3A, %mul3A_6 : i32
    %scan3A = arith.constant 0 : i32
    %scan3A_8 = arith.constant 0 : i32
    %scan3A_9 = arith.constant 313 : i32
    %scan3A_10 = arith.addi %scan3A_8, %scan3A_9 : i32
    %scan3A_11 = arith.constant 1 : i32
    %scan3A_12 = scf.for %scan3A_16 = %scan3A_8 to %scan3A_10 step %scan3A_11 iter_args(%scan3A_17 = %scan3A) -> (i32)  : i32 {
      %add3A_18 = arith.addi %mul3A_7, %scan3A_16 : i32
      %jit3A = arith.constant 16 : i32
      %div3A = arith.divsi %add3A_18, %jit3A : i32
      %sign3A = arith.constant 0 : i32
      %sign3A_19 = arith.cmpi sgt, %add3A_18, %sign3A : i32
      %sign3A_20 = arith.extui %sign3A_19 : i1 to i32
      %sign3A_21 = arith.constant 0 : i32
      %sign3A_22 = arith.cmpi slt, %add3A_18, %sign3A_21 : i32
      %sign3A_23 = arith.extui %sign3A_22 : i1 to i32
      %sign3A_24 = arith.subi %sign3A_20, %sign3A_23 : i32
      %sign3A_25 = arith.constant 0 : i32
      %sign3A_26 = arith.cmpi sgt, %jit3A, %sign3A_25 : i32
      %sign3A_27 = arith.extui %sign3A_26 : i1 to i32
      %sign3A_28 = arith.constant 0 : i32
      %sign3A_29 = arith.cmpi slt, %jit3A, %sign3A_28 : i32
      %sign3A_30 = arith.extui %sign3A_29 : i1 to i32
      %sign3A_31 = arith.subi %sign3A_27, %sign3A_30 : i32
      %ne3A = arith.cmpi ne, %sign3A_24, %sign3A_31 : i32
      %rem3A = arith.remsi %add3A_18, %jit3A : i32
      %ne3A_32 = arith.constant 0 : i32
      %ne3A_33 = arith.cmpi ne, %rem3A, %ne3A_32 : i32
      %and3A = arith.andi %ne3A, %ne3A_33 : i1
      %sub3A = arith.constant 1 : i32
      %sub3A_34 = arith.subi %div3A, %sub3A : i32
      %select_n3A = arith.select %and3A, %sub3A_34, %div3A : i32
      %mul3A_35 = arith.constant 16 : i32
      %mul3A_36 = arith.muli %select_n3A, %mul3A_35 : i32
      %get3A = arith.index_cast %mul3A_36 : i32 to index
      %get3A_37 = tpu.vector_load %arg10[%get3A] {strides = array<i32>} : memref<10016xf32, #tpu.memory_space<vmem>>, vector<16xf32>,
      %sub3A_38 = arith.subi %add3A_18, %mul3A_36 : i32
      %broadcast_in_dim3A_39 = vector.broadcast %sub3A_38 : i32 to vector<16xi32>
      %broadcast_in_dim3A_40 = vector.shape_cast %broadcast_in_dim3A_39 : vector<16xi32> to vector<16x1xi32>
      %gather3A = vector.shape_cast %broadcast_in_dim3A_40 : vector<16x1xi32> to vector<16xi32>
      %gather3A_41 = tpu.dynamic_gather %get3A_37[%gather3A] in [0] : vector<16xf32>, vector<16xi32> -> vector<16xf32>
      %jit3A_42 = arith.constant 16 : i32
      %div3A_43 = arith.divsi %add3A_18, %jit3A_42 : i32
      %sign3A_44 = arith.constant 0 : i32
      %sign3A_45 = arith.cmpi sgt, %add3A_18, %sign3A_44 : i32
      %sign3A_46 = arith.extui %sign3A_45 : i1 to i32
      %sign3A_47 = arith.constant 0 : i32
      %sign3A_48 = arith.cmpi slt, %add3A_18, %sign3A_47 : i32
      %sign3A_49 = arith.extui %sign3A_48 : i1 to i32
      %sign3A_50 = arith.subi %sign3A_46, %sign3A_49 : i32
      %sign3A_51 = arith.constant 0 : i32
      %sign3A_52 = arith.cmpi sgt, %jit3A_42, %sign3A_51 : i32
      %sign3A_53 = arith.extui %sign3A_52 : i1 to i32
      %sign3A_54 = arith.constant 0 : i32
      %sign3A_55 = arith.cmpi slt, %jit3A_42, %sign3A_54 : i32
      %sign3A_56 = arith.extui %sign3A_55 : i1 to i32
      %sign3A_57 = arith.subi %sign3A_53, %sign3A_56 : i32
      %ne3A_58 = arith.cmpi ne, %sign3A_50, %sign3A_57 : i32
      %rem3A_59 = arith.remsi %add3A_18, %jit3A_42 : i32
      %ne3A_60 = arith.constant 0 : i32
      %ne3A_61 = arith.cmpi ne, %rem3A_59, %ne3A_60 : i32
      %and3A_62 = arith.andi %ne3A_58, %ne3A_61 : i1
      %sub3A_63 = arith.constant 1 : i32
      %sub3A_64 = arith.subi %div3A_43, %sub3A_63 : i32
      %select_n3A_65 = arith.select %and3A_62, %sub3A_64, %div3A_43 : i32
      %mul3A_66 = arith.constant 16 : i32
      %mul3A_67 = arith.muli %select_n3A_65, %mul3A_66 : i32
      %get3A_68 = arith.index_cast %mul3A_67 : i32 to index
      %get3A_69 = tpu.vector_load %arg7[%get3A_68] {strides = array<i32>} : memref<10016xf32, #tpu.memory_space<vmem>>, vector<16xf32>,
      %sub3A_70 = arith.subi %add3A_18, %mul3A_67 : i32
      %broadcast_in_dim3A_71 = vector.broadcast %sub3A_70 : i32 to vector<16xi32>
      %broadcast_in_dim3A_72 = vector.shape_cast %broadcast_in_dim3A_71 : vector<16xi32> to vector<16x1xi32>
      %gather3A_73 = vector.shape_cast %broadcast_in_dim3A_72 : vector<16x1xi32> to vector<16xi32>
      %gather3A_74 = tpu.dynamic_gather %get3A_69[%gather3A_73] in [0] : vector<16xf32>, vector<16xi32> -> vector<16xf32>
      %mul3A_75 = arith.constant -2.000000e+00 : f32
      %mul3A_76 = vector.broadcast %mul3A_75 : f32 to vector<16xf32>
      %mul3A_77 = arith.mulf %mul3A_76, %gather3A_74 : vector<16xf32>
      %jit3A_78 = arith.constant 16 : i32
      %div3A_79 = arith.divsi %add3A_18, %jit3A_78 : i32
      %sign3A_80 = arith.constant 0 : i32
      %sign3A_81 = arith.cmpi sgt, %add3A_18, %sign3A_80 : i32
      %sign3A_82 = arith.extui %sign3A_81 : i1 to i32
      %sign3A_83 = arith.constant 0 : i32
      %sign3A_84 = arith.cmpi slt, %add3A_18, %sign3A_83 : i32
      %sign3A_85 = arith.extui %sign3A_84 : i1 to i32
      %sign3A_86 = arith.subi %sign3A_82, %sign3A_85 : i32
      %sign3A_87 = arith.constant 0 : i32
      %sign3A_88 = arith.cmpi sgt, %jit3A_78, %sign3A_87 : i32
      %sign3A_89 = arith.extui %sign3A_88 : i1 to i32
      %sign3A_90 = arith.constant 0 : i32
      %sign3A_91 = arith.cmpi slt, %jit3A_78, %sign3A_90 : i32
      %sign3A_92 = arith.extui %sign3A_91 : i1 to i32
      %sign3A_93 = arith.subi %sign3A_89, %sign3A_92 : i32
      %ne3A_94 = arith.cmpi ne, %sign3A_86, %sign3A_93 : i32
      %rem3A_95 = arith.remsi %add3A_18, %jit3A_78 : i32
      %ne3A_96 = arith.constant 0 : i32
      %ne3A_97 = arith.cmpi ne, %rem3A_95, %ne3A_96 : i32
      %and3A_98 = arith.andi %ne3A_94, %ne3A_97 : i1
      %sub3A_99 = arith.constant 1 : i32
      %sub3A_100 = arith.subi %div3A_79, %sub3A_99 : i32
      %select_n3A_101 = arith.select %and3A_98, %sub3A_100, %div3A_79 : i32
      %mul3A_102 = arith.constant 16 : i32
      %mul3A_103 = arith.muli %select_n3A_101, %mul3A_102 : i32
      %get3A_104 = arith.index_cast %mul3A_103 : i32 to index
      %get3A_105 = tpu.vector_load %arg8[%get3A_104] {strides = array<i32>} : memref<10016xf32, #tpu.memory_space<vmem>>, vector<16xf32>,
      %sub3A_106 = arith.subi %add3A_18, %mul3A_103 : i32
      %broadcast_in_dim3A_107 = vector.broadcast %sub3A_106 : i32 to vector<16xi32>
      %broadcast_in_dim3A_108 = vector.shape_cast %broadcast_in_dim3A_107 : vector<16xi32> to vector<16x1xi32>
      %gather3A_109 = vector.shape_cast %broadcast_in_dim3A_108 : vector<16x1xi32> to vector<16xi32>
      %gather3A_110 = tpu.dynamic_gather %get3A_105[%gather3A_109] in [0] : vector<16xf32>, vector<16xi32> -> vector<16xf32>
      %mul3A_111 = arith.constant -2.000000e+00 : f32
      %mul3A_112 = vector.broadcast %mul3A_111 : f32 to vector<16xf32>
      %mul3A_113 = arith.mulf %mul3A_112, %gather3A_110 : vector<16xf32>
      %jit3A_114 = arith.constant 16 : i32
      %div3A_115 = arith.divsi %add3A_18, %jit3A_114 : i32
      %sign3A_116 = arith.constant 0 : i32
      %sign3A_117 = arith.cmpi sgt, %add3A_18, %sign3A_116 : i32
      %sign3A_118 = arith.extui %sign3A_117 : i1 to i32
      %sign3A_119 = arith.constant 0 : i32
      %sign3A_120 = arith.cmpi slt, %add3A_18, %sign3A_119 : i32
      %sign3A_121 = arith.extui %sign3A_120 : i1 to i32
      %sign3A_122 = arith.subi %sign3A_118, %sign3A_121 : i32
      %sign3A_123 = arith.constant 0 : i32
      %sign3A_124 = arith.cmpi sgt, %jit3A_114, %sign3A_123 : i32
      %sign3A_125 = arith.extui %sign3A_124 : i1 to i32
      %sign3A_126 = arith.constant 0 : i32
      %sign3A_127 = arith.cmpi slt, %jit3A_114, %sign3A_126 : i32
      %sign3A_128 = arith.extui %sign3A_127 : i1 to i32
      %sign3A_129 = arith.subi %sign3A_125, %sign3A_128 : i32
      %ne3A_130 = arith.cmpi ne, %sign3A_122, %sign3A_129 : i32
      %rem3A_131 = arith.remsi %add3A_18, %jit3A_114 : i32
      %ne3A_132 = arith.constant 0 : i32
      %ne3A_133 = arith.cmpi ne, %rem3A_131, %ne3A_132 : i32
      %and3A_134 = arith.andi %ne3A_130, %ne3A_133 : i1
      %sub3A_135 = arith.constant 1 : i32
      %sub3A_136 = arith.subi %div3A_115, %sub3A_135 : i32
      %select_n3A_137 = arith.select %and3A_134, %sub3A_136, %div3A_115 : i32
      %mul3A_138 = arith.constant 16 : i32
      %mul3A_139 = arith.muli %select_n3A_137, %mul3A_138 : i32
      %get3A_140 = arith.index_cast %mul3A_139 : i32 to index
      %get3A_141 = tpu.vector_load %arg9[%get3A_140] {strides = array<i32>} : memref<10016xf32, #tpu.memory_space<vmem>>, vector<16xf32>,
      %sub3A_142 = arith.subi %add3A_18, %mul3A_139 : i32
      %broadcast_in_dim3A_143 = vector.broadcast %sub3A_142 : i32 to vector<16xi32>
      %broadcast_in_dim3A_144 = vector.shape_cast %broadcast_in_dim3A_143 : vector<16xi32> to vector<16x1xi32>
      %gather3A_145 = vector.shape_cast %broadcast_in_dim3A_144 : vector<16x1xi32> to vector<16xi32>
      %gather3A_146 = tpu.dynamic_gather %get3A_141[%gather3A_145] in [0] : vector<16xf32>, vector<16xi32> -> vector<16xf32>
      %mul3A_147 = arith.constant -2.000000e+00 : f32
      %mul3A_148 = vector.broadcast %mul3A_147 : f32 to vector<16xf32>
      %mul3A_149 = arith.mulf %mul3A_148, %gather3A_146 : vector<16xf32>
      %scan3A_150 = arith.constant 0 : i32
      %scan3A_151 = arith.constant 312 : i32
      %scan3A_152 = arith.addi %scan3A_150, %scan3A_151 : i32
      %scan3A_153 = arith.constant 4 : i32
      %scan3A_154:2 = scf.for %scan3A_3501 = %scan3A_150 to %scan3A_152 step %scan3A_153 iter_args(%scan3A_3502 = %broadcast_in_dim3A_1, %scan3A_3503 = %broadcast_in_dim3A_1) -> (vector<16xf32>, vector<16xf32>)  : i32 {
        %mul3A_3504 = arith.constant 2 : i32
        %mul3A_3505 = arith.muli %mul3A_3504, %scan3A_3501 : i32
        %mul3A_3506 = arith.constant 16 : i32
        %mul3A_3507 = arith.muli %mul3A_3506, %mul3A_3505 : i32
        %get3A_3508 = arith.index_cast %mul3A_3507 : i32 to index
        %get3A_3509 = tpu.vector_load %arg7[%get3A_3508] {strides = array<i32>} : memref<10016xf32, #tpu.memory_space<vmem>>, vector<16xf32>,
        %get3A_3510 = arith.index_cast %mul3A_3507 : i32 to index
        %get3A_3511 = tpu.vector_load %arg8[%get3A_3510] {strides = array<i32>} : memref<10016xf32, #tpu.memory_space<vmem>>, vector<16xf32>,
        %get3A_3512 = arith.index_cast %mul3A_3507 : i32 to index
        %get3A_3513 = tpu.vector_load %arg9[%get3A_3512] {strides = array<i32>} : memref<10016xf32, #tpu.memory_space<vmem>>, vector<16xf32>,
        %get3A_3514 = arith.index_cast %mul3A_3507 : i32 to index
        %get3A_3515 = tpu.vector_load %arg10[%get3A_3514] {strides = array<i32>} : memref<10016xf32, #tpu.memory_space<vmem>>, vector<16xf32>,
        %add3A_3516 = arith.addf %get3A_3515, %gather3A_41 : vector<16xf32>
        %mul3A_3517 = arith.mulf %mul3A_77, %get3A_3509 : vector<16xf32>
        %mul3A_3518 = arith.mulf %mul3A_113, %get3A_3511 : vector<16xf32>
        %add3A_3519 = arith.addf %mul3A_3517, %mul3A_3518 : vector<16xf32>
        %mul3A_3520 = arith.mulf %mul3A_149, %get3A_3513 : vector<16xf32>
        %add3A_3521 = arith.addf %add3A_3519, %mul3A_3520 : vector<16xf32>
        %add3A_3522 = arith.addf %add3A_3516, %add3A_3521 : vector<16xf32>
        %add3A_3523 = vector.broadcast %mul3A_3507 : i32 to vector<16xi32>
        %add3A_3524 = arith.addi %iota3A, %add3A_3523 : vector<16xi32>
        %eq3A_3525 = vector.broadcast %add3A_18 : i32 to vector<16xi32>
        %eq3A_3526 = arith.cmpi eq, %add3A_3524, %eq3A_3525 : vector<16xi32>
        %jit3A_3527 = arith.constant 3.000000e+38 : f32
        %broadcast_in_dim3A_3528 = vector.broadcast %jit3A_3527 : f32 to vector<16xf32>
        %select_n3A_3529 = arith.select %eq3A_3526, %broadcast_in_dim3A_3528, %add3A_3522 : vector<16xi1>, vector<16xf32>
        %swap3A_3530 = arith.index_cast %mul3A_3507 : i32 to index
        %swap3A_3531 = tpu.vector_load %arg11[%swap3A_3530] {strides = array<i32>} : memref<10000xf32, #tpu.memory_space<vmem>>, vector<16xf32>,
        tpu.vector_store %arg11[%swap3A_3530], %select_n3A_3529 {strides = array<i32>} : memref<10000xf32, #tpu.memory_space<vmem>>, vector<16xf32>,
        %min3A_3532 = arith.minimumf %scan3A_3502, %select_n3A_3529 : vector<16xf32>
        %mul3A_3533 = arith.constant 2 : i32
        %mul3A_3534 = arith.muli %mul3A_3533, %scan3A_3501 : i32
        %add3A_3535 = arith.constant 1 : i32
        %add3A_3536 = arith.addi %mul3A_3534, %add3A_3535 : i32
        %mul3A_3537 = arith.constant 16 : i32
        %mul3A_3538 = arith.muli %mul3A_3537, %add3A_3536 : i32
        %get3A_3539 = arith.index_cast %mul3A_3538 : i32 to index
        %get3A_3540 = tpu.vector_load %arg7[%get3A_3539] {strides = array<i32>} : memref<10016xf32, #tpu.memory_space<vmem>>, vector<16xf32>,
        %get3A_3541 = arith.index_cast %mul3A_3538 : i32 to index
        %get3A_3542 = tpu.vector_load %arg8[%get3A_3541] {strides = array<i32>} : memref<10016xf32, #tpu.memory_space<vmem>>, vector<16xf32>,
        %get3A_3543 = arith.index_cast %mul3A_3538 : i32 to index
        %get3A_3544 = tpu.vector_load %arg9[%get3A_3543] {strides = array<i32>} : memref<10016xf32, #tpu.memory_space<vmem>>, vector<16xf32>,
        %get3A_3545 = arith.index_cast %mul3A_3538 : i32 to index
        %get3A_3546 = tpu.vector_load %arg10[%get3A_3545] {strides = array<i32>} : memref<10016xf32, #tpu.memory_space<vmem>>, vector<16xf32>,
        %add3A_3547 = arith.addf %get3A_3546, %gather3A_41 : vector<16xf32>
        %mul3A_3548 = arith.mulf %mul3A_77, %get3A_3540 : vector<16xf32>
        %mul3A_3549 = arith.mulf %mul3A_113, %get3A_3542 : vector<16xf32>
        %add3A_3550 = arith.addf %mul3A_3548, %mul3A_3549 : vector<16xf32>
        %mul3A_3551 = arith.mulf %mul3A_149, %get3A_3544 : vector<16xf32>
        %add3A_3552 = arith.addf %add3A_3550, %mul3A_3551 : vector<16xf32>
        %add3A_3553 = arith.addf %add3A_3547, %add3A_3552 : vector<16xf32>
        %add3A_3554 = vector.broadcast %mul3A_3538 : i32 to vector<16xi32>
        %add3A_3555 = arith.addi %iota3A, %add3A_3554 : vector<16xi32>
        %eq3A_3556 = vector.broadcast %add3A_18 : i32 to vector<16xi32>
        %eq3A_3557 = arith.cmpi eq, %add3A_3555, %eq3A_3556 : vector<16xi32>
        %jit3A_3558 = arith.constant 3.000000e+38 : f32
        %broadcast_in_dim3A_3559 = vector.broadcast %jit3A_3558 : f32 to vector<16xf32>
        %select_n3A_3560 = arith.select %eq3A_3557, %broadcast_in_dim3A_3559, %add3A_3553 : vector<16xi1>, vector<16xf32>
        %swap3A_3561 = arith.index_cast %mul3A_3538 : i32 to index
        %swap3A_3562 = tpu.vector_load %arg11[%swap3A_3561] {strides = array<i32>} : memref<10000xf32, #tpu.memory_space<vmem>>, vector<16xf32>,
        tpu.vector_store %arg11[%swap3A_3561], %select_n3A_3560 {strides = array<i32>} : memref<10000xf32, #tpu.memory_space<vmem>>, vector<16xf32>,
        %min3A_3563 = arith.minimumf %scan3A_3503, %select_n3A_3560 : vector<16xf32>
        %scan3A_3564 = arith.constant 1 : i32
        %scan3A_3565 = arith.addi %scan3A_3501, %scan3A_3564 : i32
        %mul3A_3566 = arith.constant 2 : i32
        %mul3A_3567 = arith.muli %mul3A_3566, %scan3A_3565 : i32
        %mul3A_3568 = arith.constant 16 : i32
        %mul3A_3569 = arith.muli %mul3A_3568, %mul3A_3567 : i32
        %get3A_3570 = arith.index_cast %mul3A_3569 : i32 to index
        %get3A_3571 = tpu.vector_load %arg7[%get3A_3570] {strides = array<i32>} : memref<10016xf32, #tpu.memory_space<vmem>>, vector<16xf32>,
        %get3A_3572 = arith.index_cast %mul3A_3569 : i32 to index
        %get3A_3573 = tpu.vector_load %arg8[%get3A_3572] {strides = array<i32>} : memref<10016xf32, #tpu.memory_space<vmem>>, vector<16xf32>,
        %get3A_3574 = arith.index_cast %mul3A_3569 : i32 to index
        %get3A_3575 = tpu.vector_load %arg9[%get3A_3574] {strides = array<i32>} : memref<10016xf32, #tpu.memory_space<vmem>>, vector<16xf32>,
        %get3A_3576 = arith.index_cast %mul3A_3569 : i32 to index
        %get3A_3577 = tpu.vector_load %arg10[%get3A_3576] {strides = array<i32>} : memref<10016xf32, #tpu.memory_space<vmem>>, vector<16xf32>,
        %add3A_3578 = arith.addf %get3A_3577, %gather3A_41 : vector<16xf32>
        %mul3A_3579 = arith.mulf %mul3A_77, %get3A_3571 : vector<16xf32>
        %mul3A_3580 = arith.mulf %mul3A_113, %get3A_3573 : vector<16xf32>
        %add3A_3581 = arith.addf %mul3A_3579, %mul3A_3580 : vector<16xf32>
        %mul3A_3582 = arith.mulf %mul3A_149, %get3A_3575 : vector<16xf32>
        %add3A_3583 = arith.addf %add3A_3581, %mul3A_3582 : vector<16xf32>
        %add3A_3584 = arith.addf %add3A_3578, %add3A_3583 : vector<16xf32>
        %add3A_3585 = vector.broadcast %mul3A_3569 : i32 to vector<16xi32>
        %add3A_3586 = arith.addi %iota3A, %add3A_3585 : vector<16xi32>
        %eq3A_3587 = vector.broadcast %add3A_18 : i32 to vector<16xi32>
        %eq3A_3588 = arith.cmpi eq, %add3A_3586, %eq3A_3587 : vector<16xi32>
        %jit3A_3589 = arith.constant 3.000000e+38 : f32
        %broadcast_in_dim3A_3590 = vector.broadcast %jit3A_3589 : f32 to vector<16xf32>
        %select_n3A_3591 = arith.select %eq3A_3588, %broadcast_in_dim3A_3590, %add3A_3584 : vector<16xi1>, vector<16xf32>
        %swap3A_3592 = arith.index_cast %mul3A_3569 : i32 to index
        %swap3A_3593 = tpu.vector_load %arg11[%swap3A_3592] {strides = array<i32>} : memref<10000xf32, #tpu.memory_space<vmem>>, vector<16xf32>,
        tpu.vector_store %arg11[%swap3A_3592], %select_n3A_3591 {strides = array<i32>} : memref<10000xf32, #tpu.memory_space<vmem>>, vector<16xf32>,
        %min3A_3594 = arith.minimumf %min3A_3532, %select_n3A_3591 : vector<16xf32>
        %mul3A_3595 = arith.constant 2 : i32
        %mul3A_3596 = arith.muli %mul3A_3595, %scan3A_3565 : i32
        %add3A_3597 = arith.constant 1 : i32
        %add3A_3598 = arith.addi %mul3A_3596, %add3A_3597 : i32
        %mul3A_3599 = arith.constant 16 : i32
        %mul3A_3600 = arith.muli %mul3A_3599, %add3A_3598 : i32
        %get3A_3601 = arith.index_cast %mul3A_3600 : i32 to index
        %get3A_3602 = tpu.vector_load %arg7[%get3A_3601] {strides = array<i32>} : memref<10016xf32, #tpu.memory_space<vmem>>, vector<16xf32>,
        %get3A_3603 = arith.index_cast %mul3A_3600 : i32 to index
        %get3A_3604 = tpu.vector_load %arg8[%get3A_3603] {strides = array<i32>} : memref<10016xf32, #tpu.memory_space<vmem>>, vector<16xf32>,
        %get3A_3605 = arith.index_cast %mul3A_3600 : i32 to index
        %get3A_3606 = tpu.vector_load %arg9[%get3A_3605] {strides = array<i32>} : memref<10016xf32, #tpu.memory_space<vmem>>, vector<16xf32>,
        %get3A_3607 = arith.index_cast %mul3A_3600 : i32 to index
        %get3A_3608 = tpu.vector_load %arg10[%get3A_3607] {strides = array<i32>} : memref<10016xf32, #tpu.memory_space<vmem>>, vector<16xf32>,
        %add3A_3609 = arith.addf %get3A_3608, %gather3A_41 : vector<16xf32>
        %mul3A_3610 = arith.mulf %mul3A_77, %get3A_3602 : vector<16xf32>
        %mul3A_3611 = arith.mulf %mul3A_113, %get3A_3604 : vector<16xf32>
        %add3A_3612 = arith.addf %mul3A_3610, %mul3A_3611 : vector<16xf32>
        %mul3A_3613 = arith.mulf %mul3A_149, %get3A_3606 : vector<16xf32>
        %add3A_3614 = arith.addf %add3A_3612, %mul3A_3613 : vector<16xf32>
        %add3A_3615 = arith.addf %add3A_3609, %add3A_3614 : vector<16xf32>
        %add3A_3616 = vector.broadcast %mul3A_3600 : i32 to vector<16xi32>
        %add3A_3617 = arith.addi %iota3A, %add3A_3616 : vector<16xi32>
        %eq3A_3618 = vector.broadcast %add3A_18 : i32 to vector<16xi32>
        %eq3A_3619 = arith.cmpi eq, %add3A_3617, %eq3A_3618 : vector<16xi32>
        %jit3A_3620 = arith.constant 3.000000e+38 : f32
        %broadcast_in_dim3A_3621 = vector.broadcast %jit3A_3620 : f32 to vector<16xf32>
        %select_n3A_3622 = arith.select %eq3A_3619, %broadcast_in_dim3A_3621, %add3A_3615 : vector<16xi1>, vector<16xf32>
        %swap3A_3623 = arith.index_cast %mul3A_3600 : i32 to index
        %swap3A_3624 = tpu.vector_load %arg11[%swap3A_3623] {strides = array<i32>} : memref<10000xf32, #tpu.memory_space<vmem>>, vector<16xf32>,
        tpu.vector_store %arg11[%swap3A_3623], %select_n3A_3622 {strides = array<i32>} : memref<10000xf32, #tpu.memory_space<vmem>>, vector<16xf32>,
        %min3A_3625 = arith.minimumf %min3A_3563, %select_n3A_3622 : vector<16xf32>
        %scan3A_3626 = arith.constant 2 : i32
        %scan3A_3627 = arith.addi %scan3A_3501, %scan3A_3626 : i32
        %mul3A_3628 = arith.constant 2 : i32
        %mul3A_3629 = arith.muli %mul3A_3628, %scan3A_3627 : i32
        %mul3A_3630 = arith.constant 16 : i32
        %mul3A_3631 = arith.muli %mul3A_3630, %mul3A_3629 : i32
        %get3A_3632 = arith.index_cast %mul3A_3631 : i32 to index
        %get3A_3633 = tpu.vector_load %arg7[%get3A_3632] {strides = array<i32>} : memref<10016xf32, #tpu.memory_space<vmem>>, vector<16xf32>,
        %get3A_3634 = arith.index_cast %mul3A_3631 : i32 to index
        %get3A_3635 = tpu.vector_load %arg8[%get3A_3634] {strides = array<i32>} : memref<10016xf32, #tpu.memory_space<vmem>>, vector<16xf32>,
        %get3A_3636 = arith.index_cast %mul3A_3631 : i32 to index
        %get3A_3637 = tpu.vector_load %arg9[%get3A_3636] {strides = array<i32>} : memref<10016xf32, #tpu.memory_space<vmem>>, vector<16xf32>,
        %get3A_3638 = arith.index_cast %mul3A_3631 : i32 to index
        %get3A_3639 = tpu.vector_load %arg10[%get3A_3638] {strides = array<i32>} : memref<10016xf32, #tpu.memory_space<vmem>>, vector<16xf32>,
        %add3A_3640 = arith.addf %get3A_3639, %gather3A_41 : vector<16xf32>
        %mul3A_3641 = arith.mulf %mul3A_77, %get3A_3633 : vector<16xf32>
        %mul3A_3642 = arith.mulf %mul3A_113, %get3A_3635 : vector<16xf32>
        %add3A_3643 = arith.addf %mul3A_3641, %mul3A_3642 : vector<16xf32>
        %mul3A_3644 = arith.mulf %mul3A_149, %get3A_3637 : vector<16xf32>
        %add3A_3645 = arith.addf %add3A_3643, %mul3A_3644 : vector<16xf32>
        %add3A_3646 = arith.addf %add3A_3640, %add3A_3645 : vector<16xf32>
        %add3A_3647 = vector.broadcast %mul3A_3631 : i32 to vector<16xi32>
        %add3A_3648 = arith.addi %iota3A, %add3A_3647 : vector<16xi32>
        %eq3A_3649 = vector.broadcast %add3A_18 : i32 to vector<16xi32>
        %eq3A_3650 = arith.cmpi eq, %add3A_3648, %eq3A_3649 : vector<16xi32>
        %jit3A_3651 = arith.constant 3.000000e+38 : f32
        %broadcast_in_dim3A_3652 = vector.broadcast %jit3A_3651 : f32 to vector<16xf32>
        %select_n3A_3653 = arith.select %eq3A_3650, %broadcast_in_dim3A_3652, %add3A_3646 : vector<16xi1>, vector<16xf32>
        %swap3A_3654 = arith.index_cast %mul3A_3631 : i32 to index
        %swap3A_3655 = tpu.vector_load %arg11[%swap3A_3654] {strides = array<i32>} : memref<10000xf32, #tpu.memory_space<vmem>>, vector<16xf32>,
        tpu.vector_store %arg11[%swap3A_3654], %select_n3A_3653 {strides = array<i32>} : memref<10000xf32, #tpu.memory_space<vmem>>, vector<16xf32>,
        %min3A_3656 = arith.minimumf %min3A_3594, %select_n3A_3653 : vector<16xf32>
        %mul3A_3657 = arith.constant 2 : i32
        %mul3A_3658 = arith.muli %mul3A_3657, %scan3A_3627 : i32
        %add3A_3659 = arith.constant 1 : i32
        %add3A_3660 = arith.addi %mul3A_3658, %add3A_3659 : i32
        %mul3A_3661 = arith.constant 16 : i32
        %mul3A_3662 = arith.muli %mul3A_3661, %add3A_3660 : i32
        %get3A_3663 = arith.index_cast %mul3A_3662 : i32 to index
        %get3A_3664 = tpu.vector_load %arg7[%get3A_3663] {strides = array<i32>} : memref<10016xf32, #tpu.memory_space<vmem>>, vector<16xf32>,
        %get3A_3665 = arith.index_cast %mul3A_3662 : i32 to index
        %get3A_3666 = tpu.vector_load %arg8[%get3A_3665] {strides = array<i32>} : memref<10016xf32, #tpu.memory_space<vmem>>, vector<16xf32>,
        %get3A_3667 = arith.index_cast %mul3A_3662 : i32 to index
        %get3A_3668 = tpu.vector_load %arg9[%get3A_3667] {strides = array<i32>} : memref<10016xf32, #tpu.memory_space<vmem>>, vector<16xf32>,
        %get3A_3669 = arith.index_cast %mul3A_3662 : i32 to index
        %get3A_3670 = tpu.vector_load %arg10[%get3A_3669] {strides = array<i32>} : memref<10016xf32, #tpu.memory_space<vmem>>, vector<16xf32>,
        %add3A_3671 = arith.addf %get3A_3670, %gather3A_41 : vector<16xf32>
        %mul3A_3672 = arith.mulf %mul3A_77, %get3A_3664 : vector<16xf32>
        %mul3A_3673 = arith.mulf %mul3A_113, %get3A_3666 : vector<16xf32>
        %add3A_3674 = arith.addf %mul3A_3672, %mul3A_3673 : vector<16xf32>
        %mul3A_3675 = arith.mulf %mul3A_149, %get3A_3668 : vector<16xf32>
        %add3A_3676 = arith.addf %add3A_3674, %mul3A_3675 : vector<16xf32>
        %add3A_3677 = arith.addf %add3A_3671, %add3A_3676 : vector<16xf32>
        %add3A_3678 = vector.broadcast %mul3A_3662 : i32 to vector<16xi32>
        %add3A_3679 = arith.addi %iota3A, %add3A_3678 : vector<16xi32>
        %eq3A_3680 = vector.broadcast %add3A_18 : i32 to vector<16xi32>
        %eq3A_3681 = arith.cmpi eq, %add3A_3679, %eq3A_3680 : vector<16xi32>
        %jit3A_3682 = arith.constant 3.000000e+38 : f32
        %broadcast_in_dim3A_3683 = vector.broadcast %jit3A_3682 : f32 to vector<16xf32>
        %select_n3A_3684 = arith.select %eq3A_3681, %broadcast_in_dim3A_3683, %add3A_3677 : vector<16xi1>, vector<16xf32>
        %swap3A_3685 = arith.index_cast %mul3A_3662 : i32 to index
        %swap3A_3686 = tpu.vector_load %arg11[%swap3A_3685] {strides = array<i32>} : memref<10000xf32, #tpu.memory_space<vmem>>, vector<16xf32>,
        tpu.vector_store %arg11[%swap3A_3685], %select_n3A_3684 {strides = array<i32>} : memref<10000xf32, #tpu.memory_space<vmem>>, vector<16xf32>,
        %min3A_3687 = arith.minimumf %min3A_3625, %select_n3A_3684 : vector<16xf32>
        %scan3A_3688 = arith.constant 3 : i32
        %scan3A_3689 = arith.addi %scan3A_3501, %scan3A_3688 : i32
        %mul3A_3690 = arith.constant 2 : i32
        %mul3A_3691 = arith.muli %mul3A_3690, %scan3A_3689 : i32
        %mul3A_3692 = arith.constant 16 : i32
        %mul3A_3693 = arith.muli %mul3A_3692, %mul3A_3691 : i32
        %get3A_3694 = arith.index_cast %mul3A_3693 : i32 to index
        %get3A_3695 = tpu.vector_load %arg7[%get3A_3694] {strides = array<i32>} : memref<10016xf32, #tpu.memory_space<vmem>>, vector<16xf32>,
        %get3A_3696 = arith.index_cast %mul3A_3693 : i32 to index
        %get3A_3697 = tpu.vector_load %arg8[%get3A_3696] {strides = array<i32>} : memref<10016xf32, #tpu.memory_space<vmem>>, vector<16xf32>,
        %get3A_3698 = arith.index_cast %mul3A_3693 : i32 to index
        %get3A_3699 = tpu.vector_load %arg9[%get3A_3698] {strides = array<i32>} : memref<10016xf32, #tpu.memory_space<vmem>>, vector<16xf32>,
        %get3A_3700 = arith.index_cast %mul3A_3693 : i32 to index
        %get3A_3701 = tpu.vector_load %arg10[%get3A_3700] {strides = array<i32>} : memref<10016xf32, #tpu.memory_space<vmem>>, vector<16xf32>,
        %add3A_3702 = arith.addf %get3A_3701, %gather3A_41 : vector<16xf32>
        %mul3A_3703 = arith.mulf %mul3A_77, %get3A_3695 : vector<16xf32>
        %mul3A_3704 = arith.mulf %mul3A_113, %get3A_3697 : vector<16xf32>
        %add3A_3705 = arith.addf %mul3A_3703, %mul3A_3704 : vector<16xf32>
        %mul3A_3706 = arith.mulf %mul3A_149, %get3A_3699 : vector<16xf32>
        %add3A_3707 = arith.addf %add3A_3705, %mul3A_3706 : vector<16xf32>
        %add3A_3708 = arith.addf %add3A_3702, %add3A_3707 : vector<16xf32>
        %add3A_3709 = vector.broadcast %mul3A_3693 : i32 to vector<16xi32>
        %add3A_3710 = arith.addi %iota3A, %add3A_3709 : vector<16xi32>
        %eq3A_3711 = vector.broadcast %add3A_18 : i32 to vector<16xi32>
        %eq3A_3712 = arith.cmpi eq, %add3A_3710, %eq3A_3711 : vector<16xi32>
        %jit3A_3713 = arith.constant 3.000000e+38 : f32
        %broadcast_in_dim3A_3714 = vector.broadcast %jit3A_3713 : f32 to vector<16xf32>
        %select_n3A_3715 = arith.select %eq3A_3712, %broadcast_in_dim3A_3714, %add3A_3708 : vector<16xi1>, vector<16xf32>
        %swap3A_3716 = arith.index_cast %mul3A_3693 : i32 to index
        %swap3A_3717 = tpu.vector_load %arg11[%swap3A_3716] {strides = array<i32>} : memref<10000xf32, #tpu.memory_space<vmem>>, vector<16xf32>,
        tpu.vector_store %arg11[%swap3A_3716], %select_n3A_3715 {strides = array<i32>} : memref<10000xf32, #tpu.memory_space<vmem>>, vector<16xf32>,
        %min3A_3718 = arith.minimumf %min3A_3656, %select_n3A_3715 : vector<16xf32>
        %mul3A_3719 = arith.constant 2 : i32
        %mul3A_3720 = arith.muli %mul3A_3719, %scan3A_3689 : i32
        %add3A_3721 = arith.constant 1 : i32
        %add3A_3722 = arith.addi %mul3A_3720, %add3A_3721 : i32
        %mul3A_3723 = arith.constant 16 : i32
        %mul3A_3724 = arith.muli %mul3A_3723, %add3A_3722 : i32
        %get3A_3725 = arith.index_cast %mul3A_3724 : i32 to index
        %get3A_3726 = tpu.vector_load %arg7[%get3A_3725] {strides = array<i32>} : memref<10016xf32, #tpu.memory_space<vmem>>, vector<16xf32>,
        %get3A_3727 = arith.index_cast %mul3A_3724 : i32 to index
        %get3A_3728 = tpu.vector_load %arg8[%get3A_3727] {strides = array<i32>} : memref<10016xf32, #tpu.memory_space<vmem>>, vector<16xf32>,
        %get3A_3729 = arith.index_cast %mul3A_3724 : i32 to index
        %get3A_3730 = tpu.vector_load %arg9[%get3A_3729] {strides = array<i32>} : memref<10016xf32, #tpu.memory_space<vmem>>, vector<16xf32>,
        %get3A_3731 = arith.index_cast %mul3A_3724 : i32 to index
        %get3A_3732 = tpu.vector_load %arg10[%get3A_3731] {strides = array<i32>} : memref<10016xf32, #tpu.memory_space<vmem>>, vector<16xf32>,
        %add3A_3733 = arith.addf %get3A_3732, %gather3A_41 : vector<16xf32>
        %mul3A_3734 = arith.mulf %mul3A_77, %get3A_3726 : vector<16xf32>
        %mul3A_3735 = arith.mulf %mul3A_113, %get3A_3728 : vector<16xf32>
        %add3A_3736 = arith.addf %mul3A_3734, %mul3A_3735 : vector<16xf32>
        %mul3A_3737 = arith.mulf %mul3A_149, %get3A_3730 : vector<16xf32>
        %add3A_3738 = arith.addf %add3A_3736, %mul3A_3737 : vector<16xf32>
        %add3A_3739 = arith.addf %add3A_3733, %add3A_3738 : vector<16xf32>
        %add3A_3740 = vector.broadcast %mul3A_3724 : i32 to vector<16xi32>
        %add3A_3741 = arith.addi %iota3A, %add3A_3740 : vector<16xi32>
        %eq3A_3742 = vector.broadcast %add3A_18 : i32 to vector<16xi32>
        %eq3A_3743 = arith.cmpi eq, %add3A_3741, %eq3A_3742 : vector<16xi32>
        %jit3A_3744 = arith.constant 3.000000e+38 : f32
        %broadcast_in_dim3A_3745 = vector.broadcast %jit3A_3744 : f32 to vector<16xf32>
        %select_n3A_3746 = arith.select %eq3A_3743, %broadcast_in_dim3A_3745, %add3A_3739 : vector<16xi1>, vector<16xf32>
        %swap3A_3747 = arith.index_cast %mul3A_3724 : i32 to index
        %swap3A_3748 = tpu.vector_load %arg11[%swap3A_3747] {strides = array<i32>} : memref<10000xf32, #tpu.memory_space<vmem>>, vector<16xf32>,
        tpu.vector_store %arg11[%swap3A_3747], %select_n3A_3746 {strides = array<i32>} : memref<10000xf32, #tpu.memory_space<vmem>>, vector<16xf32>,
        %min3A_3749 = arith.minimumf %min3A_3687, %select_n3A_3746 : vector<16xf32>
        scf.yield %min3A_3718, %min3A_3749 : vector<16xf32>, vector<16xf32>
      }
      %scan3A_155 = arith.constant 312 : i32
      %get3A_156 = arith.constant 9984 : index
      %get3A_157 = tpu.vector_load %arg7[%get3A_156] {strides = array<i32>} : memref<10016xf32, #tpu.memory_space<vmem>>, vector<16xf32>,
      %get3A_158 = arith.constant 9984 : index
      %get3A_159 = tpu.vector_load %arg8[%get3A_158] {strides = array<i32>} : memref<10016xf32, #tpu.memory_space<vmem>>, vector<16xf32>,
      %get3A_160 = arith.constant 9984 : index
      %get3A_161 = tpu.vector_load %arg9[%get3A_160] {strides = array<i32>} : memref<10016xf32, #tpu.memory_space<vmem>>, vector<16xf32>,
      %get3A_162 = arith.constant 9984 : index
      %get3A_163 = tpu.vector_load %arg10[%get3A_162] {strides = array<i32>} : memref<10016xf32, #tpu.memory_space<vmem>>, vector<16xf32>,
      %add3A_164 = arith.addf %get3A_163, %gather3A_41 : vector<16xf32>
      %mul3A_165 = arith.mulf %mul3A_77, %get3A_157 : vector<16xf32>
      %mul3A_166 = arith.mulf %mul3A_113, %get3A_159 : vector<16xf32>
      %add3A_167 = arith.addf %mul3A_165, %mul3A_166 : vector<16xf32>
      %mul3A_168 = arith.mulf %mul3A_149, %get3A_161 : vector<16xf32>
      %add3A_169 = arith.addf %add3A_167, %mul3A_168 : vector<16xf32>
      %add3A_170 = arith.addf %add3A_164, %add3A_169 : vector<16xf32>
      %add3A_171 = arith.constant 9984 : i32
      %add3A_172 = vector.broadcast %add3A_171 : i32 to vector<16xi32>
      %add3A_173 = arith.addi %iota3A, %add3A_172 : vector<16xi32>
      %eq3A = vector.broadcast %add3A_18 : i32 to vector<16xi32>
      %eq3A_174 = arith.cmpi eq, %add3A_173, %eq3A : vector<16xi32>
      %jit3A_175 = arith.constant 3.000000e+38 : f32
      %broadcast_in_dim3A_176 = vector.broadcast %jit3A_175 : f32 to vector<16xf32>
      %select_n3A_177 = arith.select %eq3A_174, %broadcast_in_dim3A_176, %add3A_170 : vector<16xi1>, vector<16xf32>
      %swap3A = arith.constant 9984 : index
      %swap3A_178 = tpu.vector_load %arg11[%swap3A] {strides = array<i32>} : memref<10000xf32, #tpu.memory_space<vmem>>, vector<16xf32>,
      tpu.vector_store %arg11[%swap3A], %select_n3A_177 {strides = array<i32>} : memref<10000xf32, #tpu.memory_space<vmem>>, vector<16xf32>,
      %min3A = arith.minimumf %scan3A_154#0, %select_n3A_177 : vector<16xf32>
      %sort3A = arith.constant dense<true> : vector<16xi1>
      %sort3A_179, %sort3A_180, %sort3A_181 = tpu.sort %min3A, %min3A masked %sort3A : (vector<16xf32>, vector<16xf32>, vector<16xi1>) -> (vector<16xi1>, vector<16xf32>, vector<16xf32>)
      %sort3A_182 = arith.constant dense<true> : vector<16xi1>
      %sort3A_183, %sort3A_184, %sort3A_185 = tpu.sort %scan3A_154#1, %scan3A_154#1 masked %sort3A_182 : (vector<16xf32>, vector<16xf32>, vector<16xi1>) -> (vector<16xi1>, vector<16xf32>, vector<16xf32>)
      %slice3A = vector.extract_strided_slice %sort3A_180 {offsets = [9], sizes = [1], strides = [1]} : vector<16xf32> to vector<1xf32>
      %squeeze3A = vector.extract %slice3A[0] : f32 from vector<1xf32>
      %slice3A_186 = vector.extract_strided_slice %sort3A_184 {offsets = [9], sizes = [1], strides = [1]} : vector<16xf32> to vector<1xf32>
      %squeeze3A_187 = vector.extract %slice3A_186[0] : f32 from vector<1xf32>
      %max3A = arith.maximumf %squeeze3A, %squeeze3A_187 : f32
      %broadcast_in_dim3A_188 = arith.constant 0 : i32
      %broadcast_in_dim3A_189 = vector.broadcast %broadcast_in_dim3A_188 : i32 to vector<16xi32>
      %broadcast_in_dim3A_190 = arith.constant 15 : i32
      %broadcast_in_dim3A_191 = vector.broadcast %broadcast_in_dim3A_190 : i32 to vector<16xi32>
      %scan3A_192 = arith.constant 0 : i32
      %scan3A_193 = arith.constant 156 : i32
      %scan3A_194 = arith.addi %scan3A_192, %scan3A_193 : i32
      %scan3A_195 = arith.constant 1 : i32
      %scan3A_196 = scf.for %scan3A_3501 = %scan3A_192 to %scan3A_194 step %scan3A_195 iter_args(%scan3A_3502 = %broadcast_in_dim3A_189) -> (vector<16xi32>)  : i32 {
        %mul3A_3503 = arith.constant 64 : i32
        %mul3A_3504 = arith.muli %mul3A_3503, %scan3A_3501 : i32
        %add3A_3505 = arith.constant 0 : i32
        %add3A_3506 = arith.addi %mul3A_3504, %add3A_3505 : i32
        %get3A_3507 = arith.index_cast %add3A_3506 : i32 to index
        %get3A_3508 = tpu.vector_load %arg11[%get3A_3507] {strides = array<i32>} : memref<10000xf32, #tpu.memory_space<vmem>>, vector<16xf32>,
        %add3A_3509 = arith.constant 16 : i32
        %add3A_3510 = arith.addi %mul3A_3504, %add3A_3509 : i32
        %get3A_3511 = arith.index_cast %add3A_3510 : i32 to index
        %get3A_3512 = tpu.vector_load %arg11[%get3A_3511] {strides = array<i32>} : memref<10000xf32, #tpu.memory_space<vmem>>, vector<16xf32>,
        %add3A_3513 = arith.constant 32 : i32
        %add3A_3514 = arith.addi %mul3A_3504, %add3A_3513 : i32
        %get3A_3515 = arith.index_cast %add3A_3514 : i32 to index
        %get3A_3516 = tpu.vector_load %arg11[%get3A_3515] {strides = array<i32>} : memref<10000xf32, #tpu.memory_space<vmem>>, vector<16xf32>,
        %add3A_3517 = arith.constant 48 : i32
        %add3A_3518 = arith.addi %mul3A_3504, %add3A_3517 : i32
        %get3A_3519 = arith.index_cast %add3A_3518 : i32 to index
        %get3A_3520 = tpu.vector_load %arg11[%get3A_3519] {strides = array<i32>} : memref<10000xf32, #tpu.memory_space<vmem>>, vector<16xf32>,
        %le3A_3521 = vector.broadcast %max3A : f32 to vector<16xf32>
        %le3A_3522 = arith.cmpf ole, %get3A_3508, %le3A_3521 : vector<16xf32>
        %le3A_3523 = vector.broadcast %max3A : f32 to vector<16xf32>
        %le3A_3524 = arith.cmpf ole, %get3A_3512, %le3A_3523 : vector<16xf32>
        %le3A_3525 = vector.broadcast %max3A : f32 to vector<16xf32>
        %le3A_3526 = arith.cmpf ole, %get3A_3516, %le3A_3525 : vector<16xf32>
        %le3A_3527 = vector.broadcast %max3A : f32 to vector<16xf32>
        %le3A_3528 = arith.cmpf ole, %get3A_3520, %le3A_3527 : vector<16xf32>
        %jit3A_3529 = arith.constant 1 : i32
        %jit3A_3530 = arith.constant 0 : i32
        %broadcast_in_dim3A_3531 = vector.broadcast %jit3A_3529 : i32 to vector<16xi32>
        %broadcast_in_dim3A_3532 = vector.broadcast %jit3A_3530 : i32 to vector<16xi32>
        %select_n3A_3533 = arith.select %le3A_3522, %broadcast_in_dim3A_3531, %broadcast_in_dim3A_3532 : vector<16xi1>, vector<16xi32>
        %broadcast_in_dim3A_3534 = arith.constant true
        %broadcast_in_dim3A_3535 = vector.broadcast %broadcast_in_dim3A_3534 : i1 to vector<16xi1>
        %masked_cumsum3A_3536 = tpu.scan <sum>, %select_n3A_3533 masked %broadcast_in_dim3A_3535 : vector<16xi32>, vector<16xi1> -> vector<16xi32>
        %jit3A_3537 = arith.constant 1 : i32
        %jit3A_3538 = arith.constant 0 : i32
        %broadcast_in_dim3A_3539 = vector.broadcast %jit3A_3537 : i32 to vector<16xi32>
        %broadcast_in_dim3A_3540 = vector.broadcast %jit3A_3538 : i32 to vector<16xi32>
        %select_n3A_3541 = arith.select %le3A_3524, %broadcast_in_dim3A_3539, %broadcast_in_dim3A_3540 : vector<16xi1>, vector<16xi32>
        %broadcast_in_dim3A_3542 = arith.constant true
        %broadcast_in_dim3A_3543 = vector.broadcast %broadcast_in_dim3A_3542 : i1 to vector<16xi1>
        %masked_cumsum3A_3544 = tpu.scan <sum>, %select_n3A_3541 masked %broadcast_in_dim3A_3543 : vector<16xi32>, vector<16xi1> -> vector<16xi32>
        %jit3A_3545 = arith.constant 1 : i32
        %jit3A_3546 = arith.constant 0 : i32
        %broadcast_in_dim3A_3547 = vector.broadcast %jit3A_3545 : i32 to vector<16xi32>
        %broadcast_in_dim3A_3548 = vector.broadcast %jit3A_3546 : i32 to vector<16xi32>
        %select_n3A_3549 = arith.select %le3A_3526, %broadcast_in_dim3A_3547, %broadcast_in_dim3A_3548 : vector<16xi1>, vector<16xi32>
        %broadcast_in_dim3A_3550 = arith.constant true
        %broadcast_in_dim3A_3551 = vector.broadcast %broadcast_in_dim3A_3550 : i1 to vector<16xi1>
        %masked_cumsum3A_3552 = tpu.scan <sum>, %select_n3A_3549 masked %broadcast_in_dim3A_3551 : vector<16xi32>, vector<16xi1> -> vector<16xi32>
        %jit3A_3553 = arith.constant 1 : i32
        %jit3A_3554 = arith.constant 0 : i32
        %broadcast_in_dim3A_3555 = vector.broadcast %jit3A_3553 : i32 to vector<16xi32>
        %broadcast_in_dim3A_3556 = vector.broadcast %jit3A_3554 : i32 to vector<16xi32>
        %select_n3A_3557 = arith.select %le3A_3528, %broadcast_in_dim3A_3555, %broadcast_in_dim3A_3556 : vector<16xi1>, vector<16xi32>
        %broadcast_in_dim3A_3558 = arith.constant true
        %broadcast_in_dim3A_3559 = vector.broadcast %broadcast_in_dim3A_3558 : i1 to vector<16xi1>
        %masked_cumsum3A_3560 = tpu.scan <sum>, %select_n3A_3557 masked %broadcast_in_dim3A_3559 : vector<16xi32>, vector<16xi1> -> vector<16xi32>
        %broadcast_in_dim3A_3561 = vector.shape_cast %broadcast_in_dim3A_191 : vector<16xi32> to vector<16x1xi32>
        %gather3A_3562 = vector.shape_cast %broadcast_in_dim3A_3561 : vector<16x1xi32> to vector<16xi32>
        %gather3A_3563 = tpu.dynamic_gather %masked_cumsum3A_3536[%gather3A_3562] in [0] : vector<16xi32>, vector<16xi32> -> vector<16xi32>
        %broadcast_in_dim3A_3564 = vector.shape_cast %broadcast_in_dim3A_191 : vector<16xi32> to vector<16x1xi32>
        %gather3A_3565 = vector.shape_cast %broadcast_in_dim3A_3564 : vector<16x1xi32> to vector<16xi32>
        %gather3A_3566 = tpu.dynamic_gather %masked_cumsum3A_3544[%gather3A_3565] in [0] : vector<16xi32>, vector<16xi32> -> vector<16xi32>
        %broadcast_in_dim3A_3567 = vector.shape_cast %broadcast_in_dim3A_191 : vector<16xi32> to vector<16x1xi32>
        %gather3A_3568 = vector.shape_cast %broadcast_in_dim3A_3567 : vector<16x1xi32> to vector<16xi32>
        %gather3A_3569 = tpu.dynamic_gather %masked_cumsum3A_3552[%gather3A_3568] in [0] : vector<16xi32>, vector<16xi32> -> vector<16xi32>
        %broadcast_in_dim3A_3570 = vector.shape_cast %broadcast_in_dim3A_191 : vector<16xi32> to vector<16x1xi32>
        %gather3A_3571 = vector.shape_cast %broadcast_in_dim3A_3570 : vector<16x1xi32> to vector<16xi32>
        %gather3A_3572 = tpu.dynamic_gather %masked_cumsum3A_3560[%gather3A_3571] in [0] : vector<16xi32>, vector<16xi32> -> vector<16xi32>
        %add3A_3573 = arith.addi %scan3A_3502, %gather3A_3563 : vector<16xi32>
        %add3A_3574 = arith.addi %gather3A_3563, %gather3A_3566 : vector<16xi32>
        %add3A_3575 = arith.addi %scan3A_3502, %add3A_3574 : vector<16xi32>
        %add3A_3576 = arith.addi %gather3A_3563, %gather3A_3566 : vector<16xi32>
        %add3A_3577 = arith.addi %scan3A_3502, %add3A_3576 : vector<16xi32>
        %add3A_3578 = arith.addi %add3A_3577, %gather3A_3569 : vector<16xi32>
        %add3A_3579 = arith.addi %scan3A_3502, %masked_cumsum3A_3536 : vector<16xi32>
        %sub3A_3580 = arith.constant 1 : i32
        %sub3A_3581 = vector.broadcast %sub3A_3580 : i32 to vector<16xi32>
        %sub3A_3582 = arith.subi %add3A_3579, %sub3A_3581 : vector<16xi32>
        %min3A_3583 = arith.constant 511 : i32
        %min3A_3584 = vector.broadcast %min3A_3583 : i32 to vector<16xi32>
        %min3A_3585 = arith.minsi %sub3A_3582, %min3A_3584 : vector<16xi32>
        tpu.vector_store_idx %arg12[%min3A_3585], %get3A_3508 masked %le3A_3522 : memref<528xf32, #tpu.memory_space<vmem>>[vector<16xi32>], vector<16xf32>, vector<16xi1>
        %add3A_3586 = arith.constant 0 : i32
        %add3A_3587 = arith.addi %mul3A_3504, %add3A_3586 : i32
        %add3A_3588 = vector.broadcast %add3A_3587 : i32 to vector<16xi32>
        %add3A_3589 = arith.addi %iota3A, %add3A_3588 : vector<16xi32>
        tpu.vector_store_idx %arg13[%min3A_3585], %add3A_3589 masked %le3A_3522 : memref<512xi32, #tpu.memory_space<vmem>>[vector<16xi32>], vector<16xi32>, vector<16xi1>
        %add3A_3590 = arith.addi %add3A_3573, %masked_cumsum3A_3544 : vector<16xi32>
        %sub3A_3591 = arith.constant 1 : i32
        %sub3A_3592 = vector.broadcast %sub3A_3591 : i32 to vector<16xi32>
        %sub3A_3593 = arith.subi %add3A_3590, %sub3A_3592 : vector<16xi32>
        %min3A_3594 = arith.constant 511 : i32
        %min3A_3595 = vector.broadcast %min3A_3594 : i32 to vector<16xi32>
        %min3A_3596 = arith.minsi %sub3A_3593, %min3A_3595 : vector<16xi32>
        tpu.vector_store_idx %arg12[%min3A_3596], %get3A_3512 masked %le3A_3524 : memref<528xf32, #tpu.memory_space<vmem>>[vector<16xi32>], vector<16xf32>, vector<16xi1>
        %add3A_3597 = arith.constant 16 : i32
        %add3A_3598 = arith.addi %mul3A_3504, %add3A_3597 : i32
        %add3A_3599 = vector.broadcast %add3A_3598 : i32 to vector<16xi32>
        %add3A_3600 = arith.addi %iota3A, %add3A_3599 : vector<16xi32>
        tpu.vector_store_idx %arg13[%min3A_3596], %add3A_3600 masked %le3A_3524 : memref<512xi32, #tpu.memory_space<vmem>>[vector<16xi32>], vector<16xi32>, vector<16xi1>
        %add3A_3601 = arith.addi %add3A_3575, %masked_cumsum3A_3552 : vector<16xi32>
        %sub3A_3602 = arith.constant 1 : i32
        %sub3A_3603 = vector.broadcast %sub3A_3602 : i32 to vector<16xi32>
        %sub3A_3604 = arith.subi %add3A_3601, %sub3A_3603 : vector<16xi32>
        %min3A_3605 = arith.constant 511 : i32
        %min3A_3606 = vector.broadcast %min3A_3605 : i32 to vector<16xi32>
        %min3A_3607 = arith.minsi %sub3A_3604, %min3A_3606 : vector<16xi32>
        tpu.vector_store_idx %arg12[%min3A_3607], %get3A_3516 masked %le3A_3526 : memref<528xf32, #tpu.memory_space<vmem>>[vector<16xi32>], vector<16xf32>, vector<16xi1>
        %add3A_3608 = arith.constant 32 : i32
        %add3A_3609 = arith.addi %mul3A_3504, %add3A_3608 : i32
        %add3A_3610 = vector.broadcast %add3A_3609 : i32 to vector<16xi32>
        %add3A_3611 = arith.addi %iota3A, %add3A_3610 : vector<16xi32>
        tpu.vector_store_idx %arg13[%min3A_3607], %add3A_3611 masked %le3A_3526 : memref<512xi32, #tpu.memory_space<vmem>>[vector<16xi32>], vector<16xi32>, vector<16xi1>
        %add3A_3612 = arith.addi %add3A_3578, %masked_cumsum3A_3560 : vector<16xi32>
        %sub3A_3613 = arith.constant 1 : i32
        %sub3A_3614 = vector.broadcast %sub3A_3613 : i32 to vector<16xi32>
        %sub3A_3615 = arith.subi %add3A_3612, %sub3A_3614 : vector<16xi32>
        %min3A_3616 = arith.constant 511 : i32
        %min3A_3617 = vector.broadcast %min3A_3616 : i32 to vector<16xi32>
        %min3A_3618 = arith.minsi %sub3A_3615, %min3A_3617 : vector<16xi32>
        tpu.vector_store_idx %arg12[%min3A_3618], %get3A_3520 masked %le3A_3528 : memref<528xf32, #tpu.memory_space<vmem>>[vector<16xi32>], vector<16xf32>, vector<16xi1>
        %add3A_3619 = arith.constant 48 : i32
        %add3A_3620 = arith.addi %mul3A_3504, %add3A_3619 : i32
        %add3A_3621 = vector.broadcast %add3A_3620 : i32 to vector<16xi32>
        %add3A_3622 = arith.addi %iota3A, %add3A_3621 : vector<16xi32>
        tpu.vector_store_idx %arg13[%min3A_3618], %add3A_3622 masked %le3A_3528 : memref<512xi32, #tpu.memory_space<vmem>>[vector<16xi32>], vector<16xi32>, vector<16xi1>
        %add3A_3623 = arith.addi %gather3A_3563, %gather3A_3566 : vector<16xi32>
        %add3A_3624 = arith.addi %gather3A_3569, %gather3A_3572 : vector<16xi32>
        %add3A_3625 = arith.addi %add3A_3623, %add3A_3624 : vector<16xi32>
        %add3A_3626 = arith.addi %scan3A_3502, %add3A_3625 : vector<16xi32>
        scf.yield %add3A_3626 : vector<16xi32>
      }
      %scan3A_197 = arith.constant 156 : i32
      %get3A_198 = arith.constant 9984 : index
      %get3A_199 = tpu.vector_load %arg11[%get3A_198] {strides = array<i32>} : memref<10000xf32, #tpu.memory_space<vmem>>, vector<16xf32>,
      %le3A = vector.broadcast %max3A : f32 to vector<16xf32>
      %le3A_200 = arith.cmpf ole, %get3A_199, %le3A : vector<16xf32>
      %jit3A_201 = arith.constant 1 : i32
      %jit3A_202 = arith.constant 0 : i32
      %broadcast_in_dim3A_203 = vector.broadcast %jit3A_201 : i32 to vector<16xi32>
      %broadcast_in_dim3A_204 = vector.broadcast %jit3A_202 : i32 to vector<16xi32>
      %select_n3A_205 = arith.select %le3A_200, %broadcast_in_dim3A_203, %broadcast_in_dim3A_204 : vector<16xi1>, vector<16xi32>
      %broadcast_in_dim3A_206 = arith.constant true
      %broadcast_in_dim3A_207 = vector.broadcast %broadcast_in_dim3A_206 : i1 to vector<16xi1>
      %masked_cumsum3A = tpu.scan <sum>, %select_n3A_205 masked %broadcast_in_dim3A_207 : vector<16xi32>, vector<16xi1> -> vector<16xi32>
      %add3A_208 = arith.addi %scan3A_196, %masked_cumsum3A : vector<16xi32>
      %sub3A_209 = arith.constant 1 : i32
      %sub3A_210 = vector.broadcast %sub3A_209 : i32 to vector<16xi32>
      %sub3A_211 = arith.subi %add3A_208, %sub3A_210 : vector<16xi32>
      %min3A_212 = arith.constant 511 : i32
      %min3A_213 = vector.broadcast %min3A_212 : i32 to vector<16xi32>
      %min3A_214 = arith.minsi %sub3A_211, %min3A_213 : vector<16xi32>
      tpu.vector_store_idx %arg12[%min3A_214], %get3A_199 masked %le3A_200 : memref<528xf32, #tpu.memory_space<vmem>>[vector<16xi32>], vector<16xf32>, vector<16xi1>
      %add3A_215 = arith.constant 9984 : i32
      %add3A_216 = vector.broadcast %add3A_215 : i32 to vector<16xi32>
      %add3A_217 = arith.addi %iota3A, %add3A_216 : vector<16xi32>
      tpu.vector_store_idx %arg13[%min3A_214], %add3A_217 masked %le3A_200 : memref<512xi32, #tpu.memory_space<vmem>>[vector<16xi32>], vector<16xi32>, vector<16xi1>
      %broadcast_in_dim3A_218 = vector.shape_cast %broadcast_in_dim3A_191 : vector<16xi32> to vector<16x1xi32>
      %gather3A_219 = vector.shape_cast %broadcast_in_dim3A_218 : vector<16x1xi32> to vector<16xi32>
      %gather3A_220 = tpu.dynamic_gather %masked_cumsum3A[%gather3A_219] in [0] : vector<16xi32>, vector<16xi32> -> vector<16xi32>
      %add3A_221 = arith.addi %scan3A_196, %gather3A_220 : vector<16xi32>
      %slice3A_222 = vector.extract_strided_slice %add3A_221 {offsets = [0], sizes = [1], strides = [1]} : vector<16xi32> to vector<1xi32>
      %squeeze3A_223 = vector.extract %slice3A_222[0] : i32 from vector<1xi32>
      %min3A_224 = arith.constant 512 : i32
      %min3A_225 = arith.minsi %squeeze3A_223, %min3A_224 : i32
      %swap3A_226 = arith.index_cast %min3A_225 : i32 to index
      %swap3A_227 = tpu.vector_load %arg12[%swap3A_226] {strides = array<i32>} : memref<528xf32, #tpu.memory_space<vmem>>, vector<16xf32>,
      tpu.vector_store %arg12[%swap3A_226], %broadcast_in_dim3A_1 {strides = array<i32>} : memref<528xf32, #tpu.memory_space<vmem>>, vector<16xf32>,
      %add3A_228 = arith.constant 15 : i32
      %add3A_229 = arith.addi %min3A_225, %add3A_228 : i32
      %jit3A_230 = arith.constant 16 : i32
      %div3A_231 = arith.divsi %add3A_229, %jit3A_230 : i32
      %sign3A_232 = arith.constant 0 : i32
      %sign3A_233 = arith.cmpi sgt, %add3A_229, %sign3A_232 : i32
      %sign3A_234 = arith.extui %sign3A_233 : i1 to i32
      %sign3A_235 = arith.constant 0 : i32
      %sign3A_236 = arith.cmpi slt, %add3A_229, %sign3A_235 : i32
      %sign3A_237 = arith.extui %sign3A_236 : i1 to i32
      %sign3A_238 = arith.subi %sign3A_234, %sign3A_237 : i32
      %sign3A_239 = arith.constant 0 : i32
      %sign3A_240 = arith.cmpi sgt, %jit3A_230, %sign3A_239 : i32
      %sign3A_241 = arith.extui %sign3A_240 : i1 to i32
      %sign3A_242 = arith.constant 0 : i32
      %sign3A_243 = arith.cmpi slt, %jit3A_230, %sign3A_242 : i32
      %sign3A_244 = arith.extui %sign3A_243 : i1 to i32
      %sign3A_245 = arith.subi %sign3A_241, %sign3A_244 : i32
      %ne3A_246 = arith.cmpi ne, %sign3A_238, %sign3A_245 : i32
      %rem3A_247 = arith.remsi %add3A_229, %jit3A_230 : i32
      %ne3A_248 = arith.constant 0 : i32
      %ne3A_249 = arith.cmpi ne, %rem3A_247, %ne3A_248 : i32
      %and3A_250 = arith.andi %ne3A_246, %ne3A_249 : i1
      %sub3A_251 = arith.constant 1 : i32
      %sub3A_252 = arith.subi %div3A_231, %sub3A_251 : i32
      %select_n3A_253 = arith.select %and3A_250, %sub3A_252, %div3A_231 : i32
      %while3A = arith.constant 0 : i32
      %while3A_254 = arith.subi %select_n3A_253, %while3A : i32
      %while3A_255 = arith.addi %while3A, %while3A_254 : i32
      %while3A_256 = arith.constant 1 : i32
      %while3A_257 = arith.divsi %while3A_254, %while3A_256 : i32
      %while3A_258 = arith.muli %while3A_257, %while3A_256 : i32
      %while3A_259 = arith.addi %while3A, %while3A_258 : i32
      %while3A_260 = arith.constant 1 : i32
      %while3A_261:2 = scf.for %while3A_3501 = %while3A to %while3A_259 step %while3A_260 iter_args(%while3A_3502 = %broadcast_in_dim3A_1, %while3A_3503 = %broadcast_in_dim3A_5) -> (vector<16xf32>, vector<16xi32>)  : i32 {
        %mul3A_3504 = arith.constant 16 : i32
        %mul3A_3505 = arith.muli %mul3A_3504, %while3A_3501 : i32
        %get3A_3506 = arith.index_cast %mul3A_3505 : i32 to index
        %get3A_3507 = tpu.vector_load %arg12[%get3A_3506] {strides = array<i32>} : memref<528xf32, #tpu.memory_space<vmem>>, vector<16xf32>,
        %lt3A_3508 = arith.cmpf olt, %get3A_3507, %while3A_3502 : vector<16xf32>
        %select_n3A_3509 = arith.select %lt3A_3508, %get3A_3507, %while3A_3502 : vector<16xi1>, vector<16xf32>
        %mul3A_3510 = arith.constant 16 : i32
        %mul3A_3511 = arith.muli %mul3A_3510, %while3A_3501 : i32
        %add3A_3512 = vector.broadcast %mul3A_3511 : i32 to vector<16xi32>
        %add3A_3513 = arith.addi %add3A_3512, %iota3A : vector<16xi32>
        %select_n3A_3514 = arith.select %lt3A_3508, %add3A_3513, %while3A_3503 : vector<16xi1>, vector<16xi32>
        scf.yield %select_n3A_3509, %select_n3A_3514 : vector<16xf32>, vector<16xi32>
      }
      %while3A_262 = arith.constant 1 : i32
      %while3A_263:2 = scf.for %while3A_3501 = %while3A_259 to %while3A_255 step %while3A_262 iter_args(%while3A_3502 = %while3A_261#0, %while3A_3503 = %while3A_261#1) -> (vector<16xf32>, vector<16xi32>)  : i32 {
        %mul3A_3504 = arith.constant 16 : i32
        %mul3A_3505 = arith.muli %mul3A_3504, %while3A_3501 : i32
        %get3A_3506 = arith.index_cast %mul3A_3505 : i32 to index
        %get3A_3507 = tpu.vector_load %arg12[%get3A_3506] {strides = array<i32>} : memref<528xf32, #tpu.memory_space<vmem>>, vector<16xf32>,
        %lt3A_3508 = arith.cmpf olt, %get3A_3507, %while3A_3502 : vector<16xf32>
        %select_n3A_3509 = arith.select %lt3A_3508, %get3A_3507, %while3A_3502 : vector<16xi1>, vector<16xf32>
        %mul3A_3510 = arith.constant 16 : i32
        %mul3A_3511 = arith.muli %mul3A_3510, %while3A_3501 : i32
        %add3A_3512 = vector.broadcast %mul3A_3511 : i32 to vector<16xi32>
        %add3A_3513 = arith.addi %add3A_3512, %iota3A : vector<16xi32>
        %select_n3A_3514 = arith.select %lt3A_3508, %add3A_3513, %while3A_3503 : vector<16xi1>, vector<16xi32>
        scf.yield %select_n3A_3509, %select_n3A_3514 : vector<16xf32>, vector<16xi32>
      }
      %xor3A = arith.constant 8 : i32
      %xor3A_264 = vector.broadcast %xor3A : i32 to vector<16xi32>
      %xor3A_265 = arith.xori %iota3A, %xor3A_264 : vector<16xi32>
      %broadcast_in_dim3A_266 = vector.shape_cast %xor3A_265 : vector<16xi32> to vector<16x1xi32>
      %gather3A_267 = vector.shape_cast %broadcast_in_dim3A_266 : vector<16x1xi32> to vector<16xi32>
      %gather3A_268 = tpu.dynamic_gather %while3A_263#0[%gather3A_267] in [0] : vector<16xf32>, vector<16xi32> -> vector<16xf32>
      %xor3A_269 = arith.constant 8 : i32
      %xor3A_270 = vector.broadcast %xor3A_269 : i32 to vector<16xi32>
      %xor3A_271 = arith.xori %iota3A, %xor3A_270 : vector<16xi32>
      %broadcast_in_dim3A_272 = vector.shape_cast %xor3A_271 : vector<16xi32> to vector<16x1xi32>
      %gather3A_273 = vector.shape_cast %broadcast_in_dim3A_272 : vector<16x1xi32> to vector<16xi32>
      %gather3A_274 = tpu.dynamic_gather %while3A_263#1[%gather3A_273] in [0] : vector<16xi32>, vector<16xi32> -> vector<16xi32>
      %lt3A = arith.cmpf olt, %gather3A_268, %while3A_263#0 : vector<16xf32>
      %eq3A_275 = arith.cmpf oeq, %gather3A_268, %while3A_263#0 : vector<16xf32>
      %lt3A_276 = arith.cmpi slt, %gather3A_274, %while3A_263#1 : vector<16xi32>
      %and3A_277 = arith.andi %eq3A_275, %lt3A_276 : vector<16xi1>
      %or3A = arith.ori %lt3A, %and3A_277 : vector<16xi1>
      %select_n3A_278 = arith.select %or3A, %gather3A_268, %while3A_263#0 : vector<16xi1>, vector<16xf32>
      %select_n3A_279 = arith.select %or3A, %gather3A_274, %while3A_263#1 : vector<16xi1>, vector<16xi32>
      %xor3A_280 = arith.constant 4 : i32
      %xor3A_281 = vector.broadcast %xor3A_280 : i32 to vector<16xi32>
      %xor3A_282 = arith.xori %iota3A, %xor3A_281 : vector<16xi32>
      %broadcast_in_dim3A_283 = vector.shape_cast %xor3A_282 : vector<16xi32> to vector<16x1xi32>
      %gather3A_284 = vector.shape_cast %broadcast_in_dim3A_283 : vector<16x1xi32> to vector<16xi32>
      %gather3A_285 = tpu.dynamic_gather %select_n3A_278[%gather3A_284] in [0] : vector<16xf32>, vector<16xi32> -> vector<16xf32>
      %xor3A_286 = arith.constant 4 : i32
      %xor3A_287 = vector.broadcast %xor3A_286 : i32 to vector<16xi32>
      %xor3A_288 = arith.xori %iota3A, %xor3A_287 : vector<16xi32>
      %broadcast_in_dim3A_289 = vector.shape_cast %xor3A_288 : vector<16xi32> to vector<16x1xi32>
      %gather3A_290 = vector.shape_cast %broadcast_in_dim3A_289 : vector<16x1xi32> to vector<16xi32>
      %gather3A_291 = tpu.dynamic_gather %select_n3A_279[%gather3A_290] in [0] : vector<16xi32>, vector<16xi32> -> vector<16xi32>
      %lt3A_292 = arith.cmpf olt, %gather3A_285, %select_n3A_278 : vector<16xf32>
      %eq3A_293 = arith.cmpf oeq, %gather3A_285, %select_n3A_278 : vector<16xf32>
      %lt3A_294 = arith.cmpi slt, %gather3A_291, %select_n3A_279 : vector<16xi32>
      %and3A_295 = arith.andi %eq3A_293, %lt3A_294 : vector<16xi1>
      %or3A_296 = arith.ori %lt3A_292, %and3A_295 : vector<16xi1>
      %select_n3A_297 = arith.select %or3A_296, %gather3A_285, %select_n3A_278 : vector<16xi1>, vector<16xf32>
      %select_n3A_298 = arith.select %or3A_296, %gather3A_291, %select_n3A_279 : vector<16xi1>, vector<16xi32>
      %xor3A_299 = arith.constant 2 : i32
      %xor3A_300 = vector.broadcast %xor3A_299 : i32 to vector<16xi32>
      %xor3A_301 = arith.xori %iota3A, %xor3A_300 : vector<16xi32>
      %broadcast_in_dim3A_302 = vector.shape_cast %xor3A_301 : vector<16xi32> to vector<16x1xi32>
      %gather3A_303 = vector.shape_cast %broadcast_in_dim3A_302 : vector<16x1xi32> to vector<16xi32>
      %gather3A_304 = tpu.dynamic_gather %select_n3A_297[%gather3A_303] in [0] : vector<16xf32>, vector<16xi32> -> vector<16xf32>
      %xor3A_305 = arith.constant 2 : i32
      %xor3A_306 = vector.broadcast %xor3A_305 : i32 to vector<16xi32>
      %xor3A_307 = arith.xori %iota3A, %xor3A_306 : vector<16xi32>
      %broadcast_in_dim3A_308 = vector.shape_cast %xor3A_307 : vector<16xi32> to vector<16x1xi32>
      %gather3A_309 = vector.shape_cast %broadcast_in_dim3A_308 : vector<16x1xi32> to vector<16xi32>
      %gather3A_310 = tpu.dynamic_gather %select_n3A_298[%gather3A_309] in [0] : vector<16xi32>, vector<16xi32> -> vector<16xi32>
      %lt3A_311 = arith.cmpf olt, %gather3A_304, %select_n3A_297 : vector<16xf32>
      %eq3A_312 = arith.cmpf oeq, %gather3A_304, %select_n3A_297 : vector<16xf32>
      %lt3A_313 = arith.cmpi slt, %gather3A_310, %select_n3A_298 : vector<16xi32>
      %and3A_314 = arith.andi %eq3A_312, %lt3A_313 : vector<16xi1>
      %or3A_315 = arith.ori %lt3A_311, %and3A_314 : vector<16xi1>
      %select_n3A_316 = arith.select %or3A_315, %gather3A_304, %select_n3A_297 : vector<16xi1>, vector<16xf32>
      %select_n3A_317 = arith.select %or3A_315, %gather3A_310, %select_n3A_298 : vector<16xi1>, vector<16xi32>
      %xor3A_318 = arith.constant 1 : i32
      %xor3A_319 = vector.broadcast %xor3A_318 : i32 to vector<16xi32>
      %xor3A_320 = arith.xori %iota3A, %xor3A_319 : vector<16xi32>
      %broadcast_in_dim3A_321 = vector.shape_cast %xor3A_320 : vector<16xi32> to vector<16x1xi32>
      %gather3A_322 = vector.shape_cast %broadcast_in_dim3A_321 : vector<16x1xi32> to vector<16xi32>
      %gather3A_323 = tpu.dynamic_gather %select_n3A_316[%gather3A_322] in [0] : vector<16xf32>, vector<16xi32> -> vector<16xf32>
      %xor3A_324 = arith.constant 1 : i32
      %xor3A_325 = vector.broadcast %xor3A_324 : i32 to vector<16xi32>
      %xor3A_326 = arith.xori %iota3A, %xor3A_325 : vector<16xi32>
      %broadcast_in_dim3A_327 = vector.shape_cast %xor3A_326 : vector<16xi32> to vector<16x1xi32>
      %gather3A_328 = vector.shape_cast %broadcast_in_dim3A_327 : vector<16x1xi32> to vector<16xi32>
      %gather3A_329 = tpu.dynamic_gather %select_n3A_317[%gather3A_328] in [0] : vector<16xi32>, vector<16xi32> -> vector<16xi32>
      %lt3A_330 = arith.cmpf olt, %gather3A_323, %select_n3A_316 : vector<16xf32>
      %eq3A_331 = arith.cmpf oeq, %gather3A_323, %select_n3A_316 : vector<16xf32>
      %lt3A_332 = arith.cmpi slt, %gather3A_329, %select_n3A_317 : vector<16xi32>
      %and3A_333 = arith.andi %eq3A_331, %lt3A_332 : vector<16xi1>
      %or3A_334 = arith.ori %lt3A_330, %and3A_333 : vector<16xi1>
      %select_n3A_335 = arith.select %or3A_334, %gather3A_323, %select_n3A_316 : vector<16xi1>, vector<16xf32>
      %select_n3A_336 = arith.select %or3A_334, %gather3A_329, %select_n3A_317 : vector<16xi1>, vector<16xi32>
      %slice3A_337 = vector.extract_strided_slice %select_n3A_336 {offsets = [0], sizes = [1], strides = [1]} : vector<16xi32> to vector<1xi32>
      %squeeze3A_338 = vector.extract %slice3A_337[0] : i32 from vector<1xi32>
      %jit3A_339 = arith.constant 16 : i32
      %div3A_340 = arith.divsi %squeeze3A_338, %jit3A_339 : i32
      %sign3A_341 = arith.constant 0 : i32
      %sign3A_342 = arith.cmpi sgt, %squeeze3A_338, %sign3A_341 : i32
      %sign3A_343 = arith.extui %sign3A_342 : i1 to i32
      %sign3A_344 = arith.constant 0 : i32
      %sign3A_345 = arith.cmpi slt, %squeeze3A_338, %sign3A_344 : i32
      %sign3A_346 = arith.extui %sign3A_345 : i1 to i32
      %sign3A_347 = arith.subi %sign3A_343, %sign3A_346 : i32
      %sign3A_348 = arith.constant 0 : i32
      %sign3A_349 = arith.cmpi sgt, %jit3A_339, %sign3A_348 : i32
      %sign3A_350 = arith.extui %sign3A_349 : i1 to i32
      %sign3A_351 = arith.constant 0 : i32
      %sign3A_352 = arith.cmpi slt, %jit3A_339, %sign3A_351 : i32
      %sign3A_353 = arith.extui %sign3A_352 : i1 to i32
      %sign3A_354 = arith.subi %sign3A_350, %sign3A_353 : i32
      %ne3A_355 = arith.cmpi ne, %sign3A_347, %sign3A_354 : i32
      %rem3A_356 = arith.remsi %squeeze3A_338, %jit3A_339 : i32
      %ne3A_357 = arith.constant 0 : i32
      %ne3A_358 = arith.cmpi ne, %rem3A_356, %ne3A_357 : i32
      %and3A_359 = arith.andi %ne3A_355, %ne3A_358 : i1
      %sub3A_360 = arith.constant 1 : i32
      %sub3A_361 = arith.subi %div3A_340, %sub3A_360 : i32
      %select_n3A_362 = arith.select %and3A_359, %sub3A_361, %div3A_340 : i32
      %mul3A_363 = arith.constant 16 : i32
      %mul3A_364 = arith.muli %select_n3A_362, %mul3A_363 : i32
      %get3A_365 = arith.index_cast %mul3A_364 : i32 to index
      %get3A_366 = tpu.vector_load %arg13[%get3A_365] {strides = array<i32>} : memref<512xi32, #tpu.memory_space<vmem>>, vector<16xi32>,
      %sub3A_367 = arith.subi %squeeze3A_338, %mul3A_364 : i32
      %broadcast_in_dim3A_368 = vector.broadcast %sub3A_367 : i32 to vector<16xi32>
      %broadcast_in_dim3A_369 = vector.shape_cast %broadcast_in_dim3A_368 : vector<16xi32> to vector<16x1xi32>
      %gather3A_370 = vector.shape_cast %broadcast_in_dim3A_369 : vector<16x1xi32> to vector<16xi32>
      %gather3A_371 = tpu.dynamic_gather %get3A_366[%gather3A_370] in [0] : vector<16xi32>, vector<16xi32> -> vector<16xi32>
      %eq3A_372 = arith.constant 0 : i32
      %eq3A_373 = vector.broadcast %eq3A_372 : i32 to vector<16xi32>
      %eq3A_374 = arith.cmpi eq, %iota3A, %eq3A_373 : vector<16xi32>
      %select_n3A_375 = arith.select %eq3A_374, %gather3A_371, %broadcast_in_dim3A_3 : vector<16xi1>, vector<16xi32>
      %jit3A_376 = arith.constant 16 : i32
      %div3A_377 = arith.divsi %squeeze3A_338, %jit3A_376 : i32
      %sign3A_378 = arith.constant 0 : i32
      %sign3A_379 = arith.cmpi sgt, %squeeze3A_338, %sign3A_378 : i32
      %sign3A_380 = arith.extui %sign3A_379 : i1 to i32
      %sign3A_381 = arith.constant 0 : i32
      %sign3A_382 = arith.cmpi slt, %squeeze3A_338, %sign3A_381 : i32
      %sign3A_383 = arith.extui %sign3A_382 : i1 to i32
      %sign3A_384 = arith.subi %sign3A_380, %sign3A_383 : i32
      %sign3A_385 = arith.constant 0 : i32
      %sign3A_386 = arith.cmpi sgt, %jit3A_376, %sign3A_385 : i32
      %sign3A_387 = arith.extui %sign3A_386 : i1 to i32
      %sign3A_388 = arith.constant 0 : i32
      %sign3A_389 = arith.cmpi slt, %jit3A_376, %sign3A_388 : i32
      %sign3A_390 = arith.extui %sign3A_389 : i1 to i32
      %sign3A_391 = arith.subi %sign3A_387, %sign3A_390 : i32
      %ne3A_392 = arith.cmpi ne, %sign3A_384, %sign3A_391 : i32
      %rem3A_393 = arith.remsi %squeeze3A_338, %jit3A_376 : i32
      %ne3A_394 = arith.constant 0 : i32
      %ne3A_395 = arith.cmpi ne, %rem3A_393, %ne3A_394 : i32
      %and3A_396 = arith.andi %ne3A_392, %ne3A_395 : i1
      %sub3A_397 = arith.constant 1 : i32
      %sub3A_398 = arith.subi %div3A_377, %sub3A_397 : i32
      %select_n3A_399 = arith.select %and3A_396, %sub3A_398, %div3A_377 : i32
      %mul3A_400 = arith.constant 16 : i32
      %mul3A_401 = arith.muli %select_n3A_399, %mul3A_400 : i32
      %get3A_402 = arith.index_cast %mul3A_401 : i32 to index
      %get3A_403 = tpu.vector_load %arg12[%get3A_402] {strides = array<i32>} : memref<528xf32, #tpu.memory_space<vmem>>, vector<16xf32>,
      %sub3A_404 = arith.subi %squeeze3A_338, %mul3A_401 : i32
      %eq3A_405 = vector.broadcast %sub3A_404 : i32 to vector<16xi32>
      %eq3A_406 = arith.cmpi eq, %iota3A, %eq3A_405 : vector<16xi32>
      %jit3A_407 = arith.constant 3.000000e+38 : f32
      %broadcast_in_dim3A_408 = vector.broadcast %jit3A_407 : f32 to vector<16xf32>
      %select_n3A_409 = arith.select %eq3A_406, %broadcast_in_dim3A_408, %get3A_403 : vector<16xi1>, vector<16xf32>
      %swap3A_410 = arith.index_cast %mul3A_401 : i32 to index
      %swap3A_411 = tpu.vector_load %arg12[%swap3A_410] {strides = array<i32>} : memref<528xf32, #tpu.memory_space<vmem>>, vector<16xf32>,
      tpu.vector_store %arg12[%swap3A_410], %select_n3A_409 {strides = array<i32>} : memref<528xf32, #tpu.memory_space<vmem>>, vector<16xf32>,
      %while3A_412 = arith.constant 0 : i32
      %while3A_413 = arith.subi %select_n3A_253, %while3A_412 : i32
      %while3A_414 = arith.addi %while3A_412, %while3A_413 : i32
      %while3A_415 = arith.constant 1 : i32
      %while3A_416 = arith.divsi %while3A_413, %while3A_415 : i32
      %while3A_417 = arith.muli %while3A_416, %while3A_415 : i32
      %while3A_418 = arith.addi %while3A_412, %while3A_417 : i32
      %while3A_419 = arith.constant 1 : i32
      %while3A_420:2 = scf.for %while3A_3501 = %while3A_412 to %while3A_418 step %while3A_419 iter_args(%while3A_3502 = %broadcast_in_dim3A_1, %while3A_3503 = %broadcast_in_dim3A_5) -> (vector<16xf32>, vector<16xi32>)  : i32 {
        %mul3A_3504 = arith.constant 16 : i32
        %mul3A_3505 = arith.muli %mul3A_3504, %while3A_3501 : i32
        %get3A_3506 = arith.index_cast %mul3A_3505 : i32 to index
        %get3A_3507 = tpu.vector_load %arg12[%get3A_3506] {strides = array<i32>} : memref<528xf32, #tpu.memory_space<vmem>>, vector<16xf32>,
        %lt3A_3508 = arith.cmpf olt, %get3A_3507, %while3A_3502 : vector<16xf32>
        %select_n3A_3509 = arith.select %lt3A_3508, %get3A_3507, %while3A_3502 : vector<16xi1>, vector<16xf32>
        %mul3A_3510 = arith.constant 16 : i32
        %mul3A_3511 = arith.muli %mul3A_3510, %while3A_3501 : i32
        %add3A_3512 = vector.broadcast %mul3A_3511 : i32 to vector<16xi32>
        %add3A_3513 = arith.addi %add3A_3512, %iota3A : vector<16xi32>
        %select_n3A_3514 = arith.select %lt3A_3508, %add3A_3513, %while3A_3503 : vector<16xi1>, vector<16xi32>
        scf.yield %select_n3A_3509, %select_n3A_3514 : vector<16xf32>, vector<16xi32>
      }
      %while3A_421 = arith.constant 1 : i32
      %while3A_422:2 = scf.for %while3A_3501 = %while3A_418 to %while3A_414 step %while3A_421 iter_args(%while3A_3502 = %while3A_420#0, %while3A_3503 = %while3A_420#1) -> (vector<16xf32>, vector<16xi32>)  : i32 {
        %mul3A_3504 = arith.constant 16 : i32
        %mul3A_3505 = arith.muli %mul3A_3504, %while3A_3501 : i32
        %get3A_3506 = arith.index_cast %mul3A_3505 : i32 to index
        %get3A_3507 = tpu.vector_load %arg12[%get3A_3506] {strides = array<i32>} : memref<528xf32, #tpu.memory_space<vmem>>, vector<16xf32>,
        %lt3A_3508 = arith.cmpf olt, %get3A_3507, %while3A_3502 : vector<16xf32>
        %select_n3A_3509 = arith.select %lt3A_3508, %get3A_3507, %while3A_3502 : vector<16xi1>, vector<16xf32>
        %mul3A_3510 = arith.constant 16 : i32
        %mul3A_3511 = arith.muli %mul3A_3510, %while3A_3501 : i32
        %add3A_3512 = vector.broadcast %mul3A_3511 : i32 to vector<16xi32>
        %add3A_3513 = arith.addi %add3A_3512, %iota3A : vector<16xi32>
        %select_n3A_3514 = arith.select %lt3A_3508, %add3A_3513, %while3A_3503 : vector<16xi1>, vector<16xi32>
        scf.yield %select_n3A_3509, %select_n3A_3514 : vector<16xf32>, vector<16xi32>
      }
      %xor3A_423 = arith.constant 8 : i32
      %xor3A_424 = vector.broadcast %xor3A_423 : i32 to vector<16xi32>
      %xor3A_425 = arith.xori %iota3A, %xor3A_424 : vector<16xi32>
      %broadcast_in_dim3A_426 = vector.shape_cast %xor3A_425 : vector<16xi32> to vector<16x1xi32>
      %gather3A_427 = vector.shape_cast %broadcast_in_dim3A_426 : vector<16x1xi32> to vector<16xi32>
      %gather3A_428 = tpu.dynamic_gather %while3A_422#0[%gather3A_427] in [0] : vector<16xf32>, vector<16xi32> -> vector<16xf32>
      %xor3A_429 = arith.constant 8 : i32
      %xor3A_430 = vector.broadcast %xor3A_429 : i32 to vector<16xi32>
      %xor3A_431 = arith.xori %iota3A, %xor3A_430 : vector<16xi32>
      %broadcast_in_dim3A_432 = vector.shape_cast %xor3A_431 : vector<16xi32> to vector<16x1xi32>
      %gather3A_433 = vector.shape_cast %broadcast_in_dim3A_432 : vector<16x1xi32> to vector<16xi32>
      %gather3A_434 = tpu.dynamic_gather %while3A_422#1[%gather3A_433] in [0] : vector<16xi32>, vector<16xi32> -> vector<16xi32>
      %lt3A_435 = arith.cmpf olt, %gather3A_428, %while3A_422#0 : vector<16xf32>
      %eq3A_436 = arith.cmpf oeq, %gather3A_428, %while3A_422#0 : vector<16xf32>
      %lt3A_437 = arith.cmpi slt, %gather3A_434, %while3A_422#1 : vector<16xi32>
      %and3A_438 = arith.andi %eq3A_436, %lt3A_437 : vector<16xi1>
      %or3A_439 = arith.ori %lt3A_435, %and3A_438 : vector<16xi1>
      %select_n3A_440 = arith.select %or3A_439, %gather3A_428, %while3A_422#0 : vector<16xi1>, vector<16xf32>
      %select_n3A_441 = arith.select %or3A_439, %gather3A_434, %while3A_422#1 : vector<16xi1>, vector<16xi32>
      %xor3A_442 = arith.constant 4 : i32
      %xor3A_443 = vector.broadcast %xor3A_442 : i32 to vector<16xi32>
      %xor3A_444 = arith.xori %iota3A, %xor3A_443 : vector<16xi32>
      %broadcast_in_dim3A_445 = vector.shape_cast %xor3A_444 : vector<16xi32> to vector<16x1xi32>
      %gather3A_446 = vector.shape_cast %broadcast_in_dim3A_445 : vector<16x1xi32> to vector<16xi32>
      %gather3A_447 = tpu.dynamic_gather %select_n3A_440[%gather3A_446] in [0] : vector<16xf32>, vector<16xi32> -> vector<16xf32>
      %xor3A_448 = arith.constant 4 : i32
      %xor3A_449 = vector.broadcast %xor3A_448 : i32 to vector<16xi32>
      %xor3A_450 = arith.xori %iota3A, %xor3A_449 : vector<16xi32>
      %broadcast_in_dim3A_451 = vector.shape_cast %xor3A_450 : vector<16xi32> to vector<16x1xi32>
      %gather3A_452 = vector.shape_cast %broadcast_in_dim3A_451 : vector<16x1xi32> to vector<16xi32>
      %gather3A_453 = tpu.dynamic_gather %select_n3A_441[%gather3A_452] in [0] : vector<16xi32>, vector<16xi32> -> vector<16xi32>
      %lt3A_454 = arith.cmpf olt, %gather3A_447, %select_n3A_440 : vector<16xf32>
      %eq3A_455 = arith.cmpf oeq, %gather3A_447, %select_n3A_440 : vector<16xf32>
      %lt3A_456 = arith.cmpi slt, %gather3A_453, %select_n3A_441 : vector<16xi32>
      %and3A_457 = arith.andi %eq3A_455, %lt3A_456 : vector<16xi1>
      %or3A_458 = arith.ori %lt3A_454, %and3A_457 : vector<16xi1>
      %select_n3A_459 = arith.select %or3A_458, %gather3A_447, %select_n3A_440 : vector<16xi1>, vector<16xf32>
      %select_n3A_460 = arith.select %or3A_458, %gather3A_453, %select_n3A_441 : vector<16xi1>, vector<16xi32>
      %xor3A_461 = arith.constant 2 : i32
      %xor3A_462 = vector.broadcast %xor3A_461 : i32 to vector<16xi32>
      %xor3A_463 = arith.xori %iota3A, %xor3A_462 : vector<16xi32>
      %broadcast_in_dim3A_464 = vector.shape_cast %xor3A_463 : vector<16xi32> to vector<16x1xi32>
      %gather3A_465 = vector.shape_cast %broadcast_in_dim3A_464 : vector<16x1xi32> to vector<16xi32>
      %gather3A_466 = tpu.dynamic_gather %select_n3A_459[%gather3A_465] in [0] : vector<16xf32>, vector<16xi32> -> vector<16xf32>
      %xor3A_467 = arith.constant 2 : i32
      %xor3A_468 = vector.broadcast %xor3A_467 : i32 to vector<16xi32>
      %xor3A_469 = arith.xori %iota3A, %xor3A_468 : vector<16xi32>
      %broadcast_in_dim3A_470 = vector.shape_cast %xor3A_469 : vector<16xi32> to vector<16x1xi32>
      %gather3A_471 = vector.shape_cast %broadcast_in_dim3A_470 : vector<16x1xi32> to vector<16xi32>
      %gather3A_472 = tpu.dynamic_gather %select_n3A_460[%gather3A_471] in [0] : vector<16xi32>, vector<16xi32> -> vector<16xi32>
      %lt3A_473 = arith.cmpf olt, %gather3A_466, %select_n3A_459 : vector<16xf32>
      %eq3A_474 = arith.cmpf oeq, %gather3A_466, %select_n3A_459 : vector<16xf32>
      %lt3A_475 = arith.cmpi slt, %gather3A_472, %select_n3A_460 : vector<16xi32>
      %and3A_476 = arith.andi %eq3A_474, %lt3A_475 : vector<16xi1>
      %or3A_477 = arith.ori %lt3A_473, %and3A_476 : vector<16xi1>
      %select_n3A_478 = arith.select %or3A_477, %gather3A_466, %select_n3A_459 : vector<16xi1>, vector<16xf32>
      %select_n3A_479 = arith.select %or3A_477, %gather3A_472, %select_n3A_460 : vector<16xi1>, vector<16xi32>
      %xor3A_480 = arith.constant 1 : i32
      %xor3A_481 = vector.broadcast %xor3A_480 : i32 to vector<16xi32>
      %xor3A_482 = arith.xori %iota3A, %xor3A_481 : vector<16xi32>
      %broadcast_in_dim3A_483 = vector.shape_cast %xor3A_482 : vector<16xi32> to vector<16x1xi32>
      %gather3A_484 = vector.shape_cast %broadcast_in_dim3A_483 : vector<16x1xi32> to vector<16xi32>
      %gather3A_485 = tpu.dynamic_gather %select_n3A_478[%gather3A_484] in [0] : vector<16xf32>, vector<16xi32> -> vector<16xf32>
      %xor3A_486 = arith.constant 1 : i32
      %xor3A_487 = vector.broadcast %xor3A_486 : i32 to vector<16xi32>
      %xor3A_488 = arith.xori %iota3A, %xor3A_487 : vector<16xi32>
      %broadcast_in_dim3A_489 = vector.shape_cast %xor3A_488 : vector<16xi32> to vector<16x1xi32>
      %gather3A_490 = vector.shape_cast %broadcast_in_dim3A_489 : vector<16x1xi32> to vector<16xi32>
      %gather3A_491 = tpu.dynamic_gather %select_n3A_479[%gather3A_490] in [0] : vector<16xi32>, vector<16xi32> -> vector<16xi32>
      %lt3A_492 = arith.cmpf olt, %gather3A_485, %select_n3A_478 : vector<16xf32>
      %eq3A_493 = arith.cmpf oeq, %gather3A_485, %select_n3A_478 : vector<16xf32>
      %lt3A_494 = arith.cmpi slt, %gather3A_491, %select_n3A_479 : vector<16xi32>
      %and3A_495 = arith.andi %eq3A_493, %lt3A_494 : vector<16xi1>
      %or3A_496 = arith.ori %lt3A_492, %and3A_495 : vector<16xi1>
      %select_n3A_497 = arith.select %or3A_496, %gather3A_485, %select_n3A_478 : vector<16xi1>, vector<16xf32>
      %select_n3A_498 = arith.select %or3A_496, %gather3A_491, %select_n3A_479 : vector<16xi1>, vector<16xi32>
      %slice3A_499 = vector.extract_strided_slice %select_n3A_498 {offsets = [0], sizes = [1], strides = [1]} : vector<16xi32> to vector<1xi32>
      %squeeze3A_500 = vector.extract %slice3A_499[0] : i32 from vector<1xi32>
      %jit3A_501 = arith.constant 16 : i32
      %div3A_502 = arith.divsi %squeeze3A_500, %jit3A_501 : i32
      %sign3A_503 = arith.constant 0 : i32
      %sign3A_504 = arith.cmpi sgt, %squeeze3A_500, %sign3A_503 : i32
      %sign3A_505 = arith.extui %sign3A_504 : i1 to i32
      %sign3A_506 = arith.constant 0 : i32
      %sign3A_507 = arith.cmpi slt, %squeeze3A_500, %sign3A_506 : i32
      %sign3A_508 = arith.extui %sign3A_507 : i1 to i32
      %sign3A_509 = arith.subi %sign3A_505, %sign3A_508 : i32
      %sign3A_510 = arith.constant 0 : i32
      %sign3A_511 = arith.cmpi sgt, %jit3A_501, %sign3A_510 : i32
      %sign3A_512 = arith.extui %sign3A_511 : i1 to i32
      %sign3A_513 = arith.constant 0 : i32
      %sign3A_514 = arith.cmpi slt, %jit3A_501, %sign3A_513 : i32
      %sign3A_515 = arith.extui %sign3A_514 : i1 to i32
      %sign3A_516 = arith.subi %sign3A_512, %sign3A_515 : i32
      %ne3A_517 = arith.cmpi ne, %sign3A_509, %sign3A_516 : i32
      %rem3A_518 = arith.remsi %squeeze3A_500, %jit3A_501 : i32
      %ne3A_519 = arith.constant 0 : i32
      %ne3A_520 = arith.cmpi ne, %rem3A_518, %ne3A_519 : i32
      %and3A_521 = arith.andi %ne3A_517, %ne3A_520 : i1
      %sub3A_522 = arith.constant 1 : i32
      %sub3A_523 = arith.subi %div3A_502, %sub3A_522 : i32
      %select_n3A_524 = arith.select %and3A_521, %sub3A_523, %div3A_502 : i32
      %mul3A_525 = arith.constant 16 : i32
      %mul3A_526 = arith.muli %select_n3A_524, %mul3A_525 : i32
      %get3A_527 = arith.index_cast %mul3A_526 : i32 to index
      %get3A_528 = tpu.vector_load %arg13[%get3A_527] {strides = array<i32>} : memref<512xi32, #tpu.memory_space<vmem>>, vector<16xi32>,
      %sub3A_529 = arith.subi %squeeze3A_500, %mul3A_526 : i32
      %broadcast_in_dim3A_530 = vector.broadcast %sub3A_529 : i32 to vector<16xi32>
      %broadcast_in_dim3A_531 = vector.shape_cast %broadcast_in_dim3A_530 : vector<16xi32> to vector<16x1xi32>
      %gather3A_532 = vector.shape_cast %broadcast_in_dim3A_531 : vector<16x1xi32> to vector<16xi32>
      %gather3A_533 = tpu.dynamic_gather %get3A_528[%gather3A_532] in [0] : vector<16xi32>, vector<16xi32> -> vector<16xi32>
      %eq3A_534 = arith.constant 1 : i32
      %eq3A_535 = vector.broadcast %eq3A_534 : i32 to vector<16xi32>
      %eq3A_536 = arith.cmpi eq, %iota3A, %eq3A_535 : vector<16xi32>
      %select_n3A_537 = arith.select %eq3A_536, %gather3A_533, %select_n3A_375 : vector<16xi1>, vector<16xi32>
      %jit3A_538 = arith.constant 16 : i32
      %div3A_539 = arith.divsi %squeeze3A_500, %jit3A_538 : i32
      %sign3A_540 = arith.constant 0 : i32
      %sign3A_541 = arith.cmpi sgt, %squeeze3A_500, %sign3A_540 : i32
      %sign3A_542 = arith.extui %sign3A_541 : i1 to i32
      %sign3A_543 = arith.constant 0 : i32
      %sign3A_544 = arith.cmpi slt, %squeeze3A_500, %sign3A_543 : i32
      %sign3A_545 = arith.extui %sign3A_544 : i1 to i32
      %sign3A_546 = arith.subi %sign3A_542, %sign3A_545 : i32
      %sign3A_547 = arith.constant 0 : i32
      %sign3A_548 = arith.cmpi sgt, %jit3A_538, %sign3A_547 : i32
      %sign3A_549 = arith.extui %sign3A_548 : i1 to i32
      %sign3A_550 = arith.constant 0 : i32
      %sign3A_551 = arith.cmpi slt, %jit3A_538, %sign3A_550 : i32
      %sign3A_552 = arith.extui %sign3A_551 : i1 to i32
      %sign3A_553 = arith.subi %sign3A_549, %sign3A_552 : i32
      %ne3A_554 = arith.cmpi ne, %sign3A_546, %sign3A_553 : i32
      %rem3A_555 = arith.remsi %squeeze3A_500, %jit3A_538 : i32
      %ne3A_556 = arith.constant 0 : i32
      %ne3A_557 = arith.cmpi ne, %rem3A_555, %ne3A_556 : i32
      %and3A_558 = arith.andi %ne3A_554, %ne3A_557 : i1
      %sub3A_559 = arith.constant 1 : i32
      %sub3A_560 = arith.subi %div3A_539, %sub3A_559 : i32
      %select_n3A_561 = arith.select %and3A_558, %sub3A_560, %div3A_539 : i32
      %mul3A_562 = arith.constant 16 : i32
      %mul3A_563 = arith.muli %select_n3A_561, %mul3A_562 : i32
      %get3A_564 = arith.index_cast %mul3A_563 : i32 to index
      %get3A_565 = tpu.vector_load %arg12[%get3A_564] {strides = array<i32>} : memref<528xf32, #tpu.memory_space<vmem>>, vector<16xf32>,
      %sub3A_566 = arith.subi %squeeze3A_500, %mul3A_563 : i32
      %eq3A_567 = vector.broadcast %sub3A_566 : i32 to vector<16xi32>
      %eq3A_568 = arith.cmpi eq, %iota3A, %eq3A_567 : vector<16xi32>
      %jit3A_569 = arith.constant 3.000000e+38 : f32
      %broadcast_in_dim3A_570 = vector.broadcast %jit3A_569 : f32 to vector<16xf32>
      %select_n3A_571 = arith.select %eq3A_568, %broadcast_in_dim3A_570, %get3A_565 : vector<16xi1>, vector<16xf32>
      %swap3A_572 = arith.index_cast %mul3A_563 : i32 to index
      %swap3A_573 = tpu.vector_load %arg12[%swap3A_572] {strides = array<i32>} : memref<528xf32, #tpu.memory_space<vmem>>, vector<16xf32>,
      tpu.vector_store %arg12[%swap3A_572], %select_n3A_571 {strides = array<i32>} : memref<528xf32, #tpu.memory_space<vmem>>, vector<16xf32>,
      %while3A_574 = arith.constant 0 : i32
      %while3A_575 = arith.subi %select_n3A_253, %while3A_574 : i32
      %while3A_576 = arith.addi %while3A_574, %while3A_575 : i32
      %while3A_577 = arith.constant 1 : i32
      %while3A_578 = arith.divsi %while3A_575, %while3A_577 : i32
      %while3A_579 = arith.muli %while3A_578, %while3A_577 : i32
      %while3A_580 = arith.addi %while3A_574, %while3A_579 : i32
      %while3A_581 = arith.constant 1 : i32
      %while3A_582:2 = scf.for %while3A_3501 = %while3A_574 to %while3A_580 step %while3A_581 iter_args(%while3A_3502 = %broadcast_in_dim3A_1, %while3A_3503 = %broadcast_in_dim3A_5) -> (vector<16xf32>, vector<16xi32>)  : i32 {
        %mul3A_3504 = arith.constant 16 : i32
        %mul3A_3505 = arith.muli %mul3A_3504, %while3A_3501 : i32
        %get3A_3506 = arith.index_cast %mul3A_3505 : i32 to index
        %get3A_3507 = tpu.vector_load %arg12[%get3A_3506] {strides = array<i32>} : memref<528xf32, #tpu.memory_space<vmem>>, vector<16xf32>,
        %lt3A_3508 = arith.cmpf olt, %get3A_3507, %while3A_3502 : vector<16xf32>
        %select_n3A_3509 = arith.select %lt3A_3508, %get3A_3507, %while3A_3502 : vector<16xi1>, vector<16xf32>
        %mul3A_3510 = arith.constant 16 : i32
        %mul3A_3511 = arith.muli %mul3A_3510, %while3A_3501 : i32
        %add3A_3512 = vector.broadcast %mul3A_3511 : i32 to vector<16xi32>
        %add3A_3513 = arith.addi %add3A_3512, %iota3A : vector<16xi32>
        %select_n3A_3514 = arith.select %lt3A_3508, %add3A_3513, %while3A_3503 : vector<16xi1>, vector<16xi32>
        scf.yield %select_n3A_3509, %select_n3A_3514 : vector<16xf32>, vector<16xi32>
      }
      %while3A_583 = arith.constant 1 : i32
      %while3A_584:2 = scf.for %while3A_3501 = %while3A_580 to %while3A_576 step %while3A_583 iter_args(%while3A_3502 = %while3A_582#0, %while3A_3503 = %while3A_582#1) -> (vector<16xf32>, vector<16xi32>)  : i32 {
        %mul3A_3504 = arith.constant 16 : i32
        %mul3A_3505 = arith.muli %mul3A_3504, %while3A_3501 : i32
        %get3A_3506 = arith.index_cast %mul3A_3505 : i32 to index
        %get3A_3507 = tpu.vector_load %arg12[%get3A_3506] {strides = array<i32>} : memref<528xf32, #tpu.memory_space<vmem>>, vector<16xf32>,
        %lt3A_3508 = arith.cmpf olt, %get3A_3507, %while3A_3502 : vector<16xf32>
        %select_n3A_3509 = arith.select %lt3A_3508, %get3A_3507, %while3A_3502 : vector<16xi1>, vector<16xf32>
        %mul3A_3510 = arith.constant 16 : i32
        %mul3A_3511 = arith.muli %mul3A_3510, %while3A_3501 : i32
        %add3A_3512 = vector.broadcast %mul3A_3511 : i32 to vector<16xi32>
        %add3A_3513 = arith.addi %add3A_3512, %iota3A : vector<16xi32>
        %select_n3A_3514 = arith.select %lt3A_3508, %add3A_3513, %while3A_3503 : vector<16xi1>, vector<16xi32>
        scf.yield %select_n3A_3509, %select_n3A_3514 : vector<16xf32>, vector<16xi32>
      }
      %xor3A_585 = arith.constant 8 : i32
      %xor3A_586 = vector.broadcast %xor3A_585 : i32 to vector<16xi32>
      %xor3A_587 = arith.xori %iota3A, %xor3A_586 : vector<16xi32>
      %broadcast_in_dim3A_588 = vector.shape_cast %xor3A_587 : vector<16xi32> to vector<16x1xi32>
      %gather3A_589 = vector.shape_cast %broadcast_in_dim3A_588 : vector<16x1xi32> to vector<16xi32>
      %gather3A_590 = tpu.dynamic_gather %while3A_584#0[%gather3A_589] in [0] : vector<16xf32>, vector<16xi32> -> vector<16xf32>
      %xor3A_591 = arith.constant 8 : i32
      %xor3A_592 = vector.broadcast %xor3A_591 : i32 to vector<16xi32>
      %xor3A_593 = arith.xori %iota3A, %xor3A_592 : vector<16xi32>
      %broadcast_in_dim3A_594 = vector.shape_cast %xor3A_593 : vector<16xi32> to vector<16x1xi32>
      %gather3A_595 = vector.shape_cast %broadcast_in_dim3A_594 : vector<16x1xi32> to vector<16xi32>
      %gather3A_596 = tpu.dynamic_gather %while3A_584#1[%gather3A_595] in [0] : vector<16xi32>, vector<16xi32> -> vector<16xi32>
      %lt3A_597 = arith.cmpf olt, %gather3A_590, %while3A_584#0 : vector<16xf32>
      %eq3A_598 = arith.cmpf oeq, %gather3A_590, %while3A_584#0 : vector<16xf32>
      %lt3A_599 = arith.cmpi slt, %gather3A_596, %while3A_584#1 : vector<16xi32>
      %and3A_600 = arith.andi %eq3A_598, %lt3A_599 : vector<16xi1>
      %or3A_601 = arith.ori %lt3A_597, %and3A_600 : vector<16xi1>
      %select_n3A_602 = arith.select %or3A_601, %gather3A_590, %while3A_584#0 : vector<16xi1>, vector<16xf32>
      %select_n3A_603 = arith.select %or3A_601, %gather3A_596, %while3A_584#1 : vector<16xi1>, vector<16xi32>
      %xor3A_604 = arith.constant 4 : i32
      %xor3A_605 = vector.broadcast %xor3A_604 : i32 to vector<16xi32>
      %xor3A_606 = arith.xori %iota3A, %xor3A_605 : vector<16xi32>
      %broadcast_in_dim3A_607 = vector.shape_cast %xor3A_606 : vector<16xi32> to vector<16x1xi32>
      %gather3A_608 = vector.shape_cast %broadcast_in_dim3A_607 : vector<16x1xi32> to vector<16xi32>
      %gather3A_609 = tpu.dynamic_gather %select_n3A_602[%gather3A_608] in [0] : vector<16xf32>, vector<16xi32> -> vector<16xf32>
      %xor3A_610 = arith.constant 4 : i32
      %xor3A_611 = vector.broadcast %xor3A_610 : i32 to vector<16xi32>
      %xor3A_612 = arith.xori %iota3A, %xor3A_611 : vector<16xi32>
      %broadcast_in_dim3A_613 = vector.shape_cast %xor3A_612 : vector<16xi32> to vector<16x1xi32>
      %gather3A_614 = vector.shape_cast %broadcast_in_dim3A_613 : vector<16x1xi32> to vector<16xi32>
      %gather3A_615 = tpu.dynamic_gather %select_n3A_603[%gather3A_614] in [0] : vector<16xi32>, vector<16xi32> -> vector<16xi32>
      %lt3A_616 = arith.cmpf olt, %gather3A_609, %select_n3A_602 : vector<16xf32>
      %eq3A_617 = arith.cmpf oeq, %gather3A_609, %select_n3A_602 : vector<16xf32>
      %lt3A_618 = arith.cmpi slt, %gather3A_615, %select_n3A_603 : vector<16xi32>
      %and3A_619 = arith.andi %eq3A_617, %lt3A_618 : vector<16xi1>
      %or3A_620 = arith.ori %lt3A_616, %and3A_619 : vector<16xi1>
      %select_n3A_621 = arith.select %or3A_620, %gather3A_609, %select_n3A_602 : vector<16xi1>, vector<16xf32>
      %select_n3A_622 = arith.select %or3A_620, %gather3A_615, %select_n3A_603 : vector<16xi1>, vector<16xi32>
      %xor3A_623 = arith.constant 2 : i32
      %xor3A_624 = vector.broadcast %xor3A_623 : i32 to vector<16xi32>
      %xor3A_625 = arith.xori %iota3A, %xor3A_624 : vector<16xi32>
      %broadcast_in_dim3A_626 = vector.shape_cast %xor3A_625 : vector<16xi32> to vector<16x1xi32>
      %gather3A_627 = vector.shape_cast %broadcast_in_dim3A_626 : vector<16x1xi32> to vector<16xi32>
      %gather3A_628 = tpu.dynamic_gather %select_n3A_621[%gather3A_627] in [0] : vector<16xf32>, vector<16xi32> -> vector<16xf32>
      %xor3A_629 = arith.constant 2 : i32
      %xor3A_630 = vector.broadcast %xor3A_629 : i32 to vector<16xi32>
      %xor3A_631 = arith.xori %iota3A, %xor3A_630 : vector<16xi32>
      %broadcast_in_dim3A_632 = vector.shape_cast %xor3A_631 : vector<16xi32> to vector<16x1xi32>
      %gather3A_633 = vector.shape_cast %broadcast_in_dim3A_632 : vector<16x1xi32> to vector<16xi32>
      %gather3A_634 = tpu.dynamic_gather %select_n3A_622[%gather3A_633] in [0] : vector<16xi32>, vector<16xi32> -> vector<16xi32>
      %lt3A_635 = arith.cmpf olt, %gather3A_628, %select_n3A_621 : vector<16xf32>
      %eq3A_636 = arith.cmpf oeq, %gather3A_628, %select_n3A_621 : vector<16xf32>
      %lt3A_637 = arith.cmpi slt, %gather3A_634, %select_n3A_622 : vector<16xi32>
      %and3A_638 = arith.andi %eq3A_636, %lt3A_637 : vector<16xi1>
      %or3A_639 = arith.ori %lt3A_635, %and3A_638 : vector<16xi1>
      %select_n3A_640 = arith.select %or3A_639, %gather3A_628, %select_n3A_621 : vector<16xi1>, vector<16xf32>
      %select_n3A_641 = arith.select %or3A_639, %gather3A_634, %select_n3A_622 : vector<16xi1>, vector<16xi32>
      %xor3A_642 = arith.constant 1 : i32
      %xor3A_643 = vector.broadcast %xor3A_642 : i32 to vector<16xi32>
      %xor3A_644 = arith.xori %iota3A, %xor3A_643 : vector<16xi32>
      %broadcast_in_dim3A_645 = vector.shape_cast %xor3A_644 : vector<16xi32> to vector<16x1xi32>
      %gather3A_646 = vector.shape_cast %broadcast_in_dim3A_645 : vector<16x1xi32> to vector<16xi32>
      %gather3A_647 = tpu.dynamic_gather %select_n3A_640[%gather3A_646] in [0] : vector<16xf32>, vector<16xi32> -> vector<16xf32>
      %xor3A_648 = arith.constant 1 : i32
      %xor3A_649 = vector.broadcast %xor3A_648 : i32 to vector<16xi32>
      %xor3A_650 = arith.xori %iota3A, %xor3A_649 : vector<16xi32>
      %broadcast_in_dim3A_651 = vector.shape_cast %xor3A_650 : vector<16xi32> to vector<16x1xi32>
      %gather3A_652 = vector.shape_cast %broadcast_in_dim3A_651 : vector<16x1xi32> to vector<16xi32>
      %gather3A_653 = tpu.dynamic_gather %select_n3A_641[%gather3A_652] in [0] : vector<16xi32>, vector<16xi32> -> vector<16xi32>
      %lt3A_654 = arith.cmpf olt, %gather3A_647, %select_n3A_640 : vector<16xf32>
      %eq3A_655 = arith.cmpf oeq, %gather3A_647, %select_n3A_640 : vector<16xf32>
      %lt3A_656 = arith.cmpi slt, %gather3A_653, %select_n3A_641 : vector<16xi32>
      %and3A_657 = arith.andi %eq3A_655, %lt3A_656 : vector<16xi1>
      %or3A_658 = arith.ori %lt3A_654, %and3A_657 : vector<16xi1>
      %select_n3A_659 = arith.select %or3A_658, %gather3A_647, %select_n3A_640 : vector<16xi1>, vector<16xf32>
      %select_n3A_660 = arith.select %or3A_658, %gather3A_653, %select_n3A_641 : vector<16xi1>, vector<16xi32>
      %slice3A_661 = vector.extract_strided_slice %select_n3A_660 {offsets = [0], sizes = [1], strides = [1]} : vector<16xi32> to vector<1xi32>
      %squeeze3A_662 = vector.extract %slice3A_661[0] : i32 from vector<1xi32>
      %jit3A_663 = arith.constant 16 : i32
      %div3A_664 = arith.divsi %squeeze3A_662, %jit3A_663 : i32
      %sign3A_665 = arith.constant 0 : i32
      %sign3A_666 = arith.cmpi sgt, %squeeze3A_662, %sign3A_665 : i32
      %sign3A_667 = arith.extui %sign3A_666 : i1 to i32
      %sign3A_668 = arith.constant 0 : i32
      %sign3A_669 = arith.cmpi slt, %squeeze3A_662, %sign3A_668 : i32
      %sign3A_670 = arith.extui %sign3A_669 : i1 to i32
      %sign3A_671 = arith.subi %sign3A_667, %sign3A_670 : i32
      %sign3A_672 = arith.constant 0 : i32
      %sign3A_673 = arith.cmpi sgt, %jit3A_663, %sign3A_672 : i32
      %sign3A_674 = arith.extui %sign3A_673 : i1 to i32
      %sign3A_675 = arith.constant 0 : i32
      %sign3A_676 = arith.cmpi slt, %jit3A_663, %sign3A_675 : i32
      %sign3A_677 = arith.extui %sign3A_676 : i1 to i32
      %sign3A_678 = arith.subi %sign3A_674, %sign3A_677 : i32
      %ne3A_679 = arith.cmpi ne, %sign3A_671, %sign3A_678 : i32
      %rem3A_680 = arith.remsi %squeeze3A_662, %jit3A_663 : i32
      %ne3A_681 = arith.constant 0 : i32
      %ne3A_682 = arith.cmpi ne, %rem3A_680, %ne3A_681 : i32
      %and3A_683 = arith.andi %ne3A_679, %ne3A_682 : i1
      %sub3A_684 = arith.constant 1 : i32
      %sub3A_685 = arith.subi %div3A_664, %sub3A_684 : i32
      %select_n3A_686 = arith.select %and3A_683, %sub3A_685, %div3A_664 : i32
      %mul3A_687 = arith.constant 16 : i32
      %mul3A_688 = arith.muli %select_n3A_686, %mul3A_687 : i32
      %get3A_689 = arith.index_cast %mul3A_688 : i32 to index
      %get3A_690 = tpu.vector_load %arg13[%get3A_689] {strides = array<i32>} : memref<512xi32, #tpu.memory_space<vmem>>, vector<16xi32>,
      %sub3A_691 = arith.subi %squeeze3A_662, %mul3A_688 : i32
      %broadcast_in_dim3A_692 = vector.broadcast %sub3A_691 : i32 to vector<16xi32>
      %broadcast_in_dim3A_693 = vector.shape_cast %broadcast_in_dim3A_692 : vector<16xi32> to vector<16x1xi32>
      %gather3A_694 = vector.shape_cast %broadcast_in_dim3A_693 : vector<16x1xi32> to vector<16xi32>
      %gather3A_695 = tpu.dynamic_gather %get3A_690[%gather3A_694] in [0] : vector<16xi32>, vector<16xi32> -> vector<16xi32>
      %eq3A_696 = arith.constant 2 : i32
      %eq3A_697 = vector.broadcast %eq3A_696 : i32 to vector<16xi32>
      %eq3A_698 = arith.cmpi eq, %iota3A, %eq3A_697 : vector<16xi32>
      %select_n3A_699 = arith.select %eq3A_698, %gather3A_695, %select_n3A_537 : vector<16xi1>, vector<16xi32>
      %jit3A_700 = arith.constant 16 : i32
      %div3A_701 = arith.divsi %squeeze3A_662, %jit3A_700 : i32
      %sign3A_702 = arith.constant 0 : i32
      %sign3A_703 = arith.cmpi sgt, %squeeze3A_662, %sign3A_702 : i32
      %sign3A_704 = arith.extui %sign3A_703 : i1 to i32
      %sign3A_705 = arith.constant 0 : i32
      %sign3A_706 = arith.cmpi slt, %squeeze3A_662, %sign3A_705 : i32
      %sign3A_707 = arith.extui %sign3A_706 : i1 to i32
      %sign3A_708 = arith.subi %sign3A_704, %sign3A_707 : i32
      %sign3A_709 = arith.constant 0 : i32
      %sign3A_710 = arith.cmpi sgt, %jit3A_700, %sign3A_709 : i32
      %sign3A_711 = arith.extui %sign3A_710 : i1 to i32
      %sign3A_712 = arith.constant 0 : i32
      %sign3A_713 = arith.cmpi slt, %jit3A_700, %sign3A_712 : i32
      %sign3A_714 = arith.extui %sign3A_713 : i1 to i32
      %sign3A_715 = arith.subi %sign3A_711, %sign3A_714 : i32
      %ne3A_716 = arith.cmpi ne, %sign3A_708, %sign3A_715 : i32
      %rem3A_717 = arith.remsi %squeeze3A_662, %jit3A_700 : i32
      %ne3A_718 = arith.constant 0 : i32
      %ne3A_719 = arith.cmpi ne, %rem3A_717, %ne3A_718 : i32
      %and3A_720 = arith.andi %ne3A_716, %ne3A_719 : i1
      %sub3A_721 = arith.constant 1 : i32
      %sub3A_722 = arith.subi %div3A_701, %sub3A_721 : i32
      %select_n3A_723 = arith.select %and3A_720, %sub3A_722, %div3A_701 : i32
      %mul3A_724 = arith.constant 16 : i32
      %mul3A_725 = arith.muli %select_n3A_723, %mul3A_724 : i32
      %get3A_726 = arith.index_cast %mul3A_725 : i32 to index
      %get3A_727 = tpu.vector_load %arg12[%get3A_726] {strides = array<i32>} : memref<528xf32, #tpu.memory_space<vmem>>, vector<16xf32>,
      %sub3A_728 = arith.subi %squeeze3A_662, %mul3A_725 : i32
      %eq3A_729 = vector.broadcast %sub3A_728 : i32 to vector<16xi32>
      %eq3A_730 = arith.cmpi eq, %iota3A, %eq3A_729 : vector<16xi32>
      %jit3A_731 = arith.constant 3.000000e+38 : f32
      %broadcast_in_dim3A_732 = vector.broadcast %jit3A_731 : f32 to vector<16xf32>
      %select_n3A_733 = arith.select %eq3A_730, %broadcast_in_dim3A_732, %get3A_727 : vector<16xi1>, vector<16xf32>
      %swap3A_734 = arith.index_cast %mul3A_725 : i32 to index
      %swap3A_735 = tpu.vector_load %arg12[%swap3A_734] {strides = array<i32>} : memref<528xf32, #tpu.memory_space<vmem>>, vector<16xf32>,
      tpu.vector_store %arg12[%swap3A_734], %select_n3A_733 {strides = array<i32>} : memref<528xf32, #tpu.memory_space<vmem>>, vector<16xf32>,
      %while3A_736 = arith.constant 0 : i32
      %while3A_737 = arith.subi %select_n3A_253, %while3A_736 : i32
      %while3A_738 = arith.addi %while3A_736, %while3A_737 : i32
      %while3A_739 = arith.constant 1 : i32
      %while3A_740 = arith.divsi %while3A_737, %while3A_739 : i32
      %while3A_741 = arith.muli %while3A_740, %while3A_739 : i32
      %while3A_742 = arith.addi %while3A_736, %while3A_741 : i32
      %while3A_743 = arith.constant 1 : i32
      %while3A_744:2 = scf.for %while3A_3501 = %while3A_736 to %while3A_742 step %while3A_743 iter_args(%while3A_3502 = %broadcast_in_dim3A_1, %while3A_3503 = %broadcast_in_dim3A_5) -> (vector<16xf32>, vector<16xi32>)  : i32 {
        %mul3A_3504 = arith.constant 16 : i32
        %mul3A_3505 = arith.muli %mul3A_3504, %while3A_3501 : i32
        %get3A_3506 = arith.index_cast %mul3A_3505 : i32 to index
        %get3A_3507 = tpu.vector_load %arg12[%get3A_3506] {strides = array<i32>} : memref<528xf32, #tpu.memory_space<vmem>>, vector<16xf32>,
        %lt3A_3508 = arith.cmpf olt, %get3A_3507, %while3A_3502 : vector<16xf32>
        %select_n3A_3509 = arith.select %lt3A_3508, %get3A_3507, %while3A_3502 : vector<16xi1>, vector<16xf32>
        %mul3A_3510 = arith.constant 16 : i32
        %mul3A_3511 = arith.muli %mul3A_3510, %while3A_3501 : i32
        %add3A_3512 = vector.broadcast %mul3A_3511 : i32 to vector<16xi32>
        %add3A_3513 = arith.addi %add3A_3512, %iota3A : vector<16xi32>
        %select_n3A_3514 = arith.select %lt3A_3508, %add3A_3513, %while3A_3503 : vector<16xi1>, vector<16xi32>
        scf.yield %select_n3A_3509, %select_n3A_3514 : vector<16xf32>, vector<16xi32>
      }
      %while3A_745 = arith.constant 1 : i32
      %while3A_746:2 = scf.for %while3A_3501 = %while3A_742 to %while3A_738 step %while3A_745 iter_args(%while3A_3502 = %while3A_744#0, %while3A_3503 = %while3A_744#1) -> (vector<16xf32>, vector<16xi32>)  : i32 {
        %mul3A_3504 = arith.constant 16 : i32
        %mul3A_3505 = arith.muli %mul3A_3504, %while3A_3501 : i32
        %get3A_3506 = arith.index_cast %mul3A_3505 : i32 to index
        %get3A_3507 = tpu.vector_load %arg12[%get3A_3506] {strides = array<i32>} : memref<528xf32, #tpu.memory_space<vmem>>, vector<16xf32>,
        %lt3A_3508 = arith.cmpf olt, %get3A_3507, %while3A_3502 : vector<16xf32>
        %select_n3A_3509 = arith.select %lt3A_3508, %get3A_3507, %while3A_3502 : vector<16xi1>, vector<16xf32>
        %mul3A_3510 = arith.constant 16 : i32
        %mul3A_3511 = arith.muli %mul3A_3510, %while3A_3501 : i32
        %add3A_3512 = vector.broadcast %mul3A_3511 : i32 to vector<16xi32>
        %add3A_3513 = arith.addi %add3A_3512, %iota3A : vector<16xi32>
        %select_n3A_3514 = arith.select %lt3A_3508, %add3A_3513, %while3A_3503 : vector<16xi1>, vector<16xi32>
        scf.yield %select_n3A_3509, %select_n3A_3514 : vector<16xf32>, vector<16xi32>
      }
      %xor3A_747 = arith.constant 8 : i32
      %xor3A_748 = vector.broadcast %xor3A_747 : i32 to vector<16xi32>
      %xor3A_749 = arith.xori %iota3A, %xor3A_748 : vector<16xi32>
      %broadcast_in_dim3A_750 = vector.shape_cast %xor3A_749 : vector<16xi32> to vector<16x1xi32>
      %gather3A_751 = vector.shape_cast %broadcast_in_dim3A_750 : vector<16x1xi32> to vector<16xi32>
      %gather3A_752 = tpu.dynamic_gather %while3A_746#0[%gather3A_751] in [0] : vector<16xf32>, vector<16xi32> -> vector<16xf32>
      %xor3A_753 = arith.constant 8 : i32
      %xor3A_754 = vector.broadcast %xor3A_753 : i32 to vector<16xi32>
      %xor3A_755 = arith.xori %iota3A, %xor3A_754 : vector<16xi32>
      %broadcast_in_dim3A_756 = vector.shape_cast %xor3A_755 : vector<16xi32> to vector<16x1xi32>
      %gather3A_757 = vector.shape_cast %broadcast_in_dim3A_756 : vector<16x1xi32> to vector<16xi32>
      %gather3A_758 = tpu.dynamic_gather %while3A_746#1[%gather3A_757] in [0] : vector<16xi32>, vector<16xi32> -> vector<16xi32>
      %lt3A_759 = arith.cmpf olt, %gather3A_752, %while3A_746#0 : vector<16xf32>
      %eq3A_760 = arith.cmpf oeq, %gather3A_752, %while3A_746#0 : vector<16xf32>
      %lt3A_761 = arith.cmpi slt, %gather3A_758, %while3A_746#1 : vector<16xi32>
      %and3A_762 = arith.andi %eq3A_760, %lt3A_761 : vector<16xi1>
      %or3A_763 = arith.ori %lt3A_759, %and3A_762 : vector<16xi1>
      %select_n3A_764 = arith.select %or3A_763, %gather3A_752, %while3A_746#0 : vector<16xi1>, vector<16xf32>
      %select_n3A_765 = arith.select %or3A_763, %gather3A_758, %while3A_746#1 : vector<16xi1>, vector<16xi32>
      %xor3A_766 = arith.constant 4 : i32
      %xor3A_767 = vector.broadcast %xor3A_766 : i32 to vector<16xi32>
      %xor3A_768 = arith.xori %iota3A, %xor3A_767 : vector<16xi32>
      %broadcast_in_dim3A_769 = vector.shape_cast %xor3A_768 : vector<16xi32> to vector<16x1xi32>
      %gather3A_770 = vector.shape_cast %broadcast_in_dim3A_769 : vector<16x1xi32> to vector<16xi32>
      %gather3A_771 = tpu.dynamic_gather %select_n3A_764[%gather3A_770] in [0] : vector<16xf32>, vector<16xi32> -> vector<16xf32>
      %xor3A_772 = arith.constant 4 : i32
      %xor3A_773 = vector.broadcast %xor3A_772 : i32 to vector<16xi32>
      %xor3A_774 = arith.xori %iota3A, %xor3A_773 : vector<16xi32>
      %broadcast_in_dim3A_775 = vector.shape_cast %xor3A_774 : vector<16xi32> to vector<16x1xi32>
      %gather3A_776 = vector.shape_cast %broadcast_in_dim3A_775 : vector<16x1xi32> to vector<16xi32>
      %gather3A_777 = tpu.dynamic_gather %select_n3A_765[%gather3A_776] in [0] : vector<16xi32>, vector<16xi32> -> vector<16xi32>
      %lt3A_778 = arith.cmpf olt, %gather3A_771, %select_n3A_764 : vector<16xf32>
      %eq3A_779 = arith.cmpf oeq, %gather3A_771, %select_n3A_764 : vector<16xf32>
      %lt3A_780 = arith.cmpi slt, %gather3A_777, %select_n3A_765 : vector<16xi32>
      %and3A_781 = arith.andi %eq3A_779, %lt3A_780 : vector<16xi1>
      %or3A_782 = arith.ori %lt3A_778, %and3A_781 : vector<16xi1>
      %select_n3A_783 = arith.select %or3A_782, %gather3A_771, %select_n3A_764 : vector<16xi1>, vector<16xf32>
      %select_n3A_784 = arith.select %or3A_782, %gather3A_777, %select_n3A_765 : vector<16xi1>, vector<16xi32>
      %xor3A_785 = arith.constant 2 : i32
      %xor3A_786 = vector.broadcast %xor3A_785 : i32 to vector<16xi32>
      %xor3A_787 = arith.xori %iota3A, %xor3A_786 : vector<16xi32>
      %broadcast_in_dim3A_788 = vector.shape_cast %xor3A_787 : vector<16xi32> to vector<16x1xi32>
      %gather3A_789 = vector.shape_cast %broadcast_in_dim3A_788 : vector<16x1xi32> to vector<16xi32>
      %gather3A_790 = tpu.dynamic_gather %select_n3A_783[%gather3A_789] in [0] : vector<16xf32>, vector<16xi32> -> vector<16xf32>
      %xor3A_791 = arith.constant 2 : i32
      %xor3A_792 = vector.broadcast %xor3A_791 : i32 to vector<16xi32>
      %xor3A_793 = arith.xori %iota3A, %xor3A_792 : vector<16xi32>
      %broadcast_in_dim3A_794 = vector.shape_cast %xor3A_793 : vector<16xi32> to vector<16x1xi32>
      %gather3A_795 = vector.shape_cast %broadcast_in_dim3A_794 : vector<16x1xi32> to vector<16xi32>
      %gather3A_796 = tpu.dynamic_gather %select_n3A_784[%gather3A_795] in [0] : vector<16xi32>, vector<16xi32> -> vector<16xi32>
      %lt3A_797 = arith.cmpf olt, %gather3A_790, %select_n3A_783 : vector<16xf32>
      %eq3A_798 = arith.cmpf oeq, %gather3A_790, %select_n3A_783 : vector<16xf32>
      %lt3A_799 = arith.cmpi slt, %gather3A_796, %select_n3A_784 : vector<16xi32>
      %and3A_800 = arith.andi %eq3A_798, %lt3A_799 : vector<16xi1>
      %or3A_801 = arith.ori %lt3A_797, %and3A_800 : vector<16xi1>
      %select_n3A_802 = arith.select %or3A_801, %gather3A_790, %select_n3A_783 : vector<16xi1>, vector<16xf32>
      %select_n3A_803 = arith.select %or3A_801, %gather3A_796, %select_n3A_784 : vector<16xi1>, vector<16xi32>
      %xor3A_804 = arith.constant 1 : i32
      %xor3A_805 = vector.broadcast %xor3A_804 : i32 to vector<16xi32>
      %xor3A_806 = arith.xori %iota3A, %xor3A_805 : vector<16xi32>
      %broadcast_in_dim3A_807 = vector.shape_cast %xor3A_806 : vector<16xi32> to vector<16x1xi32>
      %gather3A_808 = vector.shape_cast %broadcast_in_dim3A_807 : vector<16x1xi32> to vector<16xi32>
      %gather3A_809 = tpu.dynamic_gather %select_n3A_802[%gather3A_808] in [0] : vector<16xf32>, vector<16xi32> -> vector<16xf32>
      %xor3A_810 = arith.constant 1 : i32
      %xor3A_811 = vector.broadcast %xor3A_810 : i32 to vector<16xi32>
      %xor3A_812 = arith.xori %iota3A, %xor3A_811 : vector<16xi32>
      %broadcast_in_dim3A_813 = vector.shape_cast %xor3A_812 : vector<16xi32> to vector<16x1xi32>
      %gather3A_814 = vector.shape_cast %broadcast_in_dim3A_813 : vector<16x1xi32> to vector<16xi32>
      %gather3A_815 = tpu.dynamic_gather %select_n3A_803[%gather3A_814] in [0] : vector<16xi32>, vector<16xi32> -> vector<16xi32>
      %lt3A_816 = arith.cmpf olt, %gather3A_809, %select_n3A_802 : vector<16xf32>
      %eq3A_817 = arith.cmpf oeq, %gather3A_809, %select_n3A_802 : vector<16xf32>
      %lt3A_818 = arith.cmpi slt, %gather3A_815, %select_n3A_803 : vector<16xi32>
      %and3A_819 = arith.andi %eq3A_817, %lt3A_818 : vector<16xi1>
      %or3A_820 = arith.ori %lt3A_816, %and3A_819 : vector<16xi1>
      %select_n3A_821 = arith.select %or3A_820, %gather3A_809, %select_n3A_802 : vector<16xi1>, vector<16xf32>
      %select_n3A_822 = arith.select %or3A_820, %gather3A_815, %select_n3A_803 : vector<16xi1>, vector<16xi32>
      %slice3A_823 = vector.extract_strided_slice %select_n3A_822 {offsets = [0], sizes = [1], strides = [1]} : vector<16xi32> to vector<1xi32>
      %squeeze3A_824 = vector.extract %slice3A_823[0] : i32 from vector<1xi32>
      %jit3A_825 = arith.constant 16 : i32
      %div3A_826 = arith.divsi %squeeze3A_824, %jit3A_825 : i32
      %sign3A_827 = arith.constant 0 : i32
      %sign3A_828 = arith.cmpi sgt, %squeeze3A_824, %sign3A_827 : i32
      %sign3A_829 = arith.extui %sign3A_828 : i1 to i32
      %sign3A_830 = arith.constant 0 : i32
      %sign3A_831 = arith.cmpi slt, %squeeze3A_824, %sign3A_830 : i32
      %sign3A_832 = arith.extui %sign3A_831 : i1 to i32
      %sign3A_833 = arith.subi %sign3A_829, %sign3A_832 : i32
      %sign3A_834 = arith.constant 0 : i32
      %sign3A_835 = arith.cmpi sgt, %jit3A_825, %sign3A_834 : i32
      %sign3A_836 = arith.extui %sign3A_835 : i1 to i32
      %sign3A_837 = arith.constant 0 : i32
      %sign3A_838 = arith.cmpi slt, %jit3A_825, %sign3A_837 : i32
      %sign3A_839 = arith.extui %sign3A_838 : i1 to i32
      %sign3A_840 = arith.subi %sign3A_836, %sign3A_839 : i32
      %ne3A_841 = arith.cmpi ne, %sign3A_833, %sign3A_840 : i32
      %rem3A_842 = arith.remsi %squeeze3A_824, %jit3A_825 : i32
      %ne3A_843 = arith.constant 0 : i32
      %ne3A_844 = arith.cmpi ne, %rem3A_842, %ne3A_843 : i32
      %and3A_845 = arith.andi %ne3A_841, %ne3A_844 : i1
      %sub3A_846 = arith.constant 1 : i32
      %sub3A_847 = arith.subi %div3A_826, %sub3A_846 : i32
      %select_n3A_848 = arith.select %and3A_845, %sub3A_847, %div3A_826 : i32
      %mul3A_849 = arith.constant 16 : i32
      %mul3A_850 = arith.muli %select_n3A_848, %mul3A_849 : i32
      %get3A_851 = arith.index_cast %mul3A_850 : i32 to index
      %get3A_852 = tpu.vector_load %arg13[%get3A_851] {strides = array<i32>} : memref<512xi32, #tpu.memory_space<vmem>>, vector<16xi32>,
      %sub3A_853 = arith.subi %squeeze3A_824, %mul3A_850 : i32
      %broadcast_in_dim3A_854 = vector.broadcast %sub3A_853 : i32 to vector<16xi32>
      %broadcast_in_dim3A_855 = vector.shape_cast %broadcast_in_dim3A_854 : vector<16xi32> to vector<16x1xi32>
      %gather3A_856 = vector.shape_cast %broadcast_in_dim3A_855 : vector<16x1xi32> to vector<16xi32>
      %gather3A_857 = tpu.dynamic_gather %get3A_852[%gather3A_856] in [0] : vector<16xi32>, vector<16xi32> -> vector<16xi32>
      %eq3A_858 = arith.constant 3 : i32
      %eq3A_859 = vector.broadcast %eq3A_858 : i32 to vector<16xi32>
      %eq3A_860 = arith.cmpi eq, %iota3A, %eq3A_859 : vector<16xi32>
      %select_n3A_861 = arith.select %eq3A_860, %gather3A_857, %select_n3A_699 : vector<16xi1>, vector<16xi32>
      %jit3A_862 = arith.constant 16 : i32
      %div3A_863 = arith.divsi %squeeze3A_824, %jit3A_862 : i32
      %sign3A_864 = arith.constant 0 : i32
      %sign3A_865 = arith.cmpi sgt, %squeeze3A_824, %sign3A_864 : i32
      %sign3A_866 = arith.extui %sign3A_865 : i1 to i32
      %sign3A_867 = arith.constant 0 : i32
      %sign3A_868 = arith.cmpi slt, %squeeze3A_824, %sign3A_867 : i32
      %sign3A_869 = arith.extui %sign3A_868 : i1 to i32
      %sign3A_870 = arith.subi %sign3A_866, %sign3A_869 : i32
      %sign3A_871 = arith.constant 0 : i32
      %sign3A_872 = arith.cmpi sgt, %jit3A_862, %sign3A_871 : i32
      %sign3A_873 = arith.extui %sign3A_872 : i1 to i32
      %sign3A_874 = arith.constant 0 : i32
      %sign3A_875 = arith.cmpi slt, %jit3A_862, %sign3A_874 : i32
      %sign3A_876 = arith.extui %sign3A_875 : i1 to i32
      %sign3A_877 = arith.subi %sign3A_873, %sign3A_876 : i32
      %ne3A_878 = arith.cmpi ne, %sign3A_870, %sign3A_877 : i32
      %rem3A_879 = arith.remsi %squeeze3A_824, %jit3A_862 : i32
      %ne3A_880 = arith.constant 0 : i32
      %ne3A_881 = arith.cmpi ne, %rem3A_879, %ne3A_880 : i32
      %and3A_882 = arith.andi %ne3A_878, %ne3A_881 : i1
      %sub3A_883 = arith.constant 1 : i32
      %sub3A_884 = arith.subi %div3A_863, %sub3A_883 : i32
      %select_n3A_885 = arith.select %and3A_882, %sub3A_884, %div3A_863 : i32
      %mul3A_886 = arith.constant 16 : i32
      %mul3A_887 = arith.muli %select_n3A_885, %mul3A_886 : i32
      %get3A_888 = arith.index_cast %mul3A_887 : i32 to index
      %get3A_889 = tpu.vector_load %arg12[%get3A_888] {strides = array<i32>} : memref<528xf32, #tpu.memory_space<vmem>>, vector<16xf32>,
      %sub3A_890 = arith.subi %squeeze3A_824, %mul3A_887 : i32
      %eq3A_891 = vector.broadcast %sub3A_890 : i32 to vector<16xi32>
      %eq3A_892 = arith.cmpi eq, %iota3A, %eq3A_891 : vector<16xi32>
      %jit3A_893 = arith.constant 3.000000e+38 : f32
      %broadcast_in_dim3A_894 = vector.broadcast %jit3A_893 : f32 to vector<16xf32>
      %select_n3A_895 = arith.select %eq3A_892, %broadcast_in_dim3A_894, %get3A_889 : vector<16xi1>, vector<16xf32>
      %swap3A_896 = arith.index_cast %mul3A_887 : i32 to index
      %swap3A_897 = tpu.vector_load %arg12[%swap3A_896] {strides = array<i32>} : memref<528xf32, #tpu.memory_space<vmem>>, vector<16xf32>,
      tpu.vector_store %arg12[%swap3A_896], %select_n3A_895 {strides = array<i32>} : memref<528xf32, #tpu.memory_space<vmem>>, vector<16xf32>,
      %while3A_898 = arith.constant 0 : i32
      %while3A_899 = arith.subi %select_n3A_253, %while3A_898 : i32
      %while3A_900 = arith.addi %while3A_898, %while3A_899 : i32
      %while3A_901 = arith.constant 1 : i32
      %while3A_902 = arith.divsi %while3A_899, %while3A_901 : i32
      %while3A_903 = arith.muli %while3A_902, %while3A_901 : i32
      %while3A_904 = arith.addi %while3A_898, %while3A_903 : i32
      %while3A_905 = arith.constant 1 : i32
      %while3A_906:2 = scf.for %while3A_3501 = %while3A_898 to %while3A_904 step %while3A_905 iter_args(%while3A_3502 = %broadcast_in_dim3A_1, %while3A_3503 = %broadcast_in_dim3A_5) -> (vector<16xf32>, vector<16xi32>)  : i32 {
        %mul3A_3504 = arith.constant 16 : i32
        %mul3A_3505 = arith.muli %mul3A_3504, %while3A_3501 : i32
        %get3A_3506 = arith.index_cast %mul3A_3505 : i32 to index
        %get3A_3507 = tpu.vector_load %arg12[%get3A_3506] {strides = array<i32>} : memref<528xf32, #tpu.memory_space<vmem>>, vector<16xf32>,
        %lt3A_3508 = arith.cmpf olt, %get3A_3507, %while3A_3502 : vector<16xf32>
        %select_n3A_3509 = arith.select %lt3A_3508, %get3A_3507, %while3A_3502 : vector<16xi1>, vector<16xf32>
        %mul3A_3510 = arith.constant 16 : i32
        %mul3A_3511 = arith.muli %mul3A_3510, %while3A_3501 : i32
        %add3A_3512 = vector.broadcast %mul3A_3511 : i32 to vector<16xi32>
        %add3A_3513 = arith.addi %add3A_3512, %iota3A : vector<16xi32>
        %select_n3A_3514 = arith.select %lt3A_3508, %add3A_3513, %while3A_3503 : vector<16xi1>, vector<16xi32>
        scf.yield %select_n3A_3509, %select_n3A_3514 : vector<16xf32>, vector<16xi32>
      }
      %while3A_907 = arith.constant 1 : i32
      %while3A_908:2 = scf.for %while3A_3501 = %while3A_904 to %while3A_900 step %while3A_907 iter_args(%while3A_3502 = %while3A_906#0, %while3A_3503 = %while3A_906#1) -> (vector<16xf32>, vector<16xi32>)  : i32 {
        %mul3A_3504 = arith.constant 16 : i32
        %mul3A_3505 = arith.muli %mul3A_3504, %while3A_3501 : i32
        %get3A_3506 = arith.index_cast %mul3A_3505 : i32 to index
        %get3A_3507 = tpu.vector_load %arg12[%get3A_3506] {strides = array<i32>} : memref<528xf32, #tpu.memory_space<vmem>>, vector<16xf32>,
        %lt3A_3508 = arith.cmpf olt, %get3A_3507, %while3A_3502 : vector<16xf32>
        %select_n3A_3509 = arith.select %lt3A_3508, %get3A_3507, %while3A_3502 : vector<16xi1>, vector<16xf32>
        %mul3A_3510 = arith.constant 16 : i32
        %mul3A_3511 = arith.muli %mul3A_3510, %while3A_3501 : i32
        %add3A_3512 = vector.broadcast %mul3A_3511 : i32 to vector<16xi32>
        %add3A_3513 = arith.addi %add3A_3512, %iota3A : vector<16xi32>
        %select_n3A_3514 = arith.select %lt3A_3508, %add3A_3513, %while3A_3503 : vector<16xi1>, vector<16xi32>
        scf.yield %select_n3A_3509, %select_n3A_3514 : vector<16xf32>, vector<16xi32>
      }
      %xor3A_909 = arith.constant 8 : i32
      %xor3A_910 = vector.broadcast %xor3A_909 : i32 to vector<16xi32>
      %xor3A_911 = arith.xori %iota3A, %xor3A_910 : vector<16xi32>
      %broadcast_in_dim3A_912 = vector.shape_cast %xor3A_911 : vector<16xi32> to vector<16x1xi32>
      %gather3A_913 = vector.shape_cast %broadcast_in_dim3A_912 : vector<16x1xi32> to vector<16xi32>
      %gather3A_914 = tpu.dynamic_gather %while3A_908#0[%gather3A_913] in [0] : vector<16xf32>, vector<16xi32> -> vector<16xf32>
      %xor3A_915 = arith.constant 8 : i32
      %xor3A_916 = vector.broadcast %xor3A_915 : i32 to vector<16xi32>
      %xor3A_917 = arith.xori %iota3A, %xor3A_916 : vector<16xi32>
      %broadcast_in_dim3A_918 = vector.shape_cast %xor3A_917 : vector<16xi32> to vector<16x1xi32>
      %gather3A_919 = vector.shape_cast %broadcast_in_dim3A_918 : vector<16x1xi32> to vector<16xi32>
      %gather3A_920 = tpu.dynamic_gather %while3A_908#1[%gather3A_919] in [0] : vector<16xi32>, vector<16xi32> -> vector<16xi32>
      %lt3A_921 = arith.cmpf olt, %gather3A_914, %while3A_908#0 : vector<16xf32>
      %eq3A_922 = arith.cmpf oeq, %gather3A_914, %while3A_908#0 : vector<16xf32>
      %lt3A_923 = arith.cmpi slt, %gather3A_920, %while3A_908#1 : vector<16xi32>
      %and3A_924 = arith.andi %eq3A_922, %lt3A_923 : vector<16xi1>
      %or3A_925 = arith.ori %lt3A_921, %and3A_924 : vector<16xi1>
      %select_n3A_926 = arith.select %or3A_925, %gather3A_914, %while3A_908#0 : vector<16xi1>, vector<16xf32>
      %select_n3A_927 = arith.select %or3A_925, %gather3A_920, %while3A_908#1 : vector<16xi1>, vector<16xi32>
      %xor3A_928 = arith.constant 4 : i32
      %xor3A_929 = vector.broadcast %xor3A_928 : i32 to vector<16xi32>
      %xor3A_930 = arith.xori %iota3A, %xor3A_929 : vector<16xi32>
      %broadcast_in_dim3A_931 = vector.shape_cast %xor3A_930 : vector<16xi32> to vector<16x1xi32>
      %gather3A_932 = vector.shape_cast %broadcast_in_dim3A_931 : vector<16x1xi32> to vector<16xi32>
      %gather3A_933 = tpu.dynamic_gather %select_n3A_926[%gather3A_932] in [0] : vector<16xf32>, vector<16xi32> -> vector<16xf32>
      %xor3A_934 = arith.constant 4 : i32
      %xor3A_935 = vector.broadcast %xor3A_934 : i32 to vector<16xi32>
      %xor3A_936 = arith.xori %iota3A, %xor3A_935 : vector<16xi32>
      %broadcast_in_dim3A_937 = vector.shape_cast %xor3A_936 : vector<16xi32> to vector<16x1xi32>
      %gather3A_938 = vector.shape_cast %broadcast_in_dim3A_937 : vector<16x1xi32> to vector<16xi32>
      %gather3A_939 = tpu.dynamic_gather %select_n3A_927[%gather3A_938] in [0] : vector<16xi32>, vector<16xi32> -> vector<16xi32>
      %lt3A_940 = arith.cmpf olt, %gather3A_933, %select_n3A_926 : vector<16xf32>
      %eq3A_941 = arith.cmpf oeq, %gather3A_933, %select_n3A_926 : vector<16xf32>
      %lt3A_942 = arith.cmpi slt, %gather3A_939, %select_n3A_927 : vector<16xi32>
      %and3A_943 = arith.andi %eq3A_941, %lt3A_942 : vector<16xi1>
      %or3A_944 = arith.ori %lt3A_940, %and3A_943 : vector<16xi1>
      %select_n3A_945 = arith.select %or3A_944, %gather3A_933, %select_n3A_926 : vector<16xi1>, vector<16xf32>
      %select_n3A_946 = arith.select %or3A_944, %gather3A_939, %select_n3A_927 : vector<16xi1>, vector<16xi32>
      %xor3A_947 = arith.constant 2 : i32
      %xor3A_948 = vector.broadcast %xor3A_947 : i32 to vector<16xi32>
      %xor3A_949 = arith.xori %iota3A, %xor3A_948 : vector<16xi32>
      %broadcast_in_dim3A_950 = vector.shape_cast %xor3A_949 : vector<16xi32> to vector<16x1xi32>
      %gather3A_951 = vector.shape_cast %broadcast_in_dim3A_950 : vector<16x1xi32> to vector<16xi32>
      %gather3A_952 = tpu.dynamic_gather %select_n3A_945[%gather3A_951] in [0] : vector<16xf32>, vector<16xi32> -> vector<16xf32>
      %xor3A_953 = arith.constant 2 : i32
      %xor3A_954 = vector.broadcast %xor3A_953 : i32 to vector<16xi32>
      %xor3A_955 = arith.xori %iota3A, %xor3A_954 : vector<16xi32>
      %broadcast_in_dim3A_956 = vector.shape_cast %xor3A_955 : vector<16xi32> to vector<16x1xi32>
      %gather3A_957 = vector.shape_cast %broadcast_in_dim3A_956 : vector<16x1xi32> to vector<16xi32>
      %gather3A_958 = tpu.dynamic_gather %select_n3A_946[%gather3A_957] in [0] : vector<16xi32>, vector<16xi32> -> vector<16xi32>
      %lt3A_959 = arith.cmpf olt, %gather3A_952, %select_n3A_945 : vector<16xf32>
      %eq3A_960 = arith.cmpf oeq, %gather3A_952, %select_n3A_945 : vector<16xf32>
      %lt3A_961 = arith.cmpi slt, %gather3A_958, %select_n3A_946 : vector<16xi32>
      %and3A_962 = arith.andi %eq3A_960, %lt3A_961 : vector<16xi1>
      %or3A_963 = arith.ori %lt3A_959, %and3A_962 : vector<16xi1>
      %select_n3A_964 = arith.select %or3A_963, %gather3A_952, %select_n3A_945 : vector<16xi1>, vector<16xf32>
      %select_n3A_965 = arith.select %or3A_963, %gather3A_958, %select_n3A_946 : vector<16xi1>, vector<16xi32>
      %xor3A_966 = arith.constant 1 : i32
      %xor3A_967 = vector.broadcast %xor3A_966 : i32 to vector<16xi32>
      %xor3A_968 = arith.xori %iota3A, %xor3A_967 : vector<16xi32>
      %broadcast_in_dim3A_969 = vector.shape_cast %xor3A_968 : vector<16xi32> to vector<16x1xi32>
      %gather3A_970 = vector.shape_cast %broadcast_in_dim3A_969 : vector<16x1xi32> to vector<16xi32>
      %gather3A_971 = tpu.dynamic_gather %select_n3A_964[%gather3A_970] in [0] : vector<16xf32>, vector<16xi32> -> vector<16xf32>
      %xor3A_972 = arith.constant 1 : i32
      %xor3A_973 = vector.broadcast %xor3A_972 : i32 to vector<16xi32>
      %xor3A_974 = arith.xori %iota3A, %xor3A_973 : vector<16xi32>
      %broadcast_in_dim3A_975 = vector.shape_cast %xor3A_974 : vector<16xi32> to vector<16x1xi32>
      %gather3A_976 = vector.shape_cast %broadcast_in_dim3A_975 : vector<16x1xi32> to vector<16xi32>
      %gather3A_977 = tpu.dynamic_gather %select_n3A_965[%gather3A_976] in [0] : vector<16xi32>, vector<16xi32> -> vector<16xi32>
      %lt3A_978 = arith.cmpf olt, %gather3A_971, %select_n3A_964 : vector<16xf32>
      %eq3A_979 = arith.cmpf oeq, %gather3A_971, %select_n3A_964 : vector<16xf32>
      %lt3A_980 = arith.cmpi slt, %gather3A_977, %select_n3A_965 : vector<16xi32>
      %and3A_981 = arith.andi %eq3A_979, %lt3A_980 : vector<16xi1>
      %or3A_982 = arith.ori %lt3A_978, %and3A_981 : vector<16xi1>
      %select_n3A_983 = arith.select %or3A_982, %gather3A_971, %select_n3A_964 : vector<16xi1>, vector<16xf32>
      %select_n3A_984 = arith.select %or3A_982, %gather3A_977, %select_n3A_965 : vector<16xi1>, vector<16xi32>
      %slice3A_985 = vector.extract_strided_slice %select_n3A_984 {offsets = [0], sizes = [1], strides = [1]} : vector<16xi32> to vector<1xi32>
      %squeeze3A_986 = vector.extract %slice3A_985[0] : i32 from vector<1xi32>
      %jit3A_987 = arith.constant 16 : i32
      %div3A_988 = arith.divsi %squeeze3A_986, %jit3A_987 : i32
      %sign3A_989 = arith.constant 0 : i32
      %sign3A_990 = arith.cmpi sgt, %squeeze3A_986, %sign3A_989 : i32
      %sign3A_991 = arith.extui %sign3A_990 : i1 to i32
      %sign3A_992 = arith.constant 0 : i32
      %sign3A_993 = arith.cmpi slt, %squeeze3A_986, %sign3A_992 : i32
      %sign3A_994 = arith.extui %sign3A_993 : i1 to i32
      %sign3A_995 = arith.subi %sign3A_991, %sign3A_994 : i32
      %sign3A_996 = arith.constant 0 : i32
      %sign3A_997 = arith.cmpi sgt, %jit3A_987, %sign3A_996 : i32
      %sign3A_998 = arith.extui %sign3A_997 : i1 to i32
      %sign3A_999 = arith.constant 0 : i32
      %sign3A_1000 = arith.cmpi slt, %jit3A_987, %sign3A_999 : i32
      %sign3A_1001 = arith.extui %sign3A_1000 : i1 to i32
      %sign3A_1002 = arith.subi %sign3A_998, %sign3A_1001 : i32
      %ne3A_1003 = arith.cmpi ne, %sign3A_995, %sign3A_1002 : i32
      %rem3A_1004 = arith.remsi %squeeze3A_986, %jit3A_987 : i32
      %ne3A_1005 = arith.constant 0 : i32
      %ne3A_1006 = arith.cmpi ne, %rem3A_1004, %ne3A_1005 : i32
      %and3A_1007 = arith.andi %ne3A_1003, %ne3A_1006 : i1
      %sub3A_1008 = arith.constant 1 : i32
      %sub3A_1009 = arith.subi %div3A_988, %sub3A_1008 : i32
      %select_n3A_1010 = arith.select %and3A_1007, %sub3A_1009, %div3A_988 : i32
      %mul3A_1011 = arith.constant 16 : i32
      %mul3A_1012 = arith.muli %select_n3A_1010, %mul3A_1011 : i32
      %get3A_1013 = arith.index_cast %mul3A_1012 : i32 to index
      %get3A_1014 = tpu.vector_load %arg13[%get3A_1013] {strides = array<i32>} : memref<512xi32, #tpu.memory_space<vmem>>, vector<16xi32>,
      %sub3A_1015 = arith.subi %squeeze3A_986, %mul3A_1012 : i32
      %broadcast_in_dim3A_1016 = vector.broadcast %sub3A_1015 : i32 to vector<16xi32>
      %broadcast_in_dim3A_1017 = vector.shape_cast %broadcast_in_dim3A_1016 : vector<16xi32> to vector<16x1xi32>
      %gather3A_1018 = vector.shape_cast %broadcast_in_dim3A_1017 : vector<16x1xi32> to vector<16xi32>
      %gather3A_1019 = tpu.dynamic_gather %get3A_1014[%gather3A_1018] in [0] : vector<16xi32>, vector<16xi32> -> vector<16xi32>
      %eq3A_1020 = arith.constant 4 : i32
      %eq3A_1021 = vector.broadcast %eq3A_1020 : i32 to vector<16xi32>
      %eq3A_1022 = arith.cmpi eq, %iota3A, %eq3A_1021 : vector<16xi32>
      %select_n3A_1023 = arith.select %eq3A_1022, %gather3A_1019, %select_n3A_861 : vector<16xi1>, vector<16xi32>
      %jit3A_1024 = arith.constant 16 : i32
      %div3A_1025 = arith.divsi %squeeze3A_986, %jit3A_1024 : i32
      %sign3A_1026 = arith.constant 0 : i32
      %sign3A_1027 = arith.cmpi sgt, %squeeze3A_986, %sign3A_1026 : i32
      %sign3A_1028 = arith.extui %sign3A_1027 : i1 to i32
      %sign3A_1029 = arith.constant 0 : i32
      %sign3A_1030 = arith.cmpi slt, %squeeze3A_986, %sign3A_1029 : i32
      %sign3A_1031 = arith.extui %sign3A_1030 : i1 to i32
      %sign3A_1032 = arith.subi %sign3A_1028, %sign3A_1031 : i32
      %sign3A_1033 = arith.constant 0 : i32
      %sign3A_1034 = arith.cmpi sgt, %jit3A_1024, %sign3A_1033 : i32
      %sign3A_1035 = arith.extui %sign3A_1034 : i1 to i32
      %sign3A_1036 = arith.constant 0 : i32
      %sign3A_1037 = arith.cmpi slt, %jit3A_1024, %sign3A_1036 : i32
      %sign3A_1038 = arith.extui %sign3A_1037 : i1 to i32
      %sign3A_1039 = arith.subi %sign3A_1035, %sign3A_1038 : i32
      %ne3A_1040 = arith.cmpi ne, %sign3A_1032, %sign3A_1039 : i32
      %rem3A_1041 = arith.remsi %squeeze3A_986, %jit3A_1024 : i32
      %ne3A_1042 = arith.constant 0 : i32
      %ne3A_1043 = arith.cmpi ne, %rem3A_1041, %ne3A_1042 : i32
      %and3A_1044 = arith.andi %ne3A_1040, %ne3A_1043 : i1
      %sub3A_1045 = arith.constant 1 : i32
      %sub3A_1046 = arith.subi %div3A_1025, %sub3A_1045 : i32
      %select_n3A_1047 = arith.select %and3A_1044, %sub3A_1046, %div3A_1025 : i32
      %mul3A_1048 = arith.constant 16 : i32
      %mul3A_1049 = arith.muli %select_n3A_1047, %mul3A_1048 : i32
      %get3A_1050 = arith.index_cast %mul3A_1049 : i32 to index
      %get3A_1051 = tpu.vector_load %arg12[%get3A_1050] {strides = array<i32>} : memref<528xf32, #tpu.memory_space<vmem>>, vector<16xf32>,
      %sub3A_1052 = arith.subi %squeeze3A_986, %mul3A_1049 : i32
      %eq3A_1053 = vector.broadcast %sub3A_1052 : i32 to vector<16xi32>
      %eq3A_1054 = arith.cmpi eq, %iota3A, %eq3A_1053 : vector<16xi32>
      %jit3A_1055 = arith.constant 3.000000e+38 : f32
      %broadcast_in_dim3A_1056 = vector.broadcast %jit3A_1055 : f32 to vector<16xf32>
      %select_n3A_1057 = arith.select %eq3A_1054, %broadcast_in_dim3A_1056, %get3A_1051 : vector<16xi1>, vector<16xf32>
      %swap3A_1058 = arith.index_cast %mul3A_1049 : i32 to index
      %swap3A_1059 = tpu.vector_load %arg12[%swap3A_1058] {strides = array<i32>} : memref<528xf32, #tpu.memory_space<vmem>>, vector<16xf32>,
      tpu.vector_store %arg12[%swap3A_1058], %select_n3A_1057 {strides = array<i32>} : memref<528xf32, #tpu.memory_space<vmem>>, vector<16xf32>,
      %while3A_1060 = arith.constant 0 : i32
      %while3A_1061 = arith.subi %select_n3A_253, %while3A_1060 : i32
      %while3A_1062 = arith.addi %while3A_1060, %while3A_1061 : i32
      %while3A_1063 = arith.constant 1 : i32
      %while3A_1064 = arith.divsi %while3A_1061, %while3A_1063 : i32
      %while3A_1065 = arith.muli %while3A_1064, %while3A_1063 : i32
      %while3A_1066 = arith.addi %while3A_1060, %while3A_1065 : i32
      %while3A_1067 = arith.constant 1 : i32
      %while3A_1068:2 = scf.for %while3A_3501 = %while3A_1060 to %while3A_1066 step %while3A_1067 iter_args(%while3A_3502 = %broadcast_in_dim3A_1, %while3A_3503 = %broadcast_in_dim3A_5) -> (vector<16xf32>, vector<16xi32>)  : i32 {
        %mul3A_3504 = arith.constant 16 : i32
        %mul3A_3505 = arith.muli %mul3A_3504, %while3A_3501 : i32
        %get3A_3506 = arith.index_cast %mul3A_3505 : i32 to index
        %get3A_3507 = tpu.vector_load %arg12[%get3A_3506] {strides = array<i32>} : memref<528xf32, #tpu.memory_space<vmem>>, vector<16xf32>,
        %lt3A_3508 = arith.cmpf olt, %get3A_3507, %while3A_3502 : vector<16xf32>
        %select_n3A_3509 = arith.select %lt3A_3508, %get3A_3507, %while3A_3502 : vector<16xi1>, vector<16xf32>
        %mul3A_3510 = arith.constant 16 : i32
        %mul3A_3511 = arith.muli %mul3A_3510, %while3A_3501 : i32
        %add3A_3512 = vector.broadcast %mul3A_3511 : i32 to vector<16xi32>
        %add3A_3513 = arith.addi %add3A_3512, %iota3A : vector<16xi32>
        %select_n3A_3514 = arith.select %lt3A_3508, %add3A_3513, %while3A_3503 : vector<16xi1>, vector<16xi32>
        scf.yield %select_n3A_3509, %select_n3A_3514 : vector<16xf32>, vector<16xi32>
      }
      %while3A_1069 = arith.constant 1 : i32
      %while3A_1070:2 = scf.for %while3A_3501 = %while3A_1066 to %while3A_1062 step %while3A_1069 iter_args(%while3A_3502 = %while3A_1068#0, %while3A_3503 = %while3A_1068#1) -> (vector<16xf32>, vector<16xi32>)  : i32 {
        %mul3A_3504 = arith.constant 16 : i32
        %mul3A_3505 = arith.muli %mul3A_3504, %while3A_3501 : i32
        %get3A_3506 = arith.index_cast %mul3A_3505 : i32 to index
        %get3A_3507 = tpu.vector_load %arg12[%get3A_3506] {strides = array<i32>} : memref<528xf32, #tpu.memory_space<vmem>>, vector<16xf32>,
        %lt3A_3508 = arith.cmpf olt, %get3A_3507, %while3A_3502 : vector<16xf32>
        %select_n3A_3509 = arith.select %lt3A_3508, %get3A_3507, %while3A_3502 : vector<16xi1>, vector<16xf32>
        %mul3A_3510 = arith.constant 16 : i32
        %mul3A_3511 = arith.muli %mul3A_3510, %while3A_3501 : i32
        %add3A_3512 = vector.broadcast %mul3A_3511 : i32 to vector<16xi32>
        %add3A_3513 = arith.addi %add3A_3512, %iota3A : vector<16xi32>
        %select_n3A_3514 = arith.select %lt3A_3508, %add3A_3513, %while3A_3503 : vector<16xi1>, vector<16xi32>
        scf.yield %select_n3A_3509, %select_n3A_3514 : vector<16xf32>, vector<16xi32>
      }
      %xor3A_1071 = arith.constant 8 : i32
      %xor3A_1072 = vector.broadcast %xor3A_1071 : i32 to vector<16xi32>
      %xor3A_1073 = arith.xori %iota3A, %xor3A_1072 : vector<16xi32>
      %broadcast_in_dim3A_1074 = vector.shape_cast %xor3A_1073 : vector<16xi32> to vector<16x1xi32>
      %gather3A_1075 = vector.shape_cast %broadcast_in_dim3A_1074 : vector<16x1xi32> to vector<16xi32>
      %gather3A_1076 = tpu.dynamic_gather %while3A_1070#0[%gather3A_1075] in [0] : vector<16xf32>, vector<16xi32> -> vector<16xf32>
      %xor3A_1077 = arith.constant 8 : i32
      %xor3A_1078 = vector.broadcast %xor3A_1077 : i32 to vector<16xi32>
      %xor3A_1079 = arith.xori %iota3A, %xor3A_1078 : vector<16xi32>
      %broadcast_in_dim3A_1080 = vector.shape_cast %xor3A_1079 : vector<16xi32> to vector<16x1xi32>
      %gather3A_1081 = vector.shape_cast %broadcast_in_dim3A_1080 : vector<16x1xi32> to vector<16xi32>
      %gather3A_1082 = tpu.dynamic_gather %while3A_1070#1[%gather3A_1081] in [0] : vector<16xi32>, vector<16xi32> -> vector<16xi32>
      %lt3A_1083 = arith.cmpf olt, %gather3A_1076, %while3A_1070#0 : vector<16xf32>
      %eq3A_1084 = arith.cmpf oeq, %gather3A_1076, %while3A_1070#0 : vector<16xf32>
      %lt3A_1085 = arith.cmpi slt, %gather3A_1082, %while3A_1070#1 : vector<16xi32>
      %and3A_1086 = arith.andi %eq3A_1084, %lt3A_1085 : vector<16xi1>
      %or3A_1087 = arith.ori %lt3A_1083, %and3A_1086 : vector<16xi1>
      %select_n3A_1088 = arith.select %or3A_1087, %gather3A_1076, %while3A_1070#0 : vector<16xi1>, vector<16xf32>
      %select_n3A_1089 = arith.select %or3A_1087, %gather3A_1082, %while3A_1070#1 : vector<16xi1>, vector<16xi32>
      %xor3A_1090 = arith.constant 4 : i32
      %xor3A_1091 = vector.broadcast %xor3A_1090 : i32 to vector<16xi32>
      %xor3A_1092 = arith.xori %iota3A, %xor3A_1091 : vector<16xi32>
      %broadcast_in_dim3A_1093 = vector.shape_cast %xor3A_1092 : vector<16xi32> to vector<16x1xi32>
      %gather3A_1094 = vector.shape_cast %broadcast_in_dim3A_1093 : vector<16x1xi32> to vector<16xi32>
      %gather3A_1095 = tpu.dynamic_gather %select_n3A_1088[%gather3A_1094] in [0] : vector<16xf32>, vector<16xi32> -> vector<16xf32>
      %xor3A_1096 = arith.constant 4 : i32
      %xor3A_1097 = vector.broadcast %xor3A_1096 : i32 to vector<16xi32>
      %xor3A_1098 = arith.xori %iota3A, %xor3A_1097 : vector<16xi32>
      %broadcast_in_dim3A_1099 = vector.shape_cast %xor3A_1098 : vector<16xi32> to vector<16x1xi32>
      %gather3A_1100 = vector.shape_cast %broadcast_in_dim3A_1099 : vector<16x1xi32> to vector<16xi32>
      %gather3A_1101 = tpu.dynamic_gather %select_n3A_1089[%gather3A_1100] in [0] : vector<16xi32>, vector<16xi32> -> vector<16xi32>
      %lt3A_1102 = arith.cmpf olt, %gather3A_1095, %select_n3A_1088 : vector<16xf32>
      %eq3A_1103 = arith.cmpf oeq, %gather3A_1095, %select_n3A_1088 : vector<16xf32>
      %lt3A_1104 = arith.cmpi slt, %gather3A_1101, %select_n3A_1089 : vector<16xi32>
      %and3A_1105 = arith.andi %eq3A_1103, %lt3A_1104 : vector<16xi1>
      %or3A_1106 = arith.ori %lt3A_1102, %and3A_1105 : vector<16xi1>
      %select_n3A_1107 = arith.select %or3A_1106, %gather3A_1095, %select_n3A_1088 : vector<16xi1>, vector<16xf32>
      %select_n3A_1108 = arith.select %or3A_1106, %gather3A_1101, %select_n3A_1089 : vector<16xi1>, vector<16xi32>
      %xor3A_1109 = arith.constant 2 : i32
      %xor3A_1110 = vector.broadcast %xor3A_1109 : i32 to vector<16xi32>
      %xor3A_1111 = arith.xori %iota3A, %xor3A_1110 : vector<16xi32>
      %broadcast_in_dim3A_1112 = vector.shape_cast %xor3A_1111 : vector<16xi32> to vector<16x1xi32>
      %gather3A_1113 = vector.shape_cast %broadcast_in_dim3A_1112 : vector<16x1xi32> to vector<16xi32>
      %gather3A_1114 = tpu.dynamic_gather %select_n3A_1107[%gather3A_1113] in [0] : vector<16xf32>, vector<16xi32> -> vector<16xf32>
      %xor3A_1115 = arith.constant 2 : i32
      %xor3A_1116 = vector.broadcast %xor3A_1115 : i32 to vector<16xi32>
      %xor3A_1117 = arith.xori %iota3A, %xor3A_1116 : vector<16xi32>
      %broadcast_in_dim3A_1118 = vector.shape_cast %xor3A_1117 : vector<16xi32> to vector<16x1xi32>
      %gather3A_1119 = vector.shape_cast %broadcast_in_dim3A_1118 : vector<16x1xi32> to vector<16xi32>
      %gather3A_1120 = tpu.dynamic_gather %select_n3A_1108[%gather3A_1119] in [0] : vector<16xi32>, vector<16xi32> -> vector<16xi32>
      %lt3A_1121 = arith.cmpf olt, %gather3A_1114, %select_n3A_1107 : vector<16xf32>
      %eq3A_1122 = arith.cmpf oeq, %gather3A_1114, %select_n3A_1107 : vector<16xf32>
      %lt3A_1123 = arith.cmpi slt, %gather3A_1120, %select_n3A_1108 : vector<16xi32>
      %and3A_1124 = arith.andi %eq3A_1122, %lt3A_1123 : vector<16xi1>
      %or3A_1125 = arith.ori %lt3A_1121, %and3A_1124 : vector<16xi1>
      %select_n3A_1126 = arith.select %or3A_1125, %gather3A_1114, %select_n3A_1107 : vector<16xi1>, vector<16xf32>
      %select_n3A_1127 = arith.select %or3A_1125, %gather3A_1120, %select_n3A_1108 : vector<16xi1>, vector<16xi32>
      %xor3A_1128 = arith.constant 1 : i32
      %xor3A_1129 = vector.broadcast %xor3A_1128 : i32 to vector<16xi32>
      %xor3A_1130 = arith.xori %iota3A, %xor3A_1129 : vector<16xi32>
      %broadcast_in_dim3A_1131 = vector.shape_cast %xor3A_1130 : vector<16xi32> to vector<16x1xi32>
      %gather3A_1132 = vector.shape_cast %broadcast_in_dim3A_1131 : vector<16x1xi32> to vector<16xi32>
      %gather3A_1133 = tpu.dynamic_gather %select_n3A_1126[%gather3A_1132] in [0] : vector<16xf32>, vector<16xi32> -> vector<16xf32>
      %xor3A_1134 = arith.constant 1 : i32
      %xor3A_1135 = vector.broadcast %xor3A_1134 : i32 to vector<16xi32>
      %xor3A_1136 = arith.xori %iota3A, %xor3A_1135 : vector<16xi32>
      %broadcast_in_dim3A_1137 = vector.shape_cast %xor3A_1136 : vector<16xi32> to vector<16x1xi32>
      %gather3A_1138 = vector.shape_cast %broadcast_in_dim3A_1137 : vector<16x1xi32> to vector<16xi32>
      %gather3A_1139 = tpu.dynamic_gather %select_n3A_1127[%gather3A_1138] in [0] : vector<16xi32>, vector<16xi32> -> vector<16xi32>
      %lt3A_1140 = arith.cmpf olt, %gather3A_1133, %select_n3A_1126 : vector<16xf32>
      %eq3A_1141 = arith.cmpf oeq, %gather3A_1133, %select_n3A_1126 : vector<16xf32>
      %lt3A_1142 = arith.cmpi slt, %gather3A_1139, %select_n3A_1127 : vector<16xi32>
      %and3A_1143 = arith.andi %eq3A_1141, %lt3A_1142 : vector<16xi1>
      %or3A_1144 = arith.ori %lt3A_1140, %and3A_1143 : vector<16xi1>
      %select_n3A_1145 = arith.select %or3A_1144, %gather3A_1133, %select_n3A_1126 : vector<16xi1>, vector<16xf32>
      %select_n3A_1146 = arith.select %or3A_1144, %gather3A_1139, %select_n3A_1127 : vector<16xi1>, vector<16xi32>
      %slice3A_1147 = vector.extract_strided_slice %select_n3A_1146 {offsets = [0], sizes = [1], strides = [1]} : vector<16xi32> to vector<1xi32>
      %squeeze3A_1148 = vector.extract %slice3A_1147[0] : i32 from vector<1xi32>
      %jit3A_1149 = arith.constant 16 : i32
      %div3A_1150 = arith.divsi %squeeze3A_1148, %jit3A_1149 : i32
      %sign3A_1151 = arith.constant 0 : i32
      %sign3A_1152 = arith.cmpi sgt, %squeeze3A_1148, %sign3A_1151 : i32
      %sign3A_1153 = arith.extui %sign3A_1152 : i1 to i32
      %sign3A_1154 = arith.constant 0 : i32
      %sign3A_1155 = arith.cmpi slt, %squeeze3A_1148, %sign3A_1154 : i32
      %sign3A_1156 = arith.extui %sign3A_1155 : i1 to i32
      %sign3A_1157 = arith.subi %sign3A_1153, %sign3A_1156 : i32
      %sign3A_1158 = arith.constant 0 : i32
      %sign3A_1159 = arith.cmpi sgt, %jit3A_1149, %sign3A_1158 : i32
      %sign3A_1160 = arith.extui %sign3A_1159 : i1 to i32
      %sign3A_1161 = arith.constant 0 : i32
      %sign3A_1162 = arith.cmpi slt, %jit3A_1149, %sign3A_1161 : i32
      %sign3A_1163 = arith.extui %sign3A_1162 : i1 to i32
      %sign3A_1164 = arith.subi %sign3A_1160, %sign3A_1163 : i32
      %ne3A_1165 = arith.cmpi ne, %sign3A_1157, %sign3A_1164 : i32
      %rem3A_1166 = arith.remsi %squeeze3A_1148, %jit3A_1149 : i32
      %ne3A_1167 = arith.constant 0 : i32
      %ne3A_1168 = arith.cmpi ne, %rem3A_1166, %ne3A_1167 : i32
      %and3A_1169 = arith.andi %ne3A_1165, %ne3A_1168 : i1
      %sub3A_1170 = arith.constant 1 : i32
      %sub3A_1171 = arith.subi %div3A_1150, %sub3A_1170 : i32
      %select_n3A_1172 = arith.select %and3A_1169, %sub3A_1171, %div3A_1150 : i32
      %mul3A_1173 = arith.constant 16 : i32
      %mul3A_1174 = arith.muli %select_n3A_1172, %mul3A_1173 : i32
      %get3A_1175 = arith.index_cast %mul3A_1174 : i32 to index
      %get3A_1176 = tpu.vector_load %arg13[%get3A_1175] {strides = array<i32>} : memref<512xi32, #tpu.memory_space<vmem>>, vector<16xi32>,
      %sub3A_1177 = arith.subi %squeeze3A_1148, %mul3A_1174 : i32
      %broadcast_in_dim3A_1178 = vector.broadcast %sub3A_1177 : i32 to vector<16xi32>
      %broadcast_in_dim3A_1179 = vector.shape_cast %broadcast_in_dim3A_1178 : vector<16xi32> to vector<16x1xi32>
      %gather3A_1180 = vector.shape_cast %broadcast_in_dim3A_1179 : vector<16x1xi32> to vector<16xi32>
      %gather3A_1181 = tpu.dynamic_gather %get3A_1176[%gather3A_1180] in [0] : vector<16xi32>, vector<16xi32> -> vector<16xi32>
      %eq3A_1182 = arith.constant 5 : i32
      %eq3A_1183 = vector.broadcast %eq3A_1182 : i32 to vector<16xi32>
      %eq3A_1184 = arith.cmpi eq, %iota3A, %eq3A_1183 : vector<16xi32>
      %select_n3A_1185 = arith.select %eq3A_1184, %gather3A_1181, %select_n3A_1023 : vector<16xi1>, vector<16xi32>
      %jit3A_1186 = arith.constant 16 : i32
      %div3A_1187 = arith.divsi %squeeze3A_1148, %jit3A_1186 : i32
      %sign3A_1188 = arith.constant 0 : i32
      %sign3A_1189 = arith.cmpi sgt, %squeeze3A_1148, %sign3A_1188 : i32
      %sign3A_1190 = arith.extui %sign3A_1189 : i1 to i32
      %sign3A_1191 = arith.constant 0 : i32
      %sign3A_1192 = arith.cmpi slt, %squeeze3A_1148, %sign3A_1191 : i32
      %sign3A_1193 = arith.extui %sign3A_1192 : i1 to i32
      %sign3A_1194 = arith.subi %sign3A_1190, %sign3A_1193 : i32
      %sign3A_1195 = arith.constant 0 : i32
      %sign3A_1196 = arith.cmpi sgt, %jit3A_1186, %sign3A_1195 : i32
      %sign3A_1197 = arith.extui %sign3A_1196 : i1 to i32
      %sign3A_1198 = arith.constant 0 : i32
      %sign3A_1199 = arith.cmpi slt, %jit3A_1186, %sign3A_1198 : i32
      %sign3A_1200 = arith.extui %sign3A_1199 : i1 to i32
      %sign3A_1201 = arith.subi %sign3A_1197, %sign3A_1200 : i32
      %ne3A_1202 = arith.cmpi ne, %sign3A_1194, %sign3A_1201 : i32
      %rem3A_1203 = arith.remsi %squeeze3A_1148, %jit3A_1186 : i32
      %ne3A_1204 = arith.constant 0 : i32
      %ne3A_1205 = arith.cmpi ne, %rem3A_1203, %ne3A_1204 : i32
      %and3A_1206 = arith.andi %ne3A_1202, %ne3A_1205 : i1
      %sub3A_1207 = arith.constant 1 : i32
      %sub3A_1208 = arith.subi %div3A_1187, %sub3A_1207 : i32
      %select_n3A_1209 = arith.select %and3A_1206, %sub3A_1208, %div3A_1187 : i32
      %mul3A_1210 = arith.constant 16 : i32
      %mul3A_1211 = arith.muli %select_n3A_1209, %mul3A_1210 : i32
      %get3A_1212 = arith.index_cast %mul3A_1211 : i32 to index
      %get3A_1213 = tpu.vector_load %arg12[%get3A_1212] {strides = array<i32>} : memref<528xf32, #tpu.memory_space<vmem>>, vector<16xf32>,
      %sub3A_1214 = arith.subi %squeeze3A_1148, %mul3A_1211 : i32
      %eq3A_1215 = vector.broadcast %sub3A_1214 : i32 to vector<16xi32>
      %eq3A_1216 = arith.cmpi eq, %iota3A, %eq3A_1215 : vector<16xi32>
      %jit3A_1217 = arith.constant 3.000000e+38 : f32
      %broadcast_in_dim3A_1218 = vector.broadcast %jit3A_1217 : f32 to vector<16xf32>
      %select_n3A_1219 = arith.select %eq3A_1216, %broadcast_in_dim3A_1218, %get3A_1213 : vector<16xi1>, vector<16xf32>
      %swap3A_1220 = arith.index_cast %mul3A_1211 : i32 to index
      %swap3A_1221 = tpu.vector_load %arg12[%swap3A_1220] {strides = array<i32>} : memref<528xf32, #tpu.memory_space<vmem>>, vector<16xf32>,
      tpu.vector_store %arg12[%swap3A_1220], %select_n3A_1219 {strides = array<i32>} : memref<528xf32, #tpu.memory_space<vmem>>, vector<16xf32>,
      %while3A_1222 = arith.constant 0 : i32
      %while3A_1223 = arith.subi %select_n3A_253, %while3A_1222 : i32
      %while3A_1224 = arith.addi %while3A_1222, %while3A_1223 : i32
      %while3A_1225 = arith.constant 1 : i32
      %while3A_1226 = arith.divsi %while3A_1223, %while3A_1225 : i32
      %while3A_1227 = arith.muli %while3A_1226, %while3A_1225 : i32
      %while3A_1228 = arith.addi %while3A_1222, %while3A_1227 : i32
      %while3A_1229 = arith.constant 1 : i32
      %while3A_1230:2 = scf.for %while3A_3501 = %while3A_1222 to %while3A_1228 step %while3A_1229 iter_args(%while3A_3502 = %broadcast_in_dim3A_1, %while3A_3503 = %broadcast_in_dim3A_5) -> (vector<16xf32>, vector<16xi32>)  : i32 {
        %mul3A_3504 = arith.constant 16 : i32
        %mul3A_3505 = arith.muli %mul3A_3504, %while3A_3501 : i32
        %get3A_3506 = arith.index_cast %mul3A_3505 : i32 to index
        %get3A_3507 = tpu.vector_load %arg12[%get3A_3506] {strides = array<i32>} : memref<528xf32, #tpu.memory_space<vmem>>, vector<16xf32>,
        %lt3A_3508 = arith.cmpf olt, %get3A_3507, %while3A_3502 : vector<16xf32>
        %select_n3A_3509 = arith.select %lt3A_3508, %get3A_3507, %while3A_3502 : vector<16xi1>, vector<16xf32>
        %mul3A_3510 = arith.constant 16 : i32
        %mul3A_3511 = arith.muli %mul3A_3510, %while3A_3501 : i32
        %add3A_3512 = vector.broadcast %mul3A_3511 : i32 to vector<16xi32>
        %add3A_3513 = arith.addi %add3A_3512, %iota3A : vector<16xi32>
        %select_n3A_3514 = arith.select %lt3A_3508, %add3A_3513, %while3A_3503 : vector<16xi1>, vector<16xi32>
        scf.yield %select_n3A_3509, %select_n3A_3514 : vector<16xf32>, vector<16xi32>
      }
      %while3A_1231 = arith.constant 1 : i32
      %while3A_1232:2 = scf.for %while3A_3501 = %while3A_1228 to %while3A_1224 step %while3A_1231 iter_args(%while3A_3502 = %while3A_1230#0, %while3A_3503 = %while3A_1230#1) -> (vector<16xf32>, vector<16xi32>)  : i32 {
        %mul3A_3504 = arith.constant 16 : i32
        %mul3A_3505 = arith.muli %mul3A_3504, %while3A_3501 : i32
        %get3A_3506 = arith.index_cast %mul3A_3505 : i32 to index
        %get3A_3507 = tpu.vector_load %arg12[%get3A_3506] {strides = array<i32>} : memref<528xf32, #tpu.memory_space<vmem>>, vector<16xf32>,
        %lt3A_3508 = arith.cmpf olt, %get3A_3507, %while3A_3502 : vector<16xf32>
        %select_n3A_3509 = arith.select %lt3A_3508, %get3A_3507, %while3A_3502 : vector<16xi1>, vector<16xf32>
        %mul3A_3510 = arith.constant 16 : i32
        %mul3A_3511 = arith.muli %mul3A_3510, %while3A_3501 : i32
        %add3A_3512 = vector.broadcast %mul3A_3511 : i32 to vector<16xi32>
        %add3A_3513 = arith.addi %add3A_3512, %iota3A : vector<16xi32>
        %select_n3A_3514 = arith.select %lt3A_3508, %add3A_3513, %while3A_3503 : vector<16xi1>, vector<16xi32>
        scf.yield %select_n3A_3509, %select_n3A_3514 : vector<16xf32>, vector<16xi32>
      }
      %xor3A_1233 = arith.constant 8 : i32
      %xor3A_1234 = vector.broadcast %xor3A_1233 : i32 to vector<16xi32>
      %xor3A_1235 = arith.xori %iota3A, %xor3A_1234 : vector<16xi32>
      %broadcast_in_dim3A_1236 = vector.shape_cast %xor3A_1235 : vector<16xi32> to vector<16x1xi32>
      %gather3A_1237 = vector.shape_cast %broadcast_in_dim3A_1236 : vector<16x1xi32> to vector<16xi32>
      %gather3A_1238 = tpu.dynamic_gather %while3A_1232#0[%gather3A_1237] in [0] : vector<16xf32>, vector<16xi32> -> vector<16xf32>
      %xor3A_1239 = arith.constant 8 : i32
      %xor3A_1240 = vector.broadcast %xor3A_1239 : i32 to vector<16xi32>
      %xor3A_1241 = arith.xori %iota3A, %xor3A_1240 : vector<16xi32>
      %broadcast_in_dim3A_1242 = vector.shape_cast %xor3A_1241 : vector<16xi32> to vector<16x1xi32>
      %gather3A_1243 = vector.shape_cast %broadcast_in_dim3A_1242 : vector<16x1xi32> to vector<16xi32>
      %gather3A_1244 = tpu.dynamic_gather %while3A_1232#1[%gather3A_1243] in [0] : vector<16xi32>, vector<16xi32> -> vector<16xi32>
      %lt3A_1245 = arith.cmpf olt, %gather3A_1238, %while3A_1232#0 : vector<16xf32>
      %eq3A_1246 = arith.cmpf oeq, %gather3A_1238, %while3A_1232#0 : vector<16xf32>
      %lt3A_1247 = arith.cmpi slt, %gather3A_1244, %while3A_1232#1 : vector<16xi32>
      %and3A_1248 = arith.andi %eq3A_1246, %lt3A_1247 : vector<16xi1>
      %or3A_1249 = arith.ori %lt3A_1245, %and3A_1248 : vector<16xi1>
      %select_n3A_1250 = arith.select %or3A_1249, %gather3A_1238, %while3A_1232#0 : vector<16xi1>, vector<16xf32>
      %select_n3A_1251 = arith.select %or3A_1249, %gather3A_1244, %while3A_1232#1 : vector<16xi1>, vector<16xi32>
      %xor3A_1252 = arith.constant 4 : i32
      %xor3A_1253 = vector.broadcast %xor3A_1252 : i32 to vector<16xi32>
      %xor3A_1254 = arith.xori %iota3A, %xor3A_1253 : vector<16xi32>
      %broadcast_in_dim3A_1255 = vector.shape_cast %xor3A_1254 : vector<16xi32> to vector<16x1xi32>
      %gather3A_1256 = vector.shape_cast %broadcast_in_dim3A_1255 : vector<16x1xi32> to vector<16xi32>
      %gather3A_1257 = tpu.dynamic_gather %select_n3A_1250[%gather3A_1256] in [0] : vector<16xf32>, vector<16xi32> -> vector<16xf32>
      %xor3A_1258 = arith.constant 4 : i32
      %xor3A_1259 = vector.broadcast %xor3A_1258 : i32 to vector<16xi32>
      %xor3A_1260 = arith.xori %iota3A, %xor3A_1259 : vector<16xi32>
      %broadcast_in_dim3A_1261 = vector.shape_cast %xor3A_1260 : vector<16xi32> to vector<16x1xi32>
      %gather3A_1262 = vector.shape_cast %broadcast_in_dim3A_1261 : vector<16x1xi32> to vector<16xi32>
      %gather3A_1263 = tpu.dynamic_gather %select_n3A_1251[%gather3A_1262] in [0] : vector<16xi32>, vector<16xi32> -> vector<16xi32>
      %lt3A_1264 = arith.cmpf olt, %gather3A_1257, %select_n3A_1250 : vector<16xf32>
      %eq3A_1265 = arith.cmpf oeq, %gather3A_1257, %select_n3A_1250 : vector<16xf32>
      %lt3A_1266 = arith.cmpi slt, %gather3A_1263, %select_n3A_1251 : vector<16xi32>
      %and3A_1267 = arith.andi %eq3A_1265, %lt3A_1266 : vector<16xi1>
      %or3A_1268 = arith.ori %lt3A_1264, %and3A_1267 : vector<16xi1>
      %select_n3A_1269 = arith.select %or3A_1268, %gather3A_1257, %select_n3A_1250 : vector<16xi1>, vector<16xf32>
      %select_n3A_1270 = arith.select %or3A_1268, %gather3A_1263, %select_n3A_1251 : vector<16xi1>, vector<16xi32>
      %xor3A_1271 = arith.constant 2 : i32
      %xor3A_1272 = vector.broadcast %xor3A_1271 : i32 to vector<16xi32>
      %xor3A_1273 = arith.xori %iota3A, %xor3A_1272 : vector<16xi32>
      %broadcast_in_dim3A_1274 = vector.shape_cast %xor3A_1273 : vector<16xi32> to vector<16x1xi32>
      %gather3A_1275 = vector.shape_cast %broadcast_in_dim3A_1274 : vector<16x1xi32> to vector<16xi32>
      %gather3A_1276 = tpu.dynamic_gather %select_n3A_1269[%gather3A_1275] in [0] : vector<16xf32>, vector<16xi32> -> vector<16xf32>
      %xor3A_1277 = arith.constant 2 : i32
      %xor3A_1278 = vector.broadcast %xor3A_1277 : i32 to vector<16xi32>
      %xor3A_1279 = arith.xori %iota3A, %xor3A_1278 : vector<16xi32>
      %broadcast_in_dim3A_1280 = vector.shape_cast %xor3A_1279 : vector<16xi32> to vector<16x1xi32>
      %gather3A_1281 = vector.shape_cast %broadcast_in_dim3A_1280 : vector<16x1xi32> to vector<16xi32>
      %gather3A_1282 = tpu.dynamic_gather %select_n3A_1270[%gather3A_1281] in [0] : vector<16xi32>, vector<16xi32> -> vector<16xi32>
      %lt3A_1283 = arith.cmpf olt, %gather3A_1276, %select_n3A_1269 : vector<16xf32>
      %eq3A_1284 = arith.cmpf oeq, %gather3A_1276, %select_n3A_1269 : vector<16xf32>
      %lt3A_1285 = arith.cmpi slt, %gather3A_1282, %select_n3A_1270 : vector<16xi32>
      %and3A_1286 = arith.andi %eq3A_1284, %lt3A_1285 : vector<16xi1>
      %or3A_1287 = arith.ori %lt3A_1283, %and3A_1286 : vector<16xi1>
      %select_n3A_1288 = arith.select %or3A_1287, %gather3A_1276, %select_n3A_1269 : vector<16xi1>, vector<16xf32>
      %select_n3A_1289 = arith.select %or3A_1287, %gather3A_1282, %select_n3A_1270 : vector<16xi1>, vector<16xi32>
      %xor3A_1290 = arith.constant 1 : i32
      %xor3A_1291 = vector.broadcast %xor3A_1290 : i32 to vector<16xi32>
      %xor3A_1292 = arith.xori %iota3A, %xor3A_1291 : vector<16xi32>
      %broadcast_in_dim3A_1293 = vector.shape_cast %xor3A_1292 : vector<16xi32> to vector<16x1xi32>
      %gather3A_1294 = vector.shape_cast %broadcast_in_dim3A_1293 : vector<16x1xi32> to vector<16xi32>
      %gather3A_1295 = tpu.dynamic_gather %select_n3A_1288[%gather3A_1294] in [0] : vector<16xf32>, vector<16xi32> -> vector<16xf32>
      %xor3A_1296 = arith.constant 1 : i32
      %xor3A_1297 = vector.broadcast %xor3A_1296 : i32 to vector<16xi32>
      %xor3A_1298 = arith.xori %iota3A, %xor3A_1297 : vector<16xi32>
      %broadcast_in_dim3A_1299 = vector.shape_cast %xor3A_1298 : vector<16xi32> to vector<16x1xi32>
      %gather3A_1300 = vector.shape_cast %broadcast_in_dim3A_1299 : vector<16x1xi32> to vector<16xi32>
      %gather3A_1301 = tpu.dynamic_gather %select_n3A_1289[%gather3A_1300] in [0] : vector<16xi32>, vector<16xi32> -> vector<16xi32>
      %lt3A_1302 = arith.cmpf olt, %gather3A_1295, %select_n3A_1288 : vector<16xf32>
      %eq3A_1303 = arith.cmpf oeq, %gather3A_1295, %select_n3A_1288 : vector<16xf32>
      %lt3A_1304 = arith.cmpi slt, %gather3A_1301, %select_n3A_1289 : vector<16xi32>
      %and3A_1305 = arith.andi %eq3A_1303, %lt3A_1304 : vector<16xi1>
      %or3A_1306 = arith.ori %lt3A_1302, %and3A_1305 : vector<16xi1>
      %select_n3A_1307 = arith.select %or3A_1306, %gather3A_1295, %select_n3A_1288 : vector<16xi1>, vector<16xf32>
      %select_n3A_1308 = arith.select %or3A_1306, %gather3A_1301, %select_n3A_1289 : vector<16xi1>, vector<16xi32>
      %slice3A_1309 = vector.extract_strided_slice %select_n3A_1308 {offsets = [0], sizes = [1], strides = [1]} : vector<16xi32> to vector<1xi32>
      %squeeze3A_1310 = vector.extract %slice3A_1309[0] : i32 from vector<1xi32>
      %jit3A_1311 = arith.constant 16 : i32
      %div3A_1312 = arith.divsi %squeeze3A_1310, %jit3A_1311 : i32
      %sign3A_1313 = arith.constant 0 : i32
      %sign3A_1314 = arith.cmpi sgt, %squeeze3A_1310, %sign3A_1313 : i32
      %sign3A_1315 = arith.extui %sign3A_1314 : i1 to i32
      %sign3A_1316 = arith.constant 0 : i32
      %sign3A_1317 = arith.cmpi slt, %squeeze3A_1310, %sign3A_1316 : i32
      %sign3A_1318 = arith.extui %sign3A_1317 : i1 to i32
      %sign3A_1319 = arith.subi %sign3A_1315, %sign3A_1318 : i32
      %sign3A_1320 = arith.constant 0 : i32
      %sign3A_1321 = arith.cmpi sgt, %jit3A_1311, %sign3A_1320 : i32
      %sign3A_1322 = arith.extui %sign3A_1321 : i1 to i32
      %sign3A_1323 = arith.constant 0 : i32
      %sign3A_1324 = arith.cmpi slt, %jit3A_1311, %sign3A_1323 : i32
      %sign3A_1325 = arith.extui %sign3A_1324 : i1 to i32
      %sign3A_1326 = arith.subi %sign3A_1322, %sign3A_1325 : i32
      %ne3A_1327 = arith.cmpi ne, %sign3A_1319, %sign3A_1326 : i32
      %rem3A_1328 = arith.remsi %squeeze3A_1310, %jit3A_1311 : i32
      %ne3A_1329 = arith.constant 0 : i32
      %ne3A_1330 = arith.cmpi ne, %rem3A_1328, %ne3A_1329 : i32
      %and3A_1331 = arith.andi %ne3A_1327, %ne3A_1330 : i1
      %sub3A_1332 = arith.constant 1 : i32
      %sub3A_1333 = arith.subi %div3A_1312, %sub3A_1332 : i32
      %select_n3A_1334 = arith.select %and3A_1331, %sub3A_1333, %div3A_1312 : i32
      %mul3A_1335 = arith.constant 16 : i32
      %mul3A_1336 = arith.muli %select_n3A_1334, %mul3A_1335 : i32
      %get3A_1337 = arith.index_cast %mul3A_1336 : i32 to index
      %get3A_1338 = tpu.vector_load %arg13[%get3A_1337] {strides = array<i32>} : memref<512xi32, #tpu.memory_space<vmem>>, vector<16xi32>,
      %sub3A_1339 = arith.subi %squeeze3A_1310, %mul3A_1336 : i32
      %broadcast_in_dim3A_1340 = vector.broadcast %sub3A_1339 : i32 to vector<16xi32>
      %broadcast_in_dim3A_1341 = vector.shape_cast %broadcast_in_dim3A_1340 : vector<16xi32> to vector<16x1xi32>
      %gather3A_1342 = vector.shape_cast %broadcast_in_dim3A_1341 : vector<16x1xi32> to vector<16xi32>
      %gather3A_1343 = tpu.dynamic_gather %get3A_1338[%gather3A_1342] in [0] : vector<16xi32>, vector<16xi32> -> vector<16xi32>
      %eq3A_1344 = arith.constant 6 : i32
      %eq3A_1345 = vector.broadcast %eq3A_1344 : i32 to vector<16xi32>
      %eq3A_1346 = arith.cmpi eq, %iota3A, %eq3A_1345 : vector<16xi32>
      %select_n3A_1347 = arith.select %eq3A_1346, %gather3A_1343, %select_n3A_1185 : vector<16xi1>, vector<16xi32>
      %jit3A_1348 = arith.constant 16 : i32
      %div3A_1349 = arith.divsi %squeeze3A_1310, %jit3A_1348 : i32
      %sign3A_1350 = arith.constant 0 : i32
      %sign3A_1351 = arith.cmpi sgt, %squeeze3A_1310, %sign3A_1350 : i32
      %sign3A_1352 = arith.extui %sign3A_1351 : i1 to i32
      %sign3A_1353 = arith.constant 0 : i32
      %sign3A_1354 = arith.cmpi slt, %squeeze3A_1310, %sign3A_1353 : i32
      %sign3A_1355 = arith.extui %sign3A_1354 : i1 to i32
      %sign3A_1356 = arith.subi %sign3A_1352, %sign3A_1355 : i32
      %sign3A_1357 = arith.constant 0 : i32
      %sign3A_1358 = arith.cmpi sgt, %jit3A_1348, %sign3A_1357 : i32
      %sign3A_1359 = arith.extui %sign3A_1358 : i1 to i32
      %sign3A_1360 = arith.constant 0 : i32
      %sign3A_1361 = arith.cmpi slt, %jit3A_1348, %sign3A_1360 : i32
      %sign3A_1362 = arith.extui %sign3A_1361 : i1 to i32
      %sign3A_1363 = arith.subi %sign3A_1359, %sign3A_1362 : i32
      %ne3A_1364 = arith.cmpi ne, %sign3A_1356, %sign3A_1363 : i32
      %rem3A_1365 = arith.remsi %squeeze3A_1310, %jit3A_1348 : i32
      %ne3A_1366 = arith.constant 0 : i32
      %ne3A_1367 = arith.cmpi ne, %rem3A_1365, %ne3A_1366 : i32
      %and3A_1368 = arith.andi %ne3A_1364, %ne3A_1367 : i1
      %sub3A_1369 = arith.constant 1 : i32
      %sub3A_1370 = arith.subi %div3A_1349, %sub3A_1369 : i32
      %select_n3A_1371 = arith.select %and3A_1368, %sub3A_1370, %div3A_1349 : i32
      %mul3A_1372 = arith.constant 16 : i32
      %mul3A_1373 = arith.muli %select_n3A_1371, %mul3A_1372 : i32
      %get3A_1374 = arith.index_cast %mul3A_1373 : i32 to index
      %get3A_1375 = tpu.vector_load %arg12[%get3A_1374] {strides = array<i32>} : memref<528xf32, #tpu.memory_space<vmem>>, vector<16xf32>,
      %sub3A_1376 = arith.subi %squeeze3A_1310, %mul3A_1373 : i32
      %eq3A_1377 = vector.broadcast %sub3A_1376 : i32 to vector<16xi32>
      %eq3A_1378 = arith.cmpi eq, %iota3A, %eq3A_1377 : vector<16xi32>
      %jit3A_1379 = arith.constant 3.000000e+38 : f32
      %broadcast_in_dim3A_1380 = vector.broadcast %jit3A_1379 : f32 to vector<16xf32>
      %select_n3A_1381 = arith.select %eq3A_1378, %broadcast_in_dim3A_1380, %get3A_1375 : vector<16xi1>, vector<16xf32>
      %swap3A_1382 = arith.index_cast %mul3A_1373 : i32 to index
      %swap3A_1383 = tpu.vector_load %arg12[%swap3A_1382] {strides = array<i32>} : memref<528xf32, #tpu.memory_space<vmem>>, vector<16xf32>,
      tpu.vector_store %arg12[%swap3A_1382], %select_n3A_1381 {strides = array<i32>} : memref<528xf32, #tpu.memory_space<vmem>>, vector<16xf32>,
      %while3A_1384 = arith.constant 0 : i32
      %while3A_1385 = arith.subi %select_n3A_253, %while3A_1384 : i32
      %while3A_1386 = arith.addi %while3A_1384, %while3A_1385 : i32
      %while3A_1387 = arith.constant 1 : i32
      %while3A_1388 = arith.divsi %while3A_1385, %while3A_1387 : i32
      %while3A_1389 = arith.muli %while3A_1388, %while3A_1387 : i32
      %while3A_1390 = arith.addi %while3A_1384, %while3A_1389 : i32
      %while3A_1391 = arith.constant 1 : i32
      %while3A_1392:2 = scf.for %while3A_3501 = %while3A_1384 to %while3A_1390 step %while3A_1391 iter_args(%while3A_3502 = %broadcast_in_dim3A_1, %while3A_3503 = %broadcast_in_dim3A_5) -> (vector<16xf32>, vector<16xi32>)  : i32 {
        %mul3A_3504 = arith.constant 16 : i32
        %mul3A_3505 = arith.muli %mul3A_3504, %while3A_3501 : i32
        %get3A_3506 = arith.index_cast %mul3A_3505 : i32 to index
        %get3A_3507 = tpu.vector_load %arg12[%get3A_3506] {strides = array<i32>} : memref<528xf32, #tpu.memory_space<vmem>>, vector<16xf32>,
        %lt3A_3508 = arith.cmpf olt, %get3A_3507, %while3A_3502 : vector<16xf32>
        %select_n3A_3509 = arith.select %lt3A_3508, %get3A_3507, %while3A_3502 : vector<16xi1>, vector<16xf32>
        %mul3A_3510 = arith.constant 16 : i32
        %mul3A_3511 = arith.muli %mul3A_3510, %while3A_3501 : i32
        %add3A_3512 = vector.broadcast %mul3A_3511 : i32 to vector<16xi32>
        %add3A_3513 = arith.addi %add3A_3512, %iota3A : vector<16xi32>
        %select_n3A_3514 = arith.select %lt3A_3508, %add3A_3513, %while3A_3503 : vector<16xi1>, vector<16xi32>
        scf.yield %select_n3A_3509, %select_n3A_3514 : vector<16xf32>, vector<16xi32>
      }
      %while3A_1393 = arith.constant 1 : i32
      %while3A_1394:2 = scf.for %while3A_3501 = %while3A_1390 to %while3A_1386 step %while3A_1393 iter_args(%while3A_3502 = %while3A_1392#0, %while3A_3503 = %while3A_1392#1) -> (vector<16xf32>, vector<16xi32>)  : i32 {
        %mul3A_3504 = arith.constant 16 : i32
        %mul3A_3505 = arith.muli %mul3A_3504, %while3A_3501 : i32
        %get3A_3506 = arith.index_cast %mul3A_3505 : i32 to index
        %get3A_3507 = tpu.vector_load %arg12[%get3A_3506] {strides = array<i32>} : memref<528xf32, #tpu.memory_space<vmem>>, vector<16xf32>,
        %lt3A_3508 = arith.cmpf olt, %get3A_3507, %while3A_3502 : vector<16xf32>
        %select_n3A_3509 = arith.select %lt3A_3508, %get3A_3507, %while3A_3502 : vector<16xi1>, vector<16xf32>
        %mul3A_3510 = arith.constant 16 : i32
        %mul3A_3511 = arith.muli %mul3A_3510, %while3A_3501 : i32
        %add3A_3512 = vector.broadcast %mul3A_3511 : i32 to vector<16xi32>
        %add3A_3513 = arith.addi %add3A_3512, %iota3A : vector<16xi32>
        %select_n3A_3514 = arith.select %lt3A_3508, %add3A_3513, %while3A_3503 : vector<16xi1>, vector<16xi32>
        scf.yield %select_n3A_3509, %select_n3A_3514 : vector<16xf32>, vector<16xi32>
      }
      %xor3A_1395 = arith.constant 8 : i32
      %xor3A_1396 = vector.broadcast %xor3A_1395 : i32 to vector<16xi32>
      %xor3A_1397 = arith.xori %iota3A, %xor3A_1396 : vector<16xi32>
      %broadcast_in_dim3A_1398 = vector.shape_cast %xor3A_1397 : vector<16xi32> to vector<16x1xi32>
      %gather3A_1399 = vector.shape_cast %broadcast_in_dim3A_1398 : vector<16x1xi32> to vector<16xi32>
      %gather3A_1400 = tpu.dynamic_gather %while3A_1394#0[%gather3A_1399] in [0] : vector<16xf32>, vector<16xi32> -> vector<16xf32>
      %xor3A_1401 = arith.constant 8 : i32
      %xor3A_1402 = vector.broadcast %xor3A_1401 : i32 to vector<16xi32>
      %xor3A_1403 = arith.xori %iota3A, %xor3A_1402 : vector<16xi32>
      %broadcast_in_dim3A_1404 = vector.shape_cast %xor3A_1403 : vector<16xi32> to vector<16x1xi32>
      %gather3A_1405 = vector.shape_cast %broadcast_in_dim3A_1404 : vector<16x1xi32> to vector<16xi32>
      %gather3A_1406 = tpu.dynamic_gather %while3A_1394#1[%gather3A_1405] in [0] : vector<16xi32>, vector<16xi32> -> vector<16xi32>
      %lt3A_1407 = arith.cmpf olt, %gather3A_1400, %while3A_1394#0 : vector<16xf32>
      %eq3A_1408 = arith.cmpf oeq, %gather3A_1400, %while3A_1394#0 : vector<16xf32>
      %lt3A_1409 = arith.cmpi slt, %gather3A_1406, %while3A_1394#1 : vector<16xi32>
      %and3A_1410 = arith.andi %eq3A_1408, %lt3A_1409 : vector<16xi1>
      %or3A_1411 = arith.ori %lt3A_1407, %and3A_1410 : vector<16xi1>
      %select_n3A_1412 = arith.select %or3A_1411, %gather3A_1400, %while3A_1394#0 : vector<16xi1>, vector<16xf32>
      %select_n3A_1413 = arith.select %or3A_1411, %gather3A_1406, %while3A_1394#1 : vector<16xi1>, vector<16xi32>
      %xor3A_1414 = arith.constant 4 : i32
      %xor3A_1415 = vector.broadcast %xor3A_1414 : i32 to vector<16xi32>
      %xor3A_1416 = arith.xori %iota3A, %xor3A_1415 : vector<16xi32>
      %broadcast_in_dim3A_1417 = vector.shape_cast %xor3A_1416 : vector<16xi32> to vector<16x1xi32>
      %gather3A_1418 = vector.shape_cast %broadcast_in_dim3A_1417 : vector<16x1xi32> to vector<16xi32>
      %gather3A_1419 = tpu.dynamic_gather %select_n3A_1412[%gather3A_1418] in [0] : vector<16xf32>, vector<16xi32> -> vector<16xf32>
      %xor3A_1420 = arith.constant 4 : i32
      %xor3A_1421 = vector.broadcast %xor3A_1420 : i32 to vector<16xi32>
      %xor3A_1422 = arith.xori %iota3A, %xor3A_1421 : vector<16xi32>
      %broadcast_in_dim3A_1423 = vector.shape_cast %xor3A_1422 : vector<16xi32> to vector<16x1xi32>
      %gather3A_1424 = vector.shape_cast %broadcast_in_dim3A_1423 : vector<16x1xi32> to vector<16xi32>
      %gather3A_1425 = tpu.dynamic_gather %select_n3A_1413[%gather3A_1424] in [0] : vector<16xi32>, vector<16xi32> -> vector<16xi32>
      %lt3A_1426 = arith.cmpf olt, %gather3A_1419, %select_n3A_1412 : vector<16xf32>
      %eq3A_1427 = arith.cmpf oeq, %gather3A_1419, %select_n3A_1412 : vector<16xf32>
      %lt3A_1428 = arith.cmpi slt, %gather3A_1425, %select_n3A_1413 : vector<16xi32>
      %and3A_1429 = arith.andi %eq3A_1427, %lt3A_1428 : vector<16xi1>
      %or3A_1430 = arith.ori %lt3A_1426, %and3A_1429 : vector<16xi1>
      %select_n3A_1431 = arith.select %or3A_1430, %gather3A_1419, %select_n3A_1412 : vector<16xi1>, vector<16xf32>
      %select_n3A_1432 = arith.select %or3A_1430, %gather3A_1425, %select_n3A_1413 : vector<16xi1>, vector<16xi32>
      %xor3A_1433 = arith.constant 2 : i32
      %xor3A_1434 = vector.broadcast %xor3A_1433 : i32 to vector<16xi32>
      %xor3A_1435 = arith.xori %iota3A, %xor3A_1434 : vector<16xi32>
      %broadcast_in_dim3A_1436 = vector.shape_cast %xor3A_1435 : vector<16xi32> to vector<16x1xi32>
      %gather3A_1437 = vector.shape_cast %broadcast_in_dim3A_1436 : vector<16x1xi32> to vector<16xi32>
      %gather3A_1438 = tpu.dynamic_gather %select_n3A_1431[%gather3A_1437] in [0] : vector<16xf32>, vector<16xi32> -> vector<16xf32>
      %xor3A_1439 = arith.constant 2 : i32
      %xor3A_1440 = vector.broadcast %xor3A_1439 : i32 to vector<16xi32>
      %xor3A_1441 = arith.xori %iota3A, %xor3A_1440 : vector<16xi32>
      %broadcast_in_dim3A_1442 = vector.shape_cast %xor3A_1441 : vector<16xi32> to vector<16x1xi32>
      %gather3A_1443 = vector.shape_cast %broadcast_in_dim3A_1442 : vector<16x1xi32> to vector<16xi32>
      %gather3A_1444 = tpu.dynamic_gather %select_n3A_1432[%gather3A_1443] in [0] : vector<16xi32>, vector<16xi32> -> vector<16xi32>
      %lt3A_1445 = arith.cmpf olt, %gather3A_1438, %select_n3A_1431 : vector<16xf32>
      %eq3A_1446 = arith.cmpf oeq, %gather3A_1438, %select_n3A_1431 : vector<16xf32>
      %lt3A_1447 = arith.cmpi slt, %gather3A_1444, %select_n3A_1432 : vector<16xi32>
      %and3A_1448 = arith.andi %eq3A_1446, %lt3A_1447 : vector<16xi1>
      %or3A_1449 = arith.ori %lt3A_1445, %and3A_1448 : vector<16xi1>
      %select_n3A_1450 = arith.select %or3A_1449, %gather3A_1438, %select_n3A_1431 : vector<16xi1>, vector<16xf32>
      %select_n3A_1451 = arith.select %or3A_1449, %gather3A_1444, %select_n3A_1432 : vector<16xi1>, vector<16xi32>
      %xor3A_1452 = arith.constant 1 : i32
      %xor3A_1453 = vector.broadcast %xor3A_1452 : i32 to vector<16xi32>
      %xor3A_1454 = arith.xori %iota3A, %xor3A_1453 : vector<16xi32>
      %broadcast_in_dim3A_1455 = vector.shape_cast %xor3A_1454 : vector<16xi32> to vector<16x1xi32>
      %gather3A_1456 = vector.shape_cast %broadcast_in_dim3A_1455 : vector<16x1xi32> to vector<16xi32>
      %gather3A_1457 = tpu.dynamic_gather %select_n3A_1450[%gather3A_1456] in [0] : vector<16xf32>, vector<16xi32> -> vector<16xf32>
      %xor3A_1458 = arith.constant 1 : i32
      %xor3A_1459 = vector.broadcast %xor3A_1458 : i32 to vector<16xi32>
      %xor3A_1460 = arith.xori %iota3A, %xor3A_1459 : vector<16xi32>
      %broadcast_in_dim3A_1461 = vector.shape_cast %xor3A_1460 : vector<16xi32> to vector<16x1xi32>
      %gather3A_1462 = vector.shape_cast %broadcast_in_dim3A_1461 : vector<16x1xi32> to vector<16xi32>
      %gather3A_1463 = tpu.dynamic_gather %select_n3A_1451[%gather3A_1462] in [0] : vector<16xi32>, vector<16xi32> -> vector<16xi32>
      %lt3A_1464 = arith.cmpf olt, %gather3A_1457, %select_n3A_1450 : vector<16xf32>
      %eq3A_1465 = arith.cmpf oeq, %gather3A_1457, %select_n3A_1450 : vector<16xf32>
      %lt3A_1466 = arith.cmpi slt, %gather3A_1463, %select_n3A_1451 : vector<16xi32>
      %and3A_1467 = arith.andi %eq3A_1465, %lt3A_1466 : vector<16xi1>
      %or3A_1468 = arith.ori %lt3A_1464, %and3A_1467 : vector<16xi1>
      %select_n3A_1469 = arith.select %or3A_1468, %gather3A_1457, %select_n3A_1450 : vector<16xi1>, vector<16xf32>
      %select_n3A_1470 = arith.select %or3A_1468, %gather3A_1463, %select_n3A_1451 : vector<16xi1>, vector<16xi32>
      %slice3A_1471 = vector.extract_strided_slice %select_n3A_1470 {offsets = [0], sizes = [1], strides = [1]} : vector<16xi32> to vector<1xi32>
      %squeeze3A_1472 = vector.extract %slice3A_1471[0] : i32 from vector<1xi32>
      %jit3A_1473 = arith.constant 16 : i32
      %div3A_1474 = arith.divsi %squeeze3A_1472, %jit3A_1473 : i32
      %sign3A_1475 = arith.constant 0 : i32
      %sign3A_1476 = arith.cmpi sgt, %squeeze3A_1472, %sign3A_1475 : i32
      %sign3A_1477 = arith.extui %sign3A_1476 : i1 to i32
      %sign3A_1478 = arith.constant 0 : i32
      %sign3A_1479 = arith.cmpi slt, %squeeze3A_1472, %sign3A_1478 : i32
      %sign3A_1480 = arith.extui %sign3A_1479 : i1 to i32
      %sign3A_1481 = arith.subi %sign3A_1477, %sign3A_1480 : i32
      %sign3A_1482 = arith.constant 0 : i32
      %sign3A_1483 = arith.cmpi sgt, %jit3A_1473, %sign3A_1482 : i32
      %sign3A_1484 = arith.extui %sign3A_1483 : i1 to i32
      %sign3A_1485 = arith.constant 0 : i32
      %sign3A_1486 = arith.cmpi slt, %jit3A_1473, %sign3A_1485 : i32
      %sign3A_1487 = arith.extui %sign3A_1486 : i1 to i32
      %sign3A_1488 = arith.subi %sign3A_1484, %sign3A_1487 : i32
      %ne3A_1489 = arith.cmpi ne, %sign3A_1481, %sign3A_1488 : i32
      %rem3A_1490 = arith.remsi %squeeze3A_1472, %jit3A_1473 : i32
      %ne3A_1491 = arith.constant 0 : i32
      %ne3A_1492 = arith.cmpi ne, %rem3A_1490, %ne3A_1491 : i32
      %and3A_1493 = arith.andi %ne3A_1489, %ne3A_1492 : i1
      %sub3A_1494 = arith.constant 1 : i32
      %sub3A_1495 = arith.subi %div3A_1474, %sub3A_1494 : i32
      %select_n3A_1496 = arith.select %and3A_1493, %sub3A_1495, %div3A_1474 : i32
      %mul3A_1497 = arith.constant 16 : i32
      %mul3A_1498 = arith.muli %select_n3A_1496, %mul3A_1497 : i32
      %get3A_1499 = arith.index_cast %mul3A_1498 : i32 to index
      %get3A_1500 = tpu.vector_load %arg13[%get3A_1499] {strides = array<i32>} : memref<512xi32, #tpu.memory_space<vmem>>, vector<16xi32>,
      %sub3A_1501 = arith.subi %squeeze3A_1472, %mul3A_1498 : i32
      %broadcast_in_dim3A_1502 = vector.broadcast %sub3A_1501 : i32 to vector<16xi32>
      %broadcast_in_dim3A_1503 = vector.shape_cast %broadcast_in_dim3A_1502 : vector<16xi32> to vector<16x1xi32>
      %gather3A_1504 = vector.shape_cast %broadcast_in_dim3A_1503 : vector<16x1xi32> to vector<16xi32>
      %gather3A_1505 = tpu.dynamic_gather %get3A_1500[%gather3A_1504] in [0] : vector<16xi32>, vector<16xi32> -> vector<16xi32>
      %eq3A_1506 = arith.constant 7 : i32
      %eq3A_1507 = vector.broadcast %eq3A_1506 : i32 to vector<16xi32>
      %eq3A_1508 = arith.cmpi eq, %iota3A, %eq3A_1507 : vector<16xi32>
      %select_n3A_1509 = arith.select %eq3A_1508, %gather3A_1505, %select_n3A_1347 : vector<16xi1>, vector<16xi32>
      %jit3A_1510 = arith.constant 16 : i32
      %div3A_1511 = arith.divsi %squeeze3A_1472, %jit3A_1510 : i32
      %sign3A_1512 = arith.constant 0 : i32
      %sign3A_1513 = arith.cmpi sgt, %squeeze3A_1472, %sign3A_1512 : i32
      %sign3A_1514 = arith.extui %sign3A_1513 : i1 to i32
      %sign3A_1515 = arith.constant 0 : i32
      %sign3A_1516 = arith.cmpi slt, %squeeze3A_1472, %sign3A_1515 : i32
      %sign3A_1517 = arith.extui %sign3A_1516 : i1 to i32
      %sign3A_1518 = arith.subi %sign3A_1514, %sign3A_1517 : i32
      %sign3A_1519 = arith.constant 0 : i32
      %sign3A_1520 = arith.cmpi sgt, %jit3A_1510, %sign3A_1519 : i32
      %sign3A_1521 = arith.extui %sign3A_1520 : i1 to i32
      %sign3A_1522 = arith.constant 0 : i32
      %sign3A_1523 = arith.cmpi slt, %jit3A_1510, %sign3A_1522 : i32
      %sign3A_1524 = arith.extui %sign3A_1523 : i1 to i32
      %sign3A_1525 = arith.subi %sign3A_1521, %sign3A_1524 : i32
      %ne3A_1526 = arith.cmpi ne, %sign3A_1518, %sign3A_1525 : i32
      %rem3A_1527 = arith.remsi %squeeze3A_1472, %jit3A_1510 : i32
      %ne3A_1528 = arith.constant 0 : i32
      %ne3A_1529 = arith.cmpi ne, %rem3A_1527, %ne3A_1528 : i32
      %and3A_1530 = arith.andi %ne3A_1526, %ne3A_1529 : i1
      %sub3A_1531 = arith.constant 1 : i32
      %sub3A_1532 = arith.subi %div3A_1511, %sub3A_1531 : i32
      %select_n3A_1533 = arith.select %and3A_1530, %sub3A_1532, %div3A_1511 : i32
      %mul3A_1534 = arith.constant 16 : i32
      %mul3A_1535 = arith.muli %select_n3A_1533, %mul3A_1534 : i32
      %get3A_1536 = arith.index_cast %mul3A_1535 : i32 to index
      %get3A_1537 = tpu.vector_load %arg12[%get3A_1536] {strides = array<i32>} : memref<528xf32, #tpu.memory_space<vmem>>, vector<16xf32>,
      %sub3A_1538 = arith.subi %squeeze3A_1472, %mul3A_1535 : i32
      %eq3A_1539 = vector.broadcast %sub3A_1538 : i32 to vector<16xi32>
      %eq3A_1540 = arith.cmpi eq, %iota3A, %eq3A_1539 : vector<16xi32>
      %jit3A_1541 = arith.constant 3.000000e+38 : f32
      %broadcast_in_dim3A_1542 = vector.broadcast %jit3A_1541 : f32 to vector<16xf32>
      %select_n3A_1543 = arith.select %eq3A_1540, %broadcast_in_dim3A_1542, %get3A_1537 : vector<16xi1>, vector<16xf32>
      %swap3A_1544 = arith.index_cast %mul3A_1535 : i32 to index
      %swap3A_1545 = tpu.vector_load %arg12[%swap3A_1544] {strides = array<i32>} : memref<528xf32, #tpu.memory_space<vmem>>, vector<16xf32>,
      tpu.vector_store %arg12[%swap3A_1544], %select_n3A_1543 {strides = array<i32>} : memref<528xf32, #tpu.memory_space<vmem>>, vector<16xf32>,
      %while3A_1546 = arith.constant 0 : i32
      %while3A_1547 = arith.subi %select_n3A_253, %while3A_1546 : i32
      %while3A_1548 = arith.addi %while3A_1546, %while3A_1547 : i32
      %while3A_1549 = arith.constant 1 : i32
      %while3A_1550 = arith.divsi %while3A_1547, %while3A_1549 : i32
      %while3A_1551 = arith.muli %while3A_1550, %while3A_1549 : i32
      %while3A_1552 = arith.addi %while3A_1546, %while3A_1551 : i32
      %while3A_1553 = arith.constant 1 : i32
      %while3A_1554:2 = scf.for %while3A_3501 = %while3A_1546 to %while3A_1552 step %while3A_1553 iter_args(%while3A_3502 = %broadcast_in_dim3A_1, %while3A_3503 = %broadcast_in_dim3A_5) -> (vector<16xf32>, vector<16xi32>)  : i32 {
        %mul3A_3504 = arith.constant 16 : i32
        %mul3A_3505 = arith.muli %mul3A_3504, %while3A_3501 : i32
        %get3A_3506 = arith.index_cast %mul3A_3505 : i32 to index
        %get3A_3507 = tpu.vector_load %arg12[%get3A_3506] {strides = array<i32>} : memref<528xf32, #tpu.memory_space<vmem>>, vector<16xf32>,
        %lt3A_3508 = arith.cmpf olt, %get3A_3507, %while3A_3502 : vector<16xf32>
        %select_n3A_3509 = arith.select %lt3A_3508, %get3A_3507, %while3A_3502 : vector<16xi1>, vector<16xf32>
        %mul3A_3510 = arith.constant 16 : i32
        %mul3A_3511 = arith.muli %mul3A_3510, %while3A_3501 : i32
        %add3A_3512 = vector.broadcast %mul3A_3511 : i32 to vector<16xi32>
        %add3A_3513 = arith.addi %add3A_3512, %iota3A : vector<16xi32>
        %select_n3A_3514 = arith.select %lt3A_3508, %add3A_3513, %while3A_3503 : vector<16xi1>, vector<16xi32>
        scf.yield %select_n3A_3509, %select_n3A_3514 : vector<16xf32>, vector<16xi32>
      }
      %while3A_1555 = arith.constant 1 : i32
      %while3A_1556:2 = scf.for %while3A_3501 = %while3A_1552 to %while3A_1548 step %while3A_1555 iter_args(%while3A_3502 = %while3A_1554#0, %while3A_3503 = %while3A_1554#1) -> (vector<16xf32>, vector<16xi32>)  : i32 {
        %mul3A_3504 = arith.constant 16 : i32
        %mul3A_3505 = arith.muli %mul3A_3504, %while3A_3501 : i32
        %get3A_3506 = arith.index_cast %mul3A_3505 : i32 to index
        %get3A_3507 = tpu.vector_load %arg12[%get3A_3506] {strides = array<i32>} : memref<528xf32, #tpu.memory_space<vmem>>, vector<16xf32>,
        %lt3A_3508 = arith.cmpf olt, %get3A_3507, %while3A_3502 : vector<16xf32>
        %select_n3A_3509 = arith.select %lt3A_3508, %get3A_3507, %while3A_3502 : vector<16xi1>, vector<16xf32>
        %mul3A_3510 = arith.constant 16 : i32
        %mul3A_3511 = arith.muli %mul3A_3510, %while3A_3501 : i32
        %add3A_3512 = vector.broadcast %mul3A_3511 : i32 to vector<16xi32>
        %add3A_3513 = arith.addi %add3A_3512, %iota3A : vector<16xi32>
        %select_n3A_3514 = arith.select %lt3A_3508, %add3A_3513, %while3A_3503 : vector<16xi1>, vector<16xi32>
        scf.yield %select_n3A_3509, %select_n3A_3514 : vector<16xf32>, vector<16xi32>
      }
      %xor3A_1557 = arith.constant 8 : i32
      %xor3A_1558 = vector.broadcast %xor3A_1557 : i32 to vector<16xi32>
      %xor3A_1559 = arith.xori %iota3A, %xor3A_1558 : vector<16xi32>
      %broadcast_in_dim3A_1560 = vector.shape_cast %xor3A_1559 : vector<16xi32> to vector<16x1xi32>
      %gather3A_1561 = vector.shape_cast %broadcast_in_dim3A_1560 : vector<16x1xi32> to vector<16xi32>
      %gather3A_1562 = tpu.dynamic_gather %while3A_1556#0[%gather3A_1561] in [0] : vector<16xf32>, vector<16xi32> -> vector<16xf32>
      %xor3A_1563 = arith.constant 8 : i32
      %xor3A_1564 = vector.broadcast %xor3A_1563 : i32 to vector<16xi32>
      %xor3A_1565 = arith.xori %iota3A, %xor3A_1564 : vector<16xi32>
      %broadcast_in_dim3A_1566 = vector.shape_cast %xor3A_1565 : vector<16xi32> to vector<16x1xi32>
      %gather3A_1567 = vector.shape_cast %broadcast_in_dim3A_1566 : vector<16x1xi32> to vector<16xi32>
      %gather3A_1568 = tpu.dynamic_gather %while3A_1556#1[%gather3A_1567] in [0] : vector<16xi32>, vector<16xi32> -> vector<16xi32>
      %lt3A_1569 = arith.cmpf olt, %gather3A_1562, %while3A_1556#0 : vector<16xf32>
      %eq3A_1570 = arith.cmpf oeq, %gather3A_1562, %while3A_1556#0 : vector<16xf32>
      %lt3A_1571 = arith.cmpi slt, %gather3A_1568, %while3A_1556#1 : vector<16xi32>
      %and3A_1572 = arith.andi %eq3A_1570, %lt3A_1571 : vector<16xi1>
      %or3A_1573 = arith.ori %lt3A_1569, %and3A_1572 : vector<16xi1>
      %select_n3A_1574 = arith.select %or3A_1573, %gather3A_1562, %while3A_1556#0 : vector<16xi1>, vector<16xf32>
      %select_n3A_1575 = arith.select %or3A_1573, %gather3A_1568, %while3A_1556#1 : vector<16xi1>, vector<16xi32>
      %xor3A_1576 = arith.constant 4 : i32
      %xor3A_1577 = vector.broadcast %xor3A_1576 : i32 to vector<16xi32>
      %xor3A_1578 = arith.xori %iota3A, %xor3A_1577 : vector<16xi32>
      %broadcast_in_dim3A_1579 = vector.shape_cast %xor3A_1578 : vector<16xi32> to vector<16x1xi32>
      %gather3A_1580 = vector.shape_cast %broadcast_in_dim3A_1579 : vector<16x1xi32> to vector<16xi32>
      %gather3A_1581 = tpu.dynamic_gather %select_n3A_1574[%gather3A_1580] in [0] : vector<16xf32>, vector<16xi32> -> vector<16xf32>
      %xor3A_1582 = arith.constant 4 : i32
      %xor3A_1583 = vector.broadcast %xor3A_1582 : i32 to vector<16xi32>
      %xor3A_1584 = arith.xori %iota3A, %xor3A_1583 : vector<16xi32>
      %broadcast_in_dim3A_1585 = vector.shape_cast %xor3A_1584 : vector<16xi32> to vector<16x1xi32>
      %gather3A_1586 = vector.shape_cast %broadcast_in_dim3A_1585 : vector<16x1xi32> to vector<16xi32>
      %gather3A_1587 = tpu.dynamic_gather %select_n3A_1575[%gather3A_1586] in [0] : vector<16xi32>, vector<16xi32> -> vector<16xi32>
      %lt3A_1588 = arith.cmpf olt, %gather3A_1581, %select_n3A_1574 : vector<16xf32>
      %eq3A_1589 = arith.cmpf oeq, %gather3A_1581, %select_n3A_1574 : vector<16xf32>
      %lt3A_1590 = arith.cmpi slt, %gather3A_1587, %select_n3A_1575 : vector<16xi32>
      %and3A_1591 = arith.andi %eq3A_1589, %lt3A_1590 : vector<16xi1>
      %or3A_1592 = arith.ori %lt3A_1588, %and3A_1591 : vector<16xi1>
      %select_n3A_1593 = arith.select %or3A_1592, %gather3A_1581, %select_n3A_1574 : vector<16xi1>, vector<16xf32>
      %select_n3A_1594 = arith.select %or3A_1592, %gather3A_1587, %select_n3A_1575 : vector<16xi1>, vector<16xi32>
      %xor3A_1595 = arith.constant 2 : i32
      %xor3A_1596 = vector.broadcast %xor3A_1595 : i32 to vector<16xi32>
      %xor3A_1597 = arith.xori %iota3A, %xor3A_1596 : vector<16xi32>
      %broadcast_in_dim3A_1598 = vector.shape_cast %xor3A_1597 : vector<16xi32> to vector<16x1xi32>
      %gather3A_1599 = vector.shape_cast %broadcast_in_dim3A_1598 : vector<16x1xi32> to vector<16xi32>
      %gather3A_1600 = tpu.dynamic_gather %select_n3A_1593[%gather3A_1599] in [0] : vector<16xf32>, vector<16xi32> -> vector<16xf32>
      %xor3A_1601 = arith.constant 2 : i32
      %xor3A_1602 = vector.broadcast %xor3A_1601 : i32 to vector<16xi32>
      %xor3A_1603 = arith.xori %iota3A, %xor3A_1602 : vector<16xi32>
      %broadcast_in_dim3A_1604 = vector.shape_cast %xor3A_1603 : vector<16xi32> to vector<16x1xi32>
      %gather3A_1605 = vector.shape_cast %broadcast_in_dim3A_1604 : vector<16x1xi32> to vector<16xi32>
      %gather3A_1606 = tpu.dynamic_gather %select_n3A_1594[%gather3A_1605] in [0] : vector<16xi32>, vector<16xi32> -> vector<16xi32>
      %lt3A_1607 = arith.cmpf olt, %gather3A_1600, %select_n3A_1593 : vector<16xf32>
      %eq3A_1608 = arith.cmpf oeq, %gather3A_1600, %select_n3A_1593 : vector<16xf32>
      %lt3A_1609 = arith.cmpi slt, %gather3A_1606, %select_n3A_1594 : vector<16xi32>
      %and3A_1610 = arith.andi %eq3A_1608, %lt3A_1609 : vector<16xi1>
      %or3A_1611 = arith.ori %lt3A_1607, %and3A_1610 : vector<16xi1>
      %select_n3A_1612 = arith.select %or3A_1611, %gather3A_1600, %select_n3A_1593 : vector<16xi1>, vector<16xf32>
      %select_n3A_1613 = arith.select %or3A_1611, %gather3A_1606, %select_n3A_1594 : vector<16xi1>, vector<16xi32>
      %xor3A_1614 = arith.constant 1 : i32
      %xor3A_1615 = vector.broadcast %xor3A_1614 : i32 to vector<16xi32>
      %xor3A_1616 = arith.xori %iota3A, %xor3A_1615 : vector<16xi32>
      %broadcast_in_dim3A_1617 = vector.shape_cast %xor3A_1616 : vector<16xi32> to vector<16x1xi32>
      %gather3A_1618 = vector.shape_cast %broadcast_in_dim3A_1617 : vector<16x1xi32> to vector<16xi32>
      %gather3A_1619 = tpu.dynamic_gather %select_n3A_1612[%gather3A_1618] in [0] : vector<16xf32>, vector<16xi32> -> vector<16xf32>
      %xor3A_1620 = arith.constant 1 : i32
      %xor3A_1621 = vector.broadcast %xor3A_1620 : i32 to vector<16xi32>
      %xor3A_1622 = arith.xori %iota3A, %xor3A_1621 : vector<16xi32>
      %broadcast_in_dim3A_1623 = vector.shape_cast %xor3A_1622 : vector<16xi32> to vector<16x1xi32>
      %gather3A_1624 = vector.shape_cast %broadcast_in_dim3A_1623 : vector<16x1xi32> to vector<16xi32>
      %gather3A_1625 = tpu.dynamic_gather %select_n3A_1613[%gather3A_1624] in [0] : vector<16xi32>, vector<16xi32> -> vector<16xi32>
      %lt3A_1626 = arith.cmpf olt, %gather3A_1619, %select_n3A_1612 : vector<16xf32>
      %eq3A_1627 = arith.cmpf oeq, %gather3A_1619, %select_n3A_1612 : vector<16xf32>
      %lt3A_1628 = arith.cmpi slt, %gather3A_1625, %select_n3A_1613 : vector<16xi32>
      %and3A_1629 = arith.andi %eq3A_1627, %lt3A_1628 : vector<16xi1>
      %or3A_1630 = arith.ori %lt3A_1626, %and3A_1629 : vector<16xi1>
      %select_n3A_1631 = arith.select %or3A_1630, %gather3A_1619, %select_n3A_1612 : vector<16xi1>, vector<16xf32>
      %select_n3A_1632 = arith.select %or3A_1630, %gather3A_1625, %select_n3A_1613 : vector<16xi1>, vector<16xi32>
      %slice3A_1633 = vector.extract_strided_slice %select_n3A_1632 {offsets = [0], sizes = [1], strides = [1]} : vector<16xi32> to vector<1xi32>
      %squeeze3A_1634 = vector.extract %slice3A_1633[0] : i32 from vector<1xi32>
      %jit3A_1635 = arith.constant 16 : i32
      %div3A_1636 = arith.divsi %squeeze3A_1634, %jit3A_1635 : i32
      %sign3A_1637 = arith.constant 0 : i32
      %sign3A_1638 = arith.cmpi sgt, %squeeze3A_1634, %sign3A_1637 : i32
      %sign3A_1639 = arith.extui %sign3A_1638 : i1 to i32
      %sign3A_1640 = arith.constant 0 : i32
      %sign3A_1641 = arith.cmpi slt, %squeeze3A_1634, %sign3A_1640 : i32
      %sign3A_1642 = arith.extui %sign3A_1641 : i1 to i32
      %sign3A_1643 = arith.subi %sign3A_1639, %sign3A_1642 : i32
      %sign3A_1644 = arith.constant 0 : i32
      %sign3A_1645 = arith.cmpi sgt, %jit3A_1635, %sign3A_1644 : i32
      %sign3A_1646 = arith.extui %sign3A_1645 : i1 to i32
      %sign3A_1647 = arith.constant 0 : i32
      %sign3A_1648 = arith.cmpi slt, %jit3A_1635, %sign3A_1647 : i32
      %sign3A_1649 = arith.extui %sign3A_1648 : i1 to i32
      %sign3A_1650 = arith.subi %sign3A_1646, %sign3A_1649 : i32
      %ne3A_1651 = arith.cmpi ne, %sign3A_1643, %sign3A_1650 : i32
      %rem3A_1652 = arith.remsi %squeeze3A_1634, %jit3A_1635 : i32
      %ne3A_1653 = arith.constant 0 : i32
      %ne3A_1654 = arith.cmpi ne, %rem3A_1652, %ne3A_1653 : i32
      %and3A_1655 = arith.andi %ne3A_1651, %ne3A_1654 : i1
      %sub3A_1656 = arith.constant 1 : i32
      %sub3A_1657 = arith.subi %div3A_1636, %sub3A_1656 : i32
      %select_n3A_1658 = arith.select %and3A_1655, %sub3A_1657, %div3A_1636 : i32
      %mul3A_1659 = arith.constant 16 : i32
      %mul3A_1660 = arith.muli %select_n3A_1658, %mul3A_1659 : i32
      %get3A_1661 = arith.index_cast %mul3A_1660 : i32 to index
      %get3A_1662 = tpu.vector_load %arg13[%get3A_1661] {strides = array<i32>} : memref<512xi32, #tpu.memory_space<vmem>>, vector<16xi32>,
      %sub3A_1663 = arith.subi %squeeze3A_1634, %mul3A_1660 : i32
      %broadcast_in_dim3A_1664 = vector.broadcast %sub3A_1663 : i32 to vector<16xi32>
      %broadcast_in_dim3A_1665 = vector.shape_cast %broadcast_in_dim3A_1664 : vector<16xi32> to vector<16x1xi32>
      %gather3A_1666 = vector.shape_cast %broadcast_in_dim3A_1665 : vector<16x1xi32> to vector<16xi32>
      %gather3A_1667 = tpu.dynamic_gather %get3A_1662[%gather3A_1666] in [0] : vector<16xi32>, vector<16xi32> -> vector<16xi32>
      %eq3A_1668 = arith.constant 8 : i32
      %eq3A_1669 = vector.broadcast %eq3A_1668 : i32 to vector<16xi32>
      %eq3A_1670 = arith.cmpi eq, %iota3A, %eq3A_1669 : vector<16xi32>
      %select_n3A_1671 = arith.select %eq3A_1670, %gather3A_1667, %select_n3A_1509 : vector<16xi1>, vector<16xi32>
      %jit3A_1672 = arith.constant 16 : i32
      %div3A_1673 = arith.divsi %squeeze3A_1634, %jit3A_1672 : i32
      %sign3A_1674 = arith.constant 0 : i32
      %sign3A_1675 = arith.cmpi sgt, %squeeze3A_1634, %sign3A_1674 : i32
      %sign3A_1676 = arith.extui %sign3A_1675 : i1 to i32
      %sign3A_1677 = arith.constant 0 : i32
      %sign3A_1678 = arith.cmpi slt, %squeeze3A_1634, %sign3A_1677 : i32
      %sign3A_1679 = arith.extui %sign3A_1678 : i1 to i32
      %sign3A_1680 = arith.subi %sign3A_1676, %sign3A_1679 : i32
      %sign3A_1681 = arith.constant 0 : i32
      %sign3A_1682 = arith.cmpi sgt, %jit3A_1672, %sign3A_1681 : i32
      %sign3A_1683 = arith.extui %sign3A_1682 : i1 to i32
      %sign3A_1684 = arith.constant 0 : i32
      %sign3A_1685 = arith.cmpi slt, %jit3A_1672, %sign3A_1684 : i32
      %sign3A_1686 = arith.extui %sign3A_1685 : i1 to i32
      %sign3A_1687 = arith.subi %sign3A_1683, %sign3A_1686 : i32
      %ne3A_1688 = arith.cmpi ne, %sign3A_1680, %sign3A_1687 : i32
      %rem3A_1689 = arith.remsi %squeeze3A_1634, %jit3A_1672 : i32
      %ne3A_1690 = arith.constant 0 : i32
      %ne3A_1691 = arith.cmpi ne, %rem3A_1689, %ne3A_1690 : i32
      %and3A_1692 = arith.andi %ne3A_1688, %ne3A_1691 : i1
      %sub3A_1693 = arith.constant 1 : i32
      %sub3A_1694 = arith.subi %div3A_1673, %sub3A_1693 : i32
      %select_n3A_1695 = arith.select %and3A_1692, %sub3A_1694, %div3A_1673 : i32
      %mul3A_1696 = arith.constant 16 : i32
      %mul3A_1697 = arith.muli %select_n3A_1695, %mul3A_1696 : i32
      %get3A_1698 = arith.index_cast %mul3A_1697 : i32 to index
      %get3A_1699 = tpu.vector_load %arg12[%get3A_1698] {strides = array<i32>} : memref<528xf32, #tpu.memory_space<vmem>>, vector<16xf32>,
      %sub3A_1700 = arith.subi %squeeze3A_1634, %mul3A_1697 : i32
      %eq3A_1701 = vector.broadcast %sub3A_1700 : i32 to vector<16xi32>
      %eq3A_1702 = arith.cmpi eq, %iota3A, %eq3A_1701 : vector<16xi32>
      %jit3A_1703 = arith.constant 3.000000e+38 : f32
      %broadcast_in_dim3A_1704 = vector.broadcast %jit3A_1703 : f32 to vector<16xf32>
      %select_n3A_1705 = arith.select %eq3A_1702, %broadcast_in_dim3A_1704, %get3A_1699 : vector<16xi1>, vector<16xf32>
      %swap3A_1706 = arith.index_cast %mul3A_1697 : i32 to index
      %swap3A_1707 = tpu.vector_load %arg12[%swap3A_1706] {strides = array<i32>} : memref<528xf32, #tpu.memory_space<vmem>>, vector<16xf32>,
      tpu.vector_store %arg12[%swap3A_1706], %select_n3A_1705 {strides = array<i32>} : memref<528xf32, #tpu.memory_space<vmem>>, vector<16xf32>,
      %while3A_1708 = arith.constant 0 : i32
      %while3A_1709 = arith.subi %select_n3A_253, %while3A_1708 : i32
      %while3A_1710 = arith.addi %while3A_1708, %while3A_1709 : i32
      %while3A_1711 = arith.constant 1 : i32
      %while3A_1712 = arith.divsi %while3A_1709, %while3A_1711 : i32
      %while3A_1713 = arith.muli %while3A_1712, %while3A_1711 : i32
      %while3A_1714 = arith.addi %while3A_1708, %while3A_1713 : i32
      %while3A_1715 = arith.constant 1 : i32
      %while3A_1716:2 = scf.for %while3A_3501 = %while3A_1708 to %while3A_1714 step %while3A_1715 iter_args(%while3A_3502 = %broadcast_in_dim3A_1, %while3A_3503 = %broadcast_in_dim3A_5) -> (vector<16xf32>, vector<16xi32>)  : i32 {
        %mul3A_3504 = arith.constant 16 : i32
        %mul3A_3505 = arith.muli %mul3A_3504, %while3A_3501 : i32
        %get3A_3506 = arith.index_cast %mul3A_3505 : i32 to index
        %get3A_3507 = tpu.vector_load %arg12[%get3A_3506] {strides = array<i32>} : memref<528xf32, #tpu.memory_space<vmem>>, vector<16xf32>,
        %lt3A_3508 = arith.cmpf olt, %get3A_3507, %while3A_3502 : vector<16xf32>
        %select_n3A_3509 = arith.select %lt3A_3508, %get3A_3507, %while3A_3502 : vector<16xi1>, vector<16xf32>
        %mul3A_3510 = arith.constant 16 : i32
        %mul3A_3511 = arith.muli %mul3A_3510, %while3A_3501 : i32
        %add3A_3512 = vector.broadcast %mul3A_3511 : i32 to vector<16xi32>
        %add3A_3513 = arith.addi %add3A_3512, %iota3A : vector<16xi32>
        %select_n3A_3514 = arith.select %lt3A_3508, %add3A_3513, %while3A_3503 : vector<16xi1>, vector<16xi32>
        scf.yield %select_n3A_3509, %select_n3A_3514 : vector<16xf32>, vector<16xi32>
      }
      %while3A_1717 = arith.constant 1 : i32
      %while3A_1718:2 = scf.for %while3A_3501 = %while3A_1714 to %while3A_1710 step %while3A_1717 iter_args(%while3A_3502 = %while3A_1716#0, %while3A_3503 = %while3A_1716#1) -> (vector<16xf32>, vector<16xi32>)  : i32 {
        %mul3A_3504 = arith.constant 16 : i32
        %mul3A_3505 = arith.muli %mul3A_3504, %while3A_3501 : i32
        %get3A_3506 = arith.index_cast %mul3A_3505 : i32 to index
        %get3A_3507 = tpu.vector_load %arg12[%get3A_3506] {strides = array<i32>} : memref<528xf32, #tpu.memory_space<vmem>>, vector<16xf32>,
        %lt3A_3508 = arith.cmpf olt, %get3A_3507, %while3A_3502 : vector<16xf32>
        %select_n3A_3509 = arith.select %lt3A_3508, %get3A_3507, %while3A_3502 : vector<16xi1>, vector<16xf32>
        %mul3A_3510 = arith.constant 16 : i32
        %mul3A_3511 = arith.muli %mul3A_3510, %while3A_3501 : i32
        %add3A_3512 = vector.broadcast %mul3A_3511 : i32 to vector<16xi32>
        %add3A_3513 = arith.addi %add3A_3512, %iota3A : vector<16xi32>
        %select_n3A_3514 = arith.select %lt3A_3508, %add3A_3513, %while3A_3503 : vector<16xi1>, vector<16xi32>
        scf.yield %select_n3A_3509, %select_n3A_3514 : vector<16xf32>, vector<16xi32>
      }
      %xor3A_1719 = arith.constant 8 : i32
      %xor3A_1720 = vector.broadcast %xor3A_1719 : i32 to vector<16xi32>
      %xor3A_1721 = arith.xori %iota3A, %xor3A_1720 : vector<16xi32>
      %broadcast_in_dim3A_1722 = vector.shape_cast %xor3A_1721 : vector<16xi32> to vector<16x1xi32>
      %gather3A_1723 = vector.shape_cast %broadcast_in_dim3A_1722 : vector<16x1xi32> to vector<16xi32>
      %gather3A_1724 = tpu.dynamic_gather %while3A_1718#0[%gather3A_1723] in [0] : vector<16xf32>, vector<16xi32> -> vector<16xf32>
      %xor3A_1725 = arith.constant 8 : i32
      %xor3A_1726 = vector.broadcast %xor3A_1725 : i32 to vector<16xi32>
      %xor3A_1727 = arith.xori %iota3A, %xor3A_1726 : vector<16xi32>
      %broadcast_in_dim3A_1728 = vector.shape_cast %xor3A_1727 : vector<16xi32> to vector<16x1xi32>
      %gather3A_1729 = vector.shape_cast %broadcast_in_dim3A_1728 : vector<16x1xi32> to vector<16xi32>
      %gather3A_1730 = tpu.dynamic_gather %while3A_1718#1[%gather3A_1729] in [0] : vector<16xi32>, vector<16xi32> -> vector<16xi32>
      %lt3A_1731 = arith.cmpf olt, %gather3A_1724, %while3A_1718#0 : vector<16xf32>
      %eq3A_1732 = arith.cmpf oeq, %gather3A_1724, %while3A_1718#0 : vector<16xf32>
      %lt3A_1733 = arith.cmpi slt, %gather3A_1730, %while3A_1718#1 : vector<16xi32>
      %and3A_1734 = arith.andi %eq3A_1732, %lt3A_1733 : vector<16xi1>
      %or3A_1735 = arith.ori %lt3A_1731, %and3A_1734 : vector<16xi1>
      %select_n3A_1736 = arith.select %or3A_1735, %gather3A_1724, %while3A_1718#0 : vector<16xi1>, vector<16xf32>
      %select_n3A_1737 = arith.select %or3A_1735, %gather3A_1730, %while3A_1718#1 : vector<16xi1>, vector<16xi32>
      %xor3A_1738 = arith.constant 4 : i32
      %xor3A_1739 = vector.broadcast %xor3A_1738 : i32 to vector<16xi32>
      %xor3A_1740 = arith.xori %iota3A, %xor3A_1739 : vector<16xi32>
      %broadcast_in_dim3A_1741 = vector.shape_cast %xor3A_1740 : vector<16xi32> to vector<16x1xi32>
      %gather3A_1742 = vector.shape_cast %broadcast_in_dim3A_1741 : vector<16x1xi32> to vector<16xi32>
      %gather3A_1743 = tpu.dynamic_gather %select_n3A_1736[%gather3A_1742] in [0] : vector<16xf32>, vector<16xi32> -> vector<16xf32>
      %xor3A_1744 = arith.constant 4 : i32
      %xor3A_1745 = vector.broadcast %xor3A_1744 : i32 to vector<16xi32>
      %xor3A_1746 = arith.xori %iota3A, %xor3A_1745 : vector<16xi32>
      %broadcast_in_dim3A_1747 = vector.shape_cast %xor3A_1746 : vector<16xi32> to vector<16x1xi32>
      %gather3A_1748 = vector.shape_cast %broadcast_in_dim3A_1747 : vector<16x1xi32> to vector<16xi32>
      %gather3A_1749 = tpu.dynamic_gather %select_n3A_1737[%gather3A_1748] in [0] : vector<16xi32>, vector<16xi32> -> vector<16xi32>
      %lt3A_1750 = arith.cmpf olt, %gather3A_1743, %select_n3A_1736 : vector<16xf32>
      %eq3A_1751 = arith.cmpf oeq, %gather3A_1743, %select_n3A_1736 : vector<16xf32>
      %lt3A_1752 = arith.cmpi slt, %gather3A_1749, %select_n3A_1737 : vector<16xi32>
      %and3A_1753 = arith.andi %eq3A_1751, %lt3A_1752 : vector<16xi1>
      %or3A_1754 = arith.ori %lt3A_1750, %and3A_1753 : vector<16xi1>
      %select_n3A_1755 = arith.select %or3A_1754, %gather3A_1743, %select_n3A_1736 : vector<16xi1>, vector<16xf32>
      %select_n3A_1756 = arith.select %or3A_1754, %gather3A_1749, %select_n3A_1737 : vector<16xi1>, vector<16xi32>
      %xor3A_1757 = arith.constant 2 : i32
      %xor3A_1758 = vector.broadcast %xor3A_1757 : i32 to vector<16xi32>
      %xor3A_1759 = arith.xori %iota3A, %xor3A_1758 : vector<16xi32>
      %broadcast_in_dim3A_1760 = vector.shape_cast %xor3A_1759 : vector<16xi32> to vector<16x1xi32>
      %gather3A_1761 = vector.shape_cast %broadcast_in_dim3A_1760 : vector<16x1xi32> to vector<16xi32>
      %gather3A_1762 = tpu.dynamic_gather %select_n3A_1755[%gather3A_1761] in [0] : vector<16xf32>, vector<16xi32> -> vector<16xf32>
      %xor3A_1763 = arith.constant 2 : i32
      %xor3A_1764 = vector.broadcast %xor3A_1763 : i32 to vector<16xi32>
      %xor3A_1765 = arith.xori %iota3A, %xor3A_1764 : vector<16xi32>
      %broadcast_in_dim3A_1766 = vector.shape_cast %xor3A_1765 : vector<16xi32> to vector<16x1xi32>
      %gather3A_1767 = vector.shape_cast %broadcast_in_dim3A_1766 : vector<16x1xi32> to vector<16xi32>
      %gather3A_1768 = tpu.dynamic_gather %select_n3A_1756[%gather3A_1767] in [0] : vector<16xi32>, vector<16xi32> -> vector<16xi32>
      %lt3A_1769 = arith.cmpf olt, %gather3A_1762, %select_n3A_1755 : vector<16xf32>
      %eq3A_1770 = arith.cmpf oeq, %gather3A_1762, %select_n3A_1755 : vector<16xf32>
      %lt3A_1771 = arith.cmpi slt, %gather3A_1768, %select_n3A_1756 : vector<16xi32>
      %and3A_1772 = arith.andi %eq3A_1770, %lt3A_1771 : vector<16xi1>
      %or3A_1773 = arith.ori %lt3A_1769, %and3A_1772 : vector<16xi1>
      %select_n3A_1774 = arith.select %or3A_1773, %gather3A_1762, %select_n3A_1755 : vector<16xi1>, vector<16xf32>
      %select_n3A_1775 = arith.select %or3A_1773, %gather3A_1768, %select_n3A_1756 : vector<16xi1>, vector<16xi32>
      %xor3A_1776 = arith.constant 1 : i32
      %xor3A_1777 = vector.broadcast %xor3A_1776 : i32 to vector<16xi32>
      %xor3A_1778 = arith.xori %iota3A, %xor3A_1777 : vector<16xi32>
      %broadcast_in_dim3A_1779 = vector.shape_cast %xor3A_1778 : vector<16xi32> to vector<16x1xi32>
      %gather3A_1780 = vector.shape_cast %broadcast_in_dim3A_1779 : vector<16x1xi32> to vector<16xi32>
      %gather3A_1781 = tpu.dynamic_gather %select_n3A_1774[%gather3A_1780] in [0] : vector<16xf32>, vector<16xi32> -> vector<16xf32>
      %xor3A_1782 = arith.constant 1 : i32
      %xor3A_1783 = vector.broadcast %xor3A_1782 : i32 to vector<16xi32>
      %xor3A_1784 = arith.xori %iota3A, %xor3A_1783 : vector<16xi32>
      %broadcast_in_dim3A_1785 = vector.shape_cast %xor3A_1784 : vector<16xi32> to vector<16x1xi32>
      %gather3A_1786 = vector.shape_cast %broadcast_in_dim3A_1785 : vector<16x1xi32> to vector<16xi32>
      %gather3A_1787 = tpu.dynamic_gather %select_n3A_1775[%gather3A_1786] in [0] : vector<16xi32>, vector<16xi32> -> vector<16xi32>
      %lt3A_1788 = arith.cmpf olt, %gather3A_1781, %select_n3A_1774 : vector<16xf32>
      %eq3A_1789 = arith.cmpf oeq, %gather3A_1781, %select_n3A_1774 : vector<16xf32>
      %lt3A_1790 = arith.cmpi slt, %gather3A_1787, %select_n3A_1775 : vector<16xi32>
      %and3A_1791 = arith.andi %eq3A_1789, %lt3A_1790 : vector<16xi1>
      %or3A_1792 = arith.ori %lt3A_1788, %and3A_1791 : vector<16xi1>
      %select_n3A_1793 = arith.select %or3A_1792, %gather3A_1781, %select_n3A_1774 : vector<16xi1>, vector<16xf32>
      %select_n3A_1794 = arith.select %or3A_1792, %gather3A_1787, %select_n3A_1775 : vector<16xi1>, vector<16xi32>
      %slice3A_1795 = vector.extract_strided_slice %select_n3A_1794 {offsets = [0], sizes = [1], strides = [1]} : vector<16xi32> to vector<1xi32>
      %squeeze3A_1796 = vector.extract %slice3A_1795[0] : i32 from vector<1xi32>
      %jit3A_1797 = arith.constant 16 : i32
      %div3A_1798 = arith.divsi %squeeze3A_1796, %jit3A_1797 : i32
      %sign3A_1799 = arith.constant 0 : i32
      %sign3A_1800 = arith.cmpi sgt, %squeeze3A_1796, %sign3A_1799 : i32
      %sign3A_1801 = arith.extui %sign3A_1800 : i1 to i32
      %sign3A_1802 = arith.constant 0 : i32
      %sign3A_1803 = arith.cmpi slt, %squeeze3A_1796, %sign3A_1802 : i32
      %sign3A_1804 = arith.extui %sign3A_1803 : i1 to i32
      %sign3A_1805 = arith.subi %sign3A_1801, %sign3A_1804 : i32
      %sign3A_1806 = arith.constant 0 : i32
      %sign3A_1807 = arith.cmpi sgt, %jit3A_1797, %sign3A_1806 : i32
      %sign3A_1808 = arith.extui %sign3A_1807 : i1 to i32
      %sign3A_1809 = arith.constant 0 : i32
      %sign3A_1810 = arith.cmpi slt, %jit3A_1797, %sign3A_1809 : i32
      %sign3A_1811 = arith.extui %sign3A_1810 : i1 to i32
      %sign3A_1812 = arith.subi %sign3A_1808, %sign3A_1811 : i32
      %ne3A_1813 = arith.cmpi ne, %sign3A_1805, %sign3A_1812 : i32
      %rem3A_1814 = arith.remsi %squeeze3A_1796, %jit3A_1797 : i32
      %ne3A_1815 = arith.constant 0 : i32
      %ne3A_1816 = arith.cmpi ne, %rem3A_1814, %ne3A_1815 : i32
      %and3A_1817 = arith.andi %ne3A_1813, %ne3A_1816 : i1
      %sub3A_1818 = arith.constant 1 : i32
      %sub3A_1819 = arith.subi %div3A_1798, %sub3A_1818 : i32
      %select_n3A_1820 = arith.select %and3A_1817, %sub3A_1819, %div3A_1798 : i32
      %mul3A_1821 = arith.constant 16 : i32
      %mul3A_1822 = arith.muli %select_n3A_1820, %mul3A_1821 : i32
      %get3A_1823 = arith.index_cast %mul3A_1822 : i32 to index
      %get3A_1824 = tpu.vector_load %arg13[%get3A_1823] {strides = array<i32>} : memref<512xi32, #tpu.memory_space<vmem>>, vector<16xi32>,
      %sub3A_1825 = arith.subi %squeeze3A_1796, %mul3A_1822 : i32
      %broadcast_in_dim3A_1826 = vector.broadcast %sub3A_1825 : i32 to vector<16xi32>
      %broadcast_in_dim3A_1827 = vector.shape_cast %broadcast_in_dim3A_1826 : vector<16xi32> to vector<16x1xi32>
      %gather3A_1828 = vector.shape_cast %broadcast_in_dim3A_1827 : vector<16x1xi32> to vector<16xi32>
      %gather3A_1829 = tpu.dynamic_gather %get3A_1824[%gather3A_1828] in [0] : vector<16xi32>, vector<16xi32> -> vector<16xi32>
      %eq3A_1830 = arith.constant 9 : i32
      %eq3A_1831 = vector.broadcast %eq3A_1830 : i32 to vector<16xi32>
      %eq3A_1832 = arith.cmpi eq, %iota3A, %eq3A_1831 : vector<16xi32>
      %select_n3A_1833 = arith.select %eq3A_1832, %gather3A_1829, %select_n3A_1671 : vector<16xi1>, vector<16xi32>
      %jit3A_1834 = arith.constant 16 : i32
      %div3A_1835 = arith.divsi %squeeze3A_1796, %jit3A_1834 : i32
      %sign3A_1836 = arith.constant 0 : i32
      %sign3A_1837 = arith.cmpi sgt, %squeeze3A_1796, %sign3A_1836 : i32
      %sign3A_1838 = arith.extui %sign3A_1837 : i1 to i32
      %sign3A_1839 = arith.constant 0 : i32
      %sign3A_1840 = arith.cmpi slt, %squeeze3A_1796, %sign3A_1839 : i32
      %sign3A_1841 = arith.extui %sign3A_1840 : i1 to i32
      %sign3A_1842 = arith.subi %sign3A_1838, %sign3A_1841 : i32
      %sign3A_1843 = arith.constant 0 : i32
      %sign3A_1844 = arith.cmpi sgt, %jit3A_1834, %sign3A_1843 : i32
      %sign3A_1845 = arith.extui %sign3A_1844 : i1 to i32
      %sign3A_1846 = arith.constant 0 : i32
      %sign3A_1847 = arith.cmpi slt, %jit3A_1834, %sign3A_1846 : i32
      %sign3A_1848 = arith.extui %sign3A_1847 : i1 to i32
      %sign3A_1849 = arith.subi %sign3A_1845, %sign3A_1848 : i32
      %ne3A_1850 = arith.cmpi ne, %sign3A_1842, %sign3A_1849 : i32
      %rem3A_1851 = arith.remsi %squeeze3A_1796, %jit3A_1834 : i32
      %ne3A_1852 = arith.constant 0 : i32
      %ne3A_1853 = arith.cmpi ne, %rem3A_1851, %ne3A_1852 : i32
      %and3A_1854 = arith.andi %ne3A_1850, %ne3A_1853 : i1
      %sub3A_1855 = arith.constant 1 : i32
      %sub3A_1856 = arith.subi %div3A_1835, %sub3A_1855 : i32
      %select_n3A_1857 = arith.select %and3A_1854, %sub3A_1856, %div3A_1835 : i32
      %mul3A_1858 = arith.constant 16 : i32
      %mul3A_1859 = arith.muli %select_n3A_1857, %mul3A_1858 : i32
      %get3A_1860 = arith.index_cast %mul3A_1859 : i32 to index
      %get3A_1861 = tpu.vector_load %arg12[%get3A_1860] {strides = array<i32>} : memref<528xf32, #tpu.memory_space<vmem>>, vector<16xf32>,
      %sub3A_1862 = arith.subi %squeeze3A_1796, %mul3A_1859 : i32
      %eq3A_1863 = vector.broadcast %sub3A_1862 : i32 to vector<16xi32>
      %eq3A_1864 = arith.cmpi eq, %iota3A, %eq3A_1863 : vector<16xi32>
      %jit3A_1865 = arith.constant 3.000000e+38 : f32
      %broadcast_in_dim3A_1866 = vector.broadcast %jit3A_1865 : f32 to vector<16xf32>
      %select_n3A_1867 = arith.select %eq3A_1864, %broadcast_in_dim3A_1866, %get3A_1861 : vector<16xi1>, vector<16xf32>
      %swap3A_1868 = arith.index_cast %mul3A_1859 : i32 to index
      %swap3A_1869 = tpu.vector_load %arg12[%swap3A_1868] {strides = array<i32>} : memref<528xf32, #tpu.memory_space<vmem>>, vector<16xf32>,
      tpu.vector_store %arg12[%swap3A_1868], %select_n3A_1867 {strides = array<i32>} : memref<528xf32, #tpu.memory_space<vmem>>, vector<16xf32>,
      %while3A_1870 = arith.constant 0 : i32
      %while3A_1871 = arith.subi %select_n3A_253, %while3A_1870 : i32
      %while3A_1872 = arith.addi %while3A_1870, %while3A_1871 : i32
      %while3A_1873 = arith.constant 1 : i32
      %while3A_1874 = arith.divsi %while3A_1871, %while3A_1873 : i32
      %while3A_1875 = arith.muli %while3A_1874, %while3A_1873 : i32
      %while3A_1876 = arith.addi %while3A_1870, %while3A_1875 : i32
      %while3A_1877 = arith.constant 1 : i32
      %while3A_1878:2 = scf.for %while3A_3501 = %while3A_1870 to %while3A_1876 step %while3A_1877 iter_args(%while3A_3502 = %broadcast_in_dim3A_1, %while3A_3503 = %broadcast_in_dim3A_5) -> (vector<16xf32>, vector<16xi32>)  : i32 {
        %mul3A_3504 = arith.constant 16 : i32
        %mul3A_3505 = arith.muli %mul3A_3504, %while3A_3501 : i32
        %get3A_3506 = arith.index_cast %mul3A_3505 : i32 to index
        %get3A_3507 = tpu.vector_load %arg12[%get3A_3506] {strides = array<i32>} : memref<528xf32, #tpu.memory_space<vmem>>, vector<16xf32>,
        %lt3A_3508 = arith.cmpf olt, %get3A_3507, %while3A_3502 : vector<16xf32>
        %select_n3A_3509 = arith.select %lt3A_3508, %get3A_3507, %while3A_3502 : vector<16xi1>, vector<16xf32>
        %mul3A_3510 = arith.constant 16 : i32
        %mul3A_3511 = arith.muli %mul3A_3510, %while3A_3501 : i32
        %add3A_3512 = vector.broadcast %mul3A_3511 : i32 to vector<16xi32>
        %add3A_3513 = arith.addi %add3A_3512, %iota3A : vector<16xi32>
        %select_n3A_3514 = arith.select %lt3A_3508, %add3A_3513, %while3A_3503 : vector<16xi1>, vector<16xi32>
        scf.yield %select_n3A_3509, %select_n3A_3514 : vector<16xf32>, vector<16xi32>
      }
      %while3A_1879 = arith.constant 1 : i32
      %while3A_1880:2 = scf.for %while3A_3501 = %while3A_1876 to %while3A_1872 step %while3A_1879 iter_args(%while3A_3502 = %while3A_1878#0, %while3A_3503 = %while3A_1878#1) -> (vector<16xf32>, vector<16xi32>)  : i32 {
        %mul3A_3504 = arith.constant 16 : i32
        %mul3A_3505 = arith.muli %mul3A_3504, %while3A_3501 : i32
        %get3A_3506 = arith.index_cast %mul3A_3505 : i32 to index
        %get3A_3507 = tpu.vector_load %arg12[%get3A_3506] {strides = array<i32>} : memref<528xf32, #tpu.memory_space<vmem>>, vector<16xf32>,
        %lt3A_3508 = arith.cmpf olt, %get3A_3507, %while3A_3502 : vector<16xf32>
        %select_n3A_3509 = arith.select %lt3A_3508, %get3A_3507, %while3A_3502 : vector<16xi1>, vector<16xf32>
        %mul3A_3510 = arith.constant 16 : i32
        %mul3A_3511 = arith.muli %mul3A_3510, %while3A_3501 : i32
        %add3A_3512 = vector.broadcast %mul3A_3511 : i32 to vector<16xi32>
        %add3A_3513 = arith.addi %add3A_3512, %iota3A : vector<16xi32>
        %select_n3A_3514 = arith.select %lt3A_3508, %add3A_3513, %while3A_3503 : vector<16xi1>, vector<16xi32>
        scf.yield %select_n3A_3509, %select_n3A_3514 : vector<16xf32>, vector<16xi32>
      }
      %xor3A_1881 = arith.constant 8 : i32
      %xor3A_1882 = vector.broadcast %xor3A_1881 : i32 to vector<16xi32>
      %xor3A_1883 = arith.xori %iota3A, %xor3A_1882 : vector<16xi32>
      %broadcast_in_dim3A_1884 = vector.shape_cast %xor3A_1883 : vector<16xi32> to vector<16x1xi32>
      %gather3A_1885 = vector.shape_cast %broadcast_in_dim3A_1884 : vector<16x1xi32> to vector<16xi32>
      %gather3A_1886 = tpu.dynamic_gather %while3A_1880#0[%gather3A_1885] in [0] : vector<16xf32>, vector<16xi32> -> vector<16xf32>
      %xor3A_1887 = arith.constant 8 : i32
      %xor3A_1888 = vector.broadcast %xor3A_1887 : i32 to vector<16xi32>
      %xor3A_1889 = arith.xori %iota3A, %xor3A_1888 : vector<16xi32>
      %broadcast_in_dim3A_1890 = vector.shape_cast %xor3A_1889 : vector<16xi32> to vector<16x1xi32>
      %gather3A_1891 = vector.shape_cast %broadcast_in_dim3A_1890 : vector<16x1xi32> to vector<16xi32>
      %gather3A_1892 = tpu.dynamic_gather %while3A_1880#1[%gather3A_1891] in [0] : vector<16xi32>, vector<16xi32> -> vector<16xi32>
      %lt3A_1893 = arith.cmpf olt, %gather3A_1886, %while3A_1880#0 : vector<16xf32>
      %eq3A_1894 = arith.cmpf oeq, %gather3A_1886, %while3A_1880#0 : vector<16xf32>
      %lt3A_1895 = arith.cmpi slt, %gather3A_1892, %while3A_1880#1 : vector<16xi32>
      %and3A_1896 = arith.andi %eq3A_1894, %lt3A_1895 : vector<16xi1>
      %or3A_1897 = arith.ori %lt3A_1893, %and3A_1896 : vector<16xi1>
      %select_n3A_1898 = arith.select %or3A_1897, %gather3A_1886, %while3A_1880#0 : vector<16xi1>, vector<16xf32>
      %select_n3A_1899 = arith.select %or3A_1897, %gather3A_1892, %while3A_1880#1 : vector<16xi1>, vector<16xi32>
      %xor3A_1900 = arith.constant 4 : i32
      %xor3A_1901 = vector.broadcast %xor3A_1900 : i32 to vector<16xi32>
      %xor3A_1902 = arith.xori %iota3A, %xor3A_1901 : vector<16xi32>
      %broadcast_in_dim3A_1903 = vector.shape_cast %xor3A_1902 : vector<16xi32> to vector<16x1xi32>
      %gather3A_1904 = vector.shape_cast %broadcast_in_dim3A_1903 : vector<16x1xi32> to vector<16xi32>
      %gather3A_1905 = tpu.dynamic_gather %select_n3A_1898[%gather3A_1904] in [0] : vector<16xf32>, vector<16xi32> -> vector<16xf32>
      %xor3A_1906 = arith.constant 4 : i32
      %xor3A_1907 = vector.broadcast %xor3A_1906 : i32 to vector<16xi32>
      %xor3A_1908 = arith.xori %iota3A, %xor3A_1907 : vector<16xi32>
      %broadcast_in_dim3A_1909 = vector.shape_cast %xor3A_1908 : vector<16xi32> to vector<16x1xi32>
      %gather3A_1910 = vector.shape_cast %broadcast_in_dim3A_1909 : vector<16x1xi32> to vector<16xi32>
      %gather3A_1911 = tpu.dynamic_gather %select_n3A_1899[%gather3A_1910] in [0] : vector<16xi32>, vector<16xi32> -> vector<16xi32>
      %lt3A_1912 = arith.cmpf olt, %gather3A_1905, %select_n3A_1898 : vector<16xf32>
      %eq3A_1913 = arith.cmpf oeq, %gather3A_1905, %select_n3A_1898 : vector<16xf32>
      %lt3A_1914 = arith.cmpi slt, %gather3A_1911, %select_n3A_1899 : vector<16xi32>
      %and3A_1915 = arith.andi %eq3A_1913, %lt3A_1914 : vector<16xi1>
      %or3A_1916 = arith.ori %lt3A_1912, %and3A_1915 : vector<16xi1>
      %select_n3A_1917 = arith.select %or3A_1916, %gather3A_1905, %select_n3A_1898 : vector<16xi1>, vector<16xf32>
      %select_n3A_1918 = arith.select %or3A_1916, %gather3A_1911, %select_n3A_1899 : vector<16xi1>, vector<16xi32>
      %xor3A_1919 = arith.constant 2 : i32
      %xor3A_1920 = vector.broadcast %xor3A_1919 : i32 to vector<16xi32>
      %xor3A_1921 = arith.xori %iota3A, %xor3A_1920 : vector<16xi32>
      %broadcast_in_dim3A_1922 = vector.shape_cast %xor3A_1921 : vector<16xi32> to vector<16x1xi32>
      %gather3A_1923 = vector.shape_cast %broadcast_in_dim3A_1922 : vector<16x1xi32> to vector<16xi32>
      %gather3A_1924 = tpu.dynamic_gather %select_n3A_1917[%gather3A_1923] in [0] : vector<16xf32>, vector<16xi32> -> vector<16xf32>
      %xor3A_1925 = arith.constant 2 : i32
      %xor3A_1926 = vector.broadcast %xor3A_1925 : i32 to vector<16xi32>
      %xor3A_1927 = arith.xori %iota3A, %xor3A_1926 : vector<16xi32>
      %broadcast_in_dim3A_1928 = vector.shape_cast %xor3A_1927 : vector<16xi32> to vector<16x1xi32>
      %gather3A_1929 = vector.shape_cast %broadcast_in_dim3A_1928 : vector<16x1xi32> to vector<16xi32>
      %gather3A_1930 = tpu.dynamic_gather %select_n3A_1918[%gather3A_1929] in [0] : vector<16xi32>, vector<16xi32> -> vector<16xi32>
      %lt3A_1931 = arith.cmpf olt, %gather3A_1924, %select_n3A_1917 : vector<16xf32>
      %eq3A_1932 = arith.cmpf oeq, %gather3A_1924, %select_n3A_1917 : vector<16xf32>
      %lt3A_1933 = arith.cmpi slt, %gather3A_1930, %select_n3A_1918 : vector<16xi32>
      %and3A_1934 = arith.andi %eq3A_1932, %lt3A_1933 : vector<16xi1>
      %or3A_1935 = arith.ori %lt3A_1931, %and3A_1934 : vector<16xi1>
      %select_n3A_1936 = arith.select %or3A_1935, %gather3A_1924, %select_n3A_1917 : vector<16xi1>, vector<16xf32>
      %select_n3A_1937 = arith.select %or3A_1935, %gather3A_1930, %select_n3A_1918 : vector<16xi1>, vector<16xi32>
      %xor3A_1938 = arith.constant 1 : i32
      %xor3A_1939 = vector.broadcast %xor3A_1938 : i32 to vector<16xi32>
      %xor3A_1940 = arith.xori %iota3A, %xor3A_1939 : vector<16xi32>
      %broadcast_in_dim3A_1941 = vector.shape_cast %xor3A_1940 : vector<16xi32> to vector<16x1xi32>
      %gather3A_1942 = vector.shape_cast %broadcast_in_dim3A_1941 : vector<16x1xi32> to vector<16xi32>
      %gather3A_1943 = tpu.dynamic_gather %select_n3A_1936[%gather3A_1942] in [0] : vector<16xf32>, vector<16xi32> -> vector<16xf32>
      %xor3A_1944 = arith.constant 1 : i32
      %xor3A_1945 = vector.broadcast %xor3A_1944 : i32 to vector<16xi32>
      %xor3A_1946 = arith.xori %iota3A, %xor3A_1945 : vector<16xi32>
      %broadcast_in_dim3A_1947 = vector.shape_cast %xor3A_1946 : vector<16xi32> to vector<16x1xi32>
      %gather3A_1948 = vector.shape_cast %broadcast_in_dim3A_1947 : vector<16x1xi32> to vector<16xi32>
      %gather3A_1949 = tpu.dynamic_gather %select_n3A_1937[%gather3A_1948] in [0] : vector<16xi32>, vector<16xi32> -> vector<16xi32>
      %lt3A_1950 = arith.cmpf olt, %gather3A_1943, %select_n3A_1936 : vector<16xf32>
      %eq3A_1951 = arith.cmpf oeq, %gather3A_1943, %select_n3A_1936 : vector<16xf32>
      %lt3A_1952 = arith.cmpi slt, %gather3A_1949, %select_n3A_1937 : vector<16xi32>
      %and3A_1953 = arith.andi %eq3A_1951, %lt3A_1952 : vector<16xi1>
      %or3A_1954 = arith.ori %lt3A_1950, %and3A_1953 : vector<16xi1>
      %select_n3A_1955 = arith.select %or3A_1954, %gather3A_1943, %select_n3A_1936 : vector<16xi1>, vector<16xf32>
      %select_n3A_1956 = arith.select %or3A_1954, %gather3A_1949, %select_n3A_1937 : vector<16xi1>, vector<16xi32>
      %slice3A_1957 = vector.extract_strided_slice %select_n3A_1956 {offsets = [0], sizes = [1], strides = [1]} : vector<16xi32> to vector<1xi32>
      %squeeze3A_1958 = vector.extract %slice3A_1957[0] : i32 from vector<1xi32>
      %jit3A_1959 = arith.constant 16 : i32
      %div3A_1960 = arith.divsi %squeeze3A_1958, %jit3A_1959 : i32
      %sign3A_1961 = arith.constant 0 : i32
      %sign3A_1962 = arith.cmpi sgt, %squeeze3A_1958, %sign3A_1961 : i32
      %sign3A_1963 = arith.extui %sign3A_1962 : i1 to i32
      %sign3A_1964 = arith.constant 0 : i32
      %sign3A_1965 = arith.cmpi slt, %squeeze3A_1958, %sign3A_1964 : i32
      %sign3A_1966 = arith.extui %sign3A_1965 : i1 to i32
      %sign3A_1967 = arith.subi %sign3A_1963, %sign3A_1966 : i32
      %sign3A_1968 = arith.constant 0 : i32
      %sign3A_1969 = arith.cmpi sgt, %jit3A_1959, %sign3A_1968 : i32
      %sign3A_1970 = arith.extui %sign3A_1969 : i1 to i32
      %sign3A_1971 = arith.constant 0 : i32
      %sign3A_1972 = arith.cmpi slt, %jit3A_1959, %sign3A_1971 : i32
      %sign3A_1973 = arith.extui %sign3A_1972 : i1 to i32
      %sign3A_1974 = arith.subi %sign3A_1970, %sign3A_1973 : i32
      %ne3A_1975 = arith.cmpi ne, %sign3A_1967, %sign3A_1974 : i32
      %rem3A_1976 = arith.remsi %squeeze3A_1958, %jit3A_1959 : i32
      %ne3A_1977 = arith.constant 0 : i32
      %ne3A_1978 = arith.cmpi ne, %rem3A_1976, %ne3A_1977 : i32
      %and3A_1979 = arith.andi %ne3A_1975, %ne3A_1978 : i1
      %sub3A_1980 = arith.constant 1 : i32
      %sub3A_1981 = arith.subi %div3A_1960, %sub3A_1980 : i32
      %select_n3A_1982 = arith.select %and3A_1979, %sub3A_1981, %div3A_1960 : i32
      %mul3A_1983 = arith.constant 16 : i32
      %mul3A_1984 = arith.muli %select_n3A_1982, %mul3A_1983 : i32
      %get3A_1985 = arith.index_cast %mul3A_1984 : i32 to index
      %get3A_1986 = tpu.vector_load %arg13[%get3A_1985] {strides = array<i32>} : memref<512xi32, #tpu.memory_space<vmem>>, vector<16xi32>,
      %sub3A_1987 = arith.subi %squeeze3A_1958, %mul3A_1984 : i32
      %broadcast_in_dim3A_1988 = vector.broadcast %sub3A_1987 : i32 to vector<16xi32>
      %broadcast_in_dim3A_1989 = vector.shape_cast %broadcast_in_dim3A_1988 : vector<16xi32> to vector<16x1xi32>
      %gather3A_1990 = vector.shape_cast %broadcast_in_dim3A_1989 : vector<16x1xi32> to vector<16xi32>
      %gather3A_1991 = tpu.dynamic_gather %get3A_1986[%gather3A_1990] in [0] : vector<16xi32>, vector<16xi32> -> vector<16xi32>
      %eq3A_1992 = arith.constant 10 : i32
      %eq3A_1993 = vector.broadcast %eq3A_1992 : i32 to vector<16xi32>
      %eq3A_1994 = arith.cmpi eq, %iota3A, %eq3A_1993 : vector<16xi32>
      %select_n3A_1995 = arith.select %eq3A_1994, %gather3A_1991, %select_n3A_1833 : vector<16xi1>, vector<16xi32>
      %jit3A_1996 = arith.constant 16 : i32
      %div3A_1997 = arith.divsi %squeeze3A_1958, %jit3A_1996 : i32
      %sign3A_1998 = arith.constant 0 : i32
      %sign3A_1999 = arith.cmpi sgt, %squeeze3A_1958, %sign3A_1998 : i32
      %sign3A_2000 = arith.extui %sign3A_1999 : i1 to i32
      %sign3A_2001 = arith.constant 0 : i32
      %sign3A_2002 = arith.cmpi slt, %squeeze3A_1958, %sign3A_2001 : i32
      %sign3A_2003 = arith.extui %sign3A_2002 : i1 to i32
      %sign3A_2004 = arith.subi %sign3A_2000, %sign3A_2003 : i32
      %sign3A_2005 = arith.constant 0 : i32
      %sign3A_2006 = arith.cmpi sgt, %jit3A_1996, %sign3A_2005 : i32
      %sign3A_2007 = arith.extui %sign3A_2006 : i1 to i32
      %sign3A_2008 = arith.constant 0 : i32
      %sign3A_2009 = arith.cmpi slt, %jit3A_1996, %sign3A_2008 : i32
      %sign3A_2010 = arith.extui %sign3A_2009 : i1 to i32
      %sign3A_2011 = arith.subi %sign3A_2007, %sign3A_2010 : i32
      %ne3A_2012 = arith.cmpi ne, %sign3A_2004, %sign3A_2011 : i32
      %rem3A_2013 = arith.remsi %squeeze3A_1958, %jit3A_1996 : i32
      %ne3A_2014 = arith.constant 0 : i32
      %ne3A_2015 = arith.cmpi ne, %rem3A_2013, %ne3A_2014 : i32
      %and3A_2016 = arith.andi %ne3A_2012, %ne3A_2015 : i1
      %sub3A_2017 = arith.constant 1 : i32
      %sub3A_2018 = arith.subi %div3A_1997, %sub3A_2017 : i32
      %select_n3A_2019 = arith.select %and3A_2016, %sub3A_2018, %div3A_1997 : i32
      %mul3A_2020 = arith.constant 16 : i32
      %mul3A_2021 = arith.muli %select_n3A_2019, %mul3A_2020 : i32
      %get3A_2022 = arith.index_cast %mul3A_2021 : i32 to index
      %get3A_2023 = tpu.vector_load %arg12[%get3A_2022] {strides = array<i32>} : memref<528xf32, #tpu.memory_space<vmem>>, vector<16xf32>,
      %sub3A_2024 = arith.subi %squeeze3A_1958, %mul3A_2021 : i32
      %eq3A_2025 = vector.broadcast %sub3A_2024 : i32 to vector<16xi32>
      %eq3A_2026 = arith.cmpi eq, %iota3A, %eq3A_2025 : vector<16xi32>
      %jit3A_2027 = arith.constant 3.000000e+38 : f32
      %broadcast_in_dim3A_2028 = vector.broadcast %jit3A_2027 : f32 to vector<16xf32>
      %select_n3A_2029 = arith.select %eq3A_2026, %broadcast_in_dim3A_2028, %get3A_2023 : vector<16xi1>, vector<16xf32>
      %swap3A_2030 = arith.index_cast %mul3A_2021 : i32 to index
      %swap3A_2031 = tpu.vector_load %arg12[%swap3A_2030] {strides = array<i32>} : memref<528xf32, #tpu.memory_space<vmem>>, vector<16xf32>,
      tpu.vector_store %arg12[%swap3A_2030], %select_n3A_2029 {strides = array<i32>} : memref<528xf32, #tpu.memory_space<vmem>>, vector<16xf32>,
      %while3A_2032 = arith.constant 0 : i32
      %while3A_2033 = arith.subi %select_n3A_253, %while3A_2032 : i32
      %while3A_2034 = arith.addi %while3A_2032, %while3A_2033 : i32
      %while3A_2035 = arith.constant 1 : i32
      %while3A_2036 = arith.divsi %while3A_2033, %while3A_2035 : i32
      %while3A_2037 = arith.muli %while3A_2036, %while3A_2035 : i32
      %while3A_2038 = arith.addi %while3A_2032, %while3A_2037 : i32
      %while3A_2039 = arith.constant 1 : i32
      %while3A_2040:2 = scf.for %while3A_3501 = %while3A_2032 to %while3A_2038 step %while3A_2039 iter_args(%while3A_3502 = %broadcast_in_dim3A_1, %while3A_3503 = %broadcast_in_dim3A_5) -> (vector<16xf32>, vector<16xi32>)  : i32 {
        %mul3A_3504 = arith.constant 16 : i32
        %mul3A_3505 = arith.muli %mul3A_3504, %while3A_3501 : i32
        %get3A_3506 = arith.index_cast %mul3A_3505 : i32 to index
        %get3A_3507 = tpu.vector_load %arg12[%get3A_3506] {strides = array<i32>} : memref<528xf32, #tpu.memory_space<vmem>>, vector<16xf32>,
        %lt3A_3508 = arith.cmpf olt, %get3A_3507, %while3A_3502 : vector<16xf32>
        %select_n3A_3509 = arith.select %lt3A_3508, %get3A_3507, %while3A_3502 : vector<16xi1>, vector<16xf32>
        %mul3A_3510 = arith.constant 16 : i32
        %mul3A_3511 = arith.muli %mul3A_3510, %while3A_3501 : i32
        %add3A_3512 = vector.broadcast %mul3A_3511 : i32 to vector<16xi32>
        %add3A_3513 = arith.addi %add3A_3512, %iota3A : vector<16xi32>
        %select_n3A_3514 = arith.select %lt3A_3508, %add3A_3513, %while3A_3503 : vector<16xi1>, vector<16xi32>
        scf.yield %select_n3A_3509, %select_n3A_3514 : vector<16xf32>, vector<16xi32>
      }
      %while3A_2041 = arith.constant 1 : i32
      %while3A_2042:2 = scf.for %while3A_3501 = %while3A_2038 to %while3A_2034 step %while3A_2041 iter_args(%while3A_3502 = %while3A_2040#0, %while3A_3503 = %while3A_2040#1) -> (vector<16xf32>, vector<16xi32>)  : i32 {
        %mul3A_3504 = arith.constant 16 : i32
        %mul3A_3505 = arith.muli %mul3A_3504, %while3A_3501 : i32
        %get3A_3506 = arith.index_cast %mul3A_3505 : i32 to index
        %get3A_3507 = tpu.vector_load %arg12[%get3A_3506] {strides = array<i32>} : memref<528xf32, #tpu.memory_space<vmem>>, vector<16xf32>,
        %lt3A_3508 = arith.cmpf olt, %get3A_3507, %while3A_3502 : vector<16xf32>
        %select_n3A_3509 = arith.select %lt3A_3508, %get3A_3507, %while3A_3502 : vector<16xi1>, vector<16xf32>
        %mul3A_3510 = arith.constant 16 : i32
        %mul3A_3511 = arith.muli %mul3A_3510, %while3A_3501 : i32
        %add3A_3512 = vector.broadcast %mul3A_3511 : i32 to vector<16xi32>
        %add3A_3513 = arith.addi %add3A_3512, %iota3A : vector<16xi32>
        %select_n3A_3514 = arith.select %lt3A_3508, %add3A_3513, %while3A_3503 : vector<16xi1>, vector<16xi32>
        scf.yield %select_n3A_3509, %select_n3A_3514 : vector<16xf32>, vector<16xi32>
      }
      %xor3A_2043 = arith.constant 8 : i32
      %xor3A_2044 = vector.broadcast %xor3A_2043 : i32 to vector<16xi32>
      %xor3A_2045 = arith.xori %iota3A, %xor3A_2044 : vector<16xi32>
      %broadcast_in_dim3A_2046 = vector.shape_cast %xor3A_2045 : vector<16xi32> to vector<16x1xi32>
      %gather3A_2047 = vector.shape_cast %broadcast_in_dim3A_2046 : vector<16x1xi32> to vector<16xi32>
      %gather3A_2048 = tpu.dynamic_gather %while3A_2042#0[%gather3A_2047] in [0] : vector<16xf32>, vector<16xi32> -> vector<16xf32>
      %xor3A_2049 = arith.constant 8 : i32
      %xor3A_2050 = vector.broadcast %xor3A_2049 : i32 to vector<16xi32>
      %xor3A_2051 = arith.xori %iota3A, %xor3A_2050 : vector<16xi32>
      %broadcast_in_dim3A_2052 = vector.shape_cast %xor3A_2051 : vector<16xi32> to vector<16x1xi32>
      %gather3A_2053 = vector.shape_cast %broadcast_in_dim3A_2052 : vector<16x1xi32> to vector<16xi32>
      %gather3A_2054 = tpu.dynamic_gather %while3A_2042#1[%gather3A_2053] in [0] : vector<16xi32>, vector<16xi32> -> vector<16xi32>
      %lt3A_2055 = arith.cmpf olt, %gather3A_2048, %while3A_2042#0 : vector<16xf32>
      %eq3A_2056 = arith.cmpf oeq, %gather3A_2048, %while3A_2042#0 : vector<16xf32>
      %lt3A_2057 = arith.cmpi slt, %gather3A_2054, %while3A_2042#1 : vector<16xi32>
      %and3A_2058 = arith.andi %eq3A_2056, %lt3A_2057 : vector<16xi1>
      %or3A_2059 = arith.ori %lt3A_2055, %and3A_2058 : vector<16xi1>
      %select_n3A_2060 = arith.select %or3A_2059, %gather3A_2048, %while3A_2042#0 : vector<16xi1>, vector<16xf32>
      %select_n3A_2061 = arith.select %or3A_2059, %gather3A_2054, %while3A_2042#1 : vector<16xi1>, vector<16xi32>
      %xor3A_2062 = arith.constant 4 : i32
      %xor3A_2063 = vector.broadcast %xor3A_2062 : i32 to vector<16xi32>
      %xor3A_2064 = arith.xori %iota3A, %xor3A_2063 : vector<16xi32>
      %broadcast_in_dim3A_2065 = vector.shape_cast %xor3A_2064 : vector<16xi32> to vector<16x1xi32>
      %gather3A_2066 = vector.shape_cast %broadcast_in_dim3A_2065 : vector<16x1xi32> to vector<16xi32>
      %gather3A_2067 = tpu.dynamic_gather %select_n3A_2060[%gather3A_2066] in [0] : vector<16xf32>, vector<16xi32> -> vector<16xf32>
      %xor3A_2068 = arith.constant 4 : i32
      %xor3A_2069 = vector.broadcast %xor3A_2068 : i32 to vector<16xi32>
      %xor3A_2070 = arith.xori %iota3A, %xor3A_2069 : vector<16xi32>
      %broadcast_in_dim3A_2071 = vector.shape_cast %xor3A_2070 : vector<16xi32> to vector<16x1xi32>
      %gather3A_2072 = vector.shape_cast %broadcast_in_dim3A_2071 : vector<16x1xi32> to vector<16xi32>
      %gather3A_2073 = tpu.dynamic_gather %select_n3A_2061[%gather3A_2072] in [0] : vector<16xi32>, vector<16xi32> -> vector<16xi32>
      %lt3A_2074 = arith.cmpf olt, %gather3A_2067, %select_n3A_2060 : vector<16xf32>
      %eq3A_2075 = arith.cmpf oeq, %gather3A_2067, %select_n3A_2060 : vector<16xf32>
      %lt3A_2076 = arith.cmpi slt, %gather3A_2073, %select_n3A_2061 : vector<16xi32>
      %and3A_2077 = arith.andi %eq3A_2075, %lt3A_2076 : vector<16xi1>
      %or3A_2078 = arith.ori %lt3A_2074, %and3A_2077 : vector<16xi1>
      %select_n3A_2079 = arith.select %or3A_2078, %gather3A_2067, %select_n3A_2060 : vector<16xi1>, vector<16xf32>
      %select_n3A_2080 = arith.select %or3A_2078, %gather3A_2073, %select_n3A_2061 : vector<16xi1>, vector<16xi32>
      %xor3A_2081 = arith.constant 2 : i32
      %xor3A_2082 = vector.broadcast %xor3A_2081 : i32 to vector<16xi32>
      %xor3A_2083 = arith.xori %iota3A, %xor3A_2082 : vector<16xi32>
      %broadcast_in_dim3A_2084 = vector.shape_cast %xor3A_2083 : vector<16xi32> to vector<16x1xi32>
      %gather3A_2085 = vector.shape_cast %broadcast_in_dim3A_2084 : vector<16x1xi32> to vector<16xi32>
      %gather3A_2086 = tpu.dynamic_gather %select_n3A_2079[%gather3A_2085] in [0] : vector<16xf32>, vector<16xi32> -> vector<16xf32>
      %xor3A_2087 = arith.constant 2 : i32
      %xor3A_2088 = vector.broadcast %xor3A_2087 : i32 to vector<16xi32>
      %xor3A_2089 = arith.xori %iota3A, %xor3A_2088 : vector<16xi32>
      %broadcast_in_dim3A_2090 = vector.shape_cast %xor3A_2089 : vector<16xi32> to vector<16x1xi32>
      %gather3A_2091 = vector.shape_cast %broadcast_in_dim3A_2090 : vector<16x1xi32> to vector<16xi32>
      %gather3A_2092 = tpu.dynamic_gather %select_n3A_2080[%gather3A_2091] in [0] : vector<16xi32>, vector<16xi32> -> vector<16xi32>
      %lt3A_2093 = arith.cmpf olt, %gather3A_2086, %select_n3A_2079 : vector<16xf32>
      %eq3A_2094 = arith.cmpf oeq, %gather3A_2086, %select_n3A_2079 : vector<16xf32>
      %lt3A_2095 = arith.cmpi slt, %gather3A_2092, %select_n3A_2080 : vector<16xi32>
      %and3A_2096 = arith.andi %eq3A_2094, %lt3A_2095 : vector<16xi1>
      %or3A_2097 = arith.ori %lt3A_2093, %and3A_2096 : vector<16xi1>
      %select_n3A_2098 = arith.select %or3A_2097, %gather3A_2086, %select_n3A_2079 : vector<16xi1>, vector<16xf32>
      %select_n3A_2099 = arith.select %or3A_2097, %gather3A_2092, %select_n3A_2080 : vector<16xi1>, vector<16xi32>
      %xor3A_2100 = arith.constant 1 : i32
      %xor3A_2101 = vector.broadcast %xor3A_2100 : i32 to vector<16xi32>
      %xor3A_2102 = arith.xori %iota3A, %xor3A_2101 : vector<16xi32>
      %broadcast_in_dim3A_2103 = vector.shape_cast %xor3A_2102 : vector<16xi32> to vector<16x1xi32>
      %gather3A_2104 = vector.shape_cast %broadcast_in_dim3A_2103 : vector<16x1xi32> to vector<16xi32>
      %gather3A_2105 = tpu.dynamic_gather %select_n3A_2098[%gather3A_2104] in [0] : vector<16xf32>, vector<16xi32> -> vector<16xf32>
      %xor3A_2106 = arith.constant 1 : i32
      %xor3A_2107 = vector.broadcast %xor3A_2106 : i32 to vector<16xi32>
      %xor3A_2108 = arith.xori %iota3A, %xor3A_2107 : vector<16xi32>
      %broadcast_in_dim3A_2109 = vector.shape_cast %xor3A_2108 : vector<16xi32> to vector<16x1xi32>
      %gather3A_2110 = vector.shape_cast %broadcast_in_dim3A_2109 : vector<16x1xi32> to vector<16xi32>
      %gather3A_2111 = tpu.dynamic_gather %select_n3A_2099[%gather3A_2110] in [0] : vector<16xi32>, vector<16xi32> -> vector<16xi32>
      %lt3A_2112 = arith.cmpf olt, %gather3A_2105, %select_n3A_2098 : vector<16xf32>
      %eq3A_2113 = arith.cmpf oeq, %gather3A_2105, %select_n3A_2098 : vector<16xf32>
      %lt3A_2114 = arith.cmpi slt, %gather3A_2111, %select_n3A_2099 : vector<16xi32>
      %and3A_2115 = arith.andi %eq3A_2113, %lt3A_2114 : vector<16xi1>
      %or3A_2116 = arith.ori %lt3A_2112, %and3A_2115 : vector<16xi1>
      %select_n3A_2117 = arith.select %or3A_2116, %gather3A_2105, %select_n3A_2098 : vector<16xi1>, vector<16xf32>
      %select_n3A_2118 = arith.select %or3A_2116, %gather3A_2111, %select_n3A_2099 : vector<16xi1>, vector<16xi32>
      %slice3A_2119 = vector.extract_strided_slice %select_n3A_2118 {offsets = [0], sizes = [1], strides = [1]} : vector<16xi32> to vector<1xi32>
      %squeeze3A_2120 = vector.extract %slice3A_2119[0] : i32 from vector<1xi32>
      %jit3A_2121 = arith.constant 16 : i32
      %div3A_2122 = arith.divsi %squeeze3A_2120, %jit3A_2121 : i32
      %sign3A_2123 = arith.constant 0 : i32
      %sign3A_2124 = arith.cmpi sgt, %squeeze3A_2120, %sign3A_2123 : i32
      %sign3A_2125 = arith.extui %sign3A_2124 : i1 to i32
      %sign3A_2126 = arith.constant 0 : i32
      %sign3A_2127 = arith.cmpi slt, %squeeze3A_2120, %sign3A_2126 : i32
      %sign3A_2128 = arith.extui %sign3A_2127 : i1 to i32
      %sign3A_2129 = arith.subi %sign3A_2125, %sign3A_2128 : i32
      %sign3A_2130 = arith.constant 0 : i32
      %sign3A_2131 = arith.cmpi sgt, %jit3A_2121, %sign3A_2130 : i32
      %sign3A_2132 = arith.extui %sign3A_2131 : i1 to i32
      %sign3A_2133 = arith.constant 0 : i32
      %sign3A_2134 = arith.cmpi slt, %jit3A_2121, %sign3A_2133 : i32
      %sign3A_2135 = arith.extui %sign3A_2134 : i1 to i32
      %sign3A_2136 = arith.subi %sign3A_2132, %sign3A_2135 : i32
      %ne3A_2137 = arith.cmpi ne, %sign3A_2129, %sign3A_2136 : i32
      %rem3A_2138 = arith.remsi %squeeze3A_2120, %jit3A_2121 : i32
      %ne3A_2139 = arith.constant 0 : i32
      %ne3A_2140 = arith.cmpi ne, %rem3A_2138, %ne3A_2139 : i32
      %and3A_2141 = arith.andi %ne3A_2137, %ne3A_2140 : i1
      %sub3A_2142 = arith.constant 1 : i32
      %sub3A_2143 = arith.subi %div3A_2122, %sub3A_2142 : i32
      %select_n3A_2144 = arith.select %and3A_2141, %sub3A_2143, %div3A_2122 : i32
      %mul3A_2145 = arith.constant 16 : i32
      %mul3A_2146 = arith.muli %select_n3A_2144, %mul3A_2145 : i32
      %get3A_2147 = arith.index_cast %mul3A_2146 : i32 to index
      %get3A_2148 = tpu.vector_load %arg13[%get3A_2147] {strides = array<i32>} : memref<512xi32, #tpu.memory_space<vmem>>, vector<16xi32>,
      %sub3A_2149 = arith.subi %squeeze3A_2120, %mul3A_2146 : i32
      %broadcast_in_dim3A_2150 = vector.broadcast %sub3A_2149 : i32 to vector<16xi32>
      %broadcast_in_dim3A_2151 = vector.shape_cast %broadcast_in_dim3A_2150 : vector<16xi32> to vector<16x1xi32>
      %gather3A_2152 = vector.shape_cast %broadcast_in_dim3A_2151 : vector<16x1xi32> to vector<16xi32>
      %gather3A_2153 = tpu.dynamic_gather %get3A_2148[%gather3A_2152] in [0] : vector<16xi32>, vector<16xi32> -> vector<16xi32>
      %eq3A_2154 = arith.constant 11 : i32
      %eq3A_2155 = vector.broadcast %eq3A_2154 : i32 to vector<16xi32>
      %eq3A_2156 = arith.cmpi eq, %iota3A, %eq3A_2155 : vector<16xi32>
      %select_n3A_2157 = arith.select %eq3A_2156, %gather3A_2153, %select_n3A_1995 : vector<16xi1>, vector<16xi32>
      %jit3A_2158 = arith.constant 16 : i32
      %div3A_2159 = arith.divsi %squeeze3A_2120, %jit3A_2158 : i32
      %sign3A_2160 = arith.constant 0 : i32
      %sign3A_2161 = arith.cmpi sgt, %squeeze3A_2120, %sign3A_2160 : i32
      %sign3A_2162 = arith.extui %sign3A_2161 : i1 to i32
      %sign3A_2163 = arith.constant 0 : i32
      %sign3A_2164 = arith.cmpi slt, %squeeze3A_2120, %sign3A_2163 : i32
      %sign3A_2165 = arith.extui %sign3A_2164 : i1 to i32
      %sign3A_2166 = arith.subi %sign3A_2162, %sign3A_2165 : i32
      %sign3A_2167 = arith.constant 0 : i32
      %sign3A_2168 = arith.cmpi sgt, %jit3A_2158, %sign3A_2167 : i32
      %sign3A_2169 = arith.extui %sign3A_2168 : i1 to i32
      %sign3A_2170 = arith.constant 0 : i32
      %sign3A_2171 = arith.cmpi slt, %jit3A_2158, %sign3A_2170 : i32
      %sign3A_2172 = arith.extui %sign3A_2171 : i1 to i32
      %sign3A_2173 = arith.subi %sign3A_2169, %sign3A_2172 : i32
      %ne3A_2174 = arith.cmpi ne, %sign3A_2166, %sign3A_2173 : i32
      %rem3A_2175 = arith.remsi %squeeze3A_2120, %jit3A_2158 : i32
      %ne3A_2176 = arith.constant 0 : i32
      %ne3A_2177 = arith.cmpi ne, %rem3A_2175, %ne3A_2176 : i32
      %and3A_2178 = arith.andi %ne3A_2174, %ne3A_2177 : i1
      %sub3A_2179 = arith.constant 1 : i32
      %sub3A_2180 = arith.subi %div3A_2159, %sub3A_2179 : i32
      %select_n3A_2181 = arith.select %and3A_2178, %sub3A_2180, %div3A_2159 : i32
      %mul3A_2182 = arith.constant 16 : i32
      %mul3A_2183 = arith.muli %select_n3A_2181, %mul3A_2182 : i32
      %get3A_2184 = arith.index_cast %mul3A_2183 : i32 to index
      %get3A_2185 = tpu.vector_load %arg12[%get3A_2184] {strides = array<i32>} : memref<528xf32, #tpu.memory_space<vmem>>, vector<16xf32>,
      %sub3A_2186 = arith.subi %squeeze3A_2120, %mul3A_2183 : i32
      %eq3A_2187 = vector.broadcast %sub3A_2186 : i32 to vector<16xi32>
      %eq3A_2188 = arith.cmpi eq, %iota3A, %eq3A_2187 : vector<16xi32>
      %jit3A_2189 = arith.constant 3.000000e+38 : f32
      %broadcast_in_dim3A_2190 = vector.broadcast %jit3A_2189 : f32 to vector<16xf32>
      %select_n3A_2191 = arith.select %eq3A_2188, %broadcast_in_dim3A_2190, %get3A_2185 : vector<16xi1>, vector<16xf32>
      %swap3A_2192 = arith.index_cast %mul3A_2183 : i32 to index
      %swap3A_2193 = tpu.vector_load %arg12[%swap3A_2192] {strides = array<i32>} : memref<528xf32, #tpu.memory_space<vmem>>, vector<16xf32>,
      tpu.vector_store %arg12[%swap3A_2192], %select_n3A_2191 {strides = array<i32>} : memref<528xf32, #tpu.memory_space<vmem>>, vector<16xf32>,
      %while3A_2194 = arith.constant 0 : i32
      %while3A_2195 = arith.subi %select_n3A_253, %while3A_2194 : i32
      %while3A_2196 = arith.addi %while3A_2194, %while3A_2195 : i32
      %while3A_2197 = arith.constant 1 : i32
      %while3A_2198 = arith.divsi %while3A_2195, %while3A_2197 : i32
      %while3A_2199 = arith.muli %while3A_2198, %while3A_2197 : i32
      %while3A_2200 = arith.addi %while3A_2194, %while3A_2199 : i32
      %while3A_2201 = arith.constant 1 : i32
      %while3A_2202:2 = scf.for %while3A_3501 = %while3A_2194 to %while3A_2200 step %while3A_2201 iter_args(%while3A_3502 = %broadcast_in_dim3A_1, %while3A_3503 = %broadcast_in_dim3A_5) -> (vector<16xf32>, vector<16xi32>)  : i32 {
        %mul3A_3504 = arith.constant 16 : i32
        %mul3A_3505 = arith.muli %mul3A_3504, %while3A_3501 : i32
        %get3A_3506 = arith.index_cast %mul3A_3505 : i32 to index
        %get3A_3507 = tpu.vector_load %arg12[%get3A_3506] {strides = array<i32>} : memref<528xf32, #tpu.memory_space<vmem>>, vector<16xf32>,
        %lt3A_3508 = arith.cmpf olt, %get3A_3507, %while3A_3502 : vector<16xf32>
        %select_n3A_3509 = arith.select %lt3A_3508, %get3A_3507, %while3A_3502 : vector<16xi1>, vector<16xf32>
        %mul3A_3510 = arith.constant 16 : i32
        %mul3A_3511 = arith.muli %mul3A_3510, %while3A_3501 : i32
        %add3A_3512 = vector.broadcast %mul3A_3511 : i32 to vector<16xi32>
        %add3A_3513 = arith.addi %add3A_3512, %iota3A : vector<16xi32>
        %select_n3A_3514 = arith.select %lt3A_3508, %add3A_3513, %while3A_3503 : vector<16xi1>, vector<16xi32>
        scf.yield %select_n3A_3509, %select_n3A_3514 : vector<16xf32>, vector<16xi32>
      }
      %while3A_2203 = arith.constant 1 : i32
      %while3A_2204:2 = scf.for %while3A_3501 = %while3A_2200 to %while3A_2196 step %while3A_2203 iter_args(%while3A_3502 = %while3A_2202#0, %while3A_3503 = %while3A_2202#1) -> (vector<16xf32>, vector<16xi32>)  : i32 {
        %mul3A_3504 = arith.constant 16 : i32
        %mul3A_3505 = arith.muli %mul3A_3504, %while3A_3501 : i32
        %get3A_3506 = arith.index_cast %mul3A_3505 : i32 to index
        %get3A_3507 = tpu.vector_load %arg12[%get3A_3506] {strides = array<i32>} : memref<528xf32, #tpu.memory_space<vmem>>, vector<16xf32>,
        %lt3A_3508 = arith.cmpf olt, %get3A_3507, %while3A_3502 : vector<16xf32>
        %select_n3A_3509 = arith.select %lt3A_3508, %get3A_3507, %while3A_3502 : vector<16xi1>, vector<16xf32>
        %mul3A_3510 = arith.constant 16 : i32
        %mul3A_3511 = arith.muli %mul3A_3510, %while3A_3501 : i32
        %add3A_3512 = vector.broadcast %mul3A_3511 : i32 to vector<16xi32>
        %add3A_3513 = arith.addi %add3A_3512, %iota3A : vector<16xi32>
        %select_n3A_3514 = arith.select %lt3A_3508, %add3A_3513, %while3A_3503 : vector<16xi1>, vector<16xi32>
        scf.yield %select_n3A_3509, %select_n3A_3514 : vector<16xf32>, vector<16xi32>
      }
      %xor3A_2205 = arith.constant 8 : i32
      %xor3A_2206 = vector.broadcast %xor3A_2205 : i32 to vector<16xi32>
      %xor3A_2207 = arith.xori %iota3A, %xor3A_2206 : vector<16xi32>
      %broadcast_in_dim3A_2208 = vector.shape_cast %xor3A_2207 : vector<16xi32> to vector<16x1xi32>
      %gather3A_2209 = vector.shape_cast %broadcast_in_dim3A_2208 : vector<16x1xi32> to vector<16xi32>
      %gather3A_2210 = tpu.dynamic_gather %while3A_2204#0[%gather3A_2209] in [0] : vector<16xf32>, vector<16xi32> -> vector<16xf32>
      %xor3A_2211 = arith.constant 8 : i32
      %xor3A_2212 = vector.broadcast %xor3A_2211 : i32 to vector<16xi32>
      %xor3A_2213 = arith.xori %iota3A, %xor3A_2212 : vector<16xi32>
      %broadcast_in_dim3A_2214 = vector.shape_cast %xor3A_2213 : vector<16xi32> to vector<16x1xi32>
      %gather3A_2215 = vector.shape_cast %broadcast_in_dim3A_2214 : vector<16x1xi32> to vector<16xi32>
      %gather3A_2216 = tpu.dynamic_gather %while3A_2204#1[%gather3A_2215] in [0] : vector<16xi32>, vector<16xi32> -> vector<16xi32>
      %lt3A_2217 = arith.cmpf olt, %gather3A_2210, %while3A_2204#0 : vector<16xf32>
      %eq3A_2218 = arith.cmpf oeq, %gather3A_2210, %while3A_2204#0 : vector<16xf32>
      %lt3A_2219 = arith.cmpi slt, %gather3A_2216, %while3A_2204#1 : vector<16xi32>
      %and3A_2220 = arith.andi %eq3A_2218, %lt3A_2219 : vector<16xi1>
      %or3A_2221 = arith.ori %lt3A_2217, %and3A_2220 : vector<16xi1>
      %select_n3A_2222 = arith.select %or3A_2221, %gather3A_2210, %while3A_2204#0 : vector<16xi1>, vector<16xf32>
      %select_n3A_2223 = arith.select %or3A_2221, %gather3A_2216, %while3A_2204#1 : vector<16xi1>, vector<16xi32>
      %xor3A_2224 = arith.constant 4 : i32
      %xor3A_2225 = vector.broadcast %xor3A_2224 : i32 to vector<16xi32>
      %xor3A_2226 = arith.xori %iota3A, %xor3A_2225 : vector<16xi32>
      %broadcast_in_dim3A_2227 = vector.shape_cast %xor3A_2226 : vector<16xi32> to vector<16x1xi32>
      %gather3A_2228 = vector.shape_cast %broadcast_in_dim3A_2227 : vector<16x1xi32> to vector<16xi32>
      %gather3A_2229 = tpu.dynamic_gather %select_n3A_2222[%gather3A_2228] in [0] : vector<16xf32>, vector<16xi32> -> vector<16xf32>
      %xor3A_2230 = arith.constant 4 : i32
      %xor3A_2231 = vector.broadcast %xor3A_2230 : i32 to vector<16xi32>
      %xor3A_2232 = arith.xori %iota3A, %xor3A_2231 : vector<16xi32>
      %broadcast_in_dim3A_2233 = vector.shape_cast %xor3A_2232 : vector<16xi32> to vector<16x1xi32>
      %gather3A_2234 = vector.shape_cast %broadcast_in_dim3A_2233 : vector<16x1xi32> to vector<16xi32>
      %gather3A_2235 = tpu.dynamic_gather %select_n3A_2223[%gather3A_2234] in [0] : vector<16xi32>, vector<16xi32> -> vector<16xi32>
      %lt3A_2236 = arith.cmpf olt, %gather3A_2229, %select_n3A_2222 : vector<16xf32>
      %eq3A_2237 = arith.cmpf oeq, %gather3A_2229, %select_n3A_2222 : vector<16xf32>
      %lt3A_2238 = arith.cmpi slt, %gather3A_2235, %select_n3A_2223 : vector<16xi32>
      %and3A_2239 = arith.andi %eq3A_2237, %lt3A_2238 : vector<16xi1>
      %or3A_2240 = arith.ori %lt3A_2236, %and3A_2239 : vector<16xi1>
      %select_n3A_2241 = arith.select %or3A_2240, %gather3A_2229, %select_n3A_2222 : vector<16xi1>, vector<16xf32>
      %select_n3A_2242 = arith.select %or3A_2240, %gather3A_2235, %select_n3A_2223 : vector<16xi1>, vector<16xi32>
      %xor3A_2243 = arith.constant 2 : i32
      %xor3A_2244 = vector.broadcast %xor3A_2243 : i32 to vector<16xi32>
      %xor3A_2245 = arith.xori %iota3A, %xor3A_2244 : vector<16xi32>
      %broadcast_in_dim3A_2246 = vector.shape_cast %xor3A_2245 : vector<16xi32> to vector<16x1xi32>
      %gather3A_2247 = vector.shape_cast %broadcast_in_dim3A_2246 : vector<16x1xi32> to vector<16xi32>
      %gather3A_2248 = tpu.dynamic_gather %select_n3A_2241[%gather3A_2247] in [0] : vector<16xf32>, vector<16xi32> -> vector<16xf32>
      %xor3A_2249 = arith.constant 2 : i32
      %xor3A_2250 = vector.broadcast %xor3A_2249 : i32 to vector<16xi32>
      %xor3A_2251 = arith.xori %iota3A, %xor3A_2250 : vector<16xi32>
      %broadcast_in_dim3A_2252 = vector.shape_cast %xor3A_2251 : vector<16xi32> to vector<16x1xi32>
      %gather3A_2253 = vector.shape_cast %broadcast_in_dim3A_2252 : vector<16x1xi32> to vector<16xi32>
      %gather3A_2254 = tpu.dynamic_gather %select_n3A_2242[%gather3A_2253] in [0] : vector<16xi32>, vector<16xi32> -> vector<16xi32>
      %lt3A_2255 = arith.cmpf olt, %gather3A_2248, %select_n3A_2241 : vector<16xf32>
      %eq3A_2256 = arith.cmpf oeq, %gather3A_2248, %select_n3A_2241 : vector<16xf32>
      %lt3A_2257 = arith.cmpi slt, %gather3A_2254, %select_n3A_2242 : vector<16xi32>
      %and3A_2258 = arith.andi %eq3A_2256, %lt3A_2257 : vector<16xi1>
      %or3A_2259 = arith.ori %lt3A_2255, %and3A_2258 : vector<16xi1>
      %select_n3A_2260 = arith.select %or3A_2259, %gather3A_2248, %select_n3A_2241 : vector<16xi1>, vector<16xf32>
      %select_n3A_2261 = arith.select %or3A_2259, %gather3A_2254, %select_n3A_2242 : vector<16xi1>, vector<16xi32>
      %xor3A_2262 = arith.constant 1 : i32
      %xor3A_2263 = vector.broadcast %xor3A_2262 : i32 to vector<16xi32>
      %xor3A_2264 = arith.xori %iota3A, %xor3A_2263 : vector<16xi32>
      %broadcast_in_dim3A_2265 = vector.shape_cast %xor3A_2264 : vector<16xi32> to vector<16x1xi32>
      %gather3A_2266 = vector.shape_cast %broadcast_in_dim3A_2265 : vector<16x1xi32> to vector<16xi32>
      %gather3A_2267 = tpu.dynamic_gather %select_n3A_2260[%gather3A_2266] in [0] : vector<16xf32>, vector<16xi32> -> vector<16xf32>
      %xor3A_2268 = arith.constant 1 : i32
      %xor3A_2269 = vector.broadcast %xor3A_2268 : i32 to vector<16xi32>
      %xor3A_2270 = arith.xori %iota3A, %xor3A_2269 : vector<16xi32>
      %broadcast_in_dim3A_2271 = vector.shape_cast %xor3A_2270 : vector<16xi32> to vector<16x1xi32>
      %gather3A_2272 = vector.shape_cast %broadcast_in_dim3A_2271 : vector<16x1xi32> to vector<16xi32>
      %gather3A_2273 = tpu.dynamic_gather %select_n3A_2261[%gather3A_2272] in [0] : vector<16xi32>, vector<16xi32> -> vector<16xi32>
      %lt3A_2274 = arith.cmpf olt, %gather3A_2267, %select_n3A_2260 : vector<16xf32>
      %eq3A_2275 = arith.cmpf oeq, %gather3A_2267, %select_n3A_2260 : vector<16xf32>
      %lt3A_2276 = arith.cmpi slt, %gather3A_2273, %select_n3A_2261 : vector<16xi32>
      %and3A_2277 = arith.andi %eq3A_2275, %lt3A_2276 : vector<16xi1>
      %or3A_2278 = arith.ori %lt3A_2274, %and3A_2277 : vector<16xi1>
      %select_n3A_2279 = arith.select %or3A_2278, %gather3A_2267, %select_n3A_2260 : vector<16xi1>, vector<16xf32>
      %select_n3A_2280 = arith.select %or3A_2278, %gather3A_2273, %select_n3A_2261 : vector<16xi1>, vector<16xi32>
      %slice3A_2281 = vector.extract_strided_slice %select_n3A_2280 {offsets = [0], sizes = [1], strides = [1]} : vector<16xi32> to vector<1xi32>
      %squeeze3A_2282 = vector.extract %slice3A_2281[0] : i32 from vector<1xi32>
      %jit3A_2283 = arith.constant 16 : i32
      %div3A_2284 = arith.divsi %squeeze3A_2282, %jit3A_2283 : i32
      %sign3A_2285 = arith.constant 0 : i32
      %sign3A_2286 = arith.cmpi sgt, %squeeze3A_2282, %sign3A_2285 : i32
      %sign3A_2287 = arith.extui %sign3A_2286 : i1 to i32
      %sign3A_2288 = arith.constant 0 : i32
      %sign3A_2289 = arith.cmpi slt, %squeeze3A_2282, %sign3A_2288 : i32
      %sign3A_2290 = arith.extui %sign3A_2289 : i1 to i32
      %sign3A_2291 = arith.subi %sign3A_2287, %sign3A_2290 : i32
      %sign3A_2292 = arith.constant 0 : i32
      %sign3A_2293 = arith.cmpi sgt, %jit3A_2283, %sign3A_2292 : i32
      %sign3A_2294 = arith.extui %sign3A_2293 : i1 to i32
      %sign3A_2295 = arith.constant 0 : i32
      %sign3A_2296 = arith.cmpi slt, %jit3A_2283, %sign3A_2295 : i32
      %sign3A_2297 = arith.extui %sign3A_2296 : i1 to i32
      %sign3A_2298 = arith.subi %sign3A_2294, %sign3A_2297 : i32
      %ne3A_2299 = arith.cmpi ne, %sign3A_2291, %sign3A_2298 : i32
      %rem3A_2300 = arith.remsi %squeeze3A_2282, %jit3A_2283 : i32
      %ne3A_2301 = arith.constant 0 : i32
      %ne3A_2302 = arith.cmpi ne, %rem3A_2300, %ne3A_2301 : i32
      %and3A_2303 = arith.andi %ne3A_2299, %ne3A_2302 : i1
      %sub3A_2304 = arith.constant 1 : i32
      %sub3A_2305 = arith.subi %div3A_2284, %sub3A_2304 : i32
      %select_n3A_2306 = arith.select %and3A_2303, %sub3A_2305, %div3A_2284 : i32
      %mul3A_2307 = arith.constant 16 : i32
      %mul3A_2308 = arith.muli %select_n3A_2306, %mul3A_2307 : i32
      %get3A_2309 = arith.index_cast %mul3A_2308 : i32 to index
      %get3A_2310 = tpu.vector_load %arg13[%get3A_2309] {strides = array<i32>} : memref<512xi32, #tpu.memory_space<vmem>>, vector<16xi32>,
      %sub3A_2311 = arith.subi %squeeze3A_2282, %mul3A_2308 : i32
      %broadcast_in_dim3A_2312 = vector.broadcast %sub3A_2311 : i32 to vector<16xi32>
      %broadcast_in_dim3A_2313 = vector.shape_cast %broadcast_in_dim3A_2312 : vector<16xi32> to vector<16x1xi32>
      %gather3A_2314 = vector.shape_cast %broadcast_in_dim3A_2313 : vector<16x1xi32> to vector<16xi32>
      %gather3A_2315 = tpu.dynamic_gather %get3A_2310[%gather3A_2314] in [0] : vector<16xi32>, vector<16xi32> -> vector<16xi32>
      %eq3A_2316 = arith.constant 12 : i32
      %eq3A_2317 = vector.broadcast %eq3A_2316 : i32 to vector<16xi32>
      %eq3A_2318 = arith.cmpi eq, %iota3A, %eq3A_2317 : vector<16xi32>
      %select_n3A_2319 = arith.select %eq3A_2318, %gather3A_2315, %select_n3A_2157 : vector<16xi1>, vector<16xi32>
      %jit3A_2320 = arith.constant 16 : i32
      %div3A_2321 = arith.divsi %squeeze3A_2282, %jit3A_2320 : i32
      %sign3A_2322 = arith.constant 0 : i32
      %sign3A_2323 = arith.cmpi sgt, %squeeze3A_2282, %sign3A_2322 : i32
      %sign3A_2324 = arith.extui %sign3A_2323 : i1 to i32
      %sign3A_2325 = arith.constant 0 : i32
      %sign3A_2326 = arith.cmpi slt, %squeeze3A_2282, %sign3A_2325 : i32
      %sign3A_2327 = arith.extui %sign3A_2326 : i1 to i32
      %sign3A_2328 = arith.subi %sign3A_2324, %sign3A_2327 : i32
      %sign3A_2329 = arith.constant 0 : i32
      %sign3A_2330 = arith.cmpi sgt, %jit3A_2320, %sign3A_2329 : i32
      %sign3A_2331 = arith.extui %sign3A_2330 : i1 to i32
      %sign3A_2332 = arith.constant 0 : i32
      %sign3A_2333 = arith.cmpi slt, %jit3A_2320, %sign3A_2332 : i32
      %sign3A_2334 = arith.extui %sign3A_2333 : i1 to i32
      %sign3A_2335 = arith.subi %sign3A_2331, %sign3A_2334 : i32
      %ne3A_2336 = arith.cmpi ne, %sign3A_2328, %sign3A_2335 : i32
      %rem3A_2337 = arith.remsi %squeeze3A_2282, %jit3A_2320 : i32
      %ne3A_2338 = arith.constant 0 : i32
      %ne3A_2339 = arith.cmpi ne, %rem3A_2337, %ne3A_2338 : i32
      %and3A_2340 = arith.andi %ne3A_2336, %ne3A_2339 : i1
      %sub3A_2341 = arith.constant 1 : i32
      %sub3A_2342 = arith.subi %div3A_2321, %sub3A_2341 : i32
      %select_n3A_2343 = arith.select %and3A_2340, %sub3A_2342, %div3A_2321 : i32
      %mul3A_2344 = arith.constant 16 : i32
      %mul3A_2345 = arith.muli %select_n3A_2343, %mul3A_2344 : i32
      %get3A_2346 = arith.index_cast %mul3A_2345 : i32 to index
      %get3A_2347 = tpu.vector_load %arg12[%get3A_2346] {strides = array<i32>} : memref<528xf32, #tpu.memory_space<vmem>>, vector<16xf32>,
      %sub3A_2348 = arith.subi %squeeze3A_2282, %mul3A_2345 : i32
      %eq3A_2349 = vector.broadcast %sub3A_2348 : i32 to vector<16xi32>
      %eq3A_2350 = arith.cmpi eq, %iota3A, %eq3A_2349 : vector<16xi32>
      %jit3A_2351 = arith.constant 3.000000e+38 : f32
      %broadcast_in_dim3A_2352 = vector.broadcast %jit3A_2351 : f32 to vector<16xf32>
      %select_n3A_2353 = arith.select %eq3A_2350, %broadcast_in_dim3A_2352, %get3A_2347 : vector<16xi1>, vector<16xf32>
      %swap3A_2354 = arith.index_cast %mul3A_2345 : i32 to index
      %swap3A_2355 = tpu.vector_load %arg12[%swap3A_2354] {strides = array<i32>} : memref<528xf32, #tpu.memory_space<vmem>>, vector<16xf32>,
      tpu.vector_store %arg12[%swap3A_2354], %select_n3A_2353 {strides = array<i32>} : memref<528xf32, #tpu.memory_space<vmem>>, vector<16xf32>,
      %while3A_2356 = arith.constant 0 : i32
      %while3A_2357 = arith.subi %select_n3A_253, %while3A_2356 : i32
      %while3A_2358 = arith.addi %while3A_2356, %while3A_2357 : i32
      %while3A_2359 = arith.constant 1 : i32
      %while3A_2360 = arith.divsi %while3A_2357, %while3A_2359 : i32
      %while3A_2361 = arith.muli %while3A_2360, %while3A_2359 : i32
      %while3A_2362 = arith.addi %while3A_2356, %while3A_2361 : i32
      %while3A_2363 = arith.constant 1 : i32
      %while3A_2364:2 = scf.for %while3A_3501 = %while3A_2356 to %while3A_2362 step %while3A_2363 iter_args(%while3A_3502 = %broadcast_in_dim3A_1, %while3A_3503 = %broadcast_in_dim3A_5) -> (vector<16xf32>, vector<16xi32>)  : i32 {
        %mul3A_3504 = arith.constant 16 : i32
        %mul3A_3505 = arith.muli %mul3A_3504, %while3A_3501 : i32
        %get3A_3506 = arith.index_cast %mul3A_3505 : i32 to index
        %get3A_3507 = tpu.vector_load %arg12[%get3A_3506] {strides = array<i32>} : memref<528xf32, #tpu.memory_space<vmem>>, vector<16xf32>,
        %lt3A_3508 = arith.cmpf olt, %get3A_3507, %while3A_3502 : vector<16xf32>
        %select_n3A_3509 = arith.select %lt3A_3508, %get3A_3507, %while3A_3502 : vector<16xi1>, vector<16xf32>
        %mul3A_3510 = arith.constant 16 : i32
        %mul3A_3511 = arith.muli %mul3A_3510, %while3A_3501 : i32
        %add3A_3512 = vector.broadcast %mul3A_3511 : i32 to vector<16xi32>
        %add3A_3513 = arith.addi %add3A_3512, %iota3A : vector<16xi32>
        %select_n3A_3514 = arith.select %lt3A_3508, %add3A_3513, %while3A_3503 : vector<16xi1>, vector<16xi32>
        scf.yield %select_n3A_3509, %select_n3A_3514 : vector<16xf32>, vector<16xi32>
      }
      %while3A_2365 = arith.constant 1 : i32
      %while3A_2366:2 = scf.for %while3A_3501 = %while3A_2362 to %while3A_2358 step %while3A_2365 iter_args(%while3A_3502 = %while3A_2364#0, %while3A_3503 = %while3A_2364#1) -> (vector<16xf32>, vector<16xi32>)  : i32 {
        %mul3A_3504 = arith.constant 16 : i32
        %mul3A_3505 = arith.muli %mul3A_3504, %while3A_3501 : i32
        %get3A_3506 = arith.index_cast %mul3A_3505 : i32 to index
        %get3A_3507 = tpu.vector_load %arg12[%get3A_3506] {strides = array<i32>} : memref<528xf32, #tpu.memory_space<vmem>>, vector<16xf32>,
        %lt3A_3508 = arith.cmpf olt, %get3A_3507, %while3A_3502 : vector<16xf32>
        %select_n3A_3509 = arith.select %lt3A_3508, %get3A_3507, %while3A_3502 : vector<16xi1>, vector<16xf32>
        %mul3A_3510 = arith.constant 16 : i32
        %mul3A_3511 = arith.muli %mul3A_3510, %while3A_3501 : i32
        %add3A_3512 = vector.broadcast %mul3A_3511 : i32 to vector<16xi32>
        %add3A_3513 = arith.addi %add3A_3512, %iota3A : vector<16xi32>
        %select_n3A_3514 = arith.select %lt3A_3508, %add3A_3513, %while3A_3503 : vector<16xi1>, vector<16xi32>
        scf.yield %select_n3A_3509, %select_n3A_3514 : vector<16xf32>, vector<16xi32>
      }
      %xor3A_2367 = arith.constant 8 : i32
      %xor3A_2368 = vector.broadcast %xor3A_2367 : i32 to vector<16xi32>
      %xor3A_2369 = arith.xori %iota3A, %xor3A_2368 : vector<16xi32>
      %broadcast_in_dim3A_2370 = vector.shape_cast %xor3A_2369 : vector<16xi32> to vector<16x1xi32>
      %gather3A_2371 = vector.shape_cast %broadcast_in_dim3A_2370 : vector<16x1xi32> to vector<16xi32>
      %gather3A_2372 = tpu.dynamic_gather %while3A_2366#0[%gather3A_2371] in [0] : vector<16xf32>, vector<16xi32> -> vector<16xf32>
      %xor3A_2373 = arith.constant 8 : i32
      %xor3A_2374 = vector.broadcast %xor3A_2373 : i32 to vector<16xi32>
      %xor3A_2375 = arith.xori %iota3A, %xor3A_2374 : vector<16xi32>
      %broadcast_in_dim3A_2376 = vector.shape_cast %xor3A_2375 : vector<16xi32> to vector<16x1xi32>
      %gather3A_2377 = vector.shape_cast %broadcast_in_dim3A_2376 : vector<16x1xi32> to vector<16xi32>
      %gather3A_2378 = tpu.dynamic_gather %while3A_2366#1[%gather3A_2377] in [0] : vector<16xi32>, vector<16xi32> -> vector<16xi32>
      %lt3A_2379 = arith.cmpf olt, %gather3A_2372, %while3A_2366#0 : vector<16xf32>
      %eq3A_2380 = arith.cmpf oeq, %gather3A_2372, %while3A_2366#0 : vector<16xf32>
      %lt3A_2381 = arith.cmpi slt, %gather3A_2378, %while3A_2366#1 : vector<16xi32>
      %and3A_2382 = arith.andi %eq3A_2380, %lt3A_2381 : vector<16xi1>
      %or3A_2383 = arith.ori %lt3A_2379, %and3A_2382 : vector<16xi1>
      %select_n3A_2384 = arith.select %or3A_2383, %gather3A_2372, %while3A_2366#0 : vector<16xi1>, vector<16xf32>
      %select_n3A_2385 = arith.select %or3A_2383, %gather3A_2378, %while3A_2366#1 : vector<16xi1>, vector<16xi32>
      %xor3A_2386 = arith.constant 4 : i32
      %xor3A_2387 = vector.broadcast %xor3A_2386 : i32 to vector<16xi32>
      %xor3A_2388 = arith.xori %iota3A, %xor3A_2387 : vector<16xi32>
      %broadcast_in_dim3A_2389 = vector.shape_cast %xor3A_2388 : vector<16xi32> to vector<16x1xi32>
      %gather3A_2390 = vector.shape_cast %broadcast_in_dim3A_2389 : vector<16x1xi32> to vector<16xi32>
      %gather3A_2391 = tpu.dynamic_gather %select_n3A_2384[%gather3A_2390] in [0] : vector<16xf32>, vector<16xi32> -> vector<16xf32>
      %xor3A_2392 = arith.constant 4 : i32
      %xor3A_2393 = vector.broadcast %xor3A_2392 : i32 to vector<16xi32>
      %xor3A_2394 = arith.xori %iota3A, %xor3A_2393 : vector<16xi32>
      %broadcast_in_dim3A_2395 = vector.shape_cast %xor3A_2394 : vector<16xi32> to vector<16x1xi32>
      %gather3A_2396 = vector.shape_cast %broadcast_in_dim3A_2395 : vector<16x1xi32> to vector<16xi32>
      %gather3A_2397 = tpu.dynamic_gather %select_n3A_2385[%gather3A_2396] in [0] : vector<16xi32>, vector<16xi32> -> vector<16xi32>
      %lt3A_2398 = arith.cmpf olt, %gather3A_2391, %select_n3A_2384 : vector<16xf32>
      %eq3A_2399 = arith.cmpf oeq, %gather3A_2391, %select_n3A_2384 : vector<16xf32>
      %lt3A_2400 = arith.cmpi slt, %gather3A_2397, %select_n3A_2385 : vector<16xi32>
      %and3A_2401 = arith.andi %eq3A_2399, %lt3A_2400 : vector<16xi1>
      %or3A_2402 = arith.ori %lt3A_2398, %and3A_2401 : vector<16xi1>
      %select_n3A_2403 = arith.select %or3A_2402, %gather3A_2391, %select_n3A_2384 : vector<16xi1>, vector<16xf32>
      %select_n3A_2404 = arith.select %or3A_2402, %gather3A_2397, %select_n3A_2385 : vector<16xi1>, vector<16xi32>
      %xor3A_2405 = arith.constant 2 : i32
      %xor3A_2406 = vector.broadcast %xor3A_2405 : i32 to vector<16xi32>
      %xor3A_2407 = arith.xori %iota3A, %xor3A_2406 : vector<16xi32>
      %broadcast_in_dim3A_2408 = vector.shape_cast %xor3A_2407 : vector<16xi32> to vector<16x1xi32>
      %gather3A_2409 = vector.shape_cast %broadcast_in_dim3A_2408 : vector<16x1xi32> to vector<16xi32>
      %gather3A_2410 = tpu.dynamic_gather %select_n3A_2403[%gather3A_2409] in [0] : vector<16xf32>, vector<16xi32> -> vector<16xf32>
      %xor3A_2411 = arith.constant 2 : i32
      %xor3A_2412 = vector.broadcast %xor3A_2411 : i32 to vector<16xi32>
      %xor3A_2413 = arith.xori %iota3A, %xor3A_2412 : vector<16xi32>
      %broadcast_in_dim3A_2414 = vector.shape_cast %xor3A_2413 : vector<16xi32> to vector<16x1xi32>
      %gather3A_2415 = vector.shape_cast %broadcast_in_dim3A_2414 : vector<16x1xi32> to vector<16xi32>
      %gather3A_2416 = tpu.dynamic_gather %select_n3A_2404[%gather3A_2415] in [0] : vector<16xi32>, vector<16xi32> -> vector<16xi32>
      %lt3A_2417 = arith.cmpf olt, %gather3A_2410, %select_n3A_2403 : vector<16xf32>
      %eq3A_2418 = arith.cmpf oeq, %gather3A_2410, %select_n3A_2403 : vector<16xf32>
      %lt3A_2419 = arith.cmpi slt, %gather3A_2416, %select_n3A_2404 : vector<16xi32>
      %and3A_2420 = arith.andi %eq3A_2418, %lt3A_2419 : vector<16xi1>
      %or3A_2421 = arith.ori %lt3A_2417, %and3A_2420 : vector<16xi1>
      %select_n3A_2422 = arith.select %or3A_2421, %gather3A_2410, %select_n3A_2403 : vector<16xi1>, vector<16xf32>
      %select_n3A_2423 = arith.select %or3A_2421, %gather3A_2416, %select_n3A_2404 : vector<16xi1>, vector<16xi32>
      %xor3A_2424 = arith.constant 1 : i32
      %xor3A_2425 = vector.broadcast %xor3A_2424 : i32 to vector<16xi32>
      %xor3A_2426 = arith.xori %iota3A, %xor3A_2425 : vector<16xi32>
      %broadcast_in_dim3A_2427 = vector.shape_cast %xor3A_2426 : vector<16xi32> to vector<16x1xi32>
      %gather3A_2428 = vector.shape_cast %broadcast_in_dim3A_2427 : vector<16x1xi32> to vector<16xi32>
      %gather3A_2429 = tpu.dynamic_gather %select_n3A_2422[%gather3A_2428] in [0] : vector<16xf32>, vector<16xi32> -> vector<16xf32>
      %xor3A_2430 = arith.constant 1 : i32
      %xor3A_2431 = vector.broadcast %xor3A_2430 : i32 to vector<16xi32>
      %xor3A_2432 = arith.xori %iota3A, %xor3A_2431 : vector<16xi32>
      %broadcast_in_dim3A_2433 = vector.shape_cast %xor3A_2432 : vector<16xi32> to vector<16x1xi32>
      %gather3A_2434 = vector.shape_cast %broadcast_in_dim3A_2433 : vector<16x1xi32> to vector<16xi32>
      %gather3A_2435 = tpu.dynamic_gather %select_n3A_2423[%gather3A_2434] in [0] : vector<16xi32>, vector<16xi32> -> vector<16xi32>
      %lt3A_2436 = arith.cmpf olt, %gather3A_2429, %select_n3A_2422 : vector<16xf32>
      %eq3A_2437 = arith.cmpf oeq, %gather3A_2429, %select_n3A_2422 : vector<16xf32>
      %lt3A_2438 = arith.cmpi slt, %gather3A_2435, %select_n3A_2423 : vector<16xi32>
      %and3A_2439 = arith.andi %eq3A_2437, %lt3A_2438 : vector<16xi1>
      %or3A_2440 = arith.ori %lt3A_2436, %and3A_2439 : vector<16xi1>
      %select_n3A_2441 = arith.select %or3A_2440, %gather3A_2429, %select_n3A_2422 : vector<16xi1>, vector<16xf32>
      %select_n3A_2442 = arith.select %or3A_2440, %gather3A_2435, %select_n3A_2423 : vector<16xi1>, vector<16xi32>
      %slice3A_2443 = vector.extract_strided_slice %select_n3A_2442 {offsets = [0], sizes = [1], strides = [1]} : vector<16xi32> to vector<1xi32>
      %squeeze3A_2444 = vector.extract %slice3A_2443[0] : i32 from vector<1xi32>
      %jit3A_2445 = arith.constant 16 : i32
      %div3A_2446 = arith.divsi %squeeze3A_2444, %jit3A_2445 : i32
      %sign3A_2447 = arith.constant 0 : i32
      %sign3A_2448 = arith.cmpi sgt, %squeeze3A_2444, %sign3A_2447 : i32
      %sign3A_2449 = arith.extui %sign3A_2448 : i1 to i32
      %sign3A_2450 = arith.constant 0 : i32
      %sign3A_2451 = arith.cmpi slt, %squeeze3A_2444, %sign3A_2450 : i32
      %sign3A_2452 = arith.extui %sign3A_2451 : i1 to i32
      %sign3A_2453 = arith.subi %sign3A_2449, %sign3A_2452 : i32
      %sign3A_2454 = arith.constant 0 : i32
      %sign3A_2455 = arith.cmpi sgt, %jit3A_2445, %sign3A_2454 : i32
      %sign3A_2456 = arith.extui %sign3A_2455 : i1 to i32
      %sign3A_2457 = arith.constant 0 : i32
      %sign3A_2458 = arith.cmpi slt, %jit3A_2445, %sign3A_2457 : i32
      %sign3A_2459 = arith.extui %sign3A_2458 : i1 to i32
      %sign3A_2460 = arith.subi %sign3A_2456, %sign3A_2459 : i32
      %ne3A_2461 = arith.cmpi ne, %sign3A_2453, %sign3A_2460 : i32
      %rem3A_2462 = arith.remsi %squeeze3A_2444, %jit3A_2445 : i32
      %ne3A_2463 = arith.constant 0 : i32
      %ne3A_2464 = arith.cmpi ne, %rem3A_2462, %ne3A_2463 : i32
      %and3A_2465 = arith.andi %ne3A_2461, %ne3A_2464 : i1
      %sub3A_2466 = arith.constant 1 : i32
      %sub3A_2467 = arith.subi %div3A_2446, %sub3A_2466 : i32
      %select_n3A_2468 = arith.select %and3A_2465, %sub3A_2467, %div3A_2446 : i32
      %mul3A_2469 = arith.constant 16 : i32
      %mul3A_2470 = arith.muli %select_n3A_2468, %mul3A_2469 : i32
      %get3A_2471 = arith.index_cast %mul3A_2470 : i32 to index
      %get3A_2472 = tpu.vector_load %arg13[%get3A_2471] {strides = array<i32>} : memref<512xi32, #tpu.memory_space<vmem>>, vector<16xi32>,
      %sub3A_2473 = arith.subi %squeeze3A_2444, %mul3A_2470 : i32
      %broadcast_in_dim3A_2474 = vector.broadcast %sub3A_2473 : i32 to vector<16xi32>
      %broadcast_in_dim3A_2475 = vector.shape_cast %broadcast_in_dim3A_2474 : vector<16xi32> to vector<16x1xi32>
      %gather3A_2476 = vector.shape_cast %broadcast_in_dim3A_2475 : vector<16x1xi32> to vector<16xi32>
      %gather3A_2477 = tpu.dynamic_gather %get3A_2472[%gather3A_2476] in [0] : vector<16xi32>, vector<16xi32> -> vector<16xi32>
      %eq3A_2478 = arith.constant 13 : i32
      %eq3A_2479 = vector.broadcast %eq3A_2478 : i32 to vector<16xi32>
      %eq3A_2480 = arith.cmpi eq, %iota3A, %eq3A_2479 : vector<16xi32>
      %select_n3A_2481 = arith.select %eq3A_2480, %gather3A_2477, %select_n3A_2319 : vector<16xi1>, vector<16xi32>
      %jit3A_2482 = arith.constant 16 : i32
      %div3A_2483 = arith.divsi %squeeze3A_2444, %jit3A_2482 : i32
      %sign3A_2484 = arith.constant 0 : i32
      %sign3A_2485 = arith.cmpi sgt, %squeeze3A_2444, %sign3A_2484 : i32
      %sign3A_2486 = arith.extui %sign3A_2485 : i1 to i32
      %sign3A_2487 = arith.constant 0 : i32
      %sign3A_2488 = arith.cmpi slt, %squeeze3A_2444, %sign3A_2487 : i32
      %sign3A_2489 = arith.extui %sign3A_2488 : i1 to i32
      %sign3A_2490 = arith.subi %sign3A_2486, %sign3A_2489 : i32
      %sign3A_2491 = arith.constant 0 : i32
      %sign3A_2492 = arith.cmpi sgt, %jit3A_2482, %sign3A_2491 : i32
      %sign3A_2493 = arith.extui %sign3A_2492 : i1 to i32
      %sign3A_2494 = arith.constant 0 : i32
      %sign3A_2495 = arith.cmpi slt, %jit3A_2482, %sign3A_2494 : i32
      %sign3A_2496 = arith.extui %sign3A_2495 : i1 to i32
      %sign3A_2497 = arith.subi %sign3A_2493, %sign3A_2496 : i32
      %ne3A_2498 = arith.cmpi ne, %sign3A_2490, %sign3A_2497 : i32
      %rem3A_2499 = arith.remsi %squeeze3A_2444, %jit3A_2482 : i32
      %ne3A_2500 = arith.constant 0 : i32
      %ne3A_2501 = arith.cmpi ne, %rem3A_2499, %ne3A_2500 : i32
      %and3A_2502 = arith.andi %ne3A_2498, %ne3A_2501 : i1
      %sub3A_2503 = arith.constant 1 : i32
      %sub3A_2504 = arith.subi %div3A_2483, %sub3A_2503 : i32
      %select_n3A_2505 = arith.select %and3A_2502, %sub3A_2504, %div3A_2483 : i32
      %mul3A_2506 = arith.constant 16 : i32
      %mul3A_2507 = arith.muli %select_n3A_2505, %mul3A_2506 : i32
      %get3A_2508 = arith.index_cast %mul3A_2507 : i32 to index
      %get3A_2509 = tpu.vector_load %arg12[%get3A_2508] {strides = array<i32>} : memref<528xf32, #tpu.memory_space<vmem>>, vector<16xf32>,
      %sub3A_2510 = arith.subi %squeeze3A_2444, %mul3A_2507 : i32
      %eq3A_2511 = vector.broadcast %sub3A_2510 : i32 to vector<16xi32>
      %eq3A_2512 = arith.cmpi eq, %iota3A, %eq3A_2511 : vector<16xi32>
      %jit3A_2513 = arith.constant 3.000000e+38 : f32
      %broadcast_in_dim3A_2514 = vector.broadcast %jit3A_2513 : f32 to vector<16xf32>
      %select_n3A_2515 = arith.select %eq3A_2512, %broadcast_in_dim3A_2514, %get3A_2509 : vector<16xi1>, vector<16xf32>
      %swap3A_2516 = arith.index_cast %mul3A_2507 : i32 to index
      %swap3A_2517 = tpu.vector_load %arg12[%swap3A_2516] {strides = array<i32>} : memref<528xf32, #tpu.memory_space<vmem>>, vector<16xf32>,
      tpu.vector_store %arg12[%swap3A_2516], %select_n3A_2515 {strides = array<i32>} : memref<528xf32, #tpu.memory_space<vmem>>, vector<16xf32>,
      %while3A_2518 = arith.constant 0 : i32
      %while3A_2519 = arith.subi %select_n3A_253, %while3A_2518 : i32
      %while3A_2520 = arith.addi %while3A_2518, %while3A_2519 : i32
      %while3A_2521 = arith.constant 1 : i32
      %while3A_2522 = arith.divsi %while3A_2519, %while3A_2521 : i32
      %while3A_2523 = arith.muli %while3A_2522, %while3A_2521 : i32
      %while3A_2524 = arith.addi %while3A_2518, %while3A_2523 : i32
      %while3A_2525 = arith.constant 1 : i32
      %while3A_2526:2 = scf.for %while3A_3501 = %while3A_2518 to %while3A_2524 step %while3A_2525 iter_args(%while3A_3502 = %broadcast_in_dim3A_1, %while3A_3503 = %broadcast_in_dim3A_5) -> (vector<16xf32>, vector<16xi32>)  : i32 {
        %mul3A_3504 = arith.constant 16 : i32
        %mul3A_3505 = arith.muli %mul3A_3504, %while3A_3501 : i32
        %get3A_3506 = arith.index_cast %mul3A_3505 : i32 to index
        %get3A_3507 = tpu.vector_load %arg12[%get3A_3506] {strides = array<i32>} : memref<528xf32, #tpu.memory_space<vmem>>, vector<16xf32>,
        %lt3A_3508 = arith.cmpf olt, %get3A_3507, %while3A_3502 : vector<16xf32>
        %select_n3A_3509 = arith.select %lt3A_3508, %get3A_3507, %while3A_3502 : vector<16xi1>, vector<16xf32>
        %mul3A_3510 = arith.constant 16 : i32
        %mul3A_3511 = arith.muli %mul3A_3510, %while3A_3501 : i32
        %add3A_3512 = vector.broadcast %mul3A_3511 : i32 to vector<16xi32>
        %add3A_3513 = arith.addi %add3A_3512, %iota3A : vector<16xi32>
        %select_n3A_3514 = arith.select %lt3A_3508, %add3A_3513, %while3A_3503 : vector<16xi1>, vector<16xi32>
        scf.yield %select_n3A_3509, %select_n3A_3514 : vector<16xf32>, vector<16xi32>
      }
      %while3A_2527 = arith.constant 1 : i32
      %while3A_2528:2 = scf.for %while3A_3501 = %while3A_2524 to %while3A_2520 step %while3A_2527 iter_args(%while3A_3502 = %while3A_2526#0, %while3A_3503 = %while3A_2526#1) -> (vector<16xf32>, vector<16xi32>)  : i32 {
        %mul3A_3504 = arith.constant 16 : i32
        %mul3A_3505 = arith.muli %mul3A_3504, %while3A_3501 : i32
        %get3A_3506 = arith.index_cast %mul3A_3505 : i32 to index
        %get3A_3507 = tpu.vector_load %arg12[%get3A_3506] {strides = array<i32>} : memref<528xf32, #tpu.memory_space<vmem>>, vector<16xf32>,
        %lt3A_3508 = arith.cmpf olt, %get3A_3507, %while3A_3502 : vector<16xf32>
        %select_n3A_3509 = arith.select %lt3A_3508, %get3A_3507, %while3A_3502 : vector<16xi1>, vector<16xf32>
        %mul3A_3510 = arith.constant 16 : i32
        %mul3A_3511 = arith.muli %mul3A_3510, %while3A_3501 : i32
        %add3A_3512 = vector.broadcast %mul3A_3511 : i32 to vector<16xi32>
        %add3A_3513 = arith.addi %add3A_3512, %iota3A : vector<16xi32>
        %select_n3A_3514 = arith.select %lt3A_3508, %add3A_3513, %while3A_3503 : vector<16xi1>, vector<16xi32>
        scf.yield %select_n3A_3509, %select_n3A_3514 : vector<16xf32>, vector<16xi32>
      }
      %xor3A_2529 = arith.constant 8 : i32
      %xor3A_2530 = vector.broadcast %xor3A_2529 : i32 to vector<16xi32>
      %xor3A_2531 = arith.xori %iota3A, %xor3A_2530 : vector<16xi32>
      %broadcast_in_dim3A_2532 = vector.shape_cast %xor3A_2531 : vector<16xi32> to vector<16x1xi32>
      %gather3A_2533 = vector.shape_cast %broadcast_in_dim3A_2532 : vector<16x1xi32> to vector<16xi32>
      %gather3A_2534 = tpu.dynamic_gather %while3A_2528#0[%gather3A_2533] in [0] : vector<16xf32>, vector<16xi32> -> vector<16xf32>
      %xor3A_2535 = arith.constant 8 : i32
      %xor3A_2536 = vector.broadcast %xor3A_2535 : i32 to vector<16xi32>
      %xor3A_2537 = arith.xori %iota3A, %xor3A_2536 : vector<16xi32>
      %broadcast_in_dim3A_2538 = vector.shape_cast %xor3A_2537 : vector<16xi32> to vector<16x1xi32>
      %gather3A_2539 = vector.shape_cast %broadcast_in_dim3A_2538 : vector<16x1xi32> to vector<16xi32>
      %gather3A_2540 = tpu.dynamic_gather %while3A_2528#1[%gather3A_2539] in [0] : vector<16xi32>, vector<16xi32> -> vector<16xi32>
      %lt3A_2541 = arith.cmpf olt, %gather3A_2534, %while3A_2528#0 : vector<16xf32>
      %eq3A_2542 = arith.cmpf oeq, %gather3A_2534, %while3A_2528#0 : vector<16xf32>
      %lt3A_2543 = arith.cmpi slt, %gather3A_2540, %while3A_2528#1 : vector<16xi32>
      %and3A_2544 = arith.andi %eq3A_2542, %lt3A_2543 : vector<16xi1>
      %or3A_2545 = arith.ori %lt3A_2541, %and3A_2544 : vector<16xi1>
      %select_n3A_2546 = arith.select %or3A_2545, %gather3A_2534, %while3A_2528#0 : vector<16xi1>, vector<16xf32>
      %select_n3A_2547 = arith.select %or3A_2545, %gather3A_2540, %while3A_2528#1 : vector<16xi1>, vector<16xi32>
      %xor3A_2548 = arith.constant 4 : i32
      %xor3A_2549 = vector.broadcast %xor3A_2548 : i32 to vector<16xi32>
      %xor3A_2550 = arith.xori %iota3A, %xor3A_2549 : vector<16xi32>
      %broadcast_in_dim3A_2551 = vector.shape_cast %xor3A_2550 : vector<16xi32> to vector<16x1xi32>
      %gather3A_2552 = vector.shape_cast %broadcast_in_dim3A_2551 : vector<16x1xi32> to vector<16xi32>
      %gather3A_2553 = tpu.dynamic_gather %select_n3A_2546[%gather3A_2552] in [0] : vector<16xf32>, vector<16xi32> -> vector<16xf32>
      %xor3A_2554 = arith.constant 4 : i32
      %xor3A_2555 = vector.broadcast %xor3A_2554 : i32 to vector<16xi32>
      %xor3A_2556 = arith.xori %iota3A, %xor3A_2555 : vector<16xi32>
      %broadcast_in_dim3A_2557 = vector.shape_cast %xor3A_2556 : vector<16xi32> to vector<16x1xi32>
      %gather3A_2558 = vector.shape_cast %broadcast_in_dim3A_2557 : vector<16x1xi32> to vector<16xi32>
      %gather3A_2559 = tpu.dynamic_gather %select_n3A_2547[%gather3A_2558] in [0] : vector<16xi32>, vector<16xi32> -> vector<16xi32>
      %lt3A_2560 = arith.cmpf olt, %gather3A_2553, %select_n3A_2546 : vector<16xf32>
      %eq3A_2561 = arith.cmpf oeq, %gather3A_2553, %select_n3A_2546 : vector<16xf32>
      %lt3A_2562 = arith.cmpi slt, %gather3A_2559, %select_n3A_2547 : vector<16xi32>
      %and3A_2563 = arith.andi %eq3A_2561, %lt3A_2562 : vector<16xi1>
      %or3A_2564 = arith.ori %lt3A_2560, %and3A_2563 : vector<16xi1>
      %select_n3A_2565 = arith.select %or3A_2564, %gather3A_2553, %select_n3A_2546 : vector<16xi1>, vector<16xf32>
      %select_n3A_2566 = arith.select %or3A_2564, %gather3A_2559, %select_n3A_2547 : vector<16xi1>, vector<16xi32>
      %xor3A_2567 = arith.constant 2 : i32
      %xor3A_2568 = vector.broadcast %xor3A_2567 : i32 to vector<16xi32>
      %xor3A_2569 = arith.xori %iota3A, %xor3A_2568 : vector<16xi32>
      %broadcast_in_dim3A_2570 = vector.shape_cast %xor3A_2569 : vector<16xi32> to vector<16x1xi32>
      %gather3A_2571 = vector.shape_cast %broadcast_in_dim3A_2570 : vector<16x1xi32> to vector<16xi32>
      %gather3A_2572 = tpu.dynamic_gather %select_n3A_2565[%gather3A_2571] in [0] : vector<16xf32>, vector<16xi32> -> vector<16xf32>
      %xor3A_2573 = arith.constant 2 : i32
      %xor3A_2574 = vector.broadcast %xor3A_2573 : i32 to vector<16xi32>
      %xor3A_2575 = arith.xori %iota3A, %xor3A_2574 : vector<16xi32>
      %broadcast_in_dim3A_2576 = vector.shape_cast %xor3A_2575 : vector<16xi32> to vector<16x1xi32>
      %gather3A_2577 = vector.shape_cast %broadcast_in_dim3A_2576 : vector<16x1xi32> to vector<16xi32>
      %gather3A_2578 = tpu.dynamic_gather %select_n3A_2566[%gather3A_2577] in [0] : vector<16xi32>, vector<16xi32> -> vector<16xi32>
      %lt3A_2579 = arith.cmpf olt, %gather3A_2572, %select_n3A_2565 : vector<16xf32>
      %eq3A_2580 = arith.cmpf oeq, %gather3A_2572, %select_n3A_2565 : vector<16xf32>
      %lt3A_2581 = arith.cmpi slt, %gather3A_2578, %select_n3A_2566 : vector<16xi32>
      %and3A_2582 = arith.andi %eq3A_2580, %lt3A_2581 : vector<16xi1>
      %or3A_2583 = arith.ori %lt3A_2579, %and3A_2582 : vector<16xi1>
      %select_n3A_2584 = arith.select %or3A_2583, %gather3A_2572, %select_n3A_2565 : vector<16xi1>, vector<16xf32>
      %select_n3A_2585 = arith.select %or3A_2583, %gather3A_2578, %select_n3A_2566 : vector<16xi1>, vector<16xi32>
      %xor3A_2586 = arith.constant 1 : i32
      %xor3A_2587 = vector.broadcast %xor3A_2586 : i32 to vector<16xi32>
      %xor3A_2588 = arith.xori %iota3A, %xor3A_2587 : vector<16xi32>
      %broadcast_in_dim3A_2589 = vector.shape_cast %xor3A_2588 : vector<16xi32> to vector<16x1xi32>
      %gather3A_2590 = vector.shape_cast %broadcast_in_dim3A_2589 : vector<16x1xi32> to vector<16xi32>
      %gather3A_2591 = tpu.dynamic_gather %select_n3A_2584[%gather3A_2590] in [0] : vector<16xf32>, vector<16xi32> -> vector<16xf32>
      %xor3A_2592 = arith.constant 1 : i32
      %xor3A_2593 = vector.broadcast %xor3A_2592 : i32 to vector<16xi32>
      %xor3A_2594 = arith.xori %iota3A, %xor3A_2593 : vector<16xi32>
      %broadcast_in_dim3A_2595 = vector.shape_cast %xor3A_2594 : vector<16xi32> to vector<16x1xi32>
      %gather3A_2596 = vector.shape_cast %broadcast_in_dim3A_2595 : vector<16x1xi32> to vector<16xi32>
      %gather3A_2597 = tpu.dynamic_gather %select_n3A_2585[%gather3A_2596] in [0] : vector<16xi32>, vector<16xi32> -> vector<16xi32>
      %lt3A_2598 = arith.cmpf olt, %gather3A_2591, %select_n3A_2584 : vector<16xf32>
      %eq3A_2599 = arith.cmpf oeq, %gather3A_2591, %select_n3A_2584 : vector<16xf32>
      %lt3A_2600 = arith.cmpi slt, %gather3A_2597, %select_n3A_2585 : vector<16xi32>
      %and3A_2601 = arith.andi %eq3A_2599, %lt3A_2600 : vector<16xi1>
      %or3A_2602 = arith.ori %lt3A_2598, %and3A_2601 : vector<16xi1>
      %select_n3A_2603 = arith.select %or3A_2602, %gather3A_2591, %select_n3A_2584 : vector<16xi1>, vector<16xf32>
      %select_n3A_2604 = arith.select %or3A_2602, %gather3A_2597, %select_n3A_2585 : vector<16xi1>, vector<16xi32>
      %slice3A_2605 = vector.extract_strided_slice %select_n3A_2604 {offsets = [0], sizes = [1], strides = [1]} : vector<16xi32> to vector<1xi32>
      %squeeze3A_2606 = vector.extract %slice3A_2605[0] : i32 from vector<1xi32>
      %jit3A_2607 = arith.constant 16 : i32
      %div3A_2608 = arith.divsi %squeeze3A_2606, %jit3A_2607 : i32
      %sign3A_2609 = arith.constant 0 : i32
      %sign3A_2610 = arith.cmpi sgt, %squeeze3A_2606, %sign3A_2609 : i32
      %sign3A_2611 = arith.extui %sign3A_2610 : i1 to i32
      %sign3A_2612 = arith.constant 0 : i32
      %sign3A_2613 = arith.cmpi slt, %squeeze3A_2606, %sign3A_2612 : i32
      %sign3A_2614 = arith.extui %sign3A_2613 : i1 to i32
      %sign3A_2615 = arith.subi %sign3A_2611, %sign3A_2614 : i32
      %sign3A_2616 = arith.constant 0 : i32
      %sign3A_2617 = arith.cmpi sgt, %jit3A_2607, %sign3A_2616 : i32
      %sign3A_2618 = arith.extui %sign3A_2617 : i1 to i32
      %sign3A_2619 = arith.constant 0 : i32
      %sign3A_2620 = arith.cmpi slt, %jit3A_2607, %sign3A_2619 : i32
      %sign3A_2621 = arith.extui %sign3A_2620 : i1 to i32
      %sign3A_2622 = arith.subi %sign3A_2618, %sign3A_2621 : i32
      %ne3A_2623 = arith.cmpi ne, %sign3A_2615, %sign3A_2622 : i32
      %rem3A_2624 = arith.remsi %squeeze3A_2606, %jit3A_2607 : i32
      %ne3A_2625 = arith.constant 0 : i32
      %ne3A_2626 = arith.cmpi ne, %rem3A_2624, %ne3A_2625 : i32
      %and3A_2627 = arith.andi %ne3A_2623, %ne3A_2626 : i1
      %sub3A_2628 = arith.constant 1 : i32
      %sub3A_2629 = arith.subi %div3A_2608, %sub3A_2628 : i32
      %select_n3A_2630 = arith.select %and3A_2627, %sub3A_2629, %div3A_2608 : i32
      %mul3A_2631 = arith.constant 16 : i32
      %mul3A_2632 = arith.muli %select_n3A_2630, %mul3A_2631 : i32
      %get3A_2633 = arith.index_cast %mul3A_2632 : i32 to index
      %get3A_2634 = tpu.vector_load %arg13[%get3A_2633] {strides = array<i32>} : memref<512xi32, #tpu.memory_space<vmem>>, vector<16xi32>,
      %sub3A_2635 = arith.subi %squeeze3A_2606, %mul3A_2632 : i32
      %broadcast_in_dim3A_2636 = vector.broadcast %sub3A_2635 : i32 to vector<16xi32>
      %broadcast_in_dim3A_2637 = vector.shape_cast %broadcast_in_dim3A_2636 : vector<16xi32> to vector<16x1xi32>
      %gather3A_2638 = vector.shape_cast %broadcast_in_dim3A_2637 : vector<16x1xi32> to vector<16xi32>
      %gather3A_2639 = tpu.dynamic_gather %get3A_2634[%gather3A_2638] in [0] : vector<16xi32>, vector<16xi32> -> vector<16xi32>
      %eq3A_2640 = arith.constant 14 : i32
      %eq3A_2641 = vector.broadcast %eq3A_2640 : i32 to vector<16xi32>
      %eq3A_2642 = arith.cmpi eq, %iota3A, %eq3A_2641 : vector<16xi32>
      %select_n3A_2643 = arith.select %eq3A_2642, %gather3A_2639, %select_n3A_2481 : vector<16xi1>, vector<16xi32>
      %jit3A_2644 = arith.constant 16 : i32
      %div3A_2645 = arith.divsi %squeeze3A_2606, %jit3A_2644 : i32
      %sign3A_2646 = arith.constant 0 : i32
      %sign3A_2647 = arith.cmpi sgt, %squeeze3A_2606, %sign3A_2646 : i32
      %sign3A_2648 = arith.extui %sign3A_2647 : i1 to i32
      %sign3A_2649 = arith.constant 0 : i32
      %sign3A_2650 = arith.cmpi slt, %squeeze3A_2606, %sign3A_2649 : i32
      %sign3A_2651 = arith.extui %sign3A_2650 : i1 to i32
      %sign3A_2652 = arith.subi %sign3A_2648, %sign3A_2651 : i32
      %sign3A_2653 = arith.constant 0 : i32
      %sign3A_2654 = arith.cmpi sgt, %jit3A_2644, %sign3A_2653 : i32
      %sign3A_2655 = arith.extui %sign3A_2654 : i1 to i32
      %sign3A_2656 = arith.constant 0 : i32
      %sign3A_2657 = arith.cmpi slt, %jit3A_2644, %sign3A_2656 : i32
      %sign3A_2658 = arith.extui %sign3A_2657 : i1 to i32
      %sign3A_2659 = arith.subi %sign3A_2655, %sign3A_2658 : i32
      %ne3A_2660 = arith.cmpi ne, %sign3A_2652, %sign3A_2659 : i32
      %rem3A_2661 = arith.remsi %squeeze3A_2606, %jit3A_2644 : i32
      %ne3A_2662 = arith.constant 0 : i32
      %ne3A_2663 = arith.cmpi ne, %rem3A_2661, %ne3A_2662 : i32
      %and3A_2664 = arith.andi %ne3A_2660, %ne3A_2663 : i1
      %sub3A_2665 = arith.constant 1 : i32
      %sub3A_2666 = arith.subi %div3A_2645, %sub3A_2665 : i32
      %select_n3A_2667 = arith.select %and3A_2664, %sub3A_2666, %div3A_2645 : i32
      %mul3A_2668 = arith.constant 16 : i32
      %mul3A_2669 = arith.muli %select_n3A_2667, %mul3A_2668 : i32
      %get3A_2670 = arith.index_cast %mul3A_2669 : i32 to index
      %get3A_2671 = tpu.vector_load %arg12[%get3A_2670] {strides = array<i32>} : memref<528xf32, #tpu.memory_space<vmem>>, vector<16xf32>,
      %sub3A_2672 = arith.subi %squeeze3A_2606, %mul3A_2669 : i32
      %eq3A_2673 = vector.broadcast %sub3A_2672 : i32 to vector<16xi32>
      %eq3A_2674 = arith.cmpi eq, %iota3A, %eq3A_2673 : vector<16xi32>
      %jit3A_2675 = arith.constant 3.000000e+38 : f32
      %broadcast_in_dim3A_2676 = vector.broadcast %jit3A_2675 : f32 to vector<16xf32>
      %select_n3A_2677 = arith.select %eq3A_2674, %broadcast_in_dim3A_2676, %get3A_2671 : vector<16xi1>, vector<16xf32>
      %swap3A_2678 = arith.index_cast %mul3A_2669 : i32 to index
      %swap3A_2679 = tpu.vector_load %arg12[%swap3A_2678] {strides = array<i32>} : memref<528xf32, #tpu.memory_space<vmem>>, vector<16xf32>,
      tpu.vector_store %arg12[%swap3A_2678], %select_n3A_2677 {strides = array<i32>} : memref<528xf32, #tpu.memory_space<vmem>>, vector<16xf32>,
      %while3A_2680 = arith.constant 0 : i32
      %while3A_2681 = arith.subi %select_n3A_253, %while3A_2680 : i32
      %while3A_2682 = arith.addi %while3A_2680, %while3A_2681 : i32
      %while3A_2683 = arith.constant 1 : i32
      %while3A_2684 = arith.divsi %while3A_2681, %while3A_2683 : i32
      %while3A_2685 = arith.muli %while3A_2684, %while3A_2683 : i32
      %while3A_2686 = arith.addi %while3A_2680, %while3A_2685 : i32
      %while3A_2687 = arith.constant 1 : i32
      %while3A_2688:2 = scf.for %while3A_3501 = %while3A_2680 to %while3A_2686 step %while3A_2687 iter_args(%while3A_3502 = %broadcast_in_dim3A_1, %while3A_3503 = %broadcast_in_dim3A_5) -> (vector<16xf32>, vector<16xi32>)  : i32 {
        %mul3A_3504 = arith.constant 16 : i32
        %mul3A_3505 = arith.muli %mul3A_3504, %while3A_3501 : i32
        %get3A_3506 = arith.index_cast %mul3A_3505 : i32 to index
        %get3A_3507 = tpu.vector_load %arg12[%get3A_3506] {strides = array<i32>} : memref<528xf32, #tpu.memory_space<vmem>>, vector<16xf32>,
        %lt3A_3508 = arith.cmpf olt, %get3A_3507, %while3A_3502 : vector<16xf32>
        %select_n3A_3509 = arith.select %lt3A_3508, %get3A_3507, %while3A_3502 : vector<16xi1>, vector<16xf32>
        %mul3A_3510 = arith.constant 16 : i32
        %mul3A_3511 = arith.muli %mul3A_3510, %while3A_3501 : i32
        %add3A_3512 = vector.broadcast %mul3A_3511 : i32 to vector<16xi32>
        %add3A_3513 = arith.addi %add3A_3512, %iota3A : vector<16xi32>
        %select_n3A_3514 = arith.select %lt3A_3508, %add3A_3513, %while3A_3503 : vector<16xi1>, vector<16xi32>
        scf.yield %select_n3A_3509, %select_n3A_3514 : vector<16xf32>, vector<16xi32>
      }
      %while3A_2689 = arith.constant 1 : i32
      %while3A_2690:2 = scf.for %while3A_3501 = %while3A_2686 to %while3A_2682 step %while3A_2689 iter_args(%while3A_3502 = %while3A_2688#0, %while3A_3503 = %while3A_2688#1) -> (vector<16xf32>, vector<16xi32>)  : i32 {
        %mul3A_3504 = arith.constant 16 : i32
        %mul3A_3505 = arith.muli %mul3A_3504, %while3A_3501 : i32
        %get3A_3506 = arith.index_cast %mul3A_3505 : i32 to index
        %get3A_3507 = tpu.vector_load %arg12[%get3A_3506] {strides = array<i32>} : memref<528xf32, #tpu.memory_space<vmem>>, vector<16xf32>,
        %lt3A_3508 = arith.cmpf olt, %get3A_3507, %while3A_3502 : vector<16xf32>
        %select_n3A_3509 = arith.select %lt3A_3508, %get3A_3507, %while3A_3502 : vector<16xi1>, vector<16xf32>
        %mul3A_3510 = arith.constant 16 : i32
        %mul3A_3511 = arith.muli %mul3A_3510, %while3A_3501 : i32
        %add3A_3512 = vector.broadcast %mul3A_3511 : i32 to vector<16xi32>
        %add3A_3513 = arith.addi %add3A_3512, %iota3A : vector<16xi32>
        %select_n3A_3514 = arith.select %lt3A_3508, %add3A_3513, %while3A_3503 : vector<16xi1>, vector<16xi32>
        scf.yield %select_n3A_3509, %select_n3A_3514 : vector<16xf32>, vector<16xi32>
      }
      %xor3A_2691 = arith.constant 8 : i32
      %xor3A_2692 = vector.broadcast %xor3A_2691 : i32 to vector<16xi32>
      %xor3A_2693 = arith.xori %iota3A, %xor3A_2692 : vector<16xi32>
      %broadcast_in_dim3A_2694 = vector.shape_cast %xor3A_2693 : vector<16xi32> to vector<16x1xi32>
      %gather3A_2695 = vector.shape_cast %broadcast_in_dim3A_2694 : vector<16x1xi32> to vector<16xi32>
      %gather3A_2696 = tpu.dynamic_gather %while3A_2690#0[%gather3A_2695] in [0] : vector<16xf32>, vector<16xi32> -> vector<16xf32>
      %xor3A_2697 = arith.constant 8 : i32
      %xor3A_2698 = vector.broadcast %xor3A_2697 : i32 to vector<16xi32>
      %xor3A_2699 = arith.xori %iota3A, %xor3A_2698 : vector<16xi32>
      %broadcast_in_dim3A_2700 = vector.shape_cast %xor3A_2699 : vector<16xi32> to vector<16x1xi32>
      %gather3A_2701 = vector.shape_cast %broadcast_in_dim3A_2700 : vector<16x1xi32> to vector<16xi32>
      %gather3A_2702 = tpu.dynamic_gather %while3A_2690#1[%gather3A_2701] in [0] : vector<16xi32>, vector<16xi32> -> vector<16xi32>
      %lt3A_2703 = arith.cmpf olt, %gather3A_2696, %while3A_2690#0 : vector<16xf32>
      %eq3A_2704 = arith.cmpf oeq, %gather3A_2696, %while3A_2690#0 : vector<16xf32>
      %lt3A_2705 = arith.cmpi slt, %gather3A_2702, %while3A_2690#1 : vector<16xi32>
      %and3A_2706 = arith.andi %eq3A_2704, %lt3A_2705 : vector<16xi1>
      %or3A_2707 = arith.ori %lt3A_2703, %and3A_2706 : vector<16xi1>
      %select_n3A_2708 = arith.select %or3A_2707, %gather3A_2696, %while3A_2690#0 : vector<16xi1>, vector<16xf32>
      %select_n3A_2709 = arith.select %or3A_2707, %gather3A_2702, %while3A_2690#1 : vector<16xi1>, vector<16xi32>
      %xor3A_2710 = arith.constant 4 : i32
      %xor3A_2711 = vector.broadcast %xor3A_2710 : i32 to vector<16xi32>
      %xor3A_2712 = arith.xori %iota3A, %xor3A_2711 : vector<16xi32>
      %broadcast_in_dim3A_2713 = vector.shape_cast %xor3A_2712 : vector<16xi32> to vector<16x1xi32>
      %gather3A_2714 = vector.shape_cast %broadcast_in_dim3A_2713 : vector<16x1xi32> to vector<16xi32>
      %gather3A_2715 = tpu.dynamic_gather %select_n3A_2708[%gather3A_2714] in [0] : vector<16xf32>, vector<16xi32> -> vector<16xf32>
      %xor3A_2716 = arith.constant 4 : i32
      %xor3A_2717 = vector.broadcast %xor3A_2716 : i32 to vector<16xi32>
      %xor3A_2718 = arith.xori %iota3A, %xor3A_2717 : vector<16xi32>
      %broadcast_in_dim3A_2719 = vector.shape_cast %xor3A_2718 : vector<16xi32> to vector<16x1xi32>
      %gather3A_2720 = vector.shape_cast %broadcast_in_dim3A_2719 : vector<16x1xi32> to vector<16xi32>
      %gather3A_2721 = tpu.dynamic_gather %select_n3A_2709[%gather3A_2720] in [0] : vector<16xi32>, vector<16xi32> -> vector<16xi32>
      %lt3A_2722 = arith.cmpf olt, %gather3A_2715, %select_n3A_2708 : vector<16xf32>
      %eq3A_2723 = arith.cmpf oeq, %gather3A_2715, %select_n3A_2708 : vector<16xf32>
      %lt3A_2724 = arith.cmpi slt, %gather3A_2721, %select_n3A_2709 : vector<16xi32>
      %and3A_2725 = arith.andi %eq3A_2723, %lt3A_2724 : vector<16xi1>
      %or3A_2726 = arith.ori %lt3A_2722, %and3A_2725 : vector<16xi1>
      %select_n3A_2727 = arith.select %or3A_2726, %gather3A_2715, %select_n3A_2708 : vector<16xi1>, vector<16xf32>
      %select_n3A_2728 = arith.select %or3A_2726, %gather3A_2721, %select_n3A_2709 : vector<16xi1>, vector<16xi32>
      %xor3A_2729 = arith.constant 2 : i32
      %xor3A_2730 = vector.broadcast %xor3A_2729 : i32 to vector<16xi32>
      %xor3A_2731 = arith.xori %iota3A, %xor3A_2730 : vector<16xi32>
      %broadcast_in_dim3A_2732 = vector.shape_cast %xor3A_2731 : vector<16xi32> to vector<16x1xi32>
      %gather3A_2733 = vector.shape_cast %broadcast_in_dim3A_2732 : vector<16x1xi32> to vector<16xi32>
      %gather3A_2734 = tpu.dynamic_gather %select_n3A_2727[%gather3A_2733] in [0] : vector<16xf32>, vector<16xi32> -> vector<16xf32>
      %xor3A_2735 = arith.constant 2 : i32
      %xor3A_2736 = vector.broadcast %xor3A_2735 : i32 to vector<16xi32>
      %xor3A_2737 = arith.xori %iota3A, %xor3A_2736 : vector<16xi32>
      %broadcast_in_dim3A_2738 = vector.shape_cast %xor3A_2737 : vector<16xi32> to vector<16x1xi32>
      %gather3A_2739 = vector.shape_cast %broadcast_in_dim3A_2738 : vector<16x1xi32> to vector<16xi32>
      %gather3A_2740 = tpu.dynamic_gather %select_n3A_2728[%gather3A_2739] in [0] : vector<16xi32>, vector<16xi32> -> vector<16xi32>
      %lt3A_2741 = arith.cmpf olt, %gather3A_2734, %select_n3A_2727 : vector<16xf32>
      %eq3A_2742 = arith.cmpf oeq, %gather3A_2734, %select_n3A_2727 : vector<16xf32>
      %lt3A_2743 = arith.cmpi slt, %gather3A_2740, %select_n3A_2728 : vector<16xi32>
      %and3A_2744 = arith.andi %eq3A_2742, %lt3A_2743 : vector<16xi1>
      %or3A_2745 = arith.ori %lt3A_2741, %and3A_2744 : vector<16xi1>
      %select_n3A_2746 = arith.select %or3A_2745, %gather3A_2734, %select_n3A_2727 : vector<16xi1>, vector<16xf32>
      %select_n3A_2747 = arith.select %or3A_2745, %gather3A_2740, %select_n3A_2728 : vector<16xi1>, vector<16xi32>
      %xor3A_2748 = arith.constant 1 : i32
      %xor3A_2749 = vector.broadcast %xor3A_2748 : i32 to vector<16xi32>
      %xor3A_2750 = arith.xori %iota3A, %xor3A_2749 : vector<16xi32>
      %broadcast_in_dim3A_2751 = vector.shape_cast %xor3A_2750 : vector<16xi32> to vector<16x1xi32>
      %gather3A_2752 = vector.shape_cast %broadcast_in_dim3A_2751 : vector<16x1xi32> to vector<16xi32>
      %gather3A_2753 = tpu.dynamic_gather %select_n3A_2746[%gather3A_2752] in [0] : vector<16xf32>, vector<16xi32> -> vector<16xf32>
      %xor3A_2754 = arith.constant 1 : i32
      %xor3A_2755 = vector.broadcast %xor3A_2754 : i32 to vector<16xi32>
      %xor3A_2756 = arith.xori %iota3A, %xor3A_2755 : vector<16xi32>
      %broadcast_in_dim3A_2757 = vector.shape_cast %xor3A_2756 : vector<16xi32> to vector<16x1xi32>
      %gather3A_2758 = vector.shape_cast %broadcast_in_dim3A_2757 : vector<16x1xi32> to vector<16xi32>
      %gather3A_2759 = tpu.dynamic_gather %select_n3A_2747[%gather3A_2758] in [0] : vector<16xi32>, vector<16xi32> -> vector<16xi32>
      %lt3A_2760 = arith.cmpf olt, %gather3A_2753, %select_n3A_2746 : vector<16xf32>
      %eq3A_2761 = arith.cmpf oeq, %gather3A_2753, %select_n3A_2746 : vector<16xf32>
      %lt3A_2762 = arith.cmpi slt, %gather3A_2759, %select_n3A_2747 : vector<16xi32>
      %and3A_2763 = arith.andi %eq3A_2761, %lt3A_2762 : vector<16xi1>
      %or3A_2764 = arith.ori %lt3A_2760, %and3A_2763 : vector<16xi1>
      %select_n3A_2765 = arith.select %or3A_2764, %gather3A_2753, %select_n3A_2746 : vector<16xi1>, vector<16xf32>
      %select_n3A_2766 = arith.select %or3A_2764, %gather3A_2759, %select_n3A_2747 : vector<16xi1>, vector<16xi32>
      %slice3A_2767 = vector.extract_strided_slice %select_n3A_2766 {offsets = [0], sizes = [1], strides = [1]} : vector<16xi32> to vector<1xi32>
      %squeeze3A_2768 = vector.extract %slice3A_2767[0] : i32 from vector<1xi32>
      %jit3A_2769 = arith.constant 16 : i32
      %div3A_2770 = arith.divsi %squeeze3A_2768, %jit3A_2769 : i32
      %sign3A_2771 = arith.constant 0 : i32
      %sign3A_2772 = arith.cmpi sgt, %squeeze3A_2768, %sign3A_2771 : i32
      %sign3A_2773 = arith.extui %sign3A_2772 : i1 to i32
      %sign3A_2774 = arith.constant 0 : i32
      %sign3A_2775 = arith.cmpi slt, %squeeze3A_2768, %sign3A_2774 : i32
      %sign3A_2776 = arith.extui %sign3A_2775 : i1 to i32
      %sign3A_2777 = arith.subi %sign3A_2773, %sign3A_2776 : i32
      %sign3A_2778 = arith.constant 0 : i32
      %sign3A_2779 = arith.cmpi sgt, %jit3A_2769, %sign3A_2778 : i32
      %sign3A_2780 = arith.extui %sign3A_2779 : i1 to i32
      %sign3A_2781 = arith.constant 0 : i32
      %sign3A_2782 = arith.cmpi slt, %jit3A_2769, %sign3A_2781 : i32
      %sign3A_2783 = arith.extui %sign3A_2782 : i1 to i32
      %sign3A_2784 = arith.subi %sign3A_2780, %sign3A_2783 : i32
      %ne3A_2785 = arith.cmpi ne, %sign3A_2777, %sign3A_2784 : i32
      %rem3A_2786 = arith.remsi %squeeze3A_2768, %jit3A_2769 : i32
      %ne3A_2787 = arith.constant 0 : i32
      %ne3A_2788 = arith.cmpi ne, %rem3A_2786, %ne3A_2787 : i32
      %and3A_2789 = arith.andi %ne3A_2785, %ne3A_2788 : i1
      %sub3A_2790 = arith.constant 1 : i32
      %sub3A_2791 = arith.subi %div3A_2770, %sub3A_2790 : i32
      %select_n3A_2792 = arith.select %and3A_2789, %sub3A_2791, %div3A_2770 : i32
      %mul3A_2793 = arith.constant 16 : i32
      %mul3A_2794 = arith.muli %select_n3A_2792, %mul3A_2793 : i32
      %get3A_2795 = arith.index_cast %mul3A_2794 : i32 to index
      %get3A_2796 = tpu.vector_load %arg13[%get3A_2795] {strides = array<i32>} : memref<512xi32, #tpu.memory_space<vmem>>, vector<16xi32>,
      %sub3A_2797 = arith.subi %squeeze3A_2768, %mul3A_2794 : i32
      %broadcast_in_dim3A_2798 = vector.broadcast %sub3A_2797 : i32 to vector<16xi32>
      %broadcast_in_dim3A_2799 = vector.shape_cast %broadcast_in_dim3A_2798 : vector<16xi32> to vector<16x1xi32>
      %gather3A_2800 = vector.shape_cast %broadcast_in_dim3A_2799 : vector<16x1xi32> to vector<16xi32>
      %gather3A_2801 = tpu.dynamic_gather %get3A_2796[%gather3A_2800] in [0] : vector<16xi32>, vector<16xi32> -> vector<16xi32>
      %eq3A_2802 = arith.constant 15 : i32
      %eq3A_2803 = vector.broadcast %eq3A_2802 : i32 to vector<16xi32>
      %eq3A_2804 = arith.cmpi eq, %iota3A, %eq3A_2803 : vector<16xi32>
      %select_n3A_2805 = arith.select %eq3A_2804, %gather3A_2801, %select_n3A_2643 : vector<16xi1>, vector<16xi32>
      %jit3A_2806 = arith.constant 16 : i32
      %div3A_2807 = arith.divsi %squeeze3A_2768, %jit3A_2806 : i32
      %sign3A_2808 = arith.constant 0 : i32
      %sign3A_2809 = arith.cmpi sgt, %squeeze3A_2768, %sign3A_2808 : i32
      %sign3A_2810 = arith.extui %sign3A_2809 : i1 to i32
      %sign3A_2811 = arith.constant 0 : i32
      %sign3A_2812 = arith.cmpi slt, %squeeze3A_2768, %sign3A_2811 : i32
      %sign3A_2813 = arith.extui %sign3A_2812 : i1 to i32
      %sign3A_2814 = arith.subi %sign3A_2810, %sign3A_2813 : i32
      %sign3A_2815 = arith.constant 0 : i32
      %sign3A_2816 = arith.cmpi sgt, %jit3A_2806, %sign3A_2815 : i32
      %sign3A_2817 = arith.extui %sign3A_2816 : i1 to i32
      %sign3A_2818 = arith.constant 0 : i32
      %sign3A_2819 = arith.cmpi slt, %jit3A_2806, %sign3A_2818 : i32
      %sign3A_2820 = arith.extui %sign3A_2819 : i1 to i32
      %sign3A_2821 = arith.subi %sign3A_2817, %sign3A_2820 : i32
      %ne3A_2822 = arith.cmpi ne, %sign3A_2814, %sign3A_2821 : i32
      %rem3A_2823 = arith.remsi %squeeze3A_2768, %jit3A_2806 : i32
      %ne3A_2824 = arith.constant 0 : i32
      %ne3A_2825 = arith.cmpi ne, %rem3A_2823, %ne3A_2824 : i32
      %and3A_2826 = arith.andi %ne3A_2822, %ne3A_2825 : i1
      %sub3A_2827 = arith.constant 1 : i32
      %sub3A_2828 = arith.subi %div3A_2807, %sub3A_2827 : i32
      %select_n3A_2829 = arith.select %and3A_2826, %sub3A_2828, %div3A_2807 : i32
      %mul3A_2830 = arith.constant 16 : i32
      %mul3A_2831 = arith.muli %select_n3A_2829, %mul3A_2830 : i32
      %get3A_2832 = arith.index_cast %mul3A_2831 : i32 to index
      %get3A_2833 = tpu.vector_load %arg12[%get3A_2832] {strides = array<i32>} : memref<528xf32, #tpu.memory_space<vmem>>, vector<16xf32>,
      %sub3A_2834 = arith.subi %squeeze3A_2768, %mul3A_2831 : i32
      %eq3A_2835 = vector.broadcast %sub3A_2834 : i32 to vector<16xi32>
      %eq3A_2836 = arith.cmpi eq, %iota3A, %eq3A_2835 : vector<16xi32>
      %jit3A_2837 = arith.constant 3.000000e+38 : f32
      %broadcast_in_dim3A_2838 = vector.broadcast %jit3A_2837 : f32 to vector<16xf32>
      %select_n3A_2839 = arith.select %eq3A_2836, %broadcast_in_dim3A_2838, %get3A_2833 : vector<16xi1>, vector<16xf32>
      %swap3A_2840 = arith.index_cast %mul3A_2831 : i32 to index
      %swap3A_2841 = tpu.vector_load %arg12[%swap3A_2840] {strides = array<i32>} : memref<528xf32, #tpu.memory_space<vmem>>, vector<16xf32>,
      tpu.vector_store %arg12[%swap3A_2840], %select_n3A_2839 {strides = array<i32>} : memref<528xf32, #tpu.memory_space<vmem>>, vector<16xf32>,
      %while3A_2842 = arith.constant 0 : i32
      %while3A_2843 = arith.subi %select_n3A_253, %while3A_2842 : i32
      %while3A_2844 = arith.addi %while3A_2842, %while3A_2843 : i32
      %while3A_2845 = arith.constant 1 : i32
      %while3A_2846 = arith.divsi %while3A_2843, %while3A_2845 : i32
      %while3A_2847 = arith.muli %while3A_2846, %while3A_2845 : i32
      %while3A_2848 = arith.addi %while3A_2842, %while3A_2847 : i32
      %while3A_2849 = arith.constant 1 : i32
      %while3A_2850:2 = scf.for %while3A_3501 = %while3A_2842 to %while3A_2848 step %while3A_2849 iter_args(%while3A_3502 = %broadcast_in_dim3A_1, %while3A_3503 = %broadcast_in_dim3A_5) -> (vector<16xf32>, vector<16xi32>)  : i32 {
        %mul3A_3504 = arith.constant 16 : i32
        %mul3A_3505 = arith.muli %mul3A_3504, %while3A_3501 : i32
        %get3A_3506 = arith.index_cast %mul3A_3505 : i32 to index
        %get3A_3507 = tpu.vector_load %arg12[%get3A_3506] {strides = array<i32>} : memref<528xf32, #tpu.memory_space<vmem>>, vector<16xf32>,
        %lt3A_3508 = arith.cmpf olt, %get3A_3507, %while3A_3502 : vector<16xf32>
        %select_n3A_3509 = arith.select %lt3A_3508, %get3A_3507, %while3A_3502 : vector<16xi1>, vector<16xf32>
        %mul3A_3510 = arith.constant 16 : i32
        %mul3A_3511 = arith.muli %mul3A_3510, %while3A_3501 : i32
        %add3A_3512 = vector.broadcast %mul3A_3511 : i32 to vector<16xi32>
        %add3A_3513 = arith.addi %add3A_3512, %iota3A : vector<16xi32>
        %select_n3A_3514 = arith.select %lt3A_3508, %add3A_3513, %while3A_3503 : vector<16xi1>, vector<16xi32>
        scf.yield %select_n3A_3509, %select_n3A_3514 : vector<16xf32>, vector<16xi32>
      }
      %while3A_2851 = arith.constant 1 : i32
      %while3A_2852:2 = scf.for %while3A_3501 = %while3A_2848 to %while3A_2844 step %while3A_2851 iter_args(%while3A_3502 = %while3A_2850#0, %while3A_3503 = %while3A_2850#1) -> (vector<16xf32>, vector<16xi32>)  : i32 {
        %mul3A_3504 = arith.constant 16 : i32
        %mul3A_3505 = arith.muli %mul3A_3504, %while3A_3501 : i32
        %get3A_3506 = arith.index_cast %mul3A_3505 : i32 to index
        %get3A_3507 = tpu.vector_load %arg12[%get3A_3506] {strides = array<i32>} : memref<528xf32, #tpu.memory_space<vmem>>, vector<16xf32>,
        %lt3A_3508 = arith.cmpf olt, %get3A_3507, %while3A_3502 : vector<16xf32>
        %select_n3A_3509 = arith.select %lt3A_3508, %get3A_3507, %while3A_3502 : vector<16xi1>, vector<16xf32>
        %mul3A_3510 = arith.constant 16 : i32
        %mul3A_3511 = arith.muli %mul3A_3510, %while3A_3501 : i32
        %add3A_3512 = vector.broadcast %mul3A_3511 : i32 to vector<16xi32>
        %add3A_3513 = arith.addi %add3A_3512, %iota3A : vector<16xi32>
        %select_n3A_3514 = arith.select %lt3A_3508, %add3A_3513, %while3A_3503 : vector<16xi1>, vector<16xi32>
        scf.yield %select_n3A_3509, %select_n3A_3514 : vector<16xf32>, vector<16xi32>
      }
      %xor3A_2853 = arith.constant 8 : i32
      %xor3A_2854 = vector.broadcast %xor3A_2853 : i32 to vector<16xi32>
      %xor3A_2855 = arith.xori %iota3A, %xor3A_2854 : vector<16xi32>
      %broadcast_in_dim3A_2856 = vector.shape_cast %xor3A_2855 : vector<16xi32> to vector<16x1xi32>
      %gather3A_2857 = vector.shape_cast %broadcast_in_dim3A_2856 : vector<16x1xi32> to vector<16xi32>
      %gather3A_2858 = tpu.dynamic_gather %while3A_2852#0[%gather3A_2857] in [0] : vector<16xf32>, vector<16xi32> -> vector<16xf32>
      %xor3A_2859 = arith.constant 8 : i32
      %xor3A_2860 = vector.broadcast %xor3A_2859 : i32 to vector<16xi32>
      %xor3A_2861 = arith.xori %iota3A, %xor3A_2860 : vector<16xi32>
      %broadcast_in_dim3A_2862 = vector.shape_cast %xor3A_2861 : vector<16xi32> to vector<16x1xi32>
      %gather3A_2863 = vector.shape_cast %broadcast_in_dim3A_2862 : vector<16x1xi32> to vector<16xi32>
      %gather3A_2864 = tpu.dynamic_gather %while3A_2852#1[%gather3A_2863] in [0] : vector<16xi32>, vector<16xi32> -> vector<16xi32>
      %lt3A_2865 = arith.cmpf olt, %gather3A_2858, %while3A_2852#0 : vector<16xf32>
      %eq3A_2866 = arith.cmpf oeq, %gather3A_2858, %while3A_2852#0 : vector<16xf32>
      %lt3A_2867 = arith.cmpi slt, %gather3A_2864, %while3A_2852#1 : vector<16xi32>
      %and3A_2868 = arith.andi %eq3A_2866, %lt3A_2867 : vector<16xi1>
      %or3A_2869 = arith.ori %lt3A_2865, %and3A_2868 : vector<16xi1>
      %select_n3A_2870 = arith.select %or3A_2869, %gather3A_2858, %while3A_2852#0 : vector<16xi1>, vector<16xf32>
      %select_n3A_2871 = arith.select %or3A_2869, %gather3A_2864, %while3A_2852#1 : vector<16xi1>, vector<16xi32>
      %xor3A_2872 = arith.constant 4 : i32
      %xor3A_2873 = vector.broadcast %xor3A_2872 : i32 to vector<16xi32>
      %xor3A_2874 = arith.xori %iota3A, %xor3A_2873 : vector<16xi32>
      %broadcast_in_dim3A_2875 = vector.shape_cast %xor3A_2874 : vector<16xi32> to vector<16x1xi32>
      %gather3A_2876 = vector.shape_cast %broadcast_in_dim3A_2875 : vector<16x1xi32> to vector<16xi32>
      %gather3A_2877 = tpu.dynamic_gather %select_n3A_2870[%gather3A_2876] in [0] : vector<16xf32>, vector<16xi32> -> vector<16xf32>
      %xor3A_2878 = arith.constant 4 : i32
      %xor3A_2879 = vector.broadcast %xor3A_2878 : i32 to vector<16xi32>
      %xor3A_2880 = arith.xori %iota3A, %xor3A_2879 : vector<16xi32>
      %broadcast_in_dim3A_2881 = vector.shape_cast %xor3A_2880 : vector<16xi32> to vector<16x1xi32>
      %gather3A_2882 = vector.shape_cast %broadcast_in_dim3A_2881 : vector<16x1xi32> to vector<16xi32>
      %gather3A_2883 = tpu.dynamic_gather %select_n3A_2871[%gather3A_2882] in [0] : vector<16xi32>, vector<16xi32> -> vector<16xi32>
      %lt3A_2884 = arith.cmpf olt, %gather3A_2877, %select_n3A_2870 : vector<16xf32>
      %eq3A_2885 = arith.cmpf oeq, %gather3A_2877, %select_n3A_2870 : vector<16xf32>
      %lt3A_2886 = arith.cmpi slt, %gather3A_2883, %select_n3A_2871 : vector<16xi32>
      %and3A_2887 = arith.andi %eq3A_2885, %lt3A_2886 : vector<16xi1>
      %or3A_2888 = arith.ori %lt3A_2884, %and3A_2887 : vector<16xi1>
      %select_n3A_2889 = arith.select %or3A_2888, %gather3A_2877, %select_n3A_2870 : vector<16xi1>, vector<16xf32>
      %select_n3A_2890 = arith.select %or3A_2888, %gather3A_2883, %select_n3A_2871 : vector<16xi1>, vector<16xi32>
      %xor3A_2891 = arith.constant 2 : i32
      %xor3A_2892 = vector.broadcast %xor3A_2891 : i32 to vector<16xi32>
      %xor3A_2893 = arith.xori %iota3A, %xor3A_2892 : vector<16xi32>
      %broadcast_in_dim3A_2894 = vector.shape_cast %xor3A_2893 : vector<16xi32> to vector<16x1xi32>
      %gather3A_2895 = vector.shape_cast %broadcast_in_dim3A_2894 : vector<16x1xi32> to vector<16xi32>
      %gather3A_2896 = tpu.dynamic_gather %select_n3A_2889[%gather3A_2895] in [0] : vector<16xf32>, vector<16xi32> -> vector<16xf32>
      %xor3A_2897 = arith.constant 2 : i32
      %xor3A_2898 = vector.broadcast %xor3A_2897 : i32 to vector<16xi32>
      %xor3A_2899 = arith.xori %iota3A, %xor3A_2898 : vector<16xi32>
      %broadcast_in_dim3A_2900 = vector.shape_cast %xor3A_2899 : vector<16xi32> to vector<16x1xi32>
      %gather3A_2901 = vector.shape_cast %broadcast_in_dim3A_2900 : vector<16x1xi32> to vector<16xi32>
      %gather3A_2902 = tpu.dynamic_gather %select_n3A_2890[%gather3A_2901] in [0] : vector<16xi32>, vector<16xi32> -> vector<16xi32>
      %lt3A_2903 = arith.cmpf olt, %gather3A_2896, %select_n3A_2889 : vector<16xf32>
      %eq3A_2904 = arith.cmpf oeq, %gather3A_2896, %select_n3A_2889 : vector<16xf32>
      %lt3A_2905 = arith.cmpi slt, %gather3A_2902, %select_n3A_2890 : vector<16xi32>
      %and3A_2906 = arith.andi %eq3A_2904, %lt3A_2905 : vector<16xi1>
      %or3A_2907 = arith.ori %lt3A_2903, %and3A_2906 : vector<16xi1>
      %select_n3A_2908 = arith.select %or3A_2907, %gather3A_2896, %select_n3A_2889 : vector<16xi1>, vector<16xf32>
      %select_n3A_2909 = arith.select %or3A_2907, %gather3A_2902, %select_n3A_2890 : vector<16xi1>, vector<16xi32>
      %xor3A_2910 = arith.constant 1 : i32
      %xor3A_2911 = vector.broadcast %xor3A_2910 : i32 to vector<16xi32>
      %xor3A_2912 = arith.xori %iota3A, %xor3A_2911 : vector<16xi32>
      %broadcast_in_dim3A_2913 = vector.shape_cast %xor3A_2912 : vector<16xi32> to vector<16x1xi32>
      %gather3A_2914 = vector.shape_cast %broadcast_in_dim3A_2913 : vector<16x1xi32> to vector<16xi32>
      %gather3A_2915 = tpu.dynamic_gather %select_n3A_2908[%gather3A_2914] in [0] : vector<16xf32>, vector<16xi32> -> vector<16xf32>
      %xor3A_2916 = arith.constant 1 : i32
      %xor3A_2917 = vector.broadcast %xor3A_2916 : i32 to vector<16xi32>
      %xor3A_2918 = arith.xori %iota3A, %xor3A_2917 : vector<16xi32>
      %broadcast_in_dim3A_2919 = vector.shape_cast %xor3A_2918 : vector<16xi32> to vector<16x1xi32>
      %gather3A_2920 = vector.shape_cast %broadcast_in_dim3A_2919 : vector<16x1xi32> to vector<16xi32>
      %gather3A_2921 = tpu.dynamic_gather %select_n3A_2909[%gather3A_2920] in [0] : vector<16xi32>, vector<16xi32> -> vector<16xi32>
      %lt3A_2922 = arith.cmpf olt, %gather3A_2915, %select_n3A_2908 : vector<16xf32>
      %eq3A_2923 = arith.cmpf oeq, %gather3A_2915, %select_n3A_2908 : vector<16xf32>
      %lt3A_2924 = arith.cmpi slt, %gather3A_2921, %select_n3A_2909 : vector<16xi32>
      %and3A_2925 = arith.andi %eq3A_2923, %lt3A_2924 : vector<16xi1>
      %or3A_2926 = arith.ori %lt3A_2922, %and3A_2925 : vector<16xi1>
      %select_n3A_2927 = arith.select %or3A_2926, %gather3A_2915, %select_n3A_2908 : vector<16xi1>, vector<16xf32>
      %select_n3A_2928 = arith.select %or3A_2926, %gather3A_2921, %select_n3A_2909 : vector<16xi1>, vector<16xi32>
      %slice3A_2929 = vector.extract_strided_slice %select_n3A_2928 {offsets = [0], sizes = [1], strides = [1]} : vector<16xi32> to vector<1xi32>
      %squeeze3A_2930 = vector.extract %slice3A_2929[0] : i32 from vector<1xi32>
      %jit3A_2931 = arith.constant 16 : i32
      %div3A_2932 = arith.divsi %squeeze3A_2930, %jit3A_2931 : i32
      %sign3A_2933 = arith.constant 0 : i32
      %sign3A_2934 = arith.cmpi sgt, %squeeze3A_2930, %sign3A_2933 : i32
      %sign3A_2935 = arith.extui %sign3A_2934 : i1 to i32
      %sign3A_2936 = arith.constant 0 : i32
      %sign3A_2937 = arith.cmpi slt, %squeeze3A_2930, %sign3A_2936 : i32
      %sign3A_2938 = arith.extui %sign3A_2937 : i1 to i32
      %sign3A_2939 = arith.subi %sign3A_2935, %sign3A_2938 : i32
      %sign3A_2940 = arith.constant 0 : i32
      %sign3A_2941 = arith.cmpi sgt, %jit3A_2931, %sign3A_2940 : i32
      %sign3A_2942 = arith.extui %sign3A_2941 : i1 to i32
      %sign3A_2943 = arith.constant 0 : i32
      %sign3A_2944 = arith.cmpi slt, %jit3A_2931, %sign3A_2943 : i32
      %sign3A_2945 = arith.extui %sign3A_2944 : i1 to i32
      %sign3A_2946 = arith.subi %sign3A_2942, %sign3A_2945 : i32
      %ne3A_2947 = arith.cmpi ne, %sign3A_2939, %sign3A_2946 : i32
      %rem3A_2948 = arith.remsi %squeeze3A_2930, %jit3A_2931 : i32
      %ne3A_2949 = arith.constant 0 : i32
      %ne3A_2950 = arith.cmpi ne, %rem3A_2948, %ne3A_2949 : i32
      %and3A_2951 = arith.andi %ne3A_2947, %ne3A_2950 : i1
      %sub3A_2952 = arith.constant 1 : i32
      %sub3A_2953 = arith.subi %div3A_2932, %sub3A_2952 : i32
      %select_n3A_2954 = arith.select %and3A_2951, %sub3A_2953, %div3A_2932 : i32
      %mul3A_2955 = arith.constant 16 : i32
      %mul3A_2956 = arith.muli %select_n3A_2954, %mul3A_2955 : i32
      %get3A_2957 = arith.index_cast %mul3A_2956 : i32 to index
      %get3A_2958 = tpu.vector_load %arg13[%get3A_2957] {strides = array<i32>} : memref<512xi32, #tpu.memory_space<vmem>>, vector<16xi32>,
      %sub3A_2959 = arith.subi %squeeze3A_2930, %mul3A_2956 : i32
      %broadcast_in_dim3A_2960 = vector.broadcast %sub3A_2959 : i32 to vector<16xi32>
      %broadcast_in_dim3A_2961 = vector.shape_cast %broadcast_in_dim3A_2960 : vector<16xi32> to vector<16x1xi32>
      %gather3A_2962 = vector.shape_cast %broadcast_in_dim3A_2961 : vector<16x1xi32> to vector<16xi32>
      %gather3A_2963 = tpu.dynamic_gather %get3A_2958[%gather3A_2962] in [0] : vector<16xi32>, vector<16xi32> -> vector<16xi32>
      %eq3A_2964 = arith.constant 0 : i32
      %eq3A_2965 = vector.broadcast %eq3A_2964 : i32 to vector<16xi32>
      %eq3A_2966 = arith.cmpi eq, %iota3A, %eq3A_2965 : vector<16xi32>
      %select_n3A_2967 = arith.select %eq3A_2966, %gather3A_2963, %broadcast_in_dim3A_3 : vector<16xi1>, vector<16xi32>
      %jit3A_2968 = arith.constant 16 : i32
      %div3A_2969 = arith.divsi %squeeze3A_2930, %jit3A_2968 : i32
      %sign3A_2970 = arith.constant 0 : i32
      %sign3A_2971 = arith.cmpi sgt, %squeeze3A_2930, %sign3A_2970 : i32
      %sign3A_2972 = arith.extui %sign3A_2971 : i1 to i32
      %sign3A_2973 = arith.constant 0 : i32
      %sign3A_2974 = arith.cmpi slt, %squeeze3A_2930, %sign3A_2973 : i32
      %sign3A_2975 = arith.extui %sign3A_2974 : i1 to i32
      %sign3A_2976 = arith.subi %sign3A_2972, %sign3A_2975 : i32
      %sign3A_2977 = arith.constant 0 : i32
      %sign3A_2978 = arith.cmpi sgt, %jit3A_2968, %sign3A_2977 : i32
      %sign3A_2979 = arith.extui %sign3A_2978 : i1 to i32
      %sign3A_2980 = arith.constant 0 : i32
      %sign3A_2981 = arith.cmpi slt, %jit3A_2968, %sign3A_2980 : i32
      %sign3A_2982 = arith.extui %sign3A_2981 : i1 to i32
      %sign3A_2983 = arith.subi %sign3A_2979, %sign3A_2982 : i32
      %ne3A_2984 = arith.cmpi ne, %sign3A_2976, %sign3A_2983 : i32
      %rem3A_2985 = arith.remsi %squeeze3A_2930, %jit3A_2968 : i32
      %ne3A_2986 = arith.constant 0 : i32
      %ne3A_2987 = arith.cmpi ne, %rem3A_2985, %ne3A_2986 : i32
      %and3A_2988 = arith.andi %ne3A_2984, %ne3A_2987 : i1
      %sub3A_2989 = arith.constant 1 : i32
      %sub3A_2990 = arith.subi %div3A_2969, %sub3A_2989 : i32
      %select_n3A_2991 = arith.select %and3A_2988, %sub3A_2990, %div3A_2969 : i32
      %mul3A_2992 = arith.constant 16 : i32
      %mul3A_2993 = arith.muli %select_n3A_2991, %mul3A_2992 : i32
      %get3A_2994 = arith.index_cast %mul3A_2993 : i32 to index
      %get3A_2995 = tpu.vector_load %arg12[%get3A_2994] {strides = array<i32>} : memref<528xf32, #tpu.memory_space<vmem>>, vector<16xf32>,
      %sub3A_2996 = arith.subi %squeeze3A_2930, %mul3A_2993 : i32
      %eq3A_2997 = vector.broadcast %sub3A_2996 : i32 to vector<16xi32>
      %eq3A_2998 = arith.cmpi eq, %iota3A, %eq3A_2997 : vector<16xi32>
      %jit3A_2999 = arith.constant 3.000000e+38 : f32
      %broadcast_in_dim3A_3000 = vector.broadcast %jit3A_2999 : f32 to vector<16xf32>
      %select_n3A_3001 = arith.select %eq3A_2998, %broadcast_in_dim3A_3000, %get3A_2995 : vector<16xi1>, vector<16xf32>
      %swap3A_3002 = arith.index_cast %mul3A_2993 : i32 to index
      %swap3A_3003 = tpu.vector_load %arg12[%swap3A_3002] {strides = array<i32>} : memref<528xf32, #tpu.memory_space<vmem>>, vector<16xf32>,
      tpu.vector_store %arg12[%swap3A_3002], %select_n3A_3001 {strides = array<i32>} : memref<528xf32, #tpu.memory_space<vmem>>, vector<16xf32>,
      %while3A_3004 = arith.constant 0 : i32
      %while3A_3005 = arith.subi %select_n3A_253, %while3A_3004 : i32
      %while3A_3006 = arith.addi %while3A_3004, %while3A_3005 : i32
      %while3A_3007 = arith.constant 1 : i32
      %while3A_3008 = arith.divsi %while3A_3005, %while3A_3007 : i32
      %while3A_3009 = arith.muli %while3A_3008, %while3A_3007 : i32
      %while3A_3010 = arith.addi %while3A_3004, %while3A_3009 : i32
      %while3A_3011 = arith.constant 1 : i32
      %while3A_3012:2 = scf.for %while3A_3501 = %while3A_3004 to %while3A_3010 step %while3A_3011 iter_args(%while3A_3502 = %broadcast_in_dim3A_1, %while3A_3503 = %broadcast_in_dim3A_5) -> (vector<16xf32>, vector<16xi32>)  : i32 {
        %mul3A_3504 = arith.constant 16 : i32
        %mul3A_3505 = arith.muli %mul3A_3504, %while3A_3501 : i32
        %get3A_3506 = arith.index_cast %mul3A_3505 : i32 to index
        %get3A_3507 = tpu.vector_load %arg12[%get3A_3506] {strides = array<i32>} : memref<528xf32, #tpu.memory_space<vmem>>, vector<16xf32>,
        %lt3A_3508 = arith.cmpf olt, %get3A_3507, %while3A_3502 : vector<16xf32>
        %select_n3A_3509 = arith.select %lt3A_3508, %get3A_3507, %while3A_3502 : vector<16xi1>, vector<16xf32>
        %mul3A_3510 = arith.constant 16 : i32
        %mul3A_3511 = arith.muli %mul3A_3510, %while3A_3501 : i32
        %add3A_3512 = vector.broadcast %mul3A_3511 : i32 to vector<16xi32>
        %add3A_3513 = arith.addi %add3A_3512, %iota3A : vector<16xi32>
        %select_n3A_3514 = arith.select %lt3A_3508, %add3A_3513, %while3A_3503 : vector<16xi1>, vector<16xi32>
        scf.yield %select_n3A_3509, %select_n3A_3514 : vector<16xf32>, vector<16xi32>
      }
      %while3A_3013 = arith.constant 1 : i32
      %while3A_3014:2 = scf.for %while3A_3501 = %while3A_3010 to %while3A_3006 step %while3A_3013 iter_args(%while3A_3502 = %while3A_3012#0, %while3A_3503 = %while3A_3012#1) -> (vector<16xf32>, vector<16xi32>)  : i32 {
        %mul3A_3504 = arith.constant 16 : i32
        %mul3A_3505 = arith.muli %mul3A_3504, %while3A_3501 : i32
        %get3A_3506 = arith.index_cast %mul3A_3505 : i32 to index
        %get3A_3507 = tpu.vector_load %arg12[%get3A_3506] {strides = array<i32>} : memref<528xf32, #tpu.memory_space<vmem>>, vector<16xf32>,
        %lt3A_3508 = arith.cmpf olt, %get3A_3507, %while3A_3502 : vector<16xf32>
        %select_n3A_3509 = arith.select %lt3A_3508, %get3A_3507, %while3A_3502 : vector<16xi1>, vector<16xf32>
        %mul3A_3510 = arith.constant 16 : i32
        %mul3A_3511 = arith.muli %mul3A_3510, %while3A_3501 : i32
        %add3A_3512 = vector.broadcast %mul3A_3511 : i32 to vector<16xi32>
        %add3A_3513 = arith.addi %add3A_3512, %iota3A : vector<16xi32>
        %select_n3A_3514 = arith.select %lt3A_3508, %add3A_3513, %while3A_3503 : vector<16xi1>, vector<16xi32>
        scf.yield %select_n3A_3509, %select_n3A_3514 : vector<16xf32>, vector<16xi32>
      }
      %xor3A_3015 = arith.constant 8 : i32
      %xor3A_3016 = vector.broadcast %xor3A_3015 : i32 to vector<16xi32>
      %xor3A_3017 = arith.xori %iota3A, %xor3A_3016 : vector<16xi32>
      %broadcast_in_dim3A_3018 = vector.shape_cast %xor3A_3017 : vector<16xi32> to vector<16x1xi32>
      %gather3A_3019 = vector.shape_cast %broadcast_in_dim3A_3018 : vector<16x1xi32> to vector<16xi32>
      %gather3A_3020 = tpu.dynamic_gather %while3A_3014#0[%gather3A_3019] in [0] : vector<16xf32>, vector<16xi32> -> vector<16xf32>
      %xor3A_3021 = arith.constant 8 : i32
      %xor3A_3022 = vector.broadcast %xor3A_3021 : i32 to vector<16xi32>
      %xor3A_3023 = arith.xori %iota3A, %xor3A_3022 : vector<16xi32>
      %broadcast_in_dim3A_3024 = vector.shape_cast %xor3A_3023 : vector<16xi32> to vector<16x1xi32>
      %gather3A_3025 = vector.shape_cast %broadcast_in_dim3A_3024 : vector<16x1xi32> to vector<16xi32>
      %gather3A_3026 = tpu.dynamic_gather %while3A_3014#1[%gather3A_3025] in [0] : vector<16xi32>, vector<16xi32> -> vector<16xi32>
      %lt3A_3027 = arith.cmpf olt, %gather3A_3020, %while3A_3014#0 : vector<16xf32>
      %eq3A_3028 = arith.cmpf oeq, %gather3A_3020, %while3A_3014#0 : vector<16xf32>
      %lt3A_3029 = arith.cmpi slt, %gather3A_3026, %while3A_3014#1 : vector<16xi32>
      %and3A_3030 = arith.andi %eq3A_3028, %lt3A_3029 : vector<16xi1>
      %or3A_3031 = arith.ori %lt3A_3027, %and3A_3030 : vector<16xi1>
      %select_n3A_3032 = arith.select %or3A_3031, %gather3A_3020, %while3A_3014#0 : vector<16xi1>, vector<16xf32>
      %select_n3A_3033 = arith.select %or3A_3031, %gather3A_3026, %while3A_3014#1 : vector<16xi1>, vector<16xi32>
      %xor3A_3034 = arith.constant 4 : i32
      %xor3A_3035 = vector.broadcast %xor3A_3034 : i32 to vector<16xi32>
      %xor3A_3036 = arith.xori %iota3A, %xor3A_3035 : vector<16xi32>
      %broadcast_in_dim3A_3037 = vector.shape_cast %xor3A_3036 : vector<16xi32> to vector<16x1xi32>
      %gather3A_3038 = vector.shape_cast %broadcast_in_dim3A_3037 : vector<16x1xi32> to vector<16xi32>
      %gather3A_3039 = tpu.dynamic_gather %select_n3A_3032[%gather3A_3038] in [0] : vector<16xf32>, vector<16xi32> -> vector<16xf32>
      %xor3A_3040 = arith.constant 4 : i32
      %xor3A_3041 = vector.broadcast %xor3A_3040 : i32 to vector<16xi32>
      %xor3A_3042 = arith.xori %iota3A, %xor3A_3041 : vector<16xi32>
      %broadcast_in_dim3A_3043 = vector.shape_cast %xor3A_3042 : vector<16xi32> to vector<16x1xi32>
      %gather3A_3044 = vector.shape_cast %broadcast_in_dim3A_3043 : vector<16x1xi32> to vector<16xi32>
      %gather3A_3045 = tpu.dynamic_gather %select_n3A_3033[%gather3A_3044] in [0] : vector<16xi32>, vector<16xi32> -> vector<16xi32>
      %lt3A_3046 = arith.cmpf olt, %gather3A_3039, %select_n3A_3032 : vector<16xf32>
      %eq3A_3047 = arith.cmpf oeq, %gather3A_3039, %select_n3A_3032 : vector<16xf32>
      %lt3A_3048 = arith.cmpi slt, %gather3A_3045, %select_n3A_3033 : vector<16xi32>
      %and3A_3049 = arith.andi %eq3A_3047, %lt3A_3048 : vector<16xi1>
      %or3A_3050 = arith.ori %lt3A_3046, %and3A_3049 : vector<16xi1>
      %select_n3A_3051 = arith.select %or3A_3050, %gather3A_3039, %select_n3A_3032 : vector<16xi1>, vector<16xf32>
      %select_n3A_3052 = arith.select %or3A_3050, %gather3A_3045, %select_n3A_3033 : vector<16xi1>, vector<16xi32>
      %xor3A_3053 = arith.constant 2 : i32
      %xor3A_3054 = vector.broadcast %xor3A_3053 : i32 to vector<16xi32>
      %xor3A_3055 = arith.xori %iota3A, %xor3A_3054 : vector<16xi32>
      %broadcast_in_dim3A_3056 = vector.shape_cast %xor3A_3055 : vector<16xi32> to vector<16x1xi32>
      %gather3A_3057 = vector.shape_cast %broadcast_in_dim3A_3056 : vector<16x1xi32> to vector<16xi32>
      %gather3A_3058 = tpu.dynamic_gather %select_n3A_3051[%gather3A_3057] in [0] : vector<16xf32>, vector<16xi32> -> vector<16xf32>
      %xor3A_3059 = arith.constant 2 : i32
      %xor3A_3060 = vector.broadcast %xor3A_3059 : i32 to vector<16xi32>
      %xor3A_3061 = arith.xori %iota3A, %xor3A_3060 : vector<16xi32>
      %broadcast_in_dim3A_3062 = vector.shape_cast %xor3A_3061 : vector<16xi32> to vector<16x1xi32>
      %gather3A_3063 = vector.shape_cast %broadcast_in_dim3A_3062 : vector<16x1xi32> to vector<16xi32>
      %gather3A_3064 = tpu.dynamic_gather %select_n3A_3052[%gather3A_3063] in [0] : vector<16xi32>, vector<16xi32> -> vector<16xi32>
      %lt3A_3065 = arith.cmpf olt, %gather3A_3058, %select_n3A_3051 : vector<16xf32>
      %eq3A_3066 = arith.cmpf oeq, %gather3A_3058, %select_n3A_3051 : vector<16xf32>
      %lt3A_3067 = arith.cmpi slt, %gather3A_3064, %select_n3A_3052 : vector<16xi32>
      %and3A_3068 = arith.andi %eq3A_3066, %lt3A_3067 : vector<16xi1>
      %or3A_3069 = arith.ori %lt3A_3065, %and3A_3068 : vector<16xi1>
      %select_n3A_3070 = arith.select %or3A_3069, %gather3A_3058, %select_n3A_3051 : vector<16xi1>, vector<16xf32>
      %select_n3A_3071 = arith.select %or3A_3069, %gather3A_3064, %select_n3A_3052 : vector<16xi1>, vector<16xi32>
      %xor3A_3072 = arith.constant 1 : i32
      %xor3A_3073 = vector.broadcast %xor3A_3072 : i32 to vector<16xi32>
      %xor3A_3074 = arith.xori %iota3A, %xor3A_3073 : vector<16xi32>
      %broadcast_in_dim3A_3075 = vector.shape_cast %xor3A_3074 : vector<16xi32> to vector<16x1xi32>
      %gather3A_3076 = vector.shape_cast %broadcast_in_dim3A_3075 : vector<16x1xi32> to vector<16xi32>
      %gather3A_3077 = tpu.dynamic_gather %select_n3A_3070[%gather3A_3076] in [0] : vector<16xf32>, vector<16xi32> -> vector<16xf32>
      %xor3A_3078 = arith.constant 1 : i32
      %xor3A_3079 = vector.broadcast %xor3A_3078 : i32 to vector<16xi32>
      %xor3A_3080 = arith.xori %iota3A, %xor3A_3079 : vector<16xi32>
      %broadcast_in_dim3A_3081 = vector.shape_cast %xor3A_3080 : vector<16xi32> to vector<16x1xi32>
      %gather3A_3082 = vector.shape_cast %broadcast_in_dim3A_3081 : vector<16x1xi32> to vector<16xi32>
      %gather3A_3083 = tpu.dynamic_gather %select_n3A_3071[%gather3A_3082] in [0] : vector<16xi32>, vector<16xi32> -> vector<16xi32>
      %lt3A_3084 = arith.cmpf olt, %gather3A_3077, %select_n3A_3070 : vector<16xf32>
      %eq3A_3085 = arith.cmpf oeq, %gather3A_3077, %select_n3A_3070 : vector<16xf32>
      %lt3A_3086 = arith.cmpi slt, %gather3A_3083, %select_n3A_3071 : vector<16xi32>
      %and3A_3087 = arith.andi %eq3A_3085, %lt3A_3086 : vector<16xi1>
      %or3A_3088 = arith.ori %lt3A_3084, %and3A_3087 : vector<16xi1>
      %select_n3A_3089 = arith.select %or3A_3088, %gather3A_3077, %select_n3A_3070 : vector<16xi1>, vector<16xf32>
      %select_n3A_3090 = arith.select %or3A_3088, %gather3A_3083, %select_n3A_3071 : vector<16xi1>, vector<16xi32>
      %slice3A_3091 = vector.extract_strided_slice %select_n3A_3090 {offsets = [0], sizes = [1], strides = [1]} : vector<16xi32> to vector<1xi32>
      %squeeze3A_3092 = vector.extract %slice3A_3091[0] : i32 from vector<1xi32>
      %jit3A_3093 = arith.constant 16 : i32
      %div3A_3094 = arith.divsi %squeeze3A_3092, %jit3A_3093 : i32
      %sign3A_3095 = arith.constant 0 : i32
      %sign3A_3096 = arith.cmpi sgt, %squeeze3A_3092, %sign3A_3095 : i32
      %sign3A_3097 = arith.extui %sign3A_3096 : i1 to i32
      %sign3A_3098 = arith.constant 0 : i32
      %sign3A_3099 = arith.cmpi slt, %squeeze3A_3092, %sign3A_3098 : i32
      %sign3A_3100 = arith.extui %sign3A_3099 : i1 to i32
      %sign3A_3101 = arith.subi %sign3A_3097, %sign3A_3100 : i32
      %sign3A_3102 = arith.constant 0 : i32
      %sign3A_3103 = arith.cmpi sgt, %jit3A_3093, %sign3A_3102 : i32
      %sign3A_3104 = arith.extui %sign3A_3103 : i1 to i32
      %sign3A_3105 = arith.constant 0 : i32
      %sign3A_3106 = arith.cmpi slt, %jit3A_3093, %sign3A_3105 : i32
      %sign3A_3107 = arith.extui %sign3A_3106 : i1 to i32
      %sign3A_3108 = arith.subi %sign3A_3104, %sign3A_3107 : i32
      %ne3A_3109 = arith.cmpi ne, %sign3A_3101, %sign3A_3108 : i32
      %rem3A_3110 = arith.remsi %squeeze3A_3092, %jit3A_3093 : i32
      %ne3A_3111 = arith.constant 0 : i32
      %ne3A_3112 = arith.cmpi ne, %rem3A_3110, %ne3A_3111 : i32
      %and3A_3113 = arith.andi %ne3A_3109, %ne3A_3112 : i1
      %sub3A_3114 = arith.constant 1 : i32
      %sub3A_3115 = arith.subi %div3A_3094, %sub3A_3114 : i32
      %select_n3A_3116 = arith.select %and3A_3113, %sub3A_3115, %div3A_3094 : i32
      %mul3A_3117 = arith.constant 16 : i32
      %mul3A_3118 = arith.muli %select_n3A_3116, %mul3A_3117 : i32
      %get3A_3119 = arith.index_cast %mul3A_3118 : i32 to index
      %get3A_3120 = tpu.vector_load %arg13[%get3A_3119] {strides = array<i32>} : memref<512xi32, #tpu.memory_space<vmem>>, vector<16xi32>,
      %sub3A_3121 = arith.subi %squeeze3A_3092, %mul3A_3118 : i32
      %broadcast_in_dim3A_3122 = vector.broadcast %sub3A_3121 : i32 to vector<16xi32>
      %broadcast_in_dim3A_3123 = vector.shape_cast %broadcast_in_dim3A_3122 : vector<16xi32> to vector<16x1xi32>
      %gather3A_3124 = vector.shape_cast %broadcast_in_dim3A_3123 : vector<16x1xi32> to vector<16xi32>
      %gather3A_3125 = tpu.dynamic_gather %get3A_3120[%gather3A_3124] in [0] : vector<16xi32>, vector<16xi32> -> vector<16xi32>
      %eq3A_3126 = arith.constant 1 : i32
      %eq3A_3127 = vector.broadcast %eq3A_3126 : i32 to vector<16xi32>
      %eq3A_3128 = arith.cmpi eq, %iota3A, %eq3A_3127 : vector<16xi32>
      %select_n3A_3129 = arith.select %eq3A_3128, %gather3A_3125, %select_n3A_2967 : vector<16xi1>, vector<16xi32>
      %jit3A_3130 = arith.constant 16 : i32
      %div3A_3131 = arith.divsi %squeeze3A_3092, %jit3A_3130 : i32
      %sign3A_3132 = arith.constant 0 : i32
      %sign3A_3133 = arith.cmpi sgt, %squeeze3A_3092, %sign3A_3132 : i32
      %sign3A_3134 = arith.extui %sign3A_3133 : i1 to i32
      %sign3A_3135 = arith.constant 0 : i32
      %sign3A_3136 = arith.cmpi slt, %squeeze3A_3092, %sign3A_3135 : i32
      %sign3A_3137 = arith.extui %sign3A_3136 : i1 to i32
      %sign3A_3138 = arith.subi %sign3A_3134, %sign3A_3137 : i32
      %sign3A_3139 = arith.constant 0 : i32
      %sign3A_3140 = arith.cmpi sgt, %jit3A_3130, %sign3A_3139 : i32
      %sign3A_3141 = arith.extui %sign3A_3140 : i1 to i32
      %sign3A_3142 = arith.constant 0 : i32
      %sign3A_3143 = arith.cmpi slt, %jit3A_3130, %sign3A_3142 : i32
      %sign3A_3144 = arith.extui %sign3A_3143 : i1 to i32
      %sign3A_3145 = arith.subi %sign3A_3141, %sign3A_3144 : i32
      %ne3A_3146 = arith.cmpi ne, %sign3A_3138, %sign3A_3145 : i32
      %rem3A_3147 = arith.remsi %squeeze3A_3092, %jit3A_3130 : i32
      %ne3A_3148 = arith.constant 0 : i32
      %ne3A_3149 = arith.cmpi ne, %rem3A_3147, %ne3A_3148 : i32
      %and3A_3150 = arith.andi %ne3A_3146, %ne3A_3149 : i1
      %sub3A_3151 = arith.constant 1 : i32
      %sub3A_3152 = arith.subi %div3A_3131, %sub3A_3151 : i32
      %select_n3A_3153 = arith.select %and3A_3150, %sub3A_3152, %div3A_3131 : i32
      %mul3A_3154 = arith.constant 16 : i32
      %mul3A_3155 = arith.muli %select_n3A_3153, %mul3A_3154 : i32
      %get3A_3156 = arith.index_cast %mul3A_3155 : i32 to index
      %get3A_3157 = tpu.vector_load %arg12[%get3A_3156] {strides = array<i32>} : memref<528xf32, #tpu.memory_space<vmem>>, vector<16xf32>,
      %sub3A_3158 = arith.subi %squeeze3A_3092, %mul3A_3155 : i32
      %eq3A_3159 = vector.broadcast %sub3A_3158 : i32 to vector<16xi32>
      %eq3A_3160 = arith.cmpi eq, %iota3A, %eq3A_3159 : vector<16xi32>
      %jit3A_3161 = arith.constant 3.000000e+38 : f32
      %broadcast_in_dim3A_3162 = vector.broadcast %jit3A_3161 : f32 to vector<16xf32>
      %select_n3A_3163 = arith.select %eq3A_3160, %broadcast_in_dim3A_3162, %get3A_3157 : vector<16xi1>, vector<16xf32>
      %swap3A_3164 = arith.index_cast %mul3A_3155 : i32 to index
      %swap3A_3165 = tpu.vector_load %arg12[%swap3A_3164] {strides = array<i32>} : memref<528xf32, #tpu.memory_space<vmem>>, vector<16xf32>,
      tpu.vector_store %arg12[%swap3A_3164], %select_n3A_3163 {strides = array<i32>} : memref<528xf32, #tpu.memory_space<vmem>>, vector<16xf32>,
      %while3A_3166 = arith.constant 0 : i32
      %while3A_3167 = arith.subi %select_n3A_253, %while3A_3166 : i32
      %while3A_3168 = arith.addi %while3A_3166, %while3A_3167 : i32
      %while3A_3169 = arith.constant 1 : i32
      %while3A_3170 = arith.divsi %while3A_3167, %while3A_3169 : i32
      %while3A_3171 = arith.muli %while3A_3170, %while3A_3169 : i32
      %while3A_3172 = arith.addi %while3A_3166, %while3A_3171 : i32
      %while3A_3173 = arith.constant 1 : i32
      %while3A_3174:2 = scf.for %while3A_3501 = %while3A_3166 to %while3A_3172 step %while3A_3173 iter_args(%while3A_3502 = %broadcast_in_dim3A_1, %while3A_3503 = %broadcast_in_dim3A_5) -> (vector<16xf32>, vector<16xi32>)  : i32 {
        %mul3A_3504 = arith.constant 16 : i32
        %mul3A_3505 = arith.muli %mul3A_3504, %while3A_3501 : i32
        %get3A_3506 = arith.index_cast %mul3A_3505 : i32 to index
        %get3A_3507 = tpu.vector_load %arg12[%get3A_3506] {strides = array<i32>} : memref<528xf32, #tpu.memory_space<vmem>>, vector<16xf32>,
        %lt3A_3508 = arith.cmpf olt, %get3A_3507, %while3A_3502 : vector<16xf32>
        %select_n3A_3509 = arith.select %lt3A_3508, %get3A_3507, %while3A_3502 : vector<16xi1>, vector<16xf32>
        %mul3A_3510 = arith.constant 16 : i32
        %mul3A_3511 = arith.muli %mul3A_3510, %while3A_3501 : i32
        %add3A_3512 = vector.broadcast %mul3A_3511 : i32 to vector<16xi32>
        %add3A_3513 = arith.addi %add3A_3512, %iota3A : vector<16xi32>
        %select_n3A_3514 = arith.select %lt3A_3508, %add3A_3513, %while3A_3503 : vector<16xi1>, vector<16xi32>
        scf.yield %select_n3A_3509, %select_n3A_3514 : vector<16xf32>, vector<16xi32>
      }
      %while3A_3175 = arith.constant 1 : i32
      %while3A_3176:2 = scf.for %while3A_3501 = %while3A_3172 to %while3A_3168 step %while3A_3175 iter_args(%while3A_3502 = %while3A_3174#0, %while3A_3503 = %while3A_3174#1) -> (vector<16xf32>, vector<16xi32>)  : i32 {
        %mul3A_3504 = arith.constant 16 : i32
        %mul3A_3505 = arith.muli %mul3A_3504, %while3A_3501 : i32
        %get3A_3506 = arith.index_cast %mul3A_3505 : i32 to index
        %get3A_3507 = tpu.vector_load %arg12[%get3A_3506] {strides = array<i32>} : memref<528xf32, #tpu.memory_space<vmem>>, vector<16xf32>,
        %lt3A_3508 = arith.cmpf olt, %get3A_3507, %while3A_3502 : vector<16xf32>
        %select_n3A_3509 = arith.select %lt3A_3508, %get3A_3507, %while3A_3502 : vector<16xi1>, vector<16xf32>
        %mul3A_3510 = arith.constant 16 : i32
        %mul3A_3511 = arith.muli %mul3A_3510, %while3A_3501 : i32
        %add3A_3512 = vector.broadcast %mul3A_3511 : i32 to vector<16xi32>
        %add3A_3513 = arith.addi %add3A_3512, %iota3A : vector<16xi32>
        %select_n3A_3514 = arith.select %lt3A_3508, %add3A_3513, %while3A_3503 : vector<16xi1>, vector<16xi32>
        scf.yield %select_n3A_3509, %select_n3A_3514 : vector<16xf32>, vector<16xi32>
      }
      %xor3A_3177 = arith.constant 8 : i32
      %xor3A_3178 = vector.broadcast %xor3A_3177 : i32 to vector<16xi32>
      %xor3A_3179 = arith.xori %iota3A, %xor3A_3178 : vector<16xi32>
      %broadcast_in_dim3A_3180 = vector.shape_cast %xor3A_3179 : vector<16xi32> to vector<16x1xi32>
      %gather3A_3181 = vector.shape_cast %broadcast_in_dim3A_3180 : vector<16x1xi32> to vector<16xi32>
      %gather3A_3182 = tpu.dynamic_gather %while3A_3176#0[%gather3A_3181] in [0] : vector<16xf32>, vector<16xi32> -> vector<16xf32>
      %xor3A_3183 = arith.constant 8 : i32
      %xor3A_3184 = vector.broadcast %xor3A_3183 : i32 to vector<16xi32>
      %xor3A_3185 = arith.xori %iota3A, %xor3A_3184 : vector<16xi32>
      %broadcast_in_dim3A_3186 = vector.shape_cast %xor3A_3185 : vector<16xi32> to vector<16x1xi32>
      %gather3A_3187 = vector.shape_cast %broadcast_in_dim3A_3186 : vector<16x1xi32> to vector<16xi32>
      %gather3A_3188 = tpu.dynamic_gather %while3A_3176#1[%gather3A_3187] in [0] : vector<16xi32>, vector<16xi32> -> vector<16xi32>
      %lt3A_3189 = arith.cmpf olt, %gather3A_3182, %while3A_3176#0 : vector<16xf32>
      %eq3A_3190 = arith.cmpf oeq, %gather3A_3182, %while3A_3176#0 : vector<16xf32>
      %lt3A_3191 = arith.cmpi slt, %gather3A_3188, %while3A_3176#1 : vector<16xi32>
      %and3A_3192 = arith.andi %eq3A_3190, %lt3A_3191 : vector<16xi1>
      %or3A_3193 = arith.ori %lt3A_3189, %and3A_3192 : vector<16xi1>
      %select_n3A_3194 = arith.select %or3A_3193, %gather3A_3182, %while3A_3176#0 : vector<16xi1>, vector<16xf32>
      %select_n3A_3195 = arith.select %or3A_3193, %gather3A_3188, %while3A_3176#1 : vector<16xi1>, vector<16xi32>
      %xor3A_3196 = arith.constant 4 : i32
      %xor3A_3197 = vector.broadcast %xor3A_3196 : i32 to vector<16xi32>
      %xor3A_3198 = arith.xori %iota3A, %xor3A_3197 : vector<16xi32>
      %broadcast_in_dim3A_3199 = vector.shape_cast %xor3A_3198 : vector<16xi32> to vector<16x1xi32>
      %gather3A_3200 = vector.shape_cast %broadcast_in_dim3A_3199 : vector<16x1xi32> to vector<16xi32>
      %gather3A_3201 = tpu.dynamic_gather %select_n3A_3194[%gather3A_3200] in [0] : vector<16xf32>, vector<16xi32> -> vector<16xf32>
      %xor3A_3202 = arith.constant 4 : i32
      %xor3A_3203 = vector.broadcast %xor3A_3202 : i32 to vector<16xi32>
      %xor3A_3204 = arith.xori %iota3A, %xor3A_3203 : vector<16xi32>
      %broadcast_in_dim3A_3205 = vector.shape_cast %xor3A_3204 : vector<16xi32> to vector<16x1xi32>
      %gather3A_3206 = vector.shape_cast %broadcast_in_dim3A_3205 : vector<16x1xi32> to vector<16xi32>
      %gather3A_3207 = tpu.dynamic_gather %select_n3A_3195[%gather3A_3206] in [0] : vector<16xi32>, vector<16xi32> -> vector<16xi32>
      %lt3A_3208 = arith.cmpf olt, %gather3A_3201, %select_n3A_3194 : vector<16xf32>
      %eq3A_3209 = arith.cmpf oeq, %gather3A_3201, %select_n3A_3194 : vector<16xf32>
      %lt3A_3210 = arith.cmpi slt, %gather3A_3207, %select_n3A_3195 : vector<16xi32>
      %and3A_3211 = arith.andi %eq3A_3209, %lt3A_3210 : vector<16xi1>
      %or3A_3212 = arith.ori %lt3A_3208, %and3A_3211 : vector<16xi1>
      %select_n3A_3213 = arith.select %or3A_3212, %gather3A_3201, %select_n3A_3194 : vector<16xi1>, vector<16xf32>
      %select_n3A_3214 = arith.select %or3A_3212, %gather3A_3207, %select_n3A_3195 : vector<16xi1>, vector<16xi32>
      %xor3A_3215 = arith.constant 2 : i32
      %xor3A_3216 = vector.broadcast %xor3A_3215 : i32 to vector<16xi32>
      %xor3A_3217 = arith.xori %iota3A, %xor3A_3216 : vector<16xi32>
      %broadcast_in_dim3A_3218 = vector.shape_cast %xor3A_3217 : vector<16xi32> to vector<16x1xi32>
      %gather3A_3219 = vector.shape_cast %broadcast_in_dim3A_3218 : vector<16x1xi32> to vector<16xi32>
      %gather3A_3220 = tpu.dynamic_gather %select_n3A_3213[%gather3A_3219] in [0] : vector<16xf32>, vector<16xi32> -> vector<16xf32>
      %xor3A_3221 = arith.constant 2 : i32
      %xor3A_3222 = vector.broadcast %xor3A_3221 : i32 to vector<16xi32>
      %xor3A_3223 = arith.xori %iota3A, %xor3A_3222 : vector<16xi32>
      %broadcast_in_dim3A_3224 = vector.shape_cast %xor3A_3223 : vector<16xi32> to vector<16x1xi32>
      %gather3A_3225 = vector.shape_cast %broadcast_in_dim3A_3224 : vector<16x1xi32> to vector<16xi32>
      %gather3A_3226 = tpu.dynamic_gather %select_n3A_3214[%gather3A_3225] in [0] : vector<16xi32>, vector<16xi32> -> vector<16xi32>
      %lt3A_3227 = arith.cmpf olt, %gather3A_3220, %select_n3A_3213 : vector<16xf32>
      %eq3A_3228 = arith.cmpf oeq, %gather3A_3220, %select_n3A_3213 : vector<16xf32>
      %lt3A_3229 = arith.cmpi slt, %gather3A_3226, %select_n3A_3214 : vector<16xi32>
      %and3A_3230 = arith.andi %eq3A_3228, %lt3A_3229 : vector<16xi1>
      %or3A_3231 = arith.ori %lt3A_3227, %and3A_3230 : vector<16xi1>
      %select_n3A_3232 = arith.select %or3A_3231, %gather3A_3220, %select_n3A_3213 : vector<16xi1>, vector<16xf32>
      %select_n3A_3233 = arith.select %or3A_3231, %gather3A_3226, %select_n3A_3214 : vector<16xi1>, vector<16xi32>
      %xor3A_3234 = arith.constant 1 : i32
      %xor3A_3235 = vector.broadcast %xor3A_3234 : i32 to vector<16xi32>
      %xor3A_3236 = arith.xori %iota3A, %xor3A_3235 : vector<16xi32>
      %broadcast_in_dim3A_3237 = vector.shape_cast %xor3A_3236 : vector<16xi32> to vector<16x1xi32>
      %gather3A_3238 = vector.shape_cast %broadcast_in_dim3A_3237 : vector<16x1xi32> to vector<16xi32>
      %gather3A_3239 = tpu.dynamic_gather %select_n3A_3232[%gather3A_3238] in [0] : vector<16xf32>, vector<16xi32> -> vector<16xf32>
      %xor3A_3240 = arith.constant 1 : i32
      %xor3A_3241 = vector.broadcast %xor3A_3240 : i32 to vector<16xi32>
      %xor3A_3242 = arith.xori %iota3A, %xor3A_3241 : vector<16xi32>
      %broadcast_in_dim3A_3243 = vector.shape_cast %xor3A_3242 : vector<16xi32> to vector<16x1xi32>
      %gather3A_3244 = vector.shape_cast %broadcast_in_dim3A_3243 : vector<16x1xi32> to vector<16xi32>
      %gather3A_3245 = tpu.dynamic_gather %select_n3A_3233[%gather3A_3244] in [0] : vector<16xi32>, vector<16xi32> -> vector<16xi32>
      %lt3A_3246 = arith.cmpf olt, %gather3A_3239, %select_n3A_3232 : vector<16xf32>
      %eq3A_3247 = arith.cmpf oeq, %gather3A_3239, %select_n3A_3232 : vector<16xf32>
      %lt3A_3248 = arith.cmpi slt, %gather3A_3245, %select_n3A_3233 : vector<16xi32>
      %and3A_3249 = arith.andi %eq3A_3247, %lt3A_3248 : vector<16xi1>
      %or3A_3250 = arith.ori %lt3A_3246, %and3A_3249 : vector<16xi1>
      %select_n3A_3251 = arith.select %or3A_3250, %gather3A_3239, %select_n3A_3232 : vector<16xi1>, vector<16xf32>
      %select_n3A_3252 = arith.select %or3A_3250, %gather3A_3245, %select_n3A_3233 : vector<16xi1>, vector<16xi32>
      %slice3A_3253 = vector.extract_strided_slice %select_n3A_3252 {offsets = [0], sizes = [1], strides = [1]} : vector<16xi32> to vector<1xi32>
      %squeeze3A_3254 = vector.extract %slice3A_3253[0] : i32 from vector<1xi32>
      %jit3A_3255 = arith.constant 16 : i32
      %div3A_3256 = arith.divsi %squeeze3A_3254, %jit3A_3255 : i32
      %sign3A_3257 = arith.constant 0 : i32
      %sign3A_3258 = arith.cmpi sgt, %squeeze3A_3254, %sign3A_3257 : i32
      %sign3A_3259 = arith.extui %sign3A_3258 : i1 to i32
      %sign3A_3260 = arith.constant 0 : i32
      %sign3A_3261 = arith.cmpi slt, %squeeze3A_3254, %sign3A_3260 : i32
      %sign3A_3262 = arith.extui %sign3A_3261 : i1 to i32
      %sign3A_3263 = arith.subi %sign3A_3259, %sign3A_3262 : i32
      %sign3A_3264 = arith.constant 0 : i32
      %sign3A_3265 = arith.cmpi sgt, %jit3A_3255, %sign3A_3264 : i32
      %sign3A_3266 = arith.extui %sign3A_3265 : i1 to i32
      %sign3A_3267 = arith.constant 0 : i32
      %sign3A_3268 = arith.cmpi slt, %jit3A_3255, %sign3A_3267 : i32
      %sign3A_3269 = arith.extui %sign3A_3268 : i1 to i32
      %sign3A_3270 = arith.subi %sign3A_3266, %sign3A_3269 : i32
      %ne3A_3271 = arith.cmpi ne, %sign3A_3263, %sign3A_3270 : i32
      %rem3A_3272 = arith.remsi %squeeze3A_3254, %jit3A_3255 : i32
      %ne3A_3273 = arith.constant 0 : i32
      %ne3A_3274 = arith.cmpi ne, %rem3A_3272, %ne3A_3273 : i32
      %and3A_3275 = arith.andi %ne3A_3271, %ne3A_3274 : i1
      %sub3A_3276 = arith.constant 1 : i32
      %sub3A_3277 = arith.subi %div3A_3256, %sub3A_3276 : i32
      %select_n3A_3278 = arith.select %and3A_3275, %sub3A_3277, %div3A_3256 : i32
      %mul3A_3279 = arith.constant 16 : i32
      %mul3A_3280 = arith.muli %select_n3A_3278, %mul3A_3279 : i32
      %get3A_3281 = arith.index_cast %mul3A_3280 : i32 to index
      %get3A_3282 = tpu.vector_load %arg13[%get3A_3281] {strides = array<i32>} : memref<512xi32, #tpu.memory_space<vmem>>, vector<16xi32>,
      %sub3A_3283 = arith.subi %squeeze3A_3254, %mul3A_3280 : i32
      %broadcast_in_dim3A_3284 = vector.broadcast %sub3A_3283 : i32 to vector<16xi32>
      %broadcast_in_dim3A_3285 = vector.shape_cast %broadcast_in_dim3A_3284 : vector<16xi32> to vector<16x1xi32>
      %gather3A_3286 = vector.shape_cast %broadcast_in_dim3A_3285 : vector<16x1xi32> to vector<16xi32>
      %gather3A_3287 = tpu.dynamic_gather %get3A_3282[%gather3A_3286] in [0] : vector<16xi32>, vector<16xi32> -> vector<16xi32>
      %eq3A_3288 = arith.constant 2 : i32
      %eq3A_3289 = vector.broadcast %eq3A_3288 : i32 to vector<16xi32>
      %eq3A_3290 = arith.cmpi eq, %iota3A, %eq3A_3289 : vector<16xi32>
      %select_n3A_3291 = arith.select %eq3A_3290, %gather3A_3287, %select_n3A_3129 : vector<16xi1>, vector<16xi32>
      %jit3A_3292 = arith.constant 16 : i32
      %div3A_3293 = arith.divsi %squeeze3A_3254, %jit3A_3292 : i32
      %sign3A_3294 = arith.constant 0 : i32
      %sign3A_3295 = arith.cmpi sgt, %squeeze3A_3254, %sign3A_3294 : i32
      %sign3A_3296 = arith.extui %sign3A_3295 : i1 to i32
      %sign3A_3297 = arith.constant 0 : i32
      %sign3A_3298 = arith.cmpi slt, %squeeze3A_3254, %sign3A_3297 : i32
      %sign3A_3299 = arith.extui %sign3A_3298 : i1 to i32
      %sign3A_3300 = arith.subi %sign3A_3296, %sign3A_3299 : i32
      %sign3A_3301 = arith.constant 0 : i32
      %sign3A_3302 = arith.cmpi sgt, %jit3A_3292, %sign3A_3301 : i32
      %sign3A_3303 = arith.extui %sign3A_3302 : i1 to i32
      %sign3A_3304 = arith.constant 0 : i32
      %sign3A_3305 = arith.cmpi slt, %jit3A_3292, %sign3A_3304 : i32
      %sign3A_3306 = arith.extui %sign3A_3305 : i1 to i32
      %sign3A_3307 = arith.subi %sign3A_3303, %sign3A_3306 : i32
      %ne3A_3308 = arith.cmpi ne, %sign3A_3300, %sign3A_3307 : i32
      %rem3A_3309 = arith.remsi %squeeze3A_3254, %jit3A_3292 : i32
      %ne3A_3310 = arith.constant 0 : i32
      %ne3A_3311 = arith.cmpi ne, %rem3A_3309, %ne3A_3310 : i32
      %and3A_3312 = arith.andi %ne3A_3308, %ne3A_3311 : i1
      %sub3A_3313 = arith.constant 1 : i32
      %sub3A_3314 = arith.subi %div3A_3293, %sub3A_3313 : i32
      %select_n3A_3315 = arith.select %and3A_3312, %sub3A_3314, %div3A_3293 : i32
      %mul3A_3316 = arith.constant 16 : i32
      %mul3A_3317 = arith.muli %select_n3A_3315, %mul3A_3316 : i32
      %get3A_3318 = arith.index_cast %mul3A_3317 : i32 to index
      %get3A_3319 = tpu.vector_load %arg12[%get3A_3318] {strides = array<i32>} : memref<528xf32, #tpu.memory_space<vmem>>, vector<16xf32>,
      %sub3A_3320 = arith.subi %squeeze3A_3254, %mul3A_3317 : i32
      %eq3A_3321 = vector.broadcast %sub3A_3320 : i32 to vector<16xi32>
      %eq3A_3322 = arith.cmpi eq, %iota3A, %eq3A_3321 : vector<16xi32>
      %jit3A_3323 = arith.constant 3.000000e+38 : f32
      %broadcast_in_dim3A_3324 = vector.broadcast %jit3A_3323 : f32 to vector<16xf32>
      %select_n3A_3325 = arith.select %eq3A_3322, %broadcast_in_dim3A_3324, %get3A_3319 : vector<16xi1>, vector<16xf32>
      %swap3A_3326 = arith.index_cast %mul3A_3317 : i32 to index
      %swap3A_3327 = tpu.vector_load %arg12[%swap3A_3326] {strides = array<i32>} : memref<528xf32, #tpu.memory_space<vmem>>, vector<16xf32>,
      tpu.vector_store %arg12[%swap3A_3326], %select_n3A_3325 {strides = array<i32>} : memref<528xf32, #tpu.memory_space<vmem>>, vector<16xf32>,
      %while3A_3328 = arith.constant 0 : i32
      %while3A_3329 = arith.subi %select_n3A_253, %while3A_3328 : i32
      %while3A_3330 = arith.addi %while3A_3328, %while3A_3329 : i32
      %while3A_3331 = arith.constant 1 : i32
      %while3A_3332 = arith.divsi %while3A_3329, %while3A_3331 : i32
      %while3A_3333 = arith.muli %while3A_3332, %while3A_3331 : i32
      %while3A_3334 = arith.addi %while3A_3328, %while3A_3333 : i32
      %while3A_3335 = arith.constant 1 : i32
      %while3A_3336:2 = scf.for %while3A_3501 = %while3A_3328 to %while3A_3334 step %while3A_3335 iter_args(%while3A_3502 = %broadcast_in_dim3A_1, %while3A_3503 = %broadcast_in_dim3A_5) -> (vector<16xf32>, vector<16xi32>)  : i32 {
        %mul3A_3504 = arith.constant 16 : i32
        %mul3A_3505 = arith.muli %mul3A_3504, %while3A_3501 : i32
        %get3A_3506 = arith.index_cast %mul3A_3505 : i32 to index
        %get3A_3507 = tpu.vector_load %arg12[%get3A_3506] {strides = array<i32>} : memref<528xf32, #tpu.memory_space<vmem>>, vector<16xf32>,
        %lt3A_3508 = arith.cmpf olt, %get3A_3507, %while3A_3502 : vector<16xf32>
        %select_n3A_3509 = arith.select %lt3A_3508, %get3A_3507, %while3A_3502 : vector<16xi1>, vector<16xf32>
        %mul3A_3510 = arith.constant 16 : i32
        %mul3A_3511 = arith.muli %mul3A_3510, %while3A_3501 : i32
        %add3A_3512 = vector.broadcast %mul3A_3511 : i32 to vector<16xi32>
        %add3A_3513 = arith.addi %add3A_3512, %iota3A : vector<16xi32>
        %select_n3A_3514 = arith.select %lt3A_3508, %add3A_3513, %while3A_3503 : vector<16xi1>, vector<16xi32>
        scf.yield %select_n3A_3509, %select_n3A_3514 : vector<16xf32>, vector<16xi32>
      }
      %while3A_3337 = arith.constant 1 : i32
      %while3A_3338:2 = scf.for %while3A_3501 = %while3A_3334 to %while3A_3330 step %while3A_3337 iter_args(%while3A_3502 = %while3A_3336#0, %while3A_3503 = %while3A_3336#1) -> (vector<16xf32>, vector<16xi32>)  : i32 {
        %mul3A_3504 = arith.constant 16 : i32
        %mul3A_3505 = arith.muli %mul3A_3504, %while3A_3501 : i32
        %get3A_3506 = arith.index_cast %mul3A_3505 : i32 to index
        %get3A_3507 = tpu.vector_load %arg12[%get3A_3506] {strides = array<i32>} : memref<528xf32, #tpu.memory_space<vmem>>, vector<16xf32>,
        %lt3A_3508 = arith.cmpf olt, %get3A_3507, %while3A_3502 : vector<16xf32>
        %select_n3A_3509 = arith.select %lt3A_3508, %get3A_3507, %while3A_3502 : vector<16xi1>, vector<16xf32>
        %mul3A_3510 = arith.constant 16 : i32
        %mul3A_3511 = arith.muli %mul3A_3510, %while3A_3501 : i32
        %add3A_3512 = vector.broadcast %mul3A_3511 : i32 to vector<16xi32>
        %add3A_3513 = arith.addi %add3A_3512, %iota3A : vector<16xi32>
        %select_n3A_3514 = arith.select %lt3A_3508, %add3A_3513, %while3A_3503 : vector<16xi1>, vector<16xi32>
        scf.yield %select_n3A_3509, %select_n3A_3514 : vector<16xf32>, vector<16xi32>
      }
      %xor3A_3339 = arith.constant 8 : i32
      %xor3A_3340 = vector.broadcast %xor3A_3339 : i32 to vector<16xi32>
      %xor3A_3341 = arith.xori %iota3A, %xor3A_3340 : vector<16xi32>
      %broadcast_in_dim3A_3342 = vector.shape_cast %xor3A_3341 : vector<16xi32> to vector<16x1xi32>
      %gather3A_3343 = vector.shape_cast %broadcast_in_dim3A_3342 : vector<16x1xi32> to vector<16xi32>
      %gather3A_3344 = tpu.dynamic_gather %while3A_3338#0[%gather3A_3343] in [0] : vector<16xf32>, vector<16xi32> -> vector<16xf32>
      %xor3A_3345 = arith.constant 8 : i32
      %xor3A_3346 = vector.broadcast %xor3A_3345 : i32 to vector<16xi32>
      %xor3A_3347 = arith.xori %iota3A, %xor3A_3346 : vector<16xi32>
      %broadcast_in_dim3A_3348 = vector.shape_cast %xor3A_3347 : vector<16xi32> to vector<16x1xi32>
      %gather3A_3349 = vector.shape_cast %broadcast_in_dim3A_3348 : vector<16x1xi32> to vector<16xi32>
      %gather3A_3350 = tpu.dynamic_gather %while3A_3338#1[%gather3A_3349] in [0] : vector<16xi32>, vector<16xi32> -> vector<16xi32>
      %lt3A_3351 = arith.cmpf olt, %gather3A_3344, %while3A_3338#0 : vector<16xf32>
      %eq3A_3352 = arith.cmpf oeq, %gather3A_3344, %while3A_3338#0 : vector<16xf32>
      %lt3A_3353 = arith.cmpi slt, %gather3A_3350, %while3A_3338#1 : vector<16xi32>
      %and3A_3354 = arith.andi %eq3A_3352, %lt3A_3353 : vector<16xi1>
      %or3A_3355 = arith.ori %lt3A_3351, %and3A_3354 : vector<16xi1>
      %select_n3A_3356 = arith.select %or3A_3355, %gather3A_3344, %while3A_3338#0 : vector<16xi1>, vector<16xf32>
      %select_n3A_3357 = arith.select %or3A_3355, %gather3A_3350, %while3A_3338#1 : vector<16xi1>, vector<16xi32>
      %xor3A_3358 = arith.constant 4 : i32
      %xor3A_3359 = vector.broadcast %xor3A_3358 : i32 to vector<16xi32>
      %xor3A_3360 = arith.xori %iota3A, %xor3A_3359 : vector<16xi32>
      %broadcast_in_dim3A_3361 = vector.shape_cast %xor3A_3360 : vector<16xi32> to vector<16x1xi32>
      %gather3A_3362 = vector.shape_cast %broadcast_in_dim3A_3361 : vector<16x1xi32> to vector<16xi32>
      %gather3A_3363 = tpu.dynamic_gather %select_n3A_3356[%gather3A_3362] in [0] : vector<16xf32>, vector<16xi32> -> vector<16xf32>
      %xor3A_3364 = arith.constant 4 : i32
      %xor3A_3365 = vector.broadcast %xor3A_3364 : i32 to vector<16xi32>
      %xor3A_3366 = arith.xori %iota3A, %xor3A_3365 : vector<16xi32>
      %broadcast_in_dim3A_3367 = vector.shape_cast %xor3A_3366 : vector<16xi32> to vector<16x1xi32>
      %gather3A_3368 = vector.shape_cast %broadcast_in_dim3A_3367 : vector<16x1xi32> to vector<16xi32>
      %gather3A_3369 = tpu.dynamic_gather %select_n3A_3357[%gather3A_3368] in [0] : vector<16xi32>, vector<16xi32> -> vector<16xi32>
      %lt3A_3370 = arith.cmpf olt, %gather3A_3363, %select_n3A_3356 : vector<16xf32>
      %eq3A_3371 = arith.cmpf oeq, %gather3A_3363, %select_n3A_3356 : vector<16xf32>
      %lt3A_3372 = arith.cmpi slt, %gather3A_3369, %select_n3A_3357 : vector<16xi32>
      %and3A_3373 = arith.andi %eq3A_3371, %lt3A_3372 : vector<16xi1>
      %or3A_3374 = arith.ori %lt3A_3370, %and3A_3373 : vector<16xi1>
      %select_n3A_3375 = arith.select %or3A_3374, %gather3A_3363, %select_n3A_3356 : vector<16xi1>, vector<16xf32>
      %select_n3A_3376 = arith.select %or3A_3374, %gather3A_3369, %select_n3A_3357 : vector<16xi1>, vector<16xi32>
      %xor3A_3377 = arith.constant 2 : i32
      %xor3A_3378 = vector.broadcast %xor3A_3377 : i32 to vector<16xi32>
      %xor3A_3379 = arith.xori %iota3A, %xor3A_3378 : vector<16xi32>
      %broadcast_in_dim3A_3380 = vector.shape_cast %xor3A_3379 : vector<16xi32> to vector<16x1xi32>
      %gather3A_3381 = vector.shape_cast %broadcast_in_dim3A_3380 : vector<16x1xi32> to vector<16xi32>
      %gather3A_3382 = tpu.dynamic_gather %select_n3A_3375[%gather3A_3381] in [0] : vector<16xf32>, vector<16xi32> -> vector<16xf32>
      %xor3A_3383 = arith.constant 2 : i32
      %xor3A_3384 = vector.broadcast %xor3A_3383 : i32 to vector<16xi32>
      %xor3A_3385 = arith.xori %iota3A, %xor3A_3384 : vector<16xi32>
      %broadcast_in_dim3A_3386 = vector.shape_cast %xor3A_3385 : vector<16xi32> to vector<16x1xi32>
      %gather3A_3387 = vector.shape_cast %broadcast_in_dim3A_3386 : vector<16x1xi32> to vector<16xi32>
      %gather3A_3388 = tpu.dynamic_gather %select_n3A_3376[%gather3A_3387] in [0] : vector<16xi32>, vector<16xi32> -> vector<16xi32>
      %lt3A_3389 = arith.cmpf olt, %gather3A_3382, %select_n3A_3375 : vector<16xf32>
      %eq3A_3390 = arith.cmpf oeq, %gather3A_3382, %select_n3A_3375 : vector<16xf32>
      %lt3A_3391 = arith.cmpi slt, %gather3A_3388, %select_n3A_3376 : vector<16xi32>
      %and3A_3392 = arith.andi %eq3A_3390, %lt3A_3391 : vector<16xi1>
      %or3A_3393 = arith.ori %lt3A_3389, %and3A_3392 : vector<16xi1>
      %select_n3A_3394 = arith.select %or3A_3393, %gather3A_3382, %select_n3A_3375 : vector<16xi1>, vector<16xf32>
      %select_n3A_3395 = arith.select %or3A_3393, %gather3A_3388, %select_n3A_3376 : vector<16xi1>, vector<16xi32>
      %xor3A_3396 = arith.constant 1 : i32
      %xor3A_3397 = vector.broadcast %xor3A_3396 : i32 to vector<16xi32>
      %xor3A_3398 = arith.xori %iota3A, %xor3A_3397 : vector<16xi32>
      %broadcast_in_dim3A_3399 = vector.shape_cast %xor3A_3398 : vector<16xi32> to vector<16x1xi32>
      %gather3A_3400 = vector.shape_cast %broadcast_in_dim3A_3399 : vector<16x1xi32> to vector<16xi32>
      %gather3A_3401 = tpu.dynamic_gather %select_n3A_3394[%gather3A_3400] in [0] : vector<16xf32>, vector<16xi32> -> vector<16xf32>
      %xor3A_3402 = arith.constant 1 : i32
      %xor3A_3403 = vector.broadcast %xor3A_3402 : i32 to vector<16xi32>
      %xor3A_3404 = arith.xori %iota3A, %xor3A_3403 : vector<16xi32>
      %broadcast_in_dim3A_3405 = vector.shape_cast %xor3A_3404 : vector<16xi32> to vector<16x1xi32>
      %gather3A_3406 = vector.shape_cast %broadcast_in_dim3A_3405 : vector<16x1xi32> to vector<16xi32>
      %gather3A_3407 = tpu.dynamic_gather %select_n3A_3395[%gather3A_3406] in [0] : vector<16xi32>, vector<16xi32> -> vector<16xi32>
      %lt3A_3408 = arith.cmpf olt, %gather3A_3401, %select_n3A_3394 : vector<16xf32>
      %eq3A_3409 = arith.cmpf oeq, %gather3A_3401, %select_n3A_3394 : vector<16xf32>
      %lt3A_3410 = arith.cmpi slt, %gather3A_3407, %select_n3A_3395 : vector<16xi32>
      %and3A_3411 = arith.andi %eq3A_3409, %lt3A_3410 : vector<16xi1>
      %or3A_3412 = arith.ori %lt3A_3408, %and3A_3411 : vector<16xi1>
      %select_n3A_3413 = arith.select %or3A_3412, %gather3A_3401, %select_n3A_3394 : vector<16xi1>, vector<16xf32>
      %select_n3A_3414 = arith.select %or3A_3412, %gather3A_3407, %select_n3A_3395 : vector<16xi1>, vector<16xi32>
      %slice3A_3415 = vector.extract_strided_slice %select_n3A_3414 {offsets = [0], sizes = [1], strides = [1]} : vector<16xi32> to vector<1xi32>
      %squeeze3A_3416 = vector.extract %slice3A_3415[0] : i32 from vector<1xi32>
      %jit3A_3417 = arith.constant 16 : i32
      %div3A_3418 = arith.divsi %squeeze3A_3416, %jit3A_3417 : i32
      %sign3A_3419 = arith.constant 0 : i32
      %sign3A_3420 = arith.cmpi sgt, %squeeze3A_3416, %sign3A_3419 : i32
      %sign3A_3421 = arith.extui %sign3A_3420 : i1 to i32
      %sign3A_3422 = arith.constant 0 : i32
      %sign3A_3423 = arith.cmpi slt, %squeeze3A_3416, %sign3A_3422 : i32
      %sign3A_3424 = arith.extui %sign3A_3423 : i1 to i32
      %sign3A_3425 = arith.subi %sign3A_3421, %sign3A_3424 : i32
      %sign3A_3426 = arith.constant 0 : i32
      %sign3A_3427 = arith.cmpi sgt, %jit3A_3417, %sign3A_3426 : i32
      %sign3A_3428 = arith.extui %sign3A_3427 : i1 to i32
      %sign3A_3429 = arith.constant 0 : i32
      %sign3A_3430 = arith.cmpi slt, %jit3A_3417, %sign3A_3429 : i32
      %sign3A_3431 = arith.extui %sign3A_3430 : i1 to i32
      %sign3A_3432 = arith.subi %sign3A_3428, %sign3A_3431 : i32
      %ne3A_3433 = arith.cmpi ne, %sign3A_3425, %sign3A_3432 : i32
      %rem3A_3434 = arith.remsi %squeeze3A_3416, %jit3A_3417 : i32
      %ne3A_3435 = arith.constant 0 : i32
      %ne3A_3436 = arith.cmpi ne, %rem3A_3434, %ne3A_3435 : i32
      %and3A_3437 = arith.andi %ne3A_3433, %ne3A_3436 : i1
      %sub3A_3438 = arith.constant 1 : i32
      %sub3A_3439 = arith.subi %div3A_3418, %sub3A_3438 : i32
      %select_n3A_3440 = arith.select %and3A_3437, %sub3A_3439, %div3A_3418 : i32
      %mul3A_3441 = arith.constant 16 : i32
      %mul3A_3442 = arith.muli %select_n3A_3440, %mul3A_3441 : i32
      %get3A_3443 = arith.index_cast %mul3A_3442 : i32 to index
      %get3A_3444 = tpu.vector_load %arg13[%get3A_3443] {strides = array<i32>} : memref<512xi32, #tpu.memory_space<vmem>>, vector<16xi32>,
      %sub3A_3445 = arith.subi %squeeze3A_3416, %mul3A_3442 : i32
      %broadcast_in_dim3A_3446 = vector.broadcast %sub3A_3445 : i32 to vector<16xi32>
      %broadcast_in_dim3A_3447 = vector.shape_cast %broadcast_in_dim3A_3446 : vector<16xi32> to vector<16x1xi32>
      %gather3A_3448 = vector.shape_cast %broadcast_in_dim3A_3447 : vector<16x1xi32> to vector<16xi32>
      %gather3A_3449 = tpu.dynamic_gather %get3A_3444[%gather3A_3448] in [0] : vector<16xi32>, vector<16xi32> -> vector<16xi32>
      %eq3A_3450 = arith.constant 3 : i32
      %eq3A_3451 = vector.broadcast %eq3A_3450 : i32 to vector<16xi32>
      %eq3A_3452 = arith.cmpi eq, %iota3A, %eq3A_3451 : vector<16xi32>
      %select_n3A_3453 = arith.select %eq3A_3452, %gather3A_3449, %select_n3A_3291 : vector<16xi1>, vector<16xi32>
      %jit3A_3454 = arith.constant 16 : i32
      %div3A_3455 = arith.divsi %squeeze3A_3416, %jit3A_3454 : i32
      %sign3A_3456 = arith.constant 0 : i32
      %sign3A_3457 = arith.cmpi sgt, %squeeze3A_3416, %sign3A_3456 : i32
      %sign3A_3458 = arith.extui %sign3A_3457 : i1 to i32
      %sign3A_3459 = arith.constant 0 : i32
      %sign3A_3460 = arith.cmpi slt, %squeeze3A_3416, %sign3A_3459 : i32
      %sign3A_3461 = arith.extui %sign3A_3460 : i1 to i32
      %sign3A_3462 = arith.subi %sign3A_3458, %sign3A_3461 : i32
      %sign3A_3463 = arith.constant 0 : i32
      %sign3A_3464 = arith.cmpi sgt, %jit3A_3454, %sign3A_3463 : i32
      %sign3A_3465 = arith.extui %sign3A_3464 : i1 to i32
      %sign3A_3466 = arith.constant 0 : i32
      %sign3A_3467 = arith.cmpi slt, %jit3A_3454, %sign3A_3466 : i32
      %sign3A_3468 = arith.extui %sign3A_3467 : i1 to i32
      %sign3A_3469 = arith.subi %sign3A_3465, %sign3A_3468 : i32
      %ne3A_3470 = arith.cmpi ne, %sign3A_3462, %sign3A_3469 : i32
      %rem3A_3471 = arith.remsi %squeeze3A_3416, %jit3A_3454 : i32
      %ne3A_3472 = arith.constant 0 : i32
      %ne3A_3473 = arith.cmpi ne, %rem3A_3471, %ne3A_3472 : i32
      %and3A_3474 = arith.andi %ne3A_3470, %ne3A_3473 : i1
      %sub3A_3475 = arith.constant 1 : i32
      %sub3A_3476 = arith.subi %div3A_3455, %sub3A_3475 : i32
      %select_n3A_3477 = arith.select %and3A_3474, %sub3A_3476, %div3A_3455 : i32
      %mul3A_3478 = arith.constant 16 : i32
      %mul3A_3479 = arith.muli %select_n3A_3477, %mul3A_3478 : i32
      %get3A_3480 = arith.index_cast %mul3A_3479 : i32 to index
      %get3A_3481 = tpu.vector_load %arg12[%get3A_3480] {strides = array<i32>} : memref<528xf32, #tpu.memory_space<vmem>>, vector<16xf32>,
      %sub3A_3482 = arith.subi %squeeze3A_3416, %mul3A_3479 : i32
      %eq3A_3483 = vector.broadcast %sub3A_3482 : i32 to vector<16xi32>
      %eq3A_3484 = arith.cmpi eq, %iota3A, %eq3A_3483 : vector<16xi32>
      %jit3A_3485 = arith.constant 3.000000e+38 : f32
      %broadcast_in_dim3A_3486 = vector.broadcast %jit3A_3485 : f32 to vector<16xf32>
      %select_n3A_3487 = arith.select %eq3A_3484, %broadcast_in_dim3A_3486, %get3A_3481 : vector<16xi1>, vector<16xf32>
      %swap3A_3488 = arith.index_cast %mul3A_3479 : i32 to index
      %swap3A_3489 = tpu.vector_load %arg12[%swap3A_3488] {strides = array<i32>} : memref<528xf32, #tpu.memory_space<vmem>>, vector<16xf32>,
      tpu.vector_store %arg12[%swap3A_3488], %select_n3A_3487 {strides = array<i32>} : memref<528xf32, #tpu.memory_space<vmem>>, vector<16xf32>,
      %mul3A_3490 = arith.constant 32 : i32
      %mul3A_3491 = arith.muli %scan3A_16, %mul3A_3490 : i32
      %swap3A_3492 = arith.index_cast %mul3A_3491 : i32 to index
      %swap3A_3493 = tpu.vector_load %arg14[%swap3A_3492] {strides = array<i32>} : memref<10016xi32, #tpu.memory_space<vmem>>, vector<16xi32>,
      tpu.vector_store %arg14[%swap3A_3492], %select_n3A_2805 {strides = array<i32>} : memref<10016xi32, #tpu.memory_space<vmem>>, vector<16xi32>,
      %mul3A_3494 = arith.constant 32 : i32
      %mul3A_3495 = arith.muli %scan3A_16, %mul3A_3494 : i32
      %add3A_3496 = arith.constant 16 : i32
      %add3A_3497 = arith.addi %mul3A_3495, %add3A_3496 : i32
      %swap3A_3498 = arith.index_cast %add3A_3497 : i32 to index
      %swap3A_3499 = tpu.vector_load %arg14[%swap3A_3498] {strides = array<i32>} : memref<10016xi32, #tpu.memory_space<vmem>>, vector<16xi32>,
      tpu.vector_store %arg14[%swap3A_3498], %select_n3A_3453 {strides = array<i32>} : memref<10016xi32, #tpu.memory_space<vmem>>, vector<16xi32>,
      %scan3A_3500 = arith.constant 0 : i32
      scf.yield %scan3A_3500 : i32
    }
    %scan3A_13 = arith.constant 313 : i32
    %mul3A_14 = arith.constant 32 : i32
    %mul3A_15 = arith.muli %mul3A_7, %mul3A_14 : i32
    "tpu.region"() ({
      %run_scoped3A = tpu.sem_alloc : memref<!tpu.dma_semaphore, #tpu.memory_space<semaphore_mem>>
      %dma_start3A = tpu.memref_slice %arg6[%mul3A_15] : memref<320512xi32, #tpu.memory_space<hbm>> -> memref<10016xi32, #tpu.memory_space<hbm>>
      %dma_start3A_16 = tpu.memref_slice %arg6[%mul3A_15] : memref<320512xi32, #tpu.memory_space<hbm>> -> memref<10016xi32, #tpu.memory_space<hbm>>
      tpu.enqueue_dma source(%arg14 : memref<10016xi32, #tpu.memory_space<vmem>>) target(%dma_start3A_16 : memref<10016xi32, #tpu.memory_space<hbm>>) target_semaphore(%run_scoped3A : memref<!tpu.dma_semaphore, #tpu.memory_space<semaphore_mem>>)
      %dma_wait3A = tpu.memref_slice %arg6[%mul3A_15] : memref<320512xi32, #tpu.memory_space<hbm>> -> memref<10016xi32, #tpu.memory_space<hbm>>
      %dma_wait3A_17 = tpu.memref_slice %arg6[%mul3A_15] : memref<320512xi32, #tpu.memory_space<hbm>> -> memref<10016xi32, #tpu.memory_space<hbm>>
      tpu.wait_dma2 semaphore(%run_scoped3A : memref<!tpu.dma_semaphore, #tpu.memory_space<semaphore_mem>>) src(%arg14 : memref<10016xi32, #tpu.memory_space<vmem>>) dst(%dma_wait3A_17 : memref<10016xi32, #tpu.memory_space<hbm>>)
      tpu.yield
    }) : () -> ()
    return
  }
}

</mosaic_0001>

<sc_bundles>
// kernel: _knn_sc.3.cloned.1.call-start
scs
__scs_entry_jumppad:
0x0: {  	(pc) =	sbr.rel $0x88, $3  }
0x1: {  	(tag) =	ssettag $0x0;
	lr =	simm.s32 $0x1  }
0x2: {  	[smem:$0x3F9D] =	sst lr;
	_ =	strace $0xD0000000  }
0x3: {  	_ = 	snop  }
0x4: {  	_ = 	snop  }
0x5: {  	_ = 	snop  }
0x6: {  	_ = 	snop  }
0x7: {  	_ = 	snop  }
__scs_overlays_trampoline_lowered:
0x8: {  	[smem:$0x3FAC] =	sst s0  }
0x9: {  	[smem:$0x3FAD] =	sst s1  }
0xa: {  	[smem:$0x3FAE] =	sst s2  }
0xb: {  	[smem:$0x3FAF] =	sst s3  }
0xc: {  	[smem:$0x3FB0] =	sst s4  }
0xd: {  	[smem:$0x3FB1] =	sst s5  }
0xe: {  	[smem:$0x3FB2] =	sst s6  }
0xf: {  	[smem:$0x3FB3] =	sst s7  }
0x10: {  	[smem:$0x3FB4] =	sst s8  }
0x11: {  	[smem:$0x3FB5] =	sst s9;
	s0 =	simm.s32 @!p0 $0x0  }
0x12: {  	s1 =	sld [smem:$0x3F9B];
	s0 =	simm.s32 @p0 $0x1  }
0x13: {  	[smem:$0x3FB6] =	sst s0;
	s0 =	simm.s32 @!p1 $0x0  }
0x14: {  	s2 =	sld [smem:$0x3F9A];
	s0 =	simm.s32 @p1 $0x1  }
0x15: {  	[smem:$0x3FB7] =	sst s0;
	s0 =	simm.s32 @!p2 $0x0  }
0x16: {  	s3 =	sld [smem:$0x3FDB];
	s0 =	simm.s32 @p2 $0x1  }
0x17: {  	s4 =	simm.s32 $0x1BF5;
	[smem:$0x3FB9] =	sst s0  }
0x18: {  	s0 =	sld [smem:$0x3F9C];
	_ =	swait.ge [sflag:s4], $0x0  }
0x19: {  	s7 =	sld [smem:$0x3F9D]  }
0x1a: {  	s8 =	sadd.s32 $0xFFFFE003, lr  }
0x1b: {  	s9 =	sadd.s32 $0xFFFFFEF7, lr;
	s5 =	simm.s32 $0xFFFFFFFF;
	p2 =	slt.u32 s8, $0xFFFFF086  }
0x1c: {  	p1 =	slt.u32 s9, $0xF7A;
	s5 =	simm.s32 @!p2 $0x0  }
0x1d: {  	s5 =	simm.s32 @p1 $0x1;
	p0 =	seq.s32 s7, s2  }
0x1e: {  	s7 =	smul.u32 @!p0 $0xF7A, s2;
	p2 =	seq.s32 @!p0 s5, $0x0  }
0x1f: {  	s9 =	smul.u32 $0xF7A, s1;
	s8 =	simm.s32 @!p0 $0x1BF5;
	p2 =	por !p2, p0  }
0x20: {  	[sflag:s8] =	ssyncset.s32 @!p0 $0xFFFFF086;
	s6 =	sadd.s32 @!p0 s3, s7;
	s7 =	simm.s32 @!p0 $0x108  }
0x21: {  	s3 =	sadd.s32 s3, s9;
	s6 =	sadd.s32 @!p0 $0x88, s6;
	s7 =	simm.s32 @p2 $0x1082  }
0x22: {  	[simem:s7], [sflag:s8] =	dma.local @!p0 [hbm:s6], $0xF7A  }
0x23: {  	s9 =	sor.u32 $0xD0000000, s2;
	s6 =	simm.s32 $0x108;
	_ =	swait.ge @!p0 [sflag:s8], $0x0  }
0x24: {  	s3 =	sadd.s32 $0x88, s3;
	s6 =	simm.s32 @!p1 $0x1082;
	[sflag:s4] =	ssyncset.s32 $0xFFFFF086  }
0x25: {  	[simem:s6], [sflag:s4] =	dma.local [hbm:s3], $0xF7A  }
0x26: {  	[smem:$0x3F9D] =	sst s1;
	(tag) =	ssettag s2;
	_ =	strace s9  }
0x27: {  	s1 =	sld [smem:$0x3FAD]  }
0x28: {  	s2 =	sld [smem:$0x3FAE]  }
0x29: {  	s4 =	sld [smem:$0x3FB0]  }
0x2a: {  	p0 =	seq.s32 s5, $0x0;
	s5 =	sld [smem:$0x3FB1]  }
0x2b: {  	s6 =	sld [smem:$0x3FB2]  }
0x2c: {  	s7 =	sld [smem:$0x3FB3]  }
0x2d: {  	s3 =	simm.s32 $0x108;
	s8 =	sld [smem:$0x3FB4]  }
0x2e: {  	s3 =	simm.s32 @!p0 $0x1082;
	s9 =	sld [smem:$0x3FB5]  }
0x2f: {  	lr =	sadd.s32 s0, s3;
	s0 =	sld [smem:$0x3FAC]  }
0x30: {  	s3 =	sld [smem:$0x3FAF]  }
0x31: {  	[smem:$0x3FB8] =	sst s10  }
0x32: {  	s10 =	sld [smem:$0x3FB6];
	_ =	sdelay $0x3  }
0x33: {  	p0 =	seq.s32 s10, $0x1;
	s10 =	sld [smem:$0x3FB8];
	_ =	sdelay $0x3  }
0x34: {  	[smem:$0x3FB8] =	sst s10  }
0x35: {  	s10 =	sld [smem:$0x3FB7];
	_ =	sdelay $0x3  }
0x36: {  	p1 =	seq.s32 s10, $0x1;
	s10 =	sld [smem:$0x3FB8];
	_ =	sdelay $0x3  }
0x37: {  	[smem:$0x3FB8] =	sst s10  }
0x38: {  	s10 =	sld [smem:$0x3FB9]  }
0x39: {  	_ = 	snop;
	(pc) =	sbr.ind lr, $3  }
0x3a: {  	_ = 	snop  }
0x3b: {  	_ = 	snop  }
0x3c: {  	p2 =	seq.s32 s10, $0x1;
	s10 =	sld [smem:$0x3FB8]  }
0x3d: {  	_ =	shalt  }
0x3e: {  	_ =	shalt  }
0x3f: {  	_ =	shalt  }
0x40: {  	_ =	shalt  }
0x41: {  	_ =	shalt  }
0x42: {  	_ =	shalt  }
0x43: {  	_ =	shalt  }
0x44: {  	_ =	shalt  }
0x45: {  	_ =	shalt  }
0x46: {  	_ =	shalt  }
0x47: {  	_ =	shalt  }
0x48: {  	_ =	shalt  }
0x49: {  	_ =	shalt  }
0x4a: {  	_ =	shalt  }
0x4b: {  	_ =	shalt  }
0x4c: {  	_ =	shalt  }
0x4d: {  	_ =	shalt  }
0x4e: {  	_ =	shalt  }
0x4f: {  	_ =	shalt  }
0x50: {  	_ =	shalt  }
0x51: {  	_ =	shalt  }
0x52: {  	_ =	shalt  }
0x53: {  	_ =	shalt  }
0x54: {  	_ =	shalt  }
0x55: {  	_ =	shalt  }
0x56: {  	_ =	shalt  }
0x57: {  	_ =	shalt  }
0x58: {  	_ =	shalt  }
0x59: {  	_ =	shalt  }
0x5a: {  	_ =	shalt  }
0x5b: {  	_ =	shalt  }
0x5c: {  	_ =	shalt  }
0x5d: {  	_ =	shalt  }
0x5e: {  	_ =	shalt  }
0x5f: {  	_ =	shalt  }
0x60: {  	_ =	shalt  }
0x61: {  	_ =	shalt  }
0x62: {  	_ =	shalt  }
0x63: {  	_ =	shalt  }
0x64: {  	_ =	shalt  }
0x65: {  	_ =	shalt  }
0x66: {  	_ =	shalt  }
0x67: {  	_ =	shalt  }
0x68: {  	_ =	shalt  }
0x69: {  	_ =	shalt  }
0x6a: {  	_ =	shalt  }
0x6b: {  	_ =	shalt  }
0x6c: {  	_ =	shalt  }
0x6d: {  	_ =	shalt  }
0x6e: {  	_ =	shalt  }
0x6f: {  	_ =	shalt  }
0x70: {  	_ =	shalt  }
0x71: {  	_ =	shalt  }
0x72: {  	_ =	shalt  }
0x73: {  	_ =	shalt  }
0x74: {  	_ =	shalt  }
0x75: {  	_ =	shalt  }
0x76: {  	_ =	shalt  }
0x77: {  	_ =	shalt  }
0x78: {  	_ =	shalt  }
0x79: {  	_ =	shalt  }
0x7a: {  	_ =	shalt  }
0x7b: {  	_ =	shalt  }
0x7c: {  	_ =	shalt  }
0x7d: {  	_ =	shalt  }
0x7e: {  	_ =	shalt  }
0x7f: {  	_ =	shalt  }
0x80: {  	_ =	shalt  }
0x81: {  	_ =	shalt  }
0x82: {  	_ =	shalt  }
0x83: {  	_ =	shalt  }
0x84: {  	_ =	shalt  }
0x85: {  	_ =	shalt  }
0x86: {  	_ =	shalt  }
0x87: {  	_ =	shalt  }
.Lfunc_end0:
.L_simem_size_0:
called_computation_lowered:
.L_overlay_start_0:
0x88: {  	s2 =	sld [smem:$0x3FD9]  }
0x89: {  	s3 =	sld [smem:$0x3FFE];
	_ =	sdelay $0x1  }
0x8a: {  	s1 =	srdreg.scid  }
0x8b: {  	s0 =	sand.u32 $0x1, s1  }
0x8c: {  	s18 =	sshll.u32 s0, $0xA;
	s2 =	sadd.s32 s3, s2  }
0x8d: {  	s2 =	sadd.s32 s2, s18  }
0x8e: {  	[smem:$0x3FC4] =	sst s2  }
0x8f: {  	_ = 	snop  }
0x90: {  	s2 =	sld [smem:$0x3FC9]  }
0x91: {  	s19 =	sld [smem:$0x3FC8]  }
0x92: {  	s4 =	sld [smem:$0x3FC7]  }
0x93: {  	s5 =	sld [smem:$0x3FC6]  }
0x94: {  	s6 =	sld [smem:$0x3FD0];
	(tm) =	ssettm $0x1  }
0x95: {  	s7 =	sld [smem:$0x3FFB];
	_ =	sdelay $0x3  }
0x96: {  	_ =	strace s7  }
0x97: {  	s7 =	sld [smem:$0x3FFC];
	_ =	sdelay $0x3  }
0x98: {  	_ =	strace s7  }
0x99: {  	s7 =	sld [smem:$0x3FFD];
	_ =	sdelay $0x3  }
0x9a: {  	_ =	strace s7  }
0x9b: {  	_ =	strace $0x8FFFFFFF  }
0x9c: {  	s20 =	sld [smem:$0x3FDB];
	_ =	sdelay $0x1  }
0x9d: {  	s8 =	simm.s32 $_scs_section_size  }
0x9e: {  	s9 =	simm.s32 $_size__tile_overlayer_lowered;
	s10 =	simm.s32 $_tile_overlayer_lowered  }
0x9f: {  	s23 =	simm.s32 $0x1BFF;
	s22 =	sshll.u32 s10, $0x1;
	s7 =	sadd.s32 s8, s20  }
0xa0: {  	s11 =	simm.s32 $0x0;
	s21 =	sshll.u32 s9, $0x1;
	s9 =	sadd.s32 s22, s7  }
0xa1: {  	[timem:s11], [sflag:s23] =	dma.local [hbm:s9], s21  }
0xa2: {  	_ =	swait.ge [sflag:s23], s21  }
0xa3: {  	s8 =	ssub.s32 $0x0, s21;
	[sflag:s23] =	ssyncset.done $0x0  }
0xa4: {  	[sflag:s23] =	ssyncadd.s32 s8;
	_ =	sdelay $0x1  }
0xa5: {  	s24 =	simm.s32 $0x1B8B  }
0xa6: {  	_ =	swait.ge [sflag:s24], $0x1  }
0xa7: {  	[sflag:s24] =	ssyncset.done $0x0  }
0xa8: {  	s25 =	simm.s32 $0x1B8E;
	[sflag:s24] =	ssyncadd.s32 $0xFFFFFFFF  }
0xa9: {  	s26 =	simm.s32 $execute0_lowered;
	[smem:$0x3FD2] =	sst s25  }
0xaa: {  	s8 =	sshll.u32 s26, $0x1;
	_ =	strace $0x80000046;
	[dreg:$0x1] =	wrdreg $0xFFFFFFFF  }
0xab: {  	s28 =	simm.s32 $_size_execute0_lowered;
	s7 =	sadd.s32 s7, s8;
	[dreg:$0x0] =	wrdreg $0x0  }
0xac: {  	s8 =	sshll.u32 s28, $0x1;
	[dreg:$0x2] =	wrdreg s7  }
0xad: {  	[dreg:$0x3] =	wrdreg s8  }
0xae: {  	[dreg:$0x4] =	wrdreg $0xC0  }
0xaf: {  	_ =	task [dreg:s11], $0x5FFFF  }
0xb0: {  	[dreg:$0x1] =	wrdreg $0xFFFFFFFF  }
0xb1: {  	[dreg:$0x0] =	wrdreg $0x60  }
0xb2: {  	[dreg:$0x2] =	wrdreg s2  }
0xb3: {  	[dreg:$0x3] =	wrdreg s19  }
0xb4: {  	[dreg:$0x4] =	wrdreg s4  }
0xb5: {  	[dreg:$0x5] =	wrdreg s5  }
0xb6: {  	[dreg:$0x6] =	wrdreg s6  }
0xb7: {  	[dreg:$0x7] =	wrdreg $0x9  }
0xb8: {  	_ =	task.clear_ibuf [dreg:s11], $0x8FFFF;
	_ =	strace $0x90000046  }
0xb9: {  	s29 =	simm.s32 $0x9;
	_ =	strace $0x80000048  }
0xba: {  	_ =	swait.ge [sflag:s29], $0x1  }
0xbb: {  	[sflag:s29] =	ssyncadd.s32 $0xFFFFFFFF  }
0xbc: {  	_ =	strace $0x90000048  }
0xbd: {  	_ =	sfence  }
0xbe: {  	s30 =	sld [smem:$0x0];
	_ =	sdelay $0x2  }
0xbf: {  	s31 =	sshll.u32 s1, $0xD;
	s1 =	sshrl.u32 s1, $0x2  }
0xc0: {  	s3 =	sand.u32 $0x4000, s31;
	s1 =	sadd.s32 s1, s30  }
0xc1: {  	s0 =	sor.u32 s3, s0;
	s1 =	sshll.u32 s1, $0x11  }
0xc2: {  	s0 =	sor.u32 s1, s0  }
0xc3: {  	s0 =	sadd.s32 $0x8F2B, s0  }
0xc4: {  	[sflag:s0] =	ssyncadd.remote.s32 $0x1  }
0xc5: {  	_ =	sfence.sel $0xFFFF  }
0xc6: {  	[dreg:$0x0] =	wrdreg $0xFFFFFFFF;
	(pc) =	sbr.abs _section_cstart, $3  }
0xc7: {  	[dreg:$0x1] =	wrdreg $0xFFFFFFFF  }
0xc8: {  	_ =	task.clear_ibuf [dreg:s11], $0x2FFFF;
	_ =	strace $0x9FFFFFFF  }
0xc9: {  	(tm) =	ssettm $0x7FFFFFFF  }
tec
execute0_lowered:
.L_overlay_start_1:
0x0: {  	(tag) =	ssettag $0x1  }
0x1: {  	v0 =	vimm.s32 $0xFEDCBA98;
	s0 =	rddreg [dreg:$0x0];
	v2 =	vimm.s32 $0x76543210;
	v4 =	vimm.s32 $0x32107654  }
0x2: {  	s1 =	rddreg [dreg:$0x1];
	v5 =	vimm.s32 $0xDCFE98BA;
	v6 =	vimm.s32 $0x54761032;
	v7 =	vimm.s32 $0xEFCDAB89  }
0x3: {  	s2 =	rddreg [dreg:$0x2];
	v8 =	vimm.s32 $0x67452301;
	vm0 =	vcmask $0x310;
	vm1 =	vcmask $0x710  }
0x4: {  	s3 =	rddreg [dreg:$0x3];
	vm2 =	vcmask $0xB10;
	v1 =	vunpack.c.l.s4.s8 v0;
	v0 =	vlaneseq.u32  }
0x5: {  	s5 =	srdreg.scid;
	s4 =	stileid.u32;
	v5 =	vunpack.c.l.s4.s8 v5;
	v6 =	vunpack.c.l.s4.s8 v6;
	v7 =	vunpack.c.l.s4.s8 v7  }
0x6: {  	s8 =	rddreg [dreg:$0x4];
	s6 =	simm.s32 $0x0;
	s12 =	simm.s32 $0x4F00;
	v8 =	vunpack.c.l.s4.s8 v8;
	v3 =	vunpack.c.0.s8.s32 v1;
	v1 =	vimm.s32 $0xBA98FEDC  }
0x7: {  	s13 =	simm.s32 $0x7680;
	s14 =	simm.s32 $0xC580;
	s15 =	simm.s32 $0xC800;
	v4 =	vunpack.c.l.s4.s8 v4;
	v5 =	vunpack.c.0.s8.s32 v5;
	v1 =	vunpack.c.l.s4.s8 v1  }
0x8: {  	s16 =	simm.s32 $0xCA00;
	s7 =	sand.u32 $0x1, s5;
	s9 =	sshll.u32 s4, $0x1;
	v6 =	vunpack.c.0.s8.s32 v6;
	v7 =	vunpack.c.0.s8.s32 v7;
	v8 =	vunpack.c.0.s8.s32 v8  }
.Ltmp0:
0x9: {  	s17 =	simm.s32 $0x0;
	v2 =	vunpack.c.l.s4.s8 v2;
	s9 =	sor.u32 s7, s9;
	v4 =	vunpack.c.0.s8.s32 v4;
	v1 =	vunpack.c.0.s8.s32 v1;
	(pc) =	sbr.rel .LBB2_1-.Ltmp0, $4  }
0xa: {  	[smem:$0x7FF] =	sst s6;
	s7 =	ssub.s32 $0x2, s7;
	s10 =	smul.u32 $0x4E4, s9;
	v10 =	vand.u32 $0xF, v3;
	v6 =	vcombine.low v6, v5;
	v7 =	vcombine.low v8, v7  }
0xb: {  	s5 =	rddreg [dreg:$0x5];
	_ =	strace $0x80000047;
	s11 =	sshrl.u32 s7, $0x1;
	v3 =	vimm.s32 $0xF;
	v9 =	vcombine.low v4, v1;
	v4 =	vunpack.c.0.s8.s32 v2  }
0xc: {  	s11 =	ssub.s32 s7, s11;
	s7 =	smul.u32 $0x139, s9;
	s8 =	sadd.s32 s8, s10;
	v6 =	vand.u32 $0xF, v6;
	v7 =	vand.u32 $0xF, v7;
	v1 =	vor.u32 $0x2700, v0  }
0xd: {  	s9 =	smax.u32 s11, $0x1;
	s10 =	simm.s32 $0x1;
	s11 =	simm.s32 $0x2780;
	v2 =	vimm.s32 $0x0;
	v4 =	vcombine.low v10, v4;
	v5 =	vand.u32 $0xF, v9  }
.LBB2_87:
0xe: {  	s17 =	sadd.s32 $0x1, s17  }
0xf: {  	p0 =	sne.s32 s17, s9  }
.Ltmp1:
0x10: {  	_ = 	snop;
	(pc) =	sbr.rel @!p0 .LBB2_88-.Ltmp1, $4  }
0x11: {  	[hbm4b:s8+s6] =	stream.linear.scatter [tilespmem:s16], [sflag:$0x1], $0x2720, $0x38;
	[tilespmem:$0xF180] =	vst v63  }
0x12: {  	_ =	swait.ge [sflag:s10], $0x2720  }
0x13: {  	[sflag:s10] =	ssyncset.done $0x0  }
0x14: {  	[sflag:s10] =	ssyncadd.s32 $0xFFFFD8E0  }
.LBB2_1:
0x15: {  	[tilespmem:s6], [sflag:$0x1] =	stream.linear.gather [hbm4b:s0+s6], $0x2780, $0x38;
	[tilespmem:$0xF180] =	vst v63  }
0x16: {  	_ =	swait.ge [sflag:s10], $0x2780  }
0x17: {  	[sflag:s10] =	ssyncset.done $0x0  }
0x18: {  	[sflag:s10] =	ssyncadd.s32 $0xFFFFD880  }
0x19: {  	[tilespmem:s11], [sflag:$0x1] =	stream.linear.gather [hbm4b:s1+s6], $0x2780, $0x38;
	[tilespmem:$0xF180] =	vst v63  }
0x1a: {  	_ =	swait.ge [sflag:s10], $0x2780  }
0x1b: {  	[sflag:s10] =	ssyncset.done $0x0  }
0x1c: {  	[sflag:s10] =	ssyncadd.s32 $0xFFFFD880  }
0x1d: {  	[tilespmem:s12], [sflag:$0x1] =	stream.linear.gather [hbm4b:s2+s6], $0x2780, $0x38;
	[tilespmem:$0xF180] =	vst v63  }
0x1e: {  	_ =	swait.ge [sflag:s10], $0x2780  }
0x1f: {  	[sflag:s10] =	ssyncset.done $0x0  }
.Ltmp2:
0x20: {  	[sflag:s10] =	ssyncadd.s32 $0xFFFFD880;
	(pc) =	sbr.rel .LBB2_2-.Ltmp2, $4  }
0x21: {  	[tilespmem:s13], [sflag:$0x1] =	stream.linear.gather [hbm4b:s3+s6], $0x2780, $0x38;
	[tilespmem:$0xF180] =	vst v63  }
0x22: {  	_ =	swait.ge [sflag:s10], $0x2780  }
0x23: {  	[sflag:s10] =	ssyncset.done $0x0  }
0x24: {  	s18 =	simm.s32 $0x0;
	[sflag:s10] =	ssyncadd.s32 $0xFFFFD880  }
.LBB2_85:
0x25: {  	v45 =	vsel vm3, v48, v45;
	v46 =	vsel vm3, v49, v46  }
.LBB2_86:
0x26: {  	v48 =	vperm.xlane v45, v4;
	v49 =	vperm.xlane v46, v4;
	_ =	sdelay $0x1  }
0x27: {  	vm3 =	veq.f32 v48, v45;
	vm4 =	vlt.s32 v49, v46  }
0x28: {  	vm12 =	vlt.f32 v48, v45;
	vm3 =	vmand vm3, vm4  }
0x29: {  	vm3 =	vmor vm12, vm3  }
0x2a: {  	v60 =	vsel vm3, v48, v45;
	v61 =	vsel vm3, v49, v46  }
0x2b: {  	v48 =	vperm.xlane v60, v5;
	v49 =	vperm.xlane v61, v5;
	_ =	sdelay $0x1  }
0x2c: {  	vm3 =	veq.f32 v48, v60;
	vm13 =	vlt.s32 v49, v61  }
0x2d: {  	vm14 =	vlt.f32 v48, v60;
	vm3 =	vmand vm3, vm13  }
0x2e: {  	vm3 =	vmor vm14, vm3  }
0x2f: {  	v45 =	vsel vm3, v48, v60;
	v46 =	vsel vm3, v49, v61  }
0x30: {  	v48 =	vperm.xlane v45, v6;
	v49 =	vperm.xlane v46, v6;
	_ =	sdelay $0x1  }
0x31: {  	vm3 =	veq.f32 v48, v45;
	vm15 =	vlt.s32 v49, v46  }
0x32: {  	vm8 =	vlt.f32 v48, v45;
	vm3 =	vmand vm3, vm15  }
0x33: {  	vm3 =	vmor vm8, vm3  }
0x34: {  	v45 =	vsel vm3, v48, v45;
	v46 =	vsel vm3, v49, v46  }
0x35: {  	v48 =	vperm.xlane v45, v7;
	v49 =	vperm.xlane v46, v7;
	_ =	sdelay $0x1  }
0x36: {  	vm3 =	veq.f32 v48, v45;
	vm9 =	vlt.s32 v49, v46  }
0x37: {  	vm5 =	vlt.f32 v48, v45;
	vm3 =	vmand vm3, vm9  }
0x38: {  	vm3 =	vmor vm5, vm3  }
0x39: {  	v62 =	vsel vm3, v49, v46  }
0x3a: {  	(v2sf) =	vpush v62, $0x0;
	_ =	sdelay $0xa  }
0x3b: {  	v8 =	vperm.xlane v9, v8  }
0x3c: {  	v63 =	vperm.xlane v11, v10;
	v13 =	vperm.xlane v13, v12  }
0x3d: {  	vm10 =	vmmov $0x3;
	v15 =	vperm.xlane v15, v14;
	v17 =	vperm.xlane v17, v16  }
0x3e: {  	vm11 =	vmmov $0x7;
	v50 =	vperm.xlane v27, v26;
	v51 =	vperm.xlane v29, v28  }
0x3f: {  	v52 =	vperm.xlane v31, v30;
	v53 =	vperm.xlane v33, v32;
	vm3 =	vmmov $0x1;
	s19 =	spop (v2sf)  }
0x40: {  	v54 =	vperm.xlane v35, v34;
	v56 =	vperm.xlane v37, v36;
	v8 =	vsel vm3, v8, v63;
	s20 =	sand.u32 $0xF, s19  }
0x41: {  	v58 =	vperm.xlane v39, v38;
	v59 =	vperm.xlane v41, v40;
	v8 =	vsel vm10, v8, v13;
	s21 =	sshra.s32 s19, $0x1F;
	p0 =	slt.s32 s19, $0x1;
	p1 =	sne.s32 s20, $0x0  }
0x42: {  	vm12 =	vmmov $0xf;
	v45 =	vperm.xlane v19, v18;
	v8 =	vsel vm11, v8, v15;
	s30 =	sshrl.u32 s21, $0x1C;
	p0 =	por !p0, !p1  }
0x43: {  	vm13 =	vmmov $0x1f;
	v46 =	vperm.xlane v21, v20;
	v8 =	vsel vm12, v8, v17;
	s21 =	simm.s32 $0x1;
	s20 =	sadd.s32 s30, s19;
	p0 =	por !p0, !p0  }
0x44: {  	vm14 =	vmmov $0x3f;
	v48 =	vperm.xlane v23, v22;
	v8 =	vsel vm13, v8, v45;
	s20 =	sshrl.u32 s20, $0x4;
	s21 =	simm.s32 @!p0 $0x0  }
0x45: {  	vm15 =	vmmov $0x7f;
	v49 =	vperm.xlane v25, v24;
	v8 =	vsel vm14, v8, v46;
	s20 =	ssub.s32 s20, s21  }
0x46: {  	v60 =	vperm.xlane v43, v42;
	vm8 =	vmmov $0xff;
	v8 =	vsel vm15, v8, v48;
	s20 =	sshll.u32 s20, $0x4  }
0x47: {  	vm9 =	vmmov $0x1ff;
	v10 =	vnsel vm3, $0xFFFFFFFF, v59;
	v8 =	vsel vm8, v8, v49;
	v55 =	vld [tilespmem:s20+$0xC800]  }
0x48: {  	v62 =	vperm.xlane v47, v44;
	vm10 =	vmmov $0x3ff;
	v8 =	vsel vm9, v8, v50;
	v57 =	vld [tilespmem:s20+$0xC580]  }
0x49: {  	v10 =	vsel vm0, v10, v60;
	vm11 =	vmmov $0x7ff;
	v8 =	vsel vm10, v8, v51  }
0x4a: {  	s31 =	sshll.u32 s18, $0x5;
	s18 =	sadd.s32 $0x1, s18;
	vm12 =	vmmov $0xfff;
	vm13 =	vmmov $0x1fff;
	v8 =	vsel vm11, v8, v52;
	s19 =	ssub.s32 s19, s20  }
0x4b: {  	vm14 =	vmmov $0x3fff;
	v8 =	vsel vm12, v8, v53;
	p0 =	sne.s32 s18, $0x139;
	v61 =	vmov s19  }
.Ltmp3:
0x4c: {  	vm15 =	vmmov $0x7fff;
	v8 =	vsel vm13, v8, v54;
	vm3 =	veq.s32 v61, v0;
	(pc) =	sbr.rel @!p0 .LBB2_87-.Ltmp3, $4  }
0x4d: {  	v8 =	vsel vm14, v8, v56;
	v11 =	vperm.xlane v55, v61;
	v12 =	vsel vm3, $0x7F61B1E6, v57  }
0x4e: {  	v63 =	vsel vm1, v10, v62;
	v8 =	vsel vm15, v8, v58;
	s19 =	sand.u32 $0x3FFFFFE0, s31;
	[tilespmem:s20+$0xC580] =	vst v12  }
0x4f: {  	v9 =	vsel vm2, v63, v11;
	[tilespmem:s19+$0xCA00] =	vst v8  }
0x50: {  	[tilespmem:s19+$0xCA10] =	vst v9  }
.LBB2_2:
0x51: {  	s19 =	sadd.s32 s7, s18  }
0x52: {  	s22 =	sand.u32 $0x7FF0, s19  }
0x53: {  	v8 =	vld [tilespmem:s22+$0x0]  }
0x54: {  	v9 =	vld [tilespmem:s22+$0x2780]  }
0x55: {  	v10 =	vld [tilespmem:s22+$0x4F00]  }
0x56: {  	s20 =	simm.s32 $0x40  }
0x57: {  	s21 =	simm.s32 $0x27C0;
	s23 =	sand.u32 $0xF, s19;
	v11 =	vld [tilespmem:s20+$0xFFFFFFC0]  }
0x58: {  	v13 =	vld [tilespmem:s21+$0xFFFFFFC0];
	v12 =	vmov s23  }
0x59: {  	v14 =	vld [tilespmem:s22+$0x7680];
	s22 =	simm.s32 $0x4F40;
	v8 =	vperm.xlane v8, v12;
	v9 =	vperm.xlane v9, v12  }
0x5a: {  	v15 =	vld [tilespmem:s22+$0xFFFFFFC0];
	v10 =	vperm.xlane v10, v12  }
0x5b: {  	s24 =	simm.s32 $0x76C0;
	v8 =	vmul.f32 $-2.000000000e+00, v8;
	v9 =	vmul.f32 $-2.000000000e+00, v9  }
0x5c: {  	v16 =	vld [tilespmem:s24+$0xFFFFFFC0];
	v10 =	vmul.f32 $-2.000000000e+00, v10  }
0x5d: {  	v17 =	vmul.f32 v11, v8;
	v13 =	vmul.f32 v13, v9;
	_ =	sdelay $0x1  }
0x5e: {  	v11 =	vperm.xlane v14, v12;
	v12 =	vmul.f32 v15, v10;
	v13 =	vadd.f32 v13, v17;
	_ =	sdelay $0x1  }
0x5f: {  	v14 =	vadd.f32 v16, v11;
	v13 =	vadd.f32 v12, v13  }
0x60: {  	s31 =	simm.s32 $0x0  }
0x61: {  	v12 =	vmov s19;
	v13 =	vadd.f32 v13, v14;
	v14 =	vor.u32 s31, v0  }
0x62: {  	vm3 =	veq.s32 v14, v12  }
0x63: {  	s19 =	simm.s32 $0x9E40;
	v15 =	vsel vm3, $0x7F61B1E6, v13  }
0x64: {  	[tilespmem:s19+$0xFFFFFFC0] =	vst v15  }
0x65: {  	v13 =	vld [tilespmem:s20+$0xFFFFFFD0]  }
0x66: {  	v14 =	vld [tilespmem:s21+$0xFFFFFFD0];
	_ =	sdelay $0x1  }
0x67: {  	v16 =	vld [tilespmem:s22+$0xFFFFFFD0];
	_ =	sdelay $0x1  }
0x68: {  	v17 =	vld [tilespmem:s24+$0xFFFFFFD0]  }
0x69: {  	v13 =	vmul.f32 v13, v8;
	v14 =	vmul.f32 v14, v9;
	_ =	sdelay $0x1  }
0x6a: {  	v13 =	vadd.f32 v14, v13;
	v14 =	vmul.f32 v16, v10;
	_ =	sdelay $0x1  }
0x6b: {  	v16 =	vadd.f32 v17, v11;
	v13 =	vadd.f32 v14, v13  }
0x6c: {  	s25 =	simm.s32 $0x10  }
0x6d: {  	v14 =	vor.u32 s25, v0;
	v13 =	vadd.f32 v13, v16  }
0x6e: {  	vm3 =	veq.s32 v14, v12  }
0x6f: {  	v13 =	vsel vm3, $0x7F61B1E6, v13  }
0x70: {  	[tilespmem:s19+$0xFFFFFFD0] =	vst v13  }
0x71: {  	v14 =	vld [tilespmem:s20+$0xFFFFFFE0]  }
0x72: {  	v16 =	vld [tilespmem:s21+$0xFFFFFFE0];
	_ =	sdelay $0x1  }
0x73: {  	v17 =	vld [tilespmem:s22+$0xFFFFFFE0];
	_ =	sdelay $0x1  }
0x74: {  	v18 =	vld [tilespmem:s24+$0xFFFFFFE0]  }
0x75: {  	v14 =	vmul.f32 v14, v8;
	v16 =	vmul.f32 v16, v9;
	_ =	sdelay $0x1  }
0x76: {  	v14 =	vadd.f32 v16, v14;
	v16 =	vmul.f32 v17, v10;
	_ =	sdelay $0x1  }
0x77: {  	v17 =	vadd.f32 v18, v11;
	v14 =	vadd.f32 v16, v14  }
0x78: {  	s26 =	simm.s32 $0x20  }
0x79: {  	v16 =	vor.u32 s26, v0;
	v14 =	vadd.f32 v14, v17  }
0x7a: {  	vm3 =	veq.s32 v16, v12  }
0x7b: {  	v16 =	vsel vm3, $0x7F61B1E6, v14  }
0x7c: {  	[tilespmem:s19+$0xFFFFFFE0] =	vst v16  }
0x7d: {  	v14 =	vld [tilespmem:s20+$0xFFFFFFF0]  }
0x7e: {  	v17 =	vld [tilespmem:s21+$0xFFFFFFF0];
	_ =	sdelay $0x1  }
0x7f: {  	v18 =	vld [tilespmem:s22+$0xFFFFFFF0];
	_ =	sdelay $0x1  }
0x80: {  	v19 =	vld [tilespmem:s24+$0xFFFFFFF0]  }
0x81: {  	v14 =	vmul.f32 v14, v8;
	v17 =	vmul.f32 v17, v9;
	_ =	sdelay $0x1  }
0x82: {  	v14 =	vadd.f32 v17, v14;
	v17 =	vmul.f32 v18, v10;
	_ =	sdelay $0x1  }
0x83: {  	v18 =	vadd.f32 v19, v11;
	v14 =	vadd.f32 v17, v14  }
0x84: {  	s28 =	simm.s32 $0x30  }
0x85: {  	v17 =	vor.u32 s28, v0;
	v14 =	vadd.f32 v14, v18  }
0x86: {  	vm3 =	veq.s32 v17, v12  }
0x87: {  	v17 =	vsel vm3, $0x7F61B1E6, v14  }
0x88: {  	[tilespmem:s19+$0xFFFFFFF0] =	vst v17  }
0x89: {  	v14 =	vld [tilespmem:s20+$0x0]  }
0x8a: {  	v18 =	vld [tilespmem:s21+$0x0];
	_ =	sdelay $0x1  }
0x8b: {  	v19 =	vld [tilespmem:s22+$0x0];
	_ =	sdelay $0x1  }
0x8c: {  	v20 =	vld [tilespmem:s24+$0x0]  }
0x8d: {  	v14 =	vmul.f32 v14, v8;
	v18 =	vmul.f32 v18, v9;
	_ =	sdelay $0x1  }
0x8e: {  	v14 =	vadd.f32 v18, v14;
	v18 =	vmul.f32 v19, v10;
	_ =	sdelay $0x1  }
0x8f: {  	v19 =	vadd.f32 v20, v11;
	v14 =	vadd.f32 v18, v14  }
0x90: {  	s29 =	simm.s32 $0x40  }
0x91: {  	v18 =	vor.u32 s29, v0;
	v14 =	vadd.f32 v14, v19  }
0x92: {  	vm3 =	veq.s32 v18, v12  }
0x93: {  	v18 =	vsel vm3, $0x7F61B1E6, v14  }
0x94: {  	[tilespmem:s19+$0x0] =	vst v18  }
0x95: {  	v14 =	vld [tilespmem:s20+$0x10]  }
0x96: {  	v19 =	vld [tilespmem:s21+$0x10];
	_ =	sdelay $0x1  }
0x97: {  	v20 =	vld [tilespmem:s22+$0x10];
	_ =	sdelay $0x1  }
0x98: {  	v21 =	vld [tilespmem:s24+$0x10]  }
0x99: {  	v14 =	vmul.f32 v14, v8;
	v19 =	vmul.f32 v19, v9;
	_ =	sdelay $0x1  }
0x9a: {  	v14 =	vadd.f32 v19, v14;
	v19 =	vmul.f32 v20, v10;
	_ =	sdelay $0x1  }
0x9b: {  	v20 =	vadd.f32 v21, v11;
	v14 =	vadd.f32 v19, v14  }
0x9c: {  	s30 =	simm.s32 $0x50  }
0x9d: {  	v19 =	vor.u32 s30, v0;
	v14 =	vadd.f32 v14, v20  }
0x9e: {  	vm3 =	veq.s32 v19, v12  }
0x9f: {  	v19 =	vsel vm3, $0x7F61B1E6, v14  }
0xa0: {  	[tilespmem:s19+$0x10] =	vst v19  }
0xa1: {  	v14 =	vld [tilespmem:s20+$0x20]  }
0xa2: {  	v20 =	vld [tilespmem:s21+$0x20];
	_ =	sdelay $0x1  }
0xa3: {  	v21 =	vld [tilespmem:s22+$0x20];
	_ =	sdelay $0x1  }
0xa4: {  	v22 =	vld [tilespmem:s24+$0x20]  }
0xa5: {  	v14 =	vmul.f32 v14, v8;
	v20 =	vmul.f32 v20, v9;
	_ =	sdelay $0x1  }
0xa6: {  	v14 =	vadd.f32 v20, v14;
	v20 =	vmul.f32 v21, v10;
	_ =	sdelay $0x1  }
0xa7: {  	v21 =	vadd.f32 v22, v11;
	v14 =	vadd.f32 v20, v14  }
0xa8: {  	s31 =	simm.s32 $0x60  }
0xa9: {  	v20 =	vor.u32 s31, v0;
	v14 =	vadd.f32 v14, v21  }
0xaa: {  	vm3 =	veq.s32 v20, v12  }
0xab: {  	v21 =	vsel vm3, $0x7F61B1E6, v14  }
0xac: {  	[tilespmem:s19+$0x20] =	vst v21  }
0xad: {  	v22 =	vld [tilespmem:s20+$0x30]  }
0xae: {  	v14 =	vimm.f32 $3.000000010e+38;
	v23 =	vld [tilespmem:s21+$0x30]  }
0xaf: {  	v15 =	vmin.f32 v14, v15;
	v20 =	vld [tilespmem:s22+$0x30]  }
0xb0: {  	v15 =	vmin.f32 v15, v16  }
0xb1: {  	s20 =	simm.s32 $0x70;
	v15 =	vmin.f32 v15, v18;
	v18 =	vld [tilespmem:s24+$0x30]  }
0xb2: {  	s23 =	simm.s32 $0x7740;
	s25 =	simm.s32 $0x4FC0;
	s26 =	simm.s32 $0x2840;
	v16 =	vor.u32 s20, v0  }
0xb3: {  	s21 =	simm.s32 $0x0;
	s22 =	simm.s32 $0xC0;
	s24 =	simm.s32 $0x9E40;
	v15 =	vmin.f32 v15, v21;
	v21 =	vmul.f32 v22, v8;
	v22 =	vmul.f32 v23, v9  }
.LBB2_3:
0xb4: {  	s21 =	sadd.s32 $0x4, s21;
	v20 =	vmul.f32 v20, v10;
	s20 =	sadd.s32 $0x80, s20;
	s19 =	sadd.s32 $0x80, s19  }
0xb5: {  	v23 =	vor.u32 s20, v0;
	p0 =	slt.u32 s21, $0x134;
	v21 =	vadd.f32 v22, v21  }
0xb6: {  	v18 =	vadd.f32 v18, v11  }
0xb7: {  	v20 =	vadd.f32 v20, v21  }
0xb8: {  	v13 =	vmin.f32 v14, v13  }
0xb9: {  	vm3 =	veq.s32 v16, v12;
	v13 =	vmin.f32 v13, v17;
	v16 =	vmovc v23;
	v14 =	vadd.f32 v20, v18  }
0xba: {  	v13 =	vmin.f32 v13, v19  }
0xbb: {  	v14 =	vsel vm3, $0x7F61B1E6, v14  }
0xbc: {  	[tilespmem:s24+$0x30] =	vst v14;
	v14 =	vmin.f32 v13, v14;
	s24 =	smov.u32 s19  }
0xbd: {  	v13 =	vld [tilespmem:s22+$0xFFFFFFC0]  }
0xbe: {  	v17 =	vld [tilespmem:s26+$0xFFFFFFC0]  }
0xbf: {  	v18 =	vld [tilespmem:s25+$0xFFFFFFC0];
	_ =	sdelay $0x2  }
0xc0: {  	v19 =	vld [tilespmem:s23+$0xFFFFFFC0];
	v13 =	vmul.f32 v13, v8  }
0xc1: {  	v17 =	vmul.f32 v17, v9  }
0xc2: {  	v18 =	vmul.f32 v18, v10  }
0xc3: {  	v13 =	vadd.f32 v17, v13;
	_ =	sdelay $0x1  }
0xc4: {  	v17 =	vadd.f32 v19, v11;
	v13 =	vadd.f32 v18, v13  }
0xc5: {  	s28 =	sadd.s32 $0xFFFFFF90, s20  }
0xc6: {  	v13 =	vadd.f32 v13, v17;
	v17 =	vor.u32 s28, v0  }
0xc7: {  	vm3 =	veq.s32 v17, v12  }
0xc8: {  	v18 =	vsel vm3, $0x7F61B1E6, v13  }
0xc9: {  	[tilespmem:s19+$0xFFFFFFC0] =	vst v18  }
0xca: {  	v13 =	vld [tilespmem:s22+$0xFFFFFFD0]  }
0xcb: {  	v17 =	vld [tilespmem:s26+$0xFFFFFFD0];
	_ =	sdelay $0x1  }
0xcc: {  	v19 =	vld [tilespmem:s25+$0xFFFFFFD0];
	_ =	sdelay $0x1  }
0xcd: {  	v20 =	vld [tilespmem:s23+$0xFFFFFFD0]  }
0xce: {  	v13 =	vmul.f32 v13, v8;
	v17 =	vmul.f32 v17, v9;
	_ =	sdelay $0x1  }
0xcf: {  	v13 =	vadd.f32 v17, v13;
	v17 =	vmul.f32 v19, v10;
	_ =	sdelay $0x1  }
0xd0: {  	v19 =	vadd.f32 v20, v11;
	v13 =	vadd.f32 v17, v13  }
0xd1: {  	s28 =	sadd.s32 $0xFFFFFFA0, s20  }
0xd2: {  	v17 =	vor.u32 s28, v0;
	v13 =	vadd.f32 v13, v19  }
0xd3: {  	vm3 =	veq.s32 v17, v12  }
0xd4: {  	v13 =	vsel vm3, $0x7F61B1E6, v13  }
0xd5: {  	[tilespmem:s19+$0xFFFFFFD0] =	vst v13  }
0xd6: {  	v17 =	vld [tilespmem:s22+$0xFFFFFFE0]  }
0xd7: {  	v19 =	vld [tilespmem:s26+$0xFFFFFFE0];
	_ =	sdelay $0x1  }
0xd8: {  	v20 =	vld [tilespmem:s25+$0xFFFFFFE0];
	_ =	sdelay $0x1  }
0xd9: {  	v21 =	vld [tilespmem:s23+$0xFFFFFFE0];
	v17 =	vmul.f32 v17, v8  }
0xda: {  	v19 =	vmul.f32 v19, v9;
	_ =	sdelay $0x1  }
0xdb: {  	v17 =	vadd.f32 v19, v17;
	v19 =	vmul.f32 v20, v10;
	_ =	sdelay $0x1  }
0xdc: {  	v20 =	vadd.f32 v21, v11;
	v17 =	vadd.f32 v19, v17  }
0xdd: {  	s28 =	sadd.s32 $0xFFFFFFB0, s20  }
0xde: {  	v19 =	vor.u32 s28, v0;
	v17 =	vadd.f32 v17, v20  }
0xdf: {  	vm3 =	veq.s32 v19, v12  }
0xe0: {  	v20 =	vsel vm3, $0x7F61B1E6, v17  }
0xe1: {  	[tilespmem:s19+$0xFFFFFFE0] =	vst v20  }
0xe2: {  	v17 =	vld [tilespmem:s22+$0xFFFFFFF0]  }
0xe3: {  	v19 =	vld [tilespmem:s26+$0xFFFFFFF0];
	_ =	sdelay $0x1  }
0xe4: {  	v21 =	vld [tilespmem:s25+$0xFFFFFFF0];
	_ =	sdelay $0x1  }
0xe5: {  	v22 =	vld [tilespmem:s23+$0xFFFFFFF0];
	v17 =	vmul.f32 v17, v8  }
0xe6: {  	v19 =	vmul.f32 v19, v9;
	_ =	sdelay $0x1  }
0xe7: {  	v17 =	vadd.f32 v19, v17;
	v19 =	vmul.f32 v21, v10;
	_ =	sdelay $0x1  }
0xe8: {  	v21 =	vadd.f32 v22, v11;
	v17 =	vadd.f32 v19, v17  }
0xe9: {  	s28 =	sadd.s32 $0xFFFFFFC0, s20  }
0xea: {  	v19 =	vor.u32 s28, v0;
	v17 =	vadd.f32 v17, v21  }
0xeb: {  	vm3 =	veq.s32 v19, v12  }
0xec: {  	v17 =	vsel vm3, $0x7F61B1E6, v17  }
0xed: {  	[tilespmem:s19+$0xFFFFFFF0] =	vst v17  }
0xee: {  	v19 =	vld [tilespmem:s22+$0x0]  }
0xef: {  	v21 =	vld [tilespmem:s26+$0x0];
	_ =	sdelay $0x1  }
0xf0: {  	v22 =	vld [tilespmem:s25+$0x0];
	_ =	sdelay $0x1  }
0xf1: {  	v23 =	vld [tilespmem:s23+$0x0]  }
0xf2: {  	v19 =	vmul.f32 v19, v8;
	v21 =	vmul.f32 v21, v9;
	_ =	sdelay $0x1  }
0xf3: {  	v19 =	vadd.f32 v21, v19;
	v21 =	vmul.f32 v22, v10;
	_ =	sdelay $0x1  }
0xf4: {  	v22 =	vadd.f32 v23, v11;
	v19 =	vadd.f32 v21, v19  }
0xf5: {  	s28 =	sadd.s32 $0xFFFFFFD0, s20  }
0xf6: {  	v21 =	vor.u32 s28, v0;
	v19 =	vadd.f32 v19, v22  }
0xf7: {  	vm3 =	veq.s32 v21, v12  }
0xf8: {  	v21 =	vsel vm3, $0x7F61B1E6, v19  }
0xf9: {  	[tilespmem:s19+$0x0] =	vst v21  }
0xfa: {  	v19 =	vld [tilespmem:s22+$0x10]  }
0xfb: {  	v22 =	vld [tilespmem:s26+$0x10]  }
0xfc: {  	v23 =	vld [tilespmem:s25+$0x10]  }
0xfd: {  	v24 =	vld [tilespmem:s23+$0x10];
	_ =	sdelay $0x1  }
0xfe: {  	v19 =	vmul.f32 v19, v8  }
0xff: {  	v22 =	vmul.f32 v22, v9;
	_ =	sdelay $0x1  }
0x100: {  	v19 =	vadd.f32 v22, v19;
	v22 =	vmul.f32 v23, v10;
	_ =	sdelay $0x1  }
0x101: {  	v23 =	vadd.f32 v24, v11;
	v19 =	vadd.f32 v22, v19  }
0x102: {  	s28 =	sadd.s32 $0xFFFFFFE0, s20  }
0x103: {  	v22 =	vor.u32 s28, v0;
	v19 =	vadd.f32 v19, v23  }
0x104: {  	vm3 =	veq.s32 v22, v12  }
0x105: {  	v19 =	vsel vm3, $0x7F61B1E6, v19  }
0x106: {  	[tilespmem:s19+$0x10] =	vst v19  }
0x107: {  	v22 =	vld [tilespmem:s22+$0x20]  }
0x108: {  	v23 =	vld [tilespmem:s26+$0x20]  }
0x109: {  	v24 =	vld [tilespmem:s25+$0x20]  }
0x10a: {  	v25 =	vld [tilespmem:s23+$0x20];
	_ =	sdelay $0x1  }
0x10b: {  	v22 =	vmul.f32 v22, v8  }
0x10c: {  	v23 =	vmul.f32 v23, v9;
	_ =	sdelay $0x1  }
0x10d: {  	v22 =	vadd.f32 v23, v22;
	v23 =	vmul.f32 v24, v10;
	_ =	sdelay $0x1  }
0x10e: {  	v24 =	vadd.f32 v25, v11;
	v22 =	vadd.f32 v23, v22  }
0x10f: {  	s28 =	sadd.s32 $0xFFFFFFF0, s20  }
0x110: {  	v15 =	vmin.f32 v15, v18;
	v18 =	vadd.f32 v22, v24;
	v22 =	vor.u32 s28, v0  }
0x111: {  	v15 =	vmin.f32 v15, v20;
	vm3 =	veq.s32 v22, v12  }
0x112: {  	v15 =	vmin.f32 v15, v21;
	v18 =	vsel vm3, $0x7F61B1E6, v18  }
0x113: {  	[tilespmem:s19+$0x20] =	vst v18;
	v15 =	vmin.f32 v15, v18  }
0x114: {  	v21 =	vld [tilespmem:s22+$0x30]  }
0x115: {  	v22 =	vld [tilespmem:s26+$0x30]  }
.Ltmp4:
0x116: {  	v20 =	vld [tilespmem:s25+$0x30];
	(pc) =	sbr.rel @p0 .LBB2_3-.Ltmp4, $3  }
0x117: {  	v18 =	vld [tilespmem:s23+$0x30];
	_ =	sdelay $0x1  }
0x118: {  	s22 =	sadd.s32 $0x80, s22;
	v21 =	vmul.f32 v21, v8  }
0x119: {  	s26 =	sadd.s32 $0x80, s26;
	s25 =	sadd.s32 $0x80, s25;
	s23 =	sadd.s32 $0x80, s23;
	v22 =	vmul.f32 v22, v9  }
0x11a: {  	_ = 	snop  }
0x11b: {  	v20 =	vmul.f32 v20, v10;
	v21 =	vadd.f32 v22, v21;
	_ =	sdelay $0x1  }
0x11c: {  	v18 =	vadd.f32 v18, v11;
	v20 =	vadd.f32 v20, v21;
	_ =	sdelay $0x1  }
0x11d: {  	v18 =	vadd.f32 v20, v18  }
0x11e: {  	vm3 =	veq.s32 v16, v12  }
0x11f: {  	v16 =	vsel vm3, $0x7F61B1E6, v18  }
0x120: {  	[tilespmem:s24+$0x30] =	vst v16  }
0x121: {  	v45 =	vld [tilespmem:$0x2700]  }
0x122: {  	v46 =	vld [tilespmem:$0x4E80];
	_ =	sdelay $0x1  }
0x123: {  	v47 =	vld [tilespmem:$0x7600];
	_ =	sdelay $0x1  }
0x124: {  	v48 =	vld [tilespmem:$0x9D80]  }
0x125: {  	v8 =	vmul.f32 v45, v8;
	v9 =	vmul.f32 v46, v9;
	_ =	sdelay $0x1  }
0x126: {  	v8 =	vadd.f32 v9, v8;
	v9 =	vmul.f32 v47, v10;
	_ =	sdelay $0x1  }
0x127: {  	v10 =	vadd.f32 v48, v11;
	v8 =	vadd.f32 v9, v8;
	_ =	sdelay $0x1  }
0x128: {  	v8 =	vadd.f32 v8, v10  }
0x129: {  	vm3 =	veq.s32 v12, v1;
	v9 =	vmin.f32 v14, v13  }
0x12a: {  	v9 =	vmin.f32 v9, v17;
	v8 =	vsel vm3, $0x7F61B1E6, v8  }
0x12b: {  	v9 =	vmin.f32 v9, v19;
	v10 =	vmin.f32 v15, v8  }
0x12c: {  	v9 =	vmin.f32 v9, v16;
	(xrf1) =	vsort.ascd.msk.f32 $0xffff, v10, v10  }
0x12d: {  	(xrf1) =	vsort.ascd.msk.f32 $0xffff, v9, v9;
	_ =	sdelay $0xc  }
0x12e: {  	v9, _, _ =	vpop (xrf1)  }
0x12f: {  	v10, _, _ =	vpop (xrf1);
	(v2sf) =	vpush v9, $0x9  }
0x130: {  	(v2sf) =	vpush v10, $0x9;
	_ =	sdelay $0xb  }
0x131: {  	s19 =	simm.s32 $0x9E20;
	[tilespmem:$0xC500] =	vst v8  }
0x132: {  	v9 =	vld [tilespmem:s19+$0xFFFFFFF0]  }
0x133: {  	v10 =	vld [tilespmem:s19+$0xFFFFFFE0];
	s20 =	spop (v2sf)  }
0x134: {  	s21 =	spop (v2sf)  }
0x135: {  	s20 =	smax.f32 s20, s21  }
0x136: {  	v8 =	vmov s20  }
0x137: {  	v11 =	vld [tilespmem:s19+$0x0];
	vm4 =	vle.f32 v9, v8  }
0x138: {  	vm6 =	vle.f32 v10, v8;
	v49 =	vsel vm4, $0x1, v2  }
0x139: {  	v50 =	vsel vm6, $0x1, v2;
	(xrf0) =	vadd.scan.msk.s32 $0xffff, v49  }
0x13a: {  	v51 =	vld [tilespmem:s19+$0x10];
	(xrf0) =	vadd.scan.msk.s32 $0xffff, v50;
	_ =	sdelay $0x1  }
0x13b: {  	vm5 =	vle.f32 v11, v8  }
0x13c: {  	v52 =	vsel vm5, $0x1, v2  }
0x13d: {  	(xrf0) =	vadd.scan.msk.s32 $0xffff, v52  }
0x13e: {  	vm3 =	vle.f32 v51, v8;
	v53, _, _ =	vpop (xrf0)  }
0x13f: {  	v54 =	vimm.s32 $0x0;
	v55 =	vsel vm3, $0x1, v2;
	v56, _, _ =	vpop (xrf0)  }
0x140: {  	v57 =	vadd.s32 $0xFFFFFFFF, v54;
	(xrf0) =	vadd.scan.msk.s32 $0xffff, v55;
	v59 =	vperm.xlane v53, v3;
	v58 =	vperm.xlane v56, v3  }
0x141: {  	v16 =	vadd.s32 v56, v57  }
0x142: {  	vm7 =	vlt.s32 v16, $0x1FF;
	v18 =	vadd.s32 v58, v59;
	v15 =	vadd.s32 v58, v57  }
0x143: {  	v60, _, _ =	vpop (xrf0);
	v16 =	vnsel vm7, $0x1FF, v16;
	v14 =	vadd.s32 v54, v18;
	v13 =	vadd.s32 v53, v15  }
0x144: {  	v61 =	vperm.xlane v60, v3;
	vm13 =	vlt.s32 v13, $0x1FF;
	v18 =	vadd.s32 $0xFFFFFFFF, v14  }
0x145: {  	v13 =	vnsel vm13, $0x1FF, v13;
	v17 =	vadd.s32 v60, v18  }
0x146: {  	v62, _, _ =	vpop (xrf0);
	v18 =	vadd.s32 v61, v18;
	vm14 =	vlt.s32 v17, $0x1FF  }
0x147: {  	s28 =	simm.s32 $0x0;
	v18 =	vadd.s32 v62, v18;
	v17 =	vnsel vm14, $0x1FF, v17  }
0x148: {  	vm15 =	vlt.s32 v18, $0x1FF;
	[tilespmem:v16+s14+$0x0] =	vst.idx.msk vm6, v10;
	v10 =	vor.u32 s28, v0  }
0x149: {  	s29 =	simm.s32 $0x10;
	[tilespmem:v16+s15+$0x0] =	vst.idx.msk vm6, v10;
	v10 =	vnsel vm15, $0x1FF, v18  }
0x14a: {  	[tilespmem:v13+s14+$0x0] =	vst.idx.msk vm4, v9;
	v9 =	vor.u32 s29, v0  }
0x14b: {  	s30 =	simm.s32 $0x20;
	[tilespmem:v13+s15+$0x0] =	vst.idx.msk vm4, v9  }
0x14c: {  	v9 =	vperm.xlane v62, v3;
	[tilespmem:v17+s14+$0x0] =	vst.idx.msk vm5, v11;
	v11 =	vor.u32 s30, v0  }
0x14d: {  	s31 =	simm.s32 $0x30;
	v63 =	vadd.s32 v61, v14;
	[tilespmem:v17+s15+$0x0] =	vst.idx.msk vm5, v11  }
0x14e: {  	s20 =	simm.s32 $0x70;
	v9 =	vadd.s32 v9, v63;
	v11 =	vor.u32 s31, v0;
	[tilespmem:v10+s14+$0x0] =	vst.idx.msk vm3, v51  }
.LBB2_5:
0x14f: {  	p0 =	sne.s32 s20, $0x26F0  }
0x150: {  	[tilespmem:v10+s15+$0x0] =	vst.idx.msk vm3, v11;
	s19 =	sadd.s32 $0x40, s19;
	s21 =	smov.u32 s20;
	s20 =	sadd.s32 $0x40, s20  }
0x151: {  	v11 =	vld [tilespmem:s19+$0xFFFFFFF0]  }
0x152: {  	v10 =	vld [tilespmem:s19+$0xFFFFFFE0];
	_ =	sdelay $0x2  }
0x153: {  	v12 =	vld [tilespmem:s19+$0x0]  }
0x154: {  	vm4 =	vle.f32 v11, v8  }
0x155: {  	vm6 =	vle.f32 v10, v8;
	v13 =	vsel vm4, $0x1, v2  }
0x156: {  	v14 =	vld [tilespmem:s19+$0x10];
	v15 =	vsel vm6, $0x1, v2;
	(xrf0) =	vadd.scan.msk.s32 $0xffff, v13  }
0x157: {  	(xrf0) =	vadd.scan.msk.s32 $0xffff, v15  }
0x158: {  	vm5 =	vle.f32 v12, v8  }
0x159: {  	v13 =	vsel vm5, $0x1, v2  }
0x15a: {  	(xrf0) =	vadd.scan.msk.s32 $0xffff, v13  }
0x15b: {  	vm3 =	vle.f32 v14, v8  }
0x15c: {  	v13 =	vsel vm3, $0x1, v2;
	v15, _, _ =	vpop (xrf0)  }
0x15d: {  	v16 =	vadd.s32 $0xFFFFFFFF, v9;
	v17, _, _ =	vpop (xrf0);
	(xrf0) =	vadd.scan.msk.s32 $0xffff, v13  }
0x15e: {  	v18 =	vperm.xlane v15, v3;
	v13 =	vperm.xlane v17, v3;
	v17 =	vadd.s32 v17, v16  }
0x15f: {  	vm7 =	vlt.s32 v17, $0x1FF  }
0x160: {  	v18 =	vadd.s32 v13, v18;
	v17 =	vnsel vm7, $0x1FF, v17;
	v13 =	vadd.s32 v13, v16;
	v16, _, _ =	vpop (xrf0)  }
0x161: {  	v19 =	vperm.xlane v16, v3;
	v9 =	vadd.s32 v9, v18;
	v13 =	vadd.s32 v15, v13  }
0x162: {  	vm7 =	vlt.s32 v13, $0x1FF;
	v15 =	vadd.s32 $0xFFFFFFFF, v9  }
0x163: {  	v13 =	vnsel vm7, $0x1FF, v13;
	v16 =	vadd.s32 v16, v15;
	v15 =	vadd.s32 v19, v15;
	v18, _, _ =	vpop (xrf0)  }
0x164: {  	v20 =	vperm.xlane v18, v3;
	vm7 =	vlt.s32 v16, $0x1FF;
	v15 =	vadd.s32 v18, v15  }
0x165: {  	s22 =	sadd.s32 $0xFFFFFFD0, s21;
	v9 =	vadd.s32 v19, v9;
	v16 =	vnsel vm7, $0x1FF, v16;
	vm7 =	vlt.s32 v15, $0x1FF  }
0x166: {  	[tilespmem:v17+s14+$0x0] =	vst.idx.msk vm6, v10;
	v10 =	vor.u32 s22, v0;
	v9 =	vadd.s32 v20, v9  }
0x167: {  	s22 =	sadd.s32 $0xFFFFFFE0, s21;
	[tilespmem:v17+s15+$0x0] =	vst.idx.msk vm6, v10;
	v10 =	vnsel vm7, $0x1FF, v15  }
.Ltmp5:
0x168: {  	[tilespmem:v13+s14+$0x0] =	vst.idx.msk vm4, v11;
	v11 =	vor.u32 s22, v0;
	(pc) =	sbr.rel @p0 .LBB2_5-.Ltmp5, $4  }
0x169: {  	s22 =	sadd.s32 $0xFFFFFFF0, s21;
	[tilespmem:v13+s15+$0x0] =	vst.idx.msk vm4, v11  }
0x16a: {  	v11 =	vor.u32 s22, v0;
	[tilespmem:v16+s14+$0x0] =	vst.idx.msk vm5, v12  }
0x16b: {  	[tilespmem:v16+s15+$0x0] =	vst.idx.msk vm5, v11  }
0x16c: {  	v11 =	vor.u32 s21, v0;
	[tilespmem:v10+s14+$0x0] =	vst.idx.msk vm3, v14  }
0x16d: {  	_ =	sdelay $0x4  }
0x16e: {  	[tilespmem:v10+s15+$0x0] =	vst.idx.msk vm3, v11  }
0x16f: {  	v10 =	vld [tilespmem:$0xC500];
	_ =	sdelay $0x4  }
0x170: {  	vm3 =	vle.f32 v10, v8  }
0x171: {  	v8 =	vsel vm3, $0x1, v2  }
0x172: {  	(xrf0) =	vadd.scan.msk.s32 $0xffff, v8;
	_ =	sdelay $0x5  }
0x173: {  	v8, _, _ =	vpop (xrf0)  }
0x174: {  	v11 =	vperm.xlane v8, v3;
	_ =	sdelay $0x1  }
0x175: {  	v11 =	vadd.s32 v9, v11  }
0x176: {  	(v2sf) =	vpush v11, $0x0;
	_ =	sdelay $0xe  }
0x177: {  	s20 =	spop (v2sf)  }
0x178: {  	p0 =	slt.s32 s20, $0x200  }
0x179: {  	p1 =	slt.s32 s20, $0xFFFFFFF2;
	s20 =	simm.s32 @!p0 $0x200  }
0x17a: {  	s19 =	sadd.s32 $0xF, s20  }
0x17b: {  	s21 =	sand.u32 $0xF, s19  }
0x17c: {  	v8 =	vadd.s32 v8, v9;
	s22 =	sshra.s32 s19, $0x1F;
	p6 =	sne.s32 s21, $0x0  }
0x17d: {  	v8 =	vadd.s32 $0xFFFFFFFF, v8;
	s31 =	sshrl.u32 s22, $0x1C;
	p0 =	por !p1, !p6  }
0x17e: {  	vm4 =	vlt.s32 v8, $0x1FF;
	s21 =	simm.s32 $0x1;
	s19 =	sadd.s32 s31, s19;
	p0 =	por !p0, !p0  }
0x17f: {  	v8 =	vnsel vm4, $0x1FF, v8;
	s19 =	sshra.s32 s19, $0x4;
	s21 =	simm.s32 @!p0 $0x0  }
0x180: {  	s19 =	ssub.s32 s19, s21  }
0x181: {  	p0 =	slt.s32 s19, $0x1  }
.Ltmp6:
0x182: {  	_ = 	snop;
	(pc) =	sbr.rel @p0 .LBB2_10-.Ltmp6, $4  }
0x183: {  	s22 =	simm.s32 $0xC580  }
0x184: {  	[tilespmem:v8+s22+$0x0] =	vst.idx.msk vm3, v10  }
0x185: {  	v10 =	vimm.f32 $3.000000010e+38;
	[tilespmem:v8+s15+$0x0] =	vst.idx.msk vm3, v1  }
0x186: {  	v9 =	vimm.s32 $0x40000000;
	v11 =	vimm.s32 $0x40000000;
	v8 =	vimm.f32 $3.000000010e+38;
	[tilespmem:s20+$0xC580] =	vst v10;
	s20 =	simm.s32 $0x0  }
0x187: {  	v8 =	vld [tilespmem:s22+$0x0];
	p1 =	sne.s32 s19, $0x1  }
.Ltmp7:
0x188: {  	_ = 	snop;
	(pc) =	sbr.rel @!p1 .LBB2_9-.Ltmp7, $3  }
0x189: {  	_ =	sdelay $0x1  }
0x18a: {  	v13 =	vor.u32 s20, v0  }
0x18b: {  	s21 =	sadd.s32 $0xFFFFFFFF, s19;
	s22 =	sadd.s32 $0x10, s22;
	v9 =	vimm.f32 $3.000000010e+38;
	v12 =	vimm.s32 $0x40000000;
	vm3 =	vlt.f32 v8, v10  }
.LBB2_8:
0x18c: {  	p1 =	sne.s32 s21, $0x1;
	s21 =	sadd.s32 $0xFFFFFFFF, s21;
	v9 =	vsel vm3, v8, v9;
	v8 =	vld [tilespmem:s22+$0x0];
	v12 =	vsel vm3, v13, v12  }
.Ltmp8:
0x18d: {  	(pc) =	sbr.rel @p1 .LBB2_8-.Ltmp8, $3  }
0x18e: {  	_ =	sdelay $0x1  }
0x18f: {  	s20 =	sadd.s32 $0x10, s20  }
0x190: {  	s22 =	sadd.s32 $0x10, s22;
	v13 =	vor.u32 s20, v0;
	vm3 =	vlt.f32 v8, v9  }
.LBB2_9:
0x191: {  	v8 =	vsel vm3, v8, v9;
	v9 =	vsel vm3, v13, v12  }
.LBB2_10:
0x192: {  	v12 =	vperm.xlane v8, v4;
	v13 =	vperm.xlane v9, v4;
	_ =	sdelay $0x1  }
0x193: {  	vm3 =	veq.f32 v12, v8;
	vm4 =	vlt.s32 v13, v9  }
0x194: {  	vm5 =	vlt.f32 v12, v8;
	vm3 =	vmand vm3, vm4  }
0x195: {  	vm3 =	vmor vm5, vm3  }
0x196: {  	v8 =	vsel vm3, v12, v8;
	v9 =	vsel vm3, v13, v9  }
0x197: {  	v12 =	vperm.xlane v8, v5;
	v13 =	vperm.xlane v9, v5;
	_ =	sdelay $0x1  }
0x198: {  	vm3 =	veq.f32 v12, v8;
	vm10 =	vlt.s32 v13, v9  }
0x199: {  	vm11 =	vlt.f32 v12, v8;
	vm3 =	vmand vm3, vm10  }
0x19a: {  	vm3 =	vmor vm11, vm3  }
0x19b: {  	v8 =	vsel vm3, v12, v8;
	v9 =	vsel vm3, v13, v9  }
0x19c: {  	v12 =	vperm.xlane v8, v6;
	v13 =	vperm.xlane v9, v6;
	_ =	sdelay $0x1  }
0x19d: {  	vm3 =	veq.f32 v12, v8;
	vm12 =	vlt.s32 v13, v9  }
0x19e: {  	vm13 =	vlt.f32 v12, v8;
	vm3 =	vmand vm3, vm12  }
0x19f: {  	vm3 =	vmor vm13, vm3  }
0x1a0: {  	v8 =	vsel vm3, v12, v8;
	v9 =	vsel vm3, v13, v9  }
0x1a1: {  	v12 =	vperm.xlane v8, v7;
	v13 =	vperm.xlane v9, v7;
	_ =	sdelay $0x1  }
0x1a2: {  	vm3 =	veq.f32 v12, v8;
	vm14 =	vlt.s32 v13, v9  }
0x1a3: {  	vm15 =	vlt.f32 v12, v8;
	vm3 =	vmand vm3, vm14  }
0x1a4: {  	vm3 =	vmor vm15, vm3  }
0x1a5: {  	v8 =	vsel vm3, v13, v9  }
0x1a6: {  	(v2sf) =	vpush v8, $0x0;
	_ =	sdelay $0xe  }
0x1a7: {  	s20 =	spop (v2sf)  }
0x1a8: {  	s21 =	sand.u32 $0xF, s20  }
0x1a9: {  	s22 =	sshra.s32 s20, $0x1F;
	p1 =	slt.s32 s20, $0x1;
	p2 =	sne.s32 s21, $0x0  }
0x1aa: {  	s31 =	sshrl.u32 s22, $0x1C;
	p1 =	por !p1, !p2  }
0x1ab: {  	s22 =	simm.s32 $0x1;
	s21 =	sadd.s32 s31, s20;
	p1 =	por !p1, !p1  }
0x1ac: {  	s21 =	sshrl.u32 s21, $0x4;
	s22 =	simm.s32 @!p1 $0x0  }
0x1ad: {  	s21 =	ssub.s32 s21, s22  }
0x1ae: {  	s21 =	sshll.u32 s21, $0x4  }
0x1af: {  	v9 =	vld [tilespmem:s21+$0xC580];
	_ =	sdelay $0x1  }
.Ltmp9:
0x1b0: {  	s20 =	ssub.s32 s20, s21;
	(pc) =	sbr.rel @p0 .LBB2_14-.Ltmp9, $4  }
0x1b1: {  	v8 =	vmov s20  }
0x1b2: {  	vm3 =	veq.s32 v8, v0  }
0x1b3: {  	v63 =	vsel vm3, $0x7F61B1E6, v9  }
0x1b4: {  	v9 =	vld [tilespmem:s21+$0xC800];
	[tilespmem:s21+$0xC580] =	vst v63  }
0x1b5: {  	s20 =	simm.s32 $0xC580  }
0x1b6: {  	p1 =	sne.s32 s19, $0x1;
	v12 =	vld [tilespmem:s20+$0x0]  }
.Ltmp10:
0x1b7: {  	_ = 	snop;
	(pc) =	sbr.rel @!p1 .LBB2_13-.Ltmp10, $3  }
0x1b8: {  	_ =	sdelay $0x1  }
0x1b9: {  	s20 =	simm.s32 $0x0  }
0x1ba: {  	s21 =	sadd.s32 $0xFFFFFFFF, s19;
	s22 =	simm.s32 $0xC590;
	v13 =	vor.u32 s20, v0;
	vm3 =	vlt.f32 v12, v10  }
.LBB2_12:
0x1bb: {  	p1 =	sne.s32 s21, $0x1;
	s21 =	sadd.s32 $0xFFFFFFFF, s21;
	v10 =	vsel vm3, v12, v10;
	v12 =	vld [tilespmem:s22+$0x0];
	v11 =	vsel vm3, v13, v11  }
.Ltmp11:
0x1bc: {  	(pc) =	sbr.rel @p1 .LBB2_12-.Ltmp11, $3  }
0x1bd: {  	_ =	sdelay $0x1  }
0x1be: {  	s20 =	sadd.s32 $0x10, s20  }
0x1bf: {  	s22 =	sadd.s32 $0x10, s22;
	v13 =	vor.u32 s20, v0;
	vm3 =	vlt.f32 v12, v10  }
.LBB2_13:
0x1c0: {  	v10 =	vsel vm3, v12, v10;
	v11 =	vsel vm3, v13, v11  }
.LBB2_14:
0x1c1: {  	v12 =	vperm.xlane v10, v4;
	v13 =	vperm.xlane v11, v4;
	_ =	sdelay $0x1  }
0x1c2: {  	vm3 =	veq.f32 v12, v10;
	vm4 =	vlt.s32 v13, v11  }
0x1c3: {  	vm5 =	vlt.f32 v12, v10;
	vm3 =	vmand vm3, vm4  }
0x1c4: {  	vm3 =	vmor vm5, vm3  }
0x1c5: {  	v10 =	vsel vm3, v12, v10;
	v11 =	vsel vm3, v13, v11  }
0x1c6: {  	v12 =	vperm.xlane v10, v5;
	v13 =	vperm.xlane v11, v5;
	_ =	sdelay $0x1  }
0x1c7: {  	vm3 =	veq.f32 v12, v10;
	vm10 =	vlt.s32 v13, v11  }
0x1c8: {  	vm11 =	vlt.f32 v12, v10;
	vm3 =	vmand vm3, vm10  }
0x1c9: {  	vm3 =	vmor vm11, vm3  }
0x1ca: {  	v10 =	vsel vm3, v12, v10;
	v11 =	vsel vm3, v13, v11  }
0x1cb: {  	v12 =	vperm.xlane v10, v6;
	v13 =	vperm.xlane v11, v6;
	_ =	sdelay $0x1  }
0x1cc: {  	vm3 =	veq.f32 v12, v10;
	vm12 =	vlt.s32 v13, v11  }
0x1cd: {  	vm13 =	vlt.f32 v12, v10;
	vm3 =	vmand vm3, vm12  }
0x1ce: {  	vm3 =	vmor vm13, vm3  }
0x1cf: {  	v10 =	vsel vm3, v12, v10;
	v11 =	vsel vm3, v13, v11  }
0x1d0: {  	v12 =	vperm.xlane v10, v7;
	v13 =	vperm.xlane v11, v7;
	_ =	sdelay $0x1  }
0x1d1: {  	vm3 =	veq.f32 v12, v10;
	vm14 =	vlt.s32 v13, v11  }
0x1d2: {  	vm15 =	vlt.f32 v12, v10;
	vm3 =	vmand vm3, vm14  }
0x1d3: {  	vm3 =	vmor vm15, vm3  }
0x1d4: {  	v10 =	vsel vm3, v13, v11  }
0x1d5: {  	(v2sf) =	vpush v10, $0x0;
	_ =	sdelay $0xe  }
0x1d6: {  	s20 =	spop (v2sf)  }
0x1d7: {  	s21 =	sand.u32 $0xF, s20  }
0x1d8: {  	s22 =	sshra.s32 s20, $0x1F;
	p1 =	slt.s32 s20, $0x1;
	p2 =	sne.s32 s21, $0x0  }
0x1d9: {  	s31 =	sshrl.u32 s22, $0x1C;
	p1 =	por !p1, !p2  }
0x1da: {  	s22 =	simm.s32 $0x1;
	s21 =	sadd.s32 s31, s20;
	p1 =	por !p1, !p1  }
0x1db: {  	s21 =	sshrl.u32 s21, $0x4;
	s22 =	simm.s32 @!p1 $0x0  }
0x1dc: {  	s21 =	ssub.s32 s21, s22  }
0x1dd: {  	s21 =	sshll.u32 s21, $0x4  }
0x1de: {  	v11 =	vld [tilespmem:s21+$0xC580];
	_ =	sdelay $0x1  }
.Ltmp12:
0x1df: {  	s20 =	ssub.s32 s20, s21;
	(pc) =	sbr.rel @p0 .LBB2_18-.Ltmp12, $4  }
0x1e0: {  	v10 =	vmov s20  }
0x1e1: {  	vm3 =	veq.s32 v10, v0  }
0x1e2: {  	v14 =	vimm.f32 $3.000000010e+38;
	v12 =	vsel vm3, $0x7F61B1E6, v11  }
0x1e3: {  	v15 =	vimm.s32 $0x40000000;
	v13 =	vimm.s32 $0x40000000;
	v11 =	vld [tilespmem:s21+$0xC800];
	[tilespmem:s21+$0xC580] =	vst v12;
	v12 =	vimm.f32 $3.000000010e+38  }
0x1e4: {  	s20 =	simm.s32 $0xC580  }
0x1e5: {  	p1 =	sne.s32 s19, $0x1;
	v12 =	vld [tilespmem:s20+$0x0]  }
.Ltmp13:
0x1e6: {  	_ = 	snop;
	(pc) =	sbr.rel @!p1 .LBB2_17-.Ltmp13, $3  }
0x1e7: {  	_ =	sdelay $0x1  }
0x1e8: {  	v13 =	vimm.f32 $3.000000010e+38;
	s20 =	simm.s32 $0x0  }
0x1e9: {  	s21 =	sadd.s32 $0xFFFFFFFF, s19;
	s22 =	simm.s32 $0xC590;
	v16 =	vimm.s32 $0x40000000;
	v17 =	vor.u32 s20, v0;
	vm3 =	vlt.f32 v12, v14  }
.LBB2_16:
0x1ea: {  	p1 =	sne.s32 s21, $0x1;
	s21 =	sadd.s32 $0xFFFFFFFF, s21;
	v13 =	vsel vm3, v12, v13;
	v12 =	vld [tilespmem:s22+$0x0];
	v16 =	vsel vm3, v17, v16  }
.Ltmp14:
0x1eb: {  	(pc) =	sbr.rel @p1 .LBB2_16-.Ltmp14, $3  }
0x1ec: {  	_ =	sdelay $0x1  }
0x1ed: {  	s20 =	sadd.s32 $0x10, s20  }
0x1ee: {  	s22 =	sadd.s32 $0x10, s22;
	v17 =	vor.u32 s20, v0;
	vm3 =	vlt.f32 v12, v13  }
.LBB2_17:
0x1ef: {  	v12 =	vsel vm3, v12, v13;
	v13 =	vsel vm3, v17, v16  }
.LBB2_18:
0x1f0: {  	v16 =	vperm.xlane v12, v4;
	v17 =	vperm.xlane v13, v4;
	_ =	sdelay $0x1  }
0x1f1: {  	vm3 =	veq.f32 v16, v12;
	vm4 =	vlt.s32 v17, v13  }
0x1f2: {  	vm5 =	vlt.f32 v16, v12;
	vm3 =	vmand vm3, vm4  }
0x1f3: {  	vm3 =	vmor vm5, vm3  }
0x1f4: {  	v12 =	vsel vm3, v16, v12;
	v13 =	vsel vm3, v17, v13  }
0x1f5: {  	v16 =	vperm.xlane v12, v5;
	v17 =	vperm.xlane v13, v5;
	_ =	sdelay $0x1  }
0x1f6: {  	vm3 =	veq.f32 v16, v12;
	vm10 =	vlt.s32 v17, v13  }
0x1f7: {  	vm11 =	vlt.f32 v16, v12;
	vm3 =	vmand vm3, vm10  }
0x1f8: {  	vm3 =	vmor vm11, vm3  }
0x1f9: {  	v12 =	vsel vm3, v16, v12;
	v13 =	vsel vm3, v17, v13  }
0x1fa: {  	v16 =	vperm.xlane v12, v6;
	v17 =	vperm.xlane v13, v6;
	_ =	sdelay $0x1  }
0x1fb: {  	vm3 =	veq.f32 v16, v12;
	vm12 =	vlt.s32 v17, v13  }
0x1fc: {  	vm13 =	vlt.f32 v16, v12;
	vm3 =	vmand vm3, vm12  }
0x1fd: {  	vm3 =	vmor vm13, vm3  }
0x1fe: {  	v12 =	vsel vm3, v16, v12;
	v13 =	vsel vm3, v17, v13  }
0x1ff: {  	v16 =	vperm.xlane v12, v7;
	v17 =	vperm.xlane v13, v7;
	_ =	sdelay $0x1  }
0x200: {  	vm3 =	veq.f32 v16, v12;
	vm14 =	vlt.s32 v17, v13  }
0x201: {  	vm15 =	vlt.f32 v16, v12;
	vm3 =	vmand vm3, vm14  }
0x202: {  	vm3 =	vmor vm15, vm3  }
0x203: {  	v12 =	vsel vm3, v17, v13  }
0x204: {  	(v2sf) =	vpush v12, $0x0;
	_ =	sdelay $0xe  }
0x205: {  	s20 =	spop (v2sf)  }
0x206: {  	s21 =	sand.u32 $0xF, s20  }
0x207: {  	s22 =	sshra.s32 s20, $0x1F;
	p1 =	slt.s32 s20, $0x1;
	p2 =	sne.s32 s21, $0x0  }
0x208: {  	s31 =	sshrl.u32 s22, $0x1C;
	p1 =	por !p1, !p2  }
0x209: {  	s22 =	simm.s32 $0x1;
	s21 =	sadd.s32 s31, s20;
	p1 =	por !p1, !p1  }
0x20a: {  	s21 =	sshrl.u32 s21, $0x4;
	s22 =	simm.s32 @!p1 $0x0  }
0x20b: {  	s21 =	ssub.s32 s21, s22  }
0x20c: {  	s21 =	sshll.u32 s21, $0x4  }
0x20d: {  	v13 =	vld [tilespmem:s21+$0xC580];
	_ =	sdelay $0x1  }
.Ltmp15:
0x20e: {  	s20 =	ssub.s32 s20, s21;
	(pc) =	sbr.rel @p0 .LBB2_22-.Ltmp15, $4  }
0x20f: {  	v12 =	vmov s20  }
0x210: {  	vm3 =	veq.s32 v12, v0  }
0x211: {  	v16 =	vsel vm3, $0x7F61B1E6, v13  }
0x212: {  	v13 =	vld [tilespmem:s21+$0xC800];
	[tilespmem:s21+$0xC580] =	vst v16  }
0x213: {  	s20 =	simm.s32 $0xC580  }
0x214: {  	p1 =	sne.s32 s19, $0x1;
	v16 =	vld [tilespmem:s20+$0x0]  }
.Ltmp16:
0x215: {  	_ = 	snop;
	(pc) =	sbr.rel @!p1 .LBB2_21-.Ltmp16, $3  }
0x216: {  	_ =	sdelay $0x1  }
0x217: {  	s20 =	simm.s32 $0x0  }
0x218: {  	s21 =	sadd.s32 $0xFFFFFFFF, s19;
	s22 =	simm.s32 $0xC590;
	v17 =	vor.u32 s20, v0;
	vm3 =	vlt.f32 v16, v14  }
.LBB2_20:
0x219: {  	p1 =	sne.s32 s21, $0x1;
	s21 =	sadd.s32 $0xFFFFFFFF, s21;
	v14 =	vsel vm3, v16, v14;
	v16 =	vld [tilespmem:s22+$0x0];
	v15 =	vsel vm3, v17, v15  }
.Ltmp17:
0x21a: {  	(pc) =	sbr.rel @p1 .LBB2_20-.Ltmp17, $3  }
0x21b: {  	_ =	sdelay $0x1  }
0x21c: {  	s20 =	sadd.s32 $0x10, s20  }
0x21d: {  	s22 =	sadd.s32 $0x10, s22;
	v17 =	vor.u32 s20, v0;
	vm3 =	vlt.f32 v16, v14  }
.LBB2_21:
0x21e: {  	v14 =	vsel vm3, v16, v14;
	v15 =	vsel vm3, v17, v15  }
.LBB2_22:
0x21f: {  	v16 =	vperm.xlane v14, v4;
	v17 =	vperm.xlane v15, v4;
	_ =	sdelay $0x1  }
0x220: {  	vm3 =	veq.f32 v16, v14;
	vm4 =	vlt.s32 v17, v15  }
0x221: {  	vm5 =	vlt.f32 v16, v14;
	vm3 =	vmand vm3, vm4  }
0x222: {  	vm3 =	vmor vm5, vm3  }
0x223: {  	v14 =	vsel vm3, v16, v14;
	v15 =	vsel vm3, v17, v15  }
0x224: {  	v16 =	vperm.xlane v14, v5;
	v17 =	vperm.xlane v15, v5;
	_ =	sdelay $0x1  }
0x225: {  	vm3 =	veq.f32 v16, v14;
	vm10 =	vlt.s32 v17, v15  }
0x226: {  	vm11 =	vlt.f32 v16, v14;
	vm3 =	vmand vm3, vm10  }
0x227: {  	vm3 =	vmor vm11, vm3  }
0x228: {  	v14 =	vsel vm3, v16, v14;
	v15 =	vsel vm3, v17, v15  }
0x229: {  	v16 =	vperm.xlane v14, v6;
	v17 =	vperm.xlane v15, v6;
	_ =	sdelay $0x1  }
0x22a: {  	vm3 =	veq.f32 v16, v14;
	vm12 =	vlt.s32 v17, v15  }
0x22b: {  	vm13 =	vlt.f32 v16, v14;
	vm3 =	vmand vm3, vm12  }
0x22c: {  	vm3 =	vmor vm13, vm3  }
0x22d: {  	v14 =	vsel vm3, v16, v14;
	v15 =	vsel vm3, v17, v15  }
0x22e: {  	v16 =	vperm.xlane v14, v7;
	v17 =	vperm.xlane v15, v7;
	_ =	sdelay $0x1  }
0x22f: {  	vm3 =	veq.f32 v16, v14;
	vm14 =	vlt.s32 v17, v15  }
0x230: {  	vm15 =	vlt.f32 v16, v14;
	vm3 =	vmand vm3, vm14  }
0x231: {  	vm3 =	vmor vm15, vm3  }
0x232: {  	v14 =	vsel vm3, v17, v15  }
0x233: {  	(v2sf) =	vpush v14, $0x0;
	_ =	sdelay $0xe  }
0x234: {  	s20 =	spop (v2sf)  }
0x235: {  	s21 =	sand.u32 $0xF, s20  }
0x236: {  	s22 =	sshra.s32 s20, $0x1F;
	p1 =	slt.s32 s20, $0x1;
	p2 =	sne.s32 s21, $0x0  }
0x237: {  	s31 =	sshrl.u32 s22, $0x1C;
	p1 =	por !p1, !p2  }
0x238: {  	s22 =	simm.s32 $0x1;
	s21 =	sadd.s32 s31, s20;
	p1 =	por !p1, !p1  }
0x239: {  	s21 =	sshrl.u32 s21, $0x4;
	s22 =	simm.s32 @!p1 $0x0  }
0x23a: {  	s21 =	ssub.s32 s21, s22  }
0x23b: {  	s21 =	sshll.u32 s21, $0x4  }
0x23c: {  	v15 =	vld [tilespmem:s21+$0xC580];
	_ =	sdelay $0x1  }
.Ltmp18:
0x23d: {  	s20 =	ssub.s32 s20, s21;
	(pc) =	sbr.rel @p0 .LBB2_26-.Ltmp18, $4  }
0x23e: {  	v14 =	vmov s20  }
0x23f: {  	vm3 =	veq.s32 v14, v0  }
0x240: {  	v18 =	vimm.f32 $3.000000010e+38;
	v16 =	vsel vm3, $0x7F61B1E6, v15  }
0x241: {  	v19 =	vimm.s32 $0x40000000;
	v17 =	vimm.s32 $0x40000000;
	v15 =	vld [tilespmem:s21+$0xC800];
	[tilespmem:s21+$0xC580] =	vst v16;
	v16 =	vimm.f32 $3.000000010e+38  }
0x242: {  	s20 =	simm.s32 $0xC580  }
0x243: {  	p1 =	sne.s32 s19, $0x1;
	v16 =	vld [tilespmem:s20+$0x0]  }
.Ltmp19:
0x244: {  	_ = 	snop;
	(pc) =	sbr.rel @!p1 .LBB2_25-.Ltmp19, $3  }
0x245: {  	_ =	sdelay $0x1  }
0x246: {  	v17 =	vimm.f32 $3.000000010e+38;
	s20 =	simm.s32 $0x0  }
0x247: {  	s21 =	sadd.s32 $0xFFFFFFFF, s19;
	s22 =	simm.s32 $0xC590;
	v20 =	vimm.s32 $0x40000000;
	v21 =	vor.u32 s20, v0;
	vm3 =	vlt.f32 v16, v18  }
.LBB2_24:
0x248: {  	p1 =	sne.s32 s21, $0x1;
	s21 =	sadd.s32 $0xFFFFFFFF, s21;
	v17 =	vsel vm3, v16, v17;
	v16 =	vld [tilespmem:s22+$0x0];
	v20 =	vsel vm3, v21, v20  }
.Ltmp20:
0x249: {  	(pc) =	sbr.rel @p1 .LBB2_24-.Ltmp20, $3  }
0x24a: {  	_ =	sdelay $0x1  }
0x24b: {  	s20 =	sadd.s32 $0x10, s20  }
0x24c: {  	s22 =	sadd.s32 $0x10, s22;
	v21 =	vor.u32 s20, v0;
	vm3 =	vlt.f32 v16, v17  }
.LBB2_25:
0x24d: {  	v16 =	vsel vm3, v16, v17;
	v17 =	vsel vm3, v21, v20  }
.LBB2_26:
0x24e: {  	v20 =	vperm.xlane v16, v4;
	v21 =	vperm.xlane v17, v4;
	_ =	sdelay $0x1  }
0x24f: {  	vm3 =	veq.f32 v20, v16;
	vm4 =	vlt.s32 v21, v17  }
0x250: {  	vm5 =	vlt.f32 v20, v16;
	vm3 =	vmand vm3, vm4  }
0x251: {  	vm3 =	vmor vm5, vm3  }
0x252: {  	v16 =	vsel vm3, v20, v16;
	v17 =	vsel vm3, v21, v17  }
0x253: {  	v20 =	vperm.xlane v16, v5;
	v21 =	vperm.xlane v17, v5;
	_ =	sdelay $0x1  }
0x254: {  	vm3 =	veq.f32 v20, v16;
	vm10 =	vlt.s32 v21, v17  }
0x255: {  	vm11 =	vlt.f32 v20, v16;
	vm3 =	vmand vm3, vm10  }
0x256: {  	vm3 =	vmor vm11, vm3  }
0x257: {  	v16 =	vsel vm3, v20, v16;
	v17 =	vsel vm3, v21, v17  }
0x258: {  	v20 =	vperm.xlane v16, v6;
	v21 =	vperm.xlane v17, v6;
	_ =	sdelay $0x1  }
0x259: {  	vm3 =	veq.f32 v20, v16;
	vm12 =	vlt.s32 v21, v17  }
0x25a: {  	vm13 =	vlt.f32 v20, v16;
	vm3 =	vmand vm3, vm12  }
0x25b: {  	vm3 =	vmor vm13, vm3  }
0x25c: {  	v16 =	vsel vm3, v20, v16;
	v17 =	vsel vm3, v21, v17  }
0x25d: {  	v20 =	vperm.xlane v16, v7;
	v21 =	vperm.xlane v17, v7;
	_ =	sdelay $0x1  }
0x25e: {  	vm3 =	veq.f32 v20, v16;
	vm14 =	vlt.s32 v21, v17  }
0x25f: {  	vm15 =	vlt.f32 v20, v16;
	vm3 =	vmand vm3, vm14  }
0x260: {  	vm3 =	vmor vm15, vm3  }
0x261: {  	v16 =	vsel vm3, v21, v17  }
0x262: {  	(v2sf) =	vpush v16, $0x0;
	_ =	sdelay $0xe  }
0x263: {  	s20 =	spop (v2sf)  }
0x264: {  	s21 =	sand.u32 $0xF, s20  }
0x265: {  	s22 =	sshra.s32 s20, $0x1F;
	p1 =	slt.s32 s20, $0x1;
	p2 =	sne.s32 s21, $0x0  }
0x266: {  	s31 =	sshrl.u32 s22, $0x1C;
	p1 =	por !p1, !p2  }
0x267: {  	s22 =	simm.s32 $0x1;
	s21 =	sadd.s32 s31, s20;
	p1 =	por !p1, !p1  }
0x268: {  	s21 =	sshrl.u32 s21, $0x4;
	s22 =	simm.s32 @!p1 $0x0  }
0x269: {  	s21 =	ssub.s32 s21, s22  }
0x26a: {  	s21 =	sshll.u32 s21, $0x4  }
0x26b: {  	v17 =	vld [tilespmem:s21+$0xC580];
	_ =	sdelay $0x1  }
.Ltmp21:
0x26c: {  	s20 =	ssub.s32 s20, s21;
	(pc) =	sbr.rel @p0 .LBB2_30-.Ltmp21, $4  }
0x26d: {  	v16 =	vmov s20  }
0x26e: {  	vm3 =	veq.s32 v16, v0  }
0x26f: {  	v20 =	vsel vm3, $0x7F61B1E6, v17  }
0x270: {  	v17 =	vld [tilespmem:s21+$0xC800];
	[tilespmem:s21+$0xC580] =	vst v20  }
0x271: {  	s20 =	simm.s32 $0xC580  }
0x272: {  	p1 =	sne.s32 s19, $0x1;
	v20 =	vld [tilespmem:s20+$0x0]  }
.Ltmp22:
0x273: {  	_ = 	snop;
	(pc) =	sbr.rel @!p1 .LBB2_29-.Ltmp22, $3  }
0x274: {  	_ =	sdelay $0x1  }
0x275: {  	s20 =	simm.s32 $0x0  }
0x276: {  	s21 =	sadd.s32 $0xFFFFFFFF, s19;
	s22 =	simm.s32 $0xC590;
	v21 =	vor.u32 s20, v0;
	vm3 =	vlt.f32 v20, v18  }
.LBB2_28:
0x277: {  	p1 =	sne.s32 s21, $0x1;
	s21 =	sadd.s32 $0xFFFFFFFF, s21;
	v18 =	vsel vm3, v20, v18;
	v20 =	vld [tilespmem:s22+$0x0];
	v19 =	vsel vm3, v21, v19  }
.Ltmp23:
0x278: {  	(pc) =	sbr.rel @p1 .LBB2_28-.Ltmp23, $3  }
0x279: {  	_ =	sdelay $0x1  }
0x27a: {  	s20 =	sadd.s32 $0x10, s20  }
0x27b: {  	s22 =	sadd.s32 $0x10, s22;
	v21 =	vor.u32 s20, v0;
	vm3 =	vlt.f32 v20, v18  }
.LBB2_29:
0x27c: {  	v18 =	vsel vm3, v20, v18;
	v19 =	vsel vm3, v21, v19  }
.LBB2_30:
0x27d: {  	v20 =	vperm.xlane v18, v4;
	v21 =	vperm.xlane v19, v4;
	_ =	sdelay $0x1  }
0x27e: {  	vm3 =	veq.f32 v20, v18;
	vm4 =	vlt.s32 v21, v19  }
0x27f: {  	vm5 =	vlt.f32 v20, v18;
	vm3 =	vmand vm3, vm4  }
0x280: {  	vm3 =	vmor vm5, vm3  }
0x281: {  	v18 =	vsel vm3, v20, v18;
	v19 =	vsel vm3, v21, v19  }
0x282: {  	v20 =	vperm.xlane v18, v5;
	v21 =	vperm.xlane v19, v5;
	_ =	sdelay $0x1  }
0x283: {  	vm3 =	veq.f32 v20, v18;
	vm10 =	vlt.s32 v21, v19  }
0x284: {  	vm11 =	vlt.f32 v20, v18;
	vm3 =	vmand vm3, vm10  }
0x285: {  	vm3 =	vmor vm11, vm3  }
0x286: {  	v18 =	vsel vm3, v20, v18;
	v19 =	vsel vm3, v21, v19  }
0x287: {  	v20 =	vperm.xlane v18, v6;
	v21 =	vperm.xlane v19, v6;
	_ =	sdelay $0x1  }
0x288: {  	vm3 =	veq.f32 v20, v18;
	vm12 =	vlt.s32 v21, v19  }
0x289: {  	vm13 =	vlt.f32 v20, v18;
	vm3 =	vmand vm3, vm12  }
0x28a: {  	vm3 =	vmor vm13, vm3  }
0x28b: {  	v18 =	vsel vm3, v20, v18;
	v19 =	vsel vm3, v21, v19  }
0x28c: {  	v20 =	vperm.xlane v18, v7;
	v21 =	vperm.xlane v19, v7;
	_ =	sdelay $0x1  }
0x28d: {  	vm3 =	veq.f32 v20, v18;
	vm14 =	vlt.s32 v21, v19  }
0x28e: {  	vm15 =	vlt.f32 v20, v18;
	vm3 =	vmand vm3, vm14  }
0x28f: {  	vm3 =	vmor vm15, vm3  }
0x290: {  	v18 =	vsel vm3, v21, v19  }
0x291: {  	(v2sf) =	vpush v18, $0x0;
	_ =	sdelay $0xe  }
0x292: {  	s20 =	spop (v2sf)  }
0x293: {  	s21 =	sand.u32 $0xF, s20  }
0x294: {  	s22 =	sshra.s32 s20, $0x1F;
	p1 =	slt.s32 s20, $0x1;
	p2 =	sne.s32 s21, $0x0  }
0x295: {  	s31 =	sshrl.u32 s22, $0x1C;
	p1 =	por !p1, !p2  }
0x296: {  	s22 =	simm.s32 $0x1;
	s21 =	sadd.s32 s31, s20;
	p1 =	por !p1, !p1  }
0x297: {  	s21 =	sshrl.u32 s21, $0x4;
	s22 =	simm.s32 @!p1 $0x0  }
0x298: {  	s21 =	ssub.s32 s21, s22  }
0x299: {  	s21 =	sshll.u32 s21, $0x4  }
0x29a: {  	v19 =	vld [tilespmem:s21+$0xC580];
	_ =	sdelay $0x1  }
.Ltmp24:
0x29b: {  	s20 =	ssub.s32 s20, s21;
	(pc) =	sbr.rel @p0 .LBB2_34-.Ltmp24, $4  }
0x29c: {  	v18 =	vmov s20  }
0x29d: {  	vm3 =	veq.s32 v18, v0  }
0x29e: {  	v22 =	vimm.f32 $3.000000010e+38;
	v20 =	vsel vm3, $0x7F61B1E6, v19  }
0x29f: {  	v23 =	vimm.s32 $0x40000000;
	v21 =	vimm.s32 $0x40000000;
	v19 =	vld [tilespmem:s21+$0xC800];
	[tilespmem:s21+$0xC580] =	vst v20;
	v20 =	vimm.f32 $3.000000010e+38  }
0x2a0: {  	s20 =	simm.s32 $0xC580  }
0x2a1: {  	p1 =	sne.s32 s19, $0x1;
	v20 =	vld [tilespmem:s20+$0x0]  }
.Ltmp25:
0x2a2: {  	_ = 	snop;
	(pc) =	sbr.rel @!p1 .LBB2_33-.Ltmp25, $3  }
0x2a3: {  	_ =	sdelay $0x1  }
0x2a4: {  	v21 =	vimm.f32 $3.000000010e+38;
	s20 =	simm.s32 $0x0  }
0x2a5: {  	s21 =	sadd.s32 $0xFFFFFFFF, s19;
	s22 =	simm.s32 $0xC590;
	v24 =	vimm.s32 $0x40000000;
	v25 =	vor.u32 s20, v0;
	vm3 =	vlt.f32 v20, v22  }
.LBB2_32:
0x2a6: {  	p1 =	sne.s32 s21, $0x1;
	s21 =	sadd.s32 $0xFFFFFFFF, s21;
	v21 =	vsel vm3, v20, v21;
	v20 =	vld [tilespmem:s22+$0x0];
	v24 =	vsel vm3, v25, v24  }
.Ltmp26:
0x2a7: {  	(pc) =	sbr.rel @p1 .LBB2_32-.Ltmp26, $3  }
0x2a8: {  	_ =	sdelay $0x1  }
0x2a9: {  	s20 =	sadd.s32 $0x10, s20  }
0x2aa: {  	s22 =	sadd.s32 $0x10, s22;
	v25 =	vor.u32 s20, v0;
	vm3 =	vlt.f32 v20, v21  }
.LBB2_33:
0x2ab: {  	v20 =	vsel vm3, v20, v21;
	v21 =	vsel vm3, v25, v24  }
.LBB2_34:
0x2ac: {  	v24 =	vperm.xlane v20, v4;
	v25 =	vperm.xlane v21, v4;
	_ =	sdelay $0x1  }
0x2ad: {  	vm3 =	veq.f32 v24, v20;
	vm4 =	vlt.s32 v25, v21  }
0x2ae: {  	vm5 =	vlt.f32 v24, v20;
	vm3 =	vmand vm3, vm4  }
0x2af: {  	vm3 =	vmor vm5, vm3  }
0x2b0: {  	v20 =	vsel vm3, v24, v20;
	v21 =	vsel vm3, v25, v21  }
0x2b1: {  	v24 =	vperm.xlane v20, v5;
	v25 =	vperm.xlane v21, v5;
	_ =	sdelay $0x1  }
0x2b2: {  	vm3 =	veq.f32 v24, v20;
	vm10 =	vlt.s32 v25, v21  }
0x2b3: {  	vm11 =	vlt.f32 v24, v20;
	vm3 =	vmand vm3, vm10  }
0x2b4: {  	vm3 =	vmor vm11, vm3  }
0x2b5: {  	v20 =	vsel vm3, v24, v20;
	v21 =	vsel vm3, v25, v21  }
0x2b6: {  	v24 =	vperm.xlane v20, v6;
	v25 =	vperm.xlane v21, v6;
	_ =	sdelay $0x1  }
0x2b7: {  	vm3 =	veq.f32 v24, v20;
	vm12 =	vlt.s32 v25, v21  }
0x2b8: {  	vm13 =	vlt.f32 v24, v20;
	vm3 =	vmand vm3, vm12  }
0x2b9: {  	vm3 =	vmor vm13, vm3  }
0x2ba: {  	v20 =	vsel vm3, v24, v20;
	v21 =	vsel vm3, v25, v21  }
0x2bb: {  	v24 =	vperm.xlane v20, v7;
	v25 =	vperm.xlane v21, v7;
	_ =	sdelay $0x1  }
0x2bc: {  	vm3 =	veq.f32 v24, v20;
	vm14 =	vlt.s32 v25, v21  }
0x2bd: {  	vm15 =	vlt.f32 v24, v20;
	vm3 =	vmand vm3, vm14  }
0x2be: {  	vm3 =	vmor vm15, vm3  }
0x2bf: {  	v20 =	vsel vm3, v25, v21  }
0x2c0: {  	(v2sf) =	vpush v20, $0x0;
	_ =	sdelay $0xe  }
0x2c1: {  	s20 =	spop (v2sf)  }
0x2c2: {  	s21 =	sand.u32 $0xF, s20  }
0x2c3: {  	s22 =	sshra.s32 s20, $0x1F;
	p1 =	slt.s32 s20, $0x1;
	p2 =	sne.s32 s21, $0x0  }
0x2c4: {  	s31 =	sshrl.u32 s22, $0x1C;
	p1 =	por !p1, !p2  }
0x2c5: {  	s22 =	simm.s32 $0x1;
	s21 =	sadd.s32 s31, s20;
	p1 =	por !p1, !p1  }
0x2c6: {  	s21 =	sshrl.u32 s21, $0x4;
	s22 =	simm.s32 @!p1 $0x0  }
0x2c7: {  	s21 =	ssub.s32 s21, s22  }
0x2c8: {  	s21 =	sshll.u32 s21, $0x4  }
0x2c9: {  	v21 =	vld [tilespmem:s21+$0xC580];
	_ =	sdelay $0x1  }
.Ltmp27:
0x2ca: {  	s20 =	ssub.s32 s20, s21;
	(pc) =	sbr.rel @p0 .LBB2_38-.Ltmp27, $4  }
0x2cb: {  	v20 =	vmov s20  }
0x2cc: {  	vm3 =	veq.s32 v20, v0  }
0x2cd: {  	v63 =	vsel vm3, $0x7F61B1E6, v21  }
0x2ce: {  	v21 =	vld [tilespmem:s21+$0xC800];
	[tilespmem:s21+$0xC580] =	vst v63  }
0x2cf: {  	s20 =	simm.s32 $0xC580  }
0x2d0: {  	p1 =	sne.s32 s19, $0x1;
	v24 =	vld [tilespmem:s20+$0x0]  }
.Ltmp28:
0x2d1: {  	_ = 	snop;
	(pc) =	sbr.rel @!p1 .LBB2_37-.Ltmp28, $3  }
0x2d2: {  	_ =	sdelay $0x1  }
0x2d3: {  	s20 =	simm.s32 $0x0  }
0x2d4: {  	s21 =	sadd.s32 $0xFFFFFFFF, s19;
	s22 =	simm.s32 $0xC590;
	v25 =	vor.u32 s20, v0;
	vm3 =	vlt.f32 v24, v22  }
.LBB2_36:
0x2d5: {  	p1 =	sne.s32 s21, $0x1;
	s21 =	sadd.s32 $0xFFFFFFFF, s21;
	v22 =	vsel vm3, v24, v22;
	v24 =	vld [tilespmem:s22+$0x0];
	v23 =	vsel vm3, v25, v23  }
.Ltmp29:
0x2d6: {  	(pc) =	sbr.rel @p1 .LBB2_36-.Ltmp29, $3  }
0x2d7: {  	_ =	sdelay $0x1  }
0x2d8: {  	s20 =	sadd.s32 $0x10, s20  }
0x2d9: {  	s22 =	sadd.s32 $0x10, s22;
	v25 =	vor.u32 s20, v0;
	vm3 =	vlt.f32 v24, v22  }
.LBB2_37:
0x2da: {  	v22 =	vsel vm3, v24, v22;
	v23 =	vsel vm3, v25, v23  }
.LBB2_38:
0x2db: {  	v24 =	vperm.xlane v22, v4;
	v25 =	vperm.xlane v23, v4;
	_ =	sdelay $0x1  }
0x2dc: {  	vm3 =	veq.f32 v24, v22;
	vm4 =	vlt.s32 v25, v23  }
0x2dd: {  	vm5 =	vlt.f32 v24, v22;
	vm3 =	vmand vm3, vm4  }
0x2de: {  	vm3 =	vmor vm5, vm3  }
0x2df: {  	v22 =	vsel vm3, v24, v22;
	v23 =	vsel vm3, v25, v23  }
0x2e0: {  	v24 =	vperm.xlane v22, v5;
	v25 =	vperm.xlane v23, v5;
	_ =	sdelay $0x1  }
0x2e1: {  	vm3 =	veq.f32 v24, v22;
	vm10 =	vlt.s32 v25, v23  }
0x2e2: {  	vm11 =	vlt.f32 v24, v22;
	vm3 =	vmand vm3, vm10  }
0x2e3: {  	vm3 =	vmor vm11, vm3  }
0x2e4: {  	v22 =	vsel vm3, v24, v22;
	v23 =	vsel vm3, v25, v23  }
0x2e5: {  	v24 =	vperm.xlane v22, v6;
	v25 =	vperm.xlane v23, v6;
	_ =	sdelay $0x1  }
0x2e6: {  	vm3 =	veq.f32 v24, v22;
	vm12 =	vlt.s32 v25, v23  }
0x2e7: {  	vm13 =	vlt.f32 v24, v22;
	vm3 =	vmand vm3, vm12  }
0x2e8: {  	vm3 =	vmor vm13, vm3  }
0x2e9: {  	v22 =	vsel vm3, v24, v22;
	v23 =	vsel vm3, v25, v23  }
0x2ea: {  	v24 =	vperm.xlane v22, v7;
	v25 =	vperm.xlane v23, v7;
	_ =	sdelay $0x1  }
0x2eb: {  	vm3 =	veq.f32 v24, v22;
	vm14 =	vlt.s32 v25, v23  }
0x2ec: {  	vm15 =	vlt.f32 v24, v22;
	vm3 =	vmand vm3, vm14  }
0x2ed: {  	vm3 =	vmor vm15, vm3  }
0x2ee: {  	v22 =	vsel vm3, v25, v23  }
0x2ef: {  	(v2sf) =	vpush v22, $0x0;
	_ =	sdelay $0xe  }
0x2f0: {  	s20 =	spop (v2sf)  }
0x2f1: {  	s21 =	sand.u32 $0xF, s20  }
0x2f2: {  	s22 =	sshra.s32 s20, $0x1F;
	p1 =	slt.s32 s20, $0x1;
	p2 =	sne.s32 s21, $0x0  }
0x2f3: {  	s31 =	sshrl.u32 s22, $0x1C;
	p1 =	por !p1, !p2  }
0x2f4: {  	s22 =	simm.s32 $0x1;
	s21 =	sadd.s32 s31, s20;
	p1 =	por !p1, !p1  }
0x2f5: {  	s21 =	sshrl.u32 s21, $0x4;
	s22 =	simm.s32 @!p1 $0x0  }
0x2f6: {  	s21 =	ssub.s32 s21, s22  }
0x2f7: {  	s21 =	sshll.u32 s21, $0x4  }
0x2f8: {  	v23 =	vld [tilespmem:s21+$0xC580];
	_ =	sdelay $0x1  }
.Ltmp30:
0x2f9: {  	s20 =	ssub.s32 s20, s21;
	(pc) =	sbr.rel @p0 .LBB2_42-.Ltmp30, $4  }
0x2fa: {  	v22 =	vmov s20  }
0x2fb: {  	vm3 =	veq.s32 v22, v0  }
0x2fc: {  	v26 =	vimm.f32 $3.000000010e+38;
	v24 =	vsel vm3, $0x7F61B1E6, v23  }
0x2fd: {  	v27 =	vimm.s32 $0x40000000;
	v25 =	vimm.s32 $0x40000000;
	v23 =	vld [tilespmem:s21+$0xC800];
	[tilespmem:s21+$0xC580] =	vst v24;
	v24 =	vimm.f32 $3.000000010e+38  }
0x2fe: {  	s20 =	simm.s32 $0xC580  }
0x2ff: {  	p1 =	sne.s32 s19, $0x1;
	v24 =	vld [tilespmem:s20+$0x0]  }
.Ltmp31:
0x300: {  	_ = 	snop;
	(pc) =	sbr.rel @!p1 .LBB2_41-.Ltmp31, $3  }
0x301: {  	_ =	sdelay $0x1  }
0x302: {  	v25 =	vimm.f32 $3.000000010e+38;
	s20 =	simm.s32 $0x0  }
0x303: {  	s21 =	sadd.s32 $0xFFFFFFFF, s19;
	s22 =	simm.s32 $0xC590;
	v28 =	vimm.s32 $0x40000000;
	v29 =	vor.u32 s20, v0;
	vm3 =	vlt.f32 v24, v26  }
.LBB2_40:
0x304: {  	p1 =	sne.s32 s21, $0x1;
	s21 =	sadd.s32 $0xFFFFFFFF, s21;
	v25 =	vsel vm3, v24, v25;
	v24 =	vld [tilespmem:s22+$0x0];
	v28 =	vsel vm3, v29, v28  }
.Ltmp32:
0x305: {  	(pc) =	sbr.rel @p1 .LBB2_40-.Ltmp32, $3  }
0x306: {  	_ =	sdelay $0x1  }
0x307: {  	s20 =	sadd.s32 $0x10, s20  }
0x308: {  	s22 =	sadd.s32 $0x10, s22;
	v29 =	vor.u32 s20, v0;
	vm3 =	vlt.f32 v24, v25  }
.LBB2_41:
0x309: {  	v24 =	vsel vm3, v24, v25;
	v25 =	vsel vm3, v29, v28  }
.LBB2_42:
0x30a: {  	v28 =	vperm.xlane v24, v4;
	v29 =	vperm.xlane v25, v4;
	_ =	sdelay $0x1  }
0x30b: {  	vm3 =	veq.f32 v28, v24;
	vm4 =	vlt.s32 v29, v25  }
0x30c: {  	vm5 =	vlt.f32 v28, v24;
	vm3 =	vmand vm3, vm4  }
0x30d: {  	vm3 =	vmor vm5, vm3  }
0x30e: {  	v24 =	vsel vm3, v28, v24;
	v25 =	vsel vm3, v29, v25  }
0x30f: {  	v28 =	vperm.xlane v24, v5;
	v29 =	vperm.xlane v25, v5;
	_ =	sdelay $0x1  }
0x310: {  	vm3 =	veq.f32 v28, v24;
	vm10 =	vlt.s32 v29, v25  }
0x311: {  	vm11 =	vlt.f32 v28, v24;
	vm3 =	vmand vm3, vm10  }
0x312: {  	vm3 =	vmor vm11, vm3  }
0x313: {  	v24 =	vsel vm3, v28, v24;
	v25 =	vsel vm3, v29, v25  }
0x314: {  	v28 =	vperm.xlane v24, v6;
	v29 =	vperm.xlane v25, v6;
	_ =	sdelay $0x1  }
0x315: {  	vm3 =	veq.f32 v28, v24;
	vm12 =	vlt.s32 v29, v25  }
0x316: {  	vm13 =	vlt.f32 v28, v24;
	vm3 =	vmand vm3, vm12  }
0x317: {  	vm3 =	vmor vm13, vm3  }
0x318: {  	v24 =	vsel vm3, v28, v24;
	v25 =	vsel vm3, v29, v25  }
0x319: {  	v28 =	vperm.xlane v24, v7;
	v29 =	vperm.xlane v25, v7;
	_ =	sdelay $0x1  }
0x31a: {  	vm3 =	veq.f32 v28, v24;
	vm14 =	vlt.s32 v29, v25  }
0x31b: {  	vm15 =	vlt.f32 v28, v24;
	vm3 =	vmand vm3, vm14  }
0x31c: {  	vm3 =	vmor vm15, vm3  }
0x31d: {  	v24 =	vsel vm3, v29, v25  }
0x31e: {  	(v2sf) =	vpush v24, $0x0;
	_ =	sdelay $0xe  }
0x31f: {  	s20 =	spop (v2sf)  }
0x320: {  	s21 =	sand.u32 $0xF, s20  }
0x321: {  	s22 =	sshra.s32 s20, $0x1F;
	p1 =	slt.s32 s20, $0x1;
	p2 =	sne.s32 s21, $0x0  }
0x322: {  	s31 =	sshrl.u32 s22, $0x1C;
	p1 =	por !p1, !p2  }
0x323: {  	s22 =	simm.s32 $0x1;
	s21 =	sadd.s32 s31, s20;
	p1 =	por !p1, !p1  }
0x324: {  	s21 =	sshrl.u32 s21, $0x4;
	s22 =	simm.s32 @!p1 $0x0  }
0x325: {  	s21 =	ssub.s32 s21, s22  }
0x326: {  	s21 =	sshll.u32 s21, $0x4  }
0x327: {  	v25 =	vld [tilespmem:s21+$0xC580];
	_ =	sdelay $0x1  }
.Ltmp33:
0x328: {  	s20 =	ssub.s32 s20, s21;
	(pc) =	sbr.rel @p0 .LBB2_46-.Ltmp33, $4  }
0x329: {  	v24 =	vmov s20  }
0x32a: {  	vm3 =	veq.s32 v24, v0  }
0x32b: {  	v28 =	vsel vm3, $0x7F61B1E6, v25  }
0x32c: {  	v25 =	vld [tilespmem:s21+$0xC800];
	[tilespmem:s21+$0xC580] =	vst v28  }
0x32d: {  	s20 =	simm.s32 $0xC580  }
0x32e: {  	p1 =	sne.s32 s19, $0x1;
	v28 =	vld [tilespmem:s20+$0x0]  }
.Ltmp34:
0x32f: {  	_ = 	snop;
	(pc) =	sbr.rel @!p1 .LBB2_45-.Ltmp34, $3  }
0x330: {  	_ =	sdelay $0x1  }
0x331: {  	s20 =	simm.s32 $0x0  }
0x332: {  	s21 =	sadd.s32 $0xFFFFFFFF, s19;
	s22 =	simm.s32 $0xC590;
	v29 =	vor.u32 s20, v0;
	vm3 =	vlt.f32 v28, v26  }
.LBB2_44:
0x333: {  	p1 =	sne.s32 s21, $0x1;
	s21 =	sadd.s32 $0xFFFFFFFF, s21;
	v26 =	vsel vm3, v28, v26;
	v28 =	vld [tilespmem:s22+$0x0];
	v27 =	vsel vm3, v29, v27  }
.Ltmp35:
0x334: {  	(pc) =	sbr.rel @p1 .LBB2_44-.Ltmp35, $3  }
0x335: {  	_ =	sdelay $0x1  }
0x336: {  	s20 =	sadd.s32 $0x10, s20  }
0x337: {  	s22 =	sadd.s32 $0x10, s22;
	v29 =	vor.u32 s20, v0;
	vm3 =	vlt.f32 v28, v26  }
.LBB2_45:
0x338: {  	v26 =	vsel vm3, v28, v26;
	v27 =	vsel vm3, v29, v27  }
.LBB2_46:
0x339: {  	v28 =	vperm.xlane v26, v4;
	v29 =	vperm.xlane v27, v4;
	_ =	sdelay $0x1  }
0x33a: {  	vm3 =	veq.f32 v28, v26;
	vm4 =	vlt.s32 v29, v27  }
0x33b: {  	vm5 =	vlt.f32 v28, v26;
	vm3 =	vmand vm3, vm4  }
0x33c: {  	vm3 =	vmor vm5, vm3  }
0x33d: {  	v26 =	vsel vm3, v28, v26;
	v27 =	vsel vm3, v29, v27  }
0x33e: {  	v28 =	vperm.xlane v26, v5;
	v29 =	vperm.xlane v27, v5;
	_ =	sdelay $0x1  }
0x33f: {  	vm3 =	veq.f32 v28, v26;
	vm10 =	vlt.s32 v29, v27  }
0x340: {  	vm11 =	vlt.f32 v28, v26;
	vm3 =	vmand vm3, vm10  }
0x341: {  	vm3 =	vmor vm11, vm3  }
0x342: {  	v26 =	vsel vm3, v28, v26;
	v27 =	vsel vm3, v29, v27  }
0x343: {  	v28 =	vperm.xlane v26, v6;
	v29 =	vperm.xlane v27, v6;
	_ =	sdelay $0x1  }
0x344: {  	vm3 =	veq.f32 v28, v26;
	vm12 =	vlt.s32 v29, v27  }
0x345: {  	vm13 =	vlt.f32 v28, v26;
	vm3 =	vmand vm3, vm12  }
0x346: {  	vm3 =	vmor vm13, vm3  }
0x347: {  	v26 =	vsel vm3, v28, v26;
	v27 =	vsel vm3, v29, v27  }
0x348: {  	v28 =	vperm.xlane v26, v7;
	v29 =	vperm.xlane v27, v7;
	_ =	sdelay $0x1  }
0x349: {  	vm3 =	veq.f32 v28, v26;
	vm14 =	vlt.s32 v29, v27  }
0x34a: {  	vm15 =	vlt.f32 v28, v26;
	vm3 =	vmand vm3, vm14  }
0x34b: {  	vm3 =	vmor vm15, vm3  }
0x34c: {  	v26 =	vsel vm3, v29, v27  }
0x34d: {  	(v2sf) =	vpush v26, $0x0;
	_ =	sdelay $0xe  }
0x34e: {  	s20 =	spop (v2sf)  }
0x34f: {  	s21 =	sand.u32 $0xF, s20  }
0x350: {  	s22 =	sshra.s32 s20, $0x1F;
	p1 =	slt.s32 s20, $0x1;
	p2 =	sne.s32 s21, $0x0  }
0x351: {  	s31 =	sshrl.u32 s22, $0x1C;
	p1 =	por !p1, !p2  }
0x352: {  	s22 =	simm.s32 $0x1;
	s21 =	sadd.s32 s31, s20;
	p1 =	por !p1, !p1  }
0x353: {  	s21 =	sshrl.u32 s21, $0x4;
	s22 =	simm.s32 @!p1 $0x0  }
0x354: {  	s21 =	ssub.s32 s21, s22  }
0x355: {  	s21 =	sshll.u32 s21, $0x4  }
0x356: {  	v27 =	vld [tilespmem:s21+$0xC580];
	_ =	sdelay $0x1  }
.Ltmp36:
0x357: {  	s20 =	ssub.s32 s20, s21;
	(pc) =	sbr.rel @p0 .LBB2_50-.Ltmp36, $4  }
0x358: {  	v26 =	vmov s20  }
0x359: {  	vm3 =	veq.s32 v26, v0  }
0x35a: {  	v30 =	vimm.f32 $3.000000010e+38;
	v28 =	vsel vm3, $0x7F61B1E6, v27  }
0x35b: {  	v31 =	vimm.s32 $0x40000000;
	v29 =	vimm.s32 $0x40000000;
	v27 =	vld [tilespmem:s21+$0xC800];
	[tilespmem:s21+$0xC580] =	vst v28;
	v28 =	vimm.f32 $3.000000010e+38  }
0x35c: {  	s20 =	simm.s32 $0xC580  }
0x35d: {  	p1 =	sne.s32 s19, $0x1;
	v28 =	vld [tilespmem:s20+$0x0]  }
.Ltmp37:
0x35e: {  	_ = 	snop;
	(pc) =	sbr.rel @!p1 .LBB2_49-.Ltmp37, $3  }
0x35f: {  	_ =	sdelay $0x1  }
0x360: {  	v29 =	vimm.f32 $3.000000010e+38;
	s20 =	simm.s32 $0x0  }
0x361: {  	s21 =	sadd.s32 $0xFFFFFFFF, s19;
	s22 =	simm.s32 $0xC590;
	v32 =	vimm.s32 $0x40000000;
	v33 =	vor.u32 s20, v0;
	vm3 =	vlt.f32 v28, v30  }
.LBB2_48:
0x362: {  	p1 =	sne.s32 s21, $0x1;
	s21 =	sadd.s32 $0xFFFFFFFF, s21;
	v29 =	vsel vm3, v28, v29;
	v28 =	vld [tilespmem:s22+$0x0];
	v32 =	vsel vm3, v33, v32  }
.Ltmp38:
0x363: {  	(pc) =	sbr.rel @p1 .LBB2_48-.Ltmp38, $3  }
0x364: {  	_ =	sdelay $0x1  }
0x365: {  	s20 =	sadd.s32 $0x10, s20  }
0x366: {  	s22 =	sadd.s32 $0x10, s22;
	v33 =	vor.u32 s20, v0;
	vm3 =	vlt.f32 v28, v29  }
.LBB2_49:
0x367: {  	v28 =	vsel vm3, v28, v29;
	v29 =	vsel vm3, v33, v32  }
.LBB2_50:
0x368: {  	v32 =	vperm.xlane v28, v4;
	v33 =	vperm.xlane v29, v4;
	_ =	sdelay $0x1  }
0x369: {  	vm3 =	veq.f32 v32, v28;
	vm4 =	vlt.s32 v33, v29  }
0x36a: {  	vm5 =	vlt.f32 v32, v28;
	vm3 =	vmand vm3, vm4  }
0x36b: {  	vm3 =	vmor vm5, vm3  }
0x36c: {  	v28 =	vsel vm3, v32, v28;
	v29 =	vsel vm3, v33, v29  }
0x36d: {  	v32 =	vperm.xlane v28, v5;
	v33 =	vperm.xlane v29, v5;
	_ =	sdelay $0x1  }
0x36e: {  	vm3 =	veq.f32 v32, v28;
	vm10 =	vlt.s32 v33, v29  }
0x36f: {  	vm11 =	vlt.f32 v32, v28;
	vm3 =	vmand vm3, vm10  }
0x370: {  	vm3 =	vmor vm11, vm3  }
0x371: {  	v28 =	vsel vm3, v32, v28;
	v29 =	vsel vm3, v33, v29  }
0x372: {  	v32 =	vperm.xlane v28, v6;
	v33 =	vperm.xlane v29, v6;
	_ =	sdelay $0x1  }
0x373: {  	vm3 =	veq.f32 v32, v28;
	vm12 =	vlt.s32 v33, v29  }
0x374: {  	vm13 =	vlt.f32 v32, v28;
	vm3 =	vmand vm3, vm12  }
0x375: {  	vm3 =	vmor vm13, vm3  }
0x376: {  	v28 =	vsel vm3, v32, v28;
	v29 =	vsel vm3, v33, v29  }
0x377: {  	v32 =	vperm.xlane v28, v7;
	v33 =	vperm.xlane v29, v7;
	_ =	sdelay $0x1  }
0x378: {  	vm3 =	veq.f32 v32, v28;
	vm14 =	vlt.s32 v33, v29  }
0x379: {  	vm15 =	vlt.f32 v32, v28;
	vm3 =	vmand vm3, vm14  }
0x37a: {  	vm3 =	vmor vm15, vm3  }
0x37b: {  	v28 =	vsel vm3, v33, v29  }
0x37c: {  	(v2sf) =	vpush v28, $0x0;
	_ =	sdelay $0xe  }
0x37d: {  	s20 =	spop (v2sf)  }
0x37e: {  	s21 =	sand.u32 $0xF, s20  }
0x37f: {  	s22 =	sshra.s32 s20, $0x1F;
	p1 =	slt.s32 s20, $0x1;
	p2 =	sne.s32 s21, $0x0  }
0x380: {  	s31 =	sshrl.u32 s22, $0x1C;
	p1 =	por !p1, !p2  }
0x381: {  	s22 =	simm.s32 $0x1;
	s21 =	sadd.s32 s31, s20;
	p1 =	por !p1, !p1  }
0x382: {  	s21 =	sshrl.u32 s21, $0x4;
	s22 =	simm.s32 @!p1 $0x0  }
0x383: {  	s21 =	ssub.s32 s21, s22  }
0x384: {  	s21 =	sshll.u32 s21, $0x4  }
0x385: {  	v29 =	vld [tilespmem:s21+$0xC580];
	_ =	sdelay $0x1  }
.Ltmp39:
0x386: {  	s20 =	ssub.s32 s20, s21;
	(pc) =	sbr.rel @p0 .LBB2_54-.Ltmp39, $4  }
0x387: {  	v28 =	vmov s20  }
0x388: {  	vm3 =	veq.s32 v28, v0  }
0x389: {  	v63 =	vsel vm3, $0x7F61B1E6, v29  }
0x38a: {  	v29 =	vld [tilespmem:s21+$0xC800];
	[tilespmem:s21+$0xC580] =	vst v63  }
0x38b: {  	s20 =	simm.s32 $0xC580  }
0x38c: {  	p1 =	sne.s32 s19, $0x1;
	v32 =	vld [tilespmem:s20+$0x0]  }
.Ltmp40:
0x38d: {  	_ = 	snop;
	(pc) =	sbr.rel @!p1 .LBB2_53-.Ltmp40, $3  }
0x38e: {  	_ =	sdelay $0x1  }
0x38f: {  	s20 =	simm.s32 $0x0  }
0x390: {  	s21 =	sadd.s32 $0xFFFFFFFF, s19;
	s22 =	simm.s32 $0xC590;
	v33 =	vor.u32 s20, v0;
	vm3 =	vlt.f32 v32, v30  }
.LBB2_52:
0x391: {  	p1 =	sne.s32 s21, $0x1;
	s21 =	sadd.s32 $0xFFFFFFFF, s21;
	v30 =	vsel vm3, v32, v30;
	v32 =	vld [tilespmem:s22+$0x0];
	v31 =	vsel vm3, v33, v31  }
.Ltmp41:
0x392: {  	(pc) =	sbr.rel @p1 .LBB2_52-.Ltmp41, $3  }
0x393: {  	_ =	sdelay $0x1  }
0x394: {  	s20 =	sadd.s32 $0x10, s20  }
0x395: {  	s22 =	sadd.s32 $0x10, s22;
	v33 =	vor.u32 s20, v0;
	vm3 =	vlt.f32 v32, v30  }
.LBB2_53:
0x396: {  	v30 =	vsel vm3, v32, v30;
	v31 =	vsel vm3, v33, v31  }
.LBB2_54:
0x397: {  	v32 =	vperm.xlane v30, v4;
	v33 =	vperm.xlane v31, v4;
	_ =	sdelay $0x1  }
0x398: {  	vm3 =	veq.f32 v32, v30;
	vm4 =	vlt.s32 v33, v31  }
0x399: {  	vm5 =	vlt.f32 v32, v30;
	vm3 =	vmand vm3, vm4  }
0x39a: {  	vm3 =	vmor vm5, vm3  }
0x39b: {  	v30 =	vsel vm3, v32, v30;
	v31 =	vsel vm3, v33, v31  }
0x39c: {  	v32 =	vperm.xlane v30, v5;
	v33 =	vperm.xlane v31, v5;
	_ =	sdelay $0x1  }
0x39d: {  	vm3 =	veq.f32 v32, v30;
	vm10 =	vlt.s32 v33, v31  }
0x39e: {  	vm11 =	vlt.f32 v32, v30;
	vm3 =	vmand vm3, vm10  }
0x39f: {  	vm3 =	vmor vm11, vm3  }
0x3a0: {  	v30 =	vsel vm3, v32, v30;
	v31 =	vsel vm3, v33, v31  }
0x3a1: {  	v32 =	vperm.xlane v30, v6;
	v33 =	vperm.xlane v31, v6;
	_ =	sdelay $0x1  }
0x3a2: {  	vm3 =	veq.f32 v32, v30;
	vm12 =	vlt.s32 v33, v31  }
0x3a3: {  	vm13 =	vlt.f32 v32, v30;
	vm3 =	vmand vm3, vm12  }
0x3a4: {  	vm3 =	vmor vm13, vm3  }
0x3a5: {  	v30 =	vsel vm3, v32, v30;
	v31 =	vsel vm3, v33, v31  }
0x3a6: {  	v32 =	vperm.xlane v30, v7;
	v33 =	vperm.xlane v31, v7;
	_ =	sdelay $0x1  }
0x3a7: {  	vm3 =	veq.f32 v32, v30;
	vm14 =	vlt.s32 v33, v31  }
0x3a8: {  	vm15 =	vlt.f32 v32, v30;
	vm3 =	vmand vm3, vm14  }
0x3a9: {  	vm3 =	vmor vm15, vm3  }
0x3aa: {  	v30 =	vsel vm3, v33, v31  }
0x3ab: {  	(v2sf) =	vpush v30, $0x0;
	_ =	sdelay $0xe  }
0x3ac: {  	s20 =	spop (v2sf)  }
0x3ad: {  	s21 =	sand.u32 $0xF, s20  }
0x3ae: {  	s22 =	sshra.s32 s20, $0x1F;
	p1 =	slt.s32 s20, $0x1;
	p2 =	sne.s32 s21, $0x0  }
0x3af: {  	s31 =	sshrl.u32 s22, $0x1C;
	p1 =	por !p1, !p2  }
0x3b0: {  	s22 =	simm.s32 $0x1;
	s21 =	sadd.s32 s31, s20;
	p1 =	por !p1, !p1  }
0x3b1: {  	s21 =	sshrl.u32 s21, $0x4;
	s22 =	simm.s32 @!p1 $0x0  }
0x3b2: {  	s21 =	ssub.s32 s21, s22  }
0x3b3: {  	s21 =	sshll.u32 s21, $0x4  }
0x3b4: {  	v31 =	vld [tilespmem:s21+$0xC580];
	_ =	sdelay $0x1  }
.Ltmp42:
0x3b5: {  	s20 =	ssub.s32 s20, s21;
	(pc) =	sbr.rel @p0 .LBB2_58-.Ltmp42, $4  }
0x3b6: {  	v30 =	vmov s20  }
0x3b7: {  	vm3 =	veq.s32 v30, v0  }
0x3b8: {  	v34 =	vimm.f32 $3.000000010e+38;
	v63 =	vsel vm3, $0x7F61B1E6, v31  }
0x3b9: {  	v35 =	vimm.s32 $0x40000000;
	v32 =	vimm.f32 $3.000000010e+38;
	v33 =	vimm.s32 $0x40000000;
	v31 =	vld [tilespmem:s21+$0xC800];
	[tilespmem:s21+$0xC580] =	vst v63  }
0x3ba: {  	s20 =	simm.s32 $0xC580  }
0x3bb: {  	p1 =	sne.s32 s19, $0x1;
	v32 =	vld [tilespmem:s20+$0x0]  }
.Ltmp43:
0x3bc: {  	_ = 	snop;
	(pc) =	sbr.rel @!p1 .LBB2_57-.Ltmp43, $3  }
0x3bd: {  	_ =	sdelay $0x1  }
0x3be: {  	v33 =	vimm.f32 $3.000000010e+38;
	s20 =	simm.s32 $0x0  }
0x3bf: {  	s21 =	sadd.s32 $0xFFFFFFFF, s19;
	s22 =	simm.s32 $0xC590;
	v36 =	vimm.s32 $0x40000000;
	v37 =	vor.u32 s20, v0;
	vm3 =	vlt.f32 v32, v34  }
.LBB2_56:
0x3c0: {  	p1 =	sne.s32 s21, $0x1;
	s21 =	sadd.s32 $0xFFFFFFFF, s21;
	v33 =	vsel vm3, v32, v33;
	v32 =	vld [tilespmem:s22+$0x0];
	v36 =	vsel vm3, v37, v36  }
.Ltmp44:
0x3c1: {  	(pc) =	sbr.rel @p1 .LBB2_56-.Ltmp44, $3  }
0x3c2: {  	_ =	sdelay $0x1  }
0x3c3: {  	s20 =	sadd.s32 $0x10, s20  }
0x3c4: {  	s22 =	sadd.s32 $0x10, s22;
	v37 =	vor.u32 s20, v0;
	vm3 =	vlt.f32 v32, v33  }
.LBB2_57:
0x3c5: {  	v32 =	vsel vm3, v32, v33;
	v33 =	vsel vm3, v37, v36  }
.LBB2_58:
0x3c6: {  	v36 =	vperm.xlane v32, v4;
	v37 =	vperm.xlane v33, v4;
	_ =	sdelay $0x1  }
0x3c7: {  	vm3 =	veq.f32 v36, v32;
	vm4 =	vlt.s32 v37, v33  }
0x3c8: {  	vm5 =	vlt.f32 v36, v32;
	vm3 =	vmand vm3, vm4  }
0x3c9: {  	vm3 =	vmor vm5, vm3  }
0x3ca: {  	v59 =	vsel vm3, v36, v32;
	v60 =	vsel vm3, v37, v33  }
0x3cb: {  	v36 =	vperm.xlane v59, v5;
	v37 =	vperm.xlane v60, v5;
	_ =	sdelay $0x1  }
0x3cc: {  	vm3 =	veq.f32 v36, v59;
	vm10 =	vlt.s32 v37, v60  }
0x3cd: {  	vm11 =	vlt.f32 v36, v59;
	vm3 =	vmand vm3, vm10  }
0x3ce: {  	vm3 =	vmor vm11, vm3  }
0x3cf: {  	v32 =	vsel vm3, v36, v59;
	v33 =	vsel vm3, v37, v60  }
0x3d0: {  	v36 =	vperm.xlane v32, v6;
	v37 =	vperm.xlane v33, v6;
	_ =	sdelay $0x1  }
0x3d1: {  	vm3 =	veq.f32 v36, v32;
	vm12 =	vlt.s32 v37, v33  }
0x3d2: {  	vm13 =	vlt.f32 v36, v32;
	vm3 =	vmand vm3, vm12  }
0x3d3: {  	vm3 =	vmor vm13, vm3  }
0x3d4: {  	v32 =	vsel vm3, v36, v32;
	v33 =	vsel vm3, v37, v33  }
0x3d5: {  	v36 =	vperm.xlane v32, v7;
	v37 =	vperm.xlane v33, v7;
	_ =	sdelay $0x1  }
0x3d6: {  	vm3 =	veq.f32 v36, v32;
	vm14 =	vlt.s32 v37, v33  }
0x3d7: {  	vm15 =	vlt.f32 v36, v32;
	vm3 =	vmand vm3, vm14  }
0x3d8: {  	vm3 =	vmor vm15, vm3  }
0x3d9: {  	v61 =	vsel vm3, v37, v33  }
0x3da: {  	(v2sf) =	vpush v61, $0x0;
	_ =	sdelay $0xe  }
0x3db: {  	s20 =	spop (v2sf)  }
0x3dc: {  	s21 =	sand.u32 $0xF, s20  }
0x3dd: {  	s22 =	sshra.s32 s20, $0x1F;
	p1 =	slt.s32 s20, $0x1;
	p2 =	sne.s32 s21, $0x0  }
0x3de: {  	s31 =	sshrl.u32 s22, $0x1C;
	p1 =	por !p1, !p2  }
0x3df: {  	s22 =	simm.s32 $0x1;
	s21 =	sadd.s32 s31, s20;
	p1 =	por !p1, !p1  }
0x3e0: {  	s21 =	sshrl.u32 s21, $0x4;
	s22 =	simm.s32 @!p1 $0x0  }
0x3e1: {  	s21 =	ssub.s32 s21, s22  }
0x3e2: {  	s21 =	sshll.u32 s21, $0x4  }
0x3e3: {  	v62 =	vld [tilespmem:s21+$0xC580];
	_ =	sdelay $0x1  }
.Ltmp45:
0x3e4: {  	s20 =	ssub.s32 s20, s21;
	(pc) =	sbr.rel @p0 .LBB2_62-.Ltmp45, $4  }
0x3e5: {  	v32 =	vmov s20  }
0x3e6: {  	vm3 =	veq.s32 v32, v0  }
0x3e7: {  	v63 =	vsel vm3, $0x7F61B1E6, v62  }
0x3e8: {  	v33 =	vld [tilespmem:s21+$0xC800];
	[tilespmem:s21+$0xC580] =	vst v63  }
0x3e9: {  	s20 =	simm.s32 $0xC580  }
0x3ea: {  	p1 =	sne.s32 s19, $0x1;
	v36 =	vld [tilespmem:s20+$0x0]  }
.Ltmp46:
0x3eb: {  	_ = 	snop;
	(pc) =	sbr.rel @!p1 .LBB2_61-.Ltmp46, $3  }
0x3ec: {  	_ =	sdelay $0x1  }
0x3ed: {  	s20 =	simm.s32 $0x0  }
0x3ee: {  	s21 =	sadd.s32 $0xFFFFFFFF, s19;
	s22 =	simm.s32 $0xC590;
	v37 =	vor.u32 s20, v0;
	vm3 =	vlt.f32 v36, v34  }
.LBB2_60:
0x3ef: {  	p1 =	sne.s32 s21, $0x1;
	s21 =	sadd.s32 $0xFFFFFFFF, s21;
	v34 =	vsel vm3, v36, v34;
	v36 =	vld [tilespmem:s22+$0x0];
	v35 =	vsel vm3, v37, v35  }
.Ltmp47:
0x3f0: {  	(pc) =	sbr.rel @p1 .LBB2_60-.Ltmp47, $3  }
0x3f1: {  	_ =	sdelay $0x1  }
0x3f2: {  	s20 =	sadd.s32 $0x10, s20  }
0x3f3: {  	s22 =	sadd.s32 $0x10, s22;
	v37 =	vor.u32 s20, v0;
	vm3 =	vlt.f32 v36, v34  }
.LBB2_61:
0x3f4: {  	v34 =	vsel vm3, v36, v34;
	v35 =	vsel vm3, v37, v35  }
.LBB2_62:
0x3f5: {  	v36 =	vperm.xlane v34, v4;
	v37 =	vperm.xlane v35, v4;
	_ =	sdelay $0x1  }
0x3f6: {  	vm3 =	veq.f32 v36, v34;
	vm4 =	vlt.s32 v37, v35  }
0x3f7: {  	vm5 =	vlt.f32 v36, v34;
	vm3 =	vmand vm3, vm4  }
0x3f8: {  	vm3 =	vmor vm5, vm3  }
0x3f9: {  	v59 =	vsel vm3, v36, v34;
	v60 =	vsel vm3, v37, v35  }
0x3fa: {  	v36 =	vperm.xlane v59, v5;
	v37 =	vperm.xlane v60, v5;
	_ =	sdelay $0x1  }
0x3fb: {  	vm3 =	veq.f32 v36, v59;
	vm10 =	vlt.s32 v37, v60  }
0x3fc: {  	vm11 =	vlt.f32 v36, v59;
	vm3 =	vmand vm3, vm10  }
0x3fd: {  	vm3 =	vmor vm11, vm3  }
0x3fe: {  	v34 =	vsel vm3, v36, v59;
	v35 =	vsel vm3, v37, v60  }
0x3ff: {  	v36 =	vperm.xlane v34, v6;
	v37 =	vperm.xlane v35, v6;
	_ =	sdelay $0x1  }
0x400: {  	vm3 =	veq.f32 v36, v34;
	vm12 =	vlt.s32 v37, v35  }
0x401: {  	vm13 =	vlt.f32 v36, v34;
	vm3 =	vmand vm3, vm12  }
0x402: {  	vm3 =	vmor vm13, vm3  }
0x403: {  	v34 =	vsel vm3, v36, v34;
	v35 =	vsel vm3, v37, v35  }
0x404: {  	v36 =	vperm.xlane v34, v7;
	v37 =	vperm.xlane v35, v7;
	_ =	sdelay $0x1  }
0x405: {  	vm3 =	veq.f32 v36, v34;
	vm14 =	vlt.s32 v37, v35  }
0x406: {  	vm15 =	vlt.f32 v36, v34;
	vm3 =	vmand vm3, vm14  }
0x407: {  	vm3 =	vmor vm15, vm3  }
0x408: {  	v61 =	vsel vm3, v37, v35  }
0x409: {  	(v2sf) =	vpush v61, $0x0;
	_ =	sdelay $0xe  }
0x40a: {  	s20 =	spop (v2sf)  }
0x40b: {  	s21 =	sand.u32 $0xF, s20  }
0x40c: {  	s22 =	sshra.s32 s20, $0x1F;
	p1 =	slt.s32 s20, $0x1;
	p2 =	sne.s32 s21, $0x0  }
0x40d: {  	s31 =	sshrl.u32 s22, $0x1C;
	p1 =	por !p1, !p2  }
0x40e: {  	s22 =	simm.s32 $0x1;
	s21 =	sadd.s32 s31, s20;
	p1 =	por !p1, !p1  }
0x40f: {  	s21 =	sshrl.u32 s21, $0x4;
	s22 =	simm.s32 @!p1 $0x0  }
0x410: {  	s21 =	ssub.s32 s21, s22  }
0x411: {  	s21 =	sshll.u32 s21, $0x4  }
0x412: {  	v62 =	vld [tilespmem:s21+$0xC580];
	_ =	sdelay $0x1  }
.Ltmp48:
0x413: {  	s20 =	ssub.s32 s20, s21;
	(pc) =	sbr.rel @p0 .LBB2_66-.Ltmp48, $4  }
0x414: {  	v34 =	vmov s20  }
0x415: {  	vm3 =	veq.s32 v34, v0  }
0x416: {  	v38 =	vimm.f32 $3.000000010e+38;
	v63 =	vsel vm3, $0x7F61B1E6, v62  }
0x417: {  	v39 =	vimm.s32 $0x40000000;
	v36 =	vimm.f32 $3.000000010e+38;
	v37 =	vimm.s32 $0x40000000;
	v35 =	vld [tilespmem:s21+$0xC800];
	[tilespmem:s21+$0xC580] =	vst v63  }
0x418: {  	s20 =	simm.s32 $0xC580  }
0x419: {  	p1 =	sne.s32 s19, $0x1;
	v36 =	vld [tilespmem:s20+$0x0]  }
.Ltmp49:
0x41a: {  	_ = 	snop;
	(pc) =	sbr.rel @!p1 .LBB2_65-.Ltmp49, $3  }
0x41b: {  	_ =	sdelay $0x1  }
0x41c: {  	v37 =	vimm.f32 $3.000000010e+38;
	s20 =	simm.s32 $0x0  }
0x41d: {  	s21 =	sadd.s32 $0xFFFFFFFF, s19;
	s22 =	simm.s32 $0xC590;
	v40 =	vimm.s32 $0x40000000;
	v41 =	vor.u32 s20, v0;
	vm3 =	vlt.f32 v36, v38  }
.LBB2_64:
0x41e: {  	p1 =	sne.s32 s21, $0x1;
	s21 =	sadd.s32 $0xFFFFFFFF, s21;
	v37 =	vsel vm3, v36, v37;
	v36 =	vld [tilespmem:s22+$0x0];
	v40 =	vsel vm3, v41, v40  }
.Ltmp50:
0x41f: {  	(pc) =	sbr.rel @p1 .LBB2_64-.Ltmp50, $3  }
0x420: {  	_ =	sdelay $0x1  }
0x421: {  	s20 =	sadd.s32 $0x10, s20  }
0x422: {  	s22 =	sadd.s32 $0x10, s22;
	v41 =	vor.u32 s20, v0;
	vm3 =	vlt.f32 v36, v37  }
.LBB2_65:
0x423: {  	v36 =	vsel vm3, v36, v37;
	v37 =	vsel vm3, v41, v40  }
.LBB2_66:
0x424: {  	v40 =	vperm.xlane v36, v4;
	v41 =	vperm.xlane v37, v4;
	_ =	sdelay $0x1  }
0x425: {  	vm3 =	veq.f32 v40, v36;
	vm4 =	vlt.s32 v41, v37  }
0x426: {  	vm5 =	vlt.f32 v40, v36;
	vm3 =	vmand vm3, vm4  }
0x427: {  	vm3 =	vmor vm5, vm3  }
0x428: {  	v59 =	vsel vm3, v40, v36;
	v60 =	vsel vm3, v41, v37  }
0x429: {  	v40 =	vperm.xlane v59, v5;
	v41 =	vperm.xlane v60, v5;
	_ =	sdelay $0x1  }
0x42a: {  	vm3 =	veq.f32 v40, v59;
	vm10 =	vlt.s32 v41, v60  }
0x42b: {  	vm11 =	vlt.f32 v40, v59;
	vm3 =	vmand vm3, vm10  }
0x42c: {  	vm3 =	vmor vm11, vm3  }
0x42d: {  	v36 =	vsel vm3, v40, v59;
	v37 =	vsel vm3, v41, v60  }
0x42e: {  	v40 =	vperm.xlane v36, v6;
	v41 =	vperm.xlane v37, v6;
	_ =	sdelay $0x1  }
0x42f: {  	vm3 =	veq.f32 v40, v36;
	vm12 =	vlt.s32 v41, v37  }
0x430: {  	vm13 =	vlt.f32 v40, v36;
	vm3 =	vmand vm3, vm12  }
0x431: {  	vm3 =	vmor vm13, vm3  }
0x432: {  	v36 =	vsel vm3, v40, v36;
	v37 =	vsel vm3, v41, v37  }
0x433: {  	v40 =	vperm.xlane v36, v7;
	v41 =	vperm.xlane v37, v7;
	_ =	sdelay $0x1  }
0x434: {  	vm3 =	veq.f32 v40, v36;
	vm14 =	vlt.s32 v41, v37  }
0x435: {  	vm15 =	vlt.f32 v40, v36;
	vm3 =	vmand vm3, vm14  }
0x436: {  	vm3 =	vmor vm15, vm3  }
0x437: {  	v61 =	vsel vm3, v41, v37  }
0x438: {  	(v2sf) =	vpush v61, $0x0;
	_ =	sdelay $0xe  }
0x439: {  	s20 =	spop (v2sf)  }
0x43a: {  	s21 =	sand.u32 $0xF, s20  }
0x43b: {  	s22 =	sshra.s32 s20, $0x1F;
	p1 =	slt.s32 s20, $0x1;
	p2 =	sne.s32 s21, $0x0  }
0x43c: {  	s31 =	sshrl.u32 s22, $0x1C;
	p1 =	por !p1, !p2  }
0x43d: {  	s22 =	simm.s32 $0x1;
	s21 =	sadd.s32 s31, s20;
	p1 =	por !p1, !p1  }
0x43e: {  	s21 =	sshrl.u32 s21, $0x4;
	s22 =	simm.s32 @!p1 $0x0  }
0x43f: {  	s21 =	ssub.s32 s21, s22  }
0x440: {  	s21 =	sshll.u32 s21, $0x4  }
0x441: {  	v62 =	vld [tilespmem:s21+$0xC580];
	_ =	sdelay $0x1  }
.Ltmp51:
0x442: {  	s20 =	ssub.s32 s20, s21;
	(pc) =	sbr.rel @p0 .LBB2_70-.Ltmp51, $4  }
0x443: {  	v36 =	vmov s20  }
0x444: {  	vm3 =	veq.s32 v36, v0  }
0x445: {  	v63 =	vsel vm3, $0x7F61B1E6, v62  }
0x446: {  	v37 =	vld [tilespmem:s21+$0xC800];
	[tilespmem:s21+$0xC580] =	vst v63  }
0x447: {  	s20 =	simm.s32 $0xC580  }
0x448: {  	p1 =	sne.s32 s19, $0x1;
	v40 =	vld [tilespmem:s20+$0x0]  }
.Ltmp52:
0x449: {  	_ = 	snop;
	(pc) =	sbr.rel @!p1 .LBB2_69-.Ltmp52, $3  }
0x44a: {  	_ =	sdelay $0x1  }
0x44b: {  	s20 =	simm.s32 $0x0  }
0x44c: {  	s21 =	sadd.s32 $0xFFFFFFFF, s19;
	s22 =	simm.s32 $0xC590;
	v41 =	vor.u32 s20, v0;
	vm3 =	vlt.f32 v40, v38  }
.LBB2_68:
0x44d: {  	p1 =	sne.s32 s21, $0x1;
	s21 =	sadd.s32 $0xFFFFFFFF, s21;
	v38 =	vsel vm3, v40, v38;
	v40 =	vld [tilespmem:s22+$0x0];
	v39 =	vsel vm3, v41, v39  }
.Ltmp53:
0x44e: {  	(pc) =	sbr.rel @p1 .LBB2_68-.Ltmp53, $3  }
0x44f: {  	_ =	sdelay $0x1  }
0x450: {  	s20 =	sadd.s32 $0x10, s20  }
0x451: {  	s22 =	sadd.s32 $0x10, s22;
	v41 =	vor.u32 s20, v0;
	vm3 =	vlt.f32 v40, v38  }
.LBB2_69:
0x452: {  	v38 =	vsel vm3, v40, v38;
	v39 =	vsel vm3, v41, v39  }
.LBB2_70:
0x453: {  	v40 =	vperm.xlane v38, v4;
	v41 =	vperm.xlane v39, v4;
	_ =	sdelay $0x1  }
0x454: {  	vm3 =	veq.f32 v40, v38;
	vm4 =	vlt.s32 v41, v39  }
0x455: {  	vm5 =	vlt.f32 v40, v38;
	vm3 =	vmand vm3, vm4  }
0x456: {  	vm3 =	vmor vm5, vm3  }
0x457: {  	v59 =	vsel vm3, v40, v38;
	v60 =	vsel vm3, v41, v39  }
0x458: {  	v40 =	vperm.xlane v59, v5;
	v41 =	vperm.xlane v60, v5;
	_ =	sdelay $0x1  }
0x459: {  	vm3 =	veq.f32 v40, v59;
	vm10 =	vlt.s32 v41, v60  }
0x45a: {  	vm11 =	vlt.f32 v40, v59;
	vm3 =	vmand vm3, vm10  }
0x45b: {  	vm3 =	vmor vm11, vm3  }
0x45c: {  	v38 =	vsel vm3, v40, v59;
	v39 =	vsel vm3, v41, v60  }
0x45d: {  	v40 =	vperm.xlane v38, v6;
	v41 =	vperm.xlane v39, v6;
	_ =	sdelay $0x1  }
0x45e: {  	vm3 =	veq.f32 v40, v38;
	vm12 =	vlt.s32 v41, v39  }
0x45f: {  	vm13 =	vlt.f32 v40, v38;
	vm3 =	vmand vm3, vm12  }
0x460: {  	vm3 =	vmor vm13, vm3  }
0x461: {  	v38 =	vsel vm3, v40, v38;
	v39 =	vsel vm3, v41, v39  }
0x462: {  	v40 =	vperm.xlane v38, v7;
	v41 =	vperm.xlane v39, v7;
	_ =	sdelay $0x1  }
0x463: {  	vm3 =	veq.f32 v40, v38;
	vm14 =	vlt.s32 v41, v39  }
0x464: {  	vm15 =	vlt.f32 v40, v38;
	vm3 =	vmand vm3, vm14  }
0x465: {  	vm3 =	vmor vm15, vm3  }
0x466: {  	v61 =	vsel vm3, v41, v39  }
0x467: {  	(v2sf) =	vpush v61, $0x0;
	_ =	sdelay $0xe  }
0x468: {  	s20 =	spop (v2sf)  }
0x469: {  	s21 =	sand.u32 $0xF, s20  }
0x46a: {  	s22 =	sshra.s32 s20, $0x1F;
	p1 =	slt.s32 s20, $0x1;
	p2 =	sne.s32 s21, $0x0  }
0x46b: {  	s31 =	sshrl.u32 s22, $0x1C;
	p1 =	por !p1, !p2  }
0x46c: {  	s22 =	simm.s32 $0x1;
	s21 =	sadd.s32 s31, s20;
	p1 =	por !p1, !p1  }
0x46d: {  	s21 =	sshrl.u32 s21, $0x4;
	s22 =	simm.s32 @!p1 $0x0  }
0x46e: {  	s21 =	ssub.s32 s21, s22  }
0x46f: {  	s21 =	sshll.u32 s21, $0x4  }
0x470: {  	v62 =	vld [tilespmem:s21+$0xC580];
	_ =	sdelay $0x1  }
.Ltmp54:
0x471: {  	s20 =	ssub.s32 s20, s21;
	(pc) =	sbr.rel @p0 .LBB2_74-.Ltmp54, $4  }
0x472: {  	v38 =	vmov s20  }
0x473: {  	vm3 =	veq.s32 v38, v0  }
0x474: {  	v42 =	vimm.f32 $3.000000010e+38;
	v63 =	vsel vm3, $0x7F61B1E6, v62  }
0x475: {  	v43 =	vimm.s32 $0x40000000;
	v40 =	vimm.f32 $3.000000010e+38;
	v41 =	vimm.s32 $0x40000000;
	v39 =	vld [tilespmem:s21+$0xC800];
	[tilespmem:s21+$0xC580] =	vst v63  }
0x476: {  	s20 =	simm.s32 $0xC580  }
0x477: {  	p1 =	sne.s32 s19, $0x1;
	v40 =	vld [tilespmem:s20+$0x0]  }
.Ltmp55:
0x478: {  	_ = 	snop;
	(pc) =	sbr.rel @!p1 .LBB2_73-.Ltmp55, $3  }
0x479: {  	_ =	sdelay $0x1  }
0x47a: {  	v41 =	vimm.f32 $3.000000010e+38;
	s20 =	simm.s32 $0x0  }
0x47b: {  	s21 =	sadd.s32 $0xFFFFFFFF, s19;
	s22 =	simm.s32 $0xC590;
	v44 =	vimm.s32 $0x40000000;
	v45 =	vor.u32 s20, v0;
	vm3 =	vlt.f32 v40, v42  }
.LBB2_72:
0x47c: {  	p1 =	sne.s32 s21, $0x1;
	s21 =	sadd.s32 $0xFFFFFFFF, s21;
	v41 =	vsel vm3, v40, v41;
	v40 =	vld [tilespmem:s22+$0x0];
	v44 =	vsel vm3, v45, v44  }
.Ltmp56:
0x47d: {  	(pc) =	sbr.rel @p1 .LBB2_72-.Ltmp56, $3  }
0x47e: {  	_ =	sdelay $0x1  }
0x47f: {  	s20 =	sadd.s32 $0x10, s20  }
0x480: {  	s22 =	sadd.s32 $0x10, s22;
	v45 =	vor.u32 s20, v0;
	vm3 =	vlt.f32 v40, v41  }
.LBB2_73:
0x481: {  	v40 =	vsel vm3, v40, v41;
	v41 =	vsel vm3, v45, v44  }
.LBB2_74:
0x482: {  	v44 =	vperm.xlane v40, v4;
	v45 =	vperm.xlane v41, v4;
	_ =	sdelay $0x1  }
0x483: {  	vm3 =	veq.f32 v44, v40;
	vm4 =	vlt.s32 v45, v41  }
0x484: {  	vm5 =	vlt.f32 v44, v40;
	vm3 =	vmand vm3, vm4  }
0x485: {  	vm3 =	vmor vm5, vm3  }
0x486: {  	v59 =	vsel vm3, v44, v40;
	v60 =	vsel vm3, v45, v41  }
0x487: {  	v44 =	vperm.xlane v59, v5;
	v45 =	vperm.xlane v60, v5;
	_ =	sdelay $0x1  }
0x488: {  	vm3 =	veq.f32 v44, v59;
	vm10 =	vlt.s32 v45, v60  }
0x489: {  	vm11 =	vlt.f32 v44, v59;
	vm3 =	vmand vm3, vm10  }
0x48a: {  	vm3 =	vmor vm11, vm3  }
0x48b: {  	v40 =	vsel vm3, v44, v59;
	v41 =	vsel vm3, v45, v60  }
0x48c: {  	v44 =	vperm.xlane v40, v6;
	v45 =	vperm.xlane v41, v6;
	_ =	sdelay $0x1  }
0x48d: {  	vm3 =	veq.f32 v44, v40;
	vm12 =	vlt.s32 v45, v41  }
0x48e: {  	vm13 =	vlt.f32 v44, v40;
	vm3 =	vmand vm3, vm12  }
0x48f: {  	vm3 =	vmor vm13, vm3  }
0x490: {  	v40 =	vsel vm3, v44, v40;
	v41 =	vsel vm3, v45, v41  }
0x491: {  	v44 =	vperm.xlane v40, v7;
	v45 =	vperm.xlane v41, v7;
	_ =	sdelay $0x1  }
0x492: {  	vm3 =	veq.f32 v44, v40;
	vm14 =	vlt.s32 v45, v41  }
0x493: {  	vm15 =	vlt.f32 v44, v40;
	vm3 =	vmand vm3, vm14  }
0x494: {  	vm3 =	vmor vm15, vm3  }
0x495: {  	v61 =	vsel vm3, v45, v41  }
0x496: {  	(v2sf) =	vpush v61, $0x0;
	_ =	sdelay $0xe  }
0x497: {  	s20 =	spop (v2sf)  }
0x498: {  	s21 =	sand.u32 $0xF, s20  }
0x499: {  	s22 =	sshra.s32 s20, $0x1F;
	p1 =	slt.s32 s20, $0x1;
	p2 =	sne.s32 s21, $0x0  }
0x49a: {  	s31 =	sshrl.u32 s22, $0x1C;
	p1 =	por !p1, !p2  }
0x49b: {  	s22 =	simm.s32 $0x1;
	s21 =	sadd.s32 s31, s20;
	p1 =	por !p1, !p1  }
0x49c: {  	s21 =	sshrl.u32 s21, $0x4;
	s22 =	simm.s32 @!p1 $0x0  }
0x49d: {  	s21 =	ssub.s32 s21, s22  }
0x49e: {  	s21 =	sshll.u32 s21, $0x4  }
0x49f: {  	v62 =	vld [tilespmem:s21+$0xC580];
	_ =	sdelay $0x1  }
.Ltmp57:
0x4a0: {  	s20 =	ssub.s32 s20, s21;
	(pc) =	sbr.rel @p0 .LBB2_78-.Ltmp57, $4  }
0x4a1: {  	v40 =	vmov s20  }
0x4a2: {  	vm3 =	veq.s32 v40, v0  }
0x4a3: {  	v63 =	vsel vm3, $0x7F61B1E6, v62  }
0x4a4: {  	v41 =	vld [tilespmem:s21+$0xC800];
	[tilespmem:s21+$0xC580] =	vst v63  }
0x4a5: {  	s20 =	simm.s32 $0xC580  }
0x4a6: {  	p1 =	sne.s32 s19, $0x1;
	v44 =	vld [tilespmem:s20+$0x0]  }
.Ltmp58:
0x4a7: {  	_ = 	snop;
	(pc) =	sbr.rel @!p1 .LBB2_77-.Ltmp58, $3  }
0x4a8: {  	_ =	sdelay $0x1  }
0x4a9: {  	s20 =	simm.s32 $0x0  }
0x4aa: {  	s21 =	sadd.s32 $0xFFFFFFFF, s19;
	s22 =	simm.s32 $0xC590;
	v45 =	vor.u32 s20, v0;
	vm3 =	vlt.f32 v44, v42  }
.LBB2_76:
0x4ab: {  	p1 =	sne.s32 s21, $0x1;
	s21 =	sadd.s32 $0xFFFFFFFF, s21;
	v42 =	vsel vm3, v44, v42;
	v44 =	vld [tilespmem:s22+$0x0];
	v43 =	vsel vm3, v45, v43  }
.Ltmp59:
0x4ac: {  	(pc) =	sbr.rel @p1 .LBB2_76-.Ltmp59, $3  }
0x4ad: {  	_ =	sdelay $0x1  }
0x4ae: {  	s20 =	sadd.s32 $0x10, s20  }
0x4af: {  	s22 =	sadd.s32 $0x10, s22;
	v45 =	vor.u32 s20, v0;
	vm3 =	vlt.f32 v44, v42  }
.LBB2_77:
0x4b0: {  	v42 =	vsel vm3, v44, v42;
	v43 =	vsel vm3, v45, v43  }
.LBB2_78:
0x4b1: {  	v44 =	vperm.xlane v42, v4;
	v45 =	vperm.xlane v43, v4;
	_ =	sdelay $0x1  }
0x4b2: {  	vm3 =	veq.f32 v44, v42;
	vm4 =	vlt.s32 v45, v43  }
0x4b3: {  	vm5 =	vlt.f32 v44, v42;
	vm3 =	vmand vm3, vm4  }
0x4b4: {  	vm3 =	vmor vm5, vm3  }
0x4b5: {  	v59 =	vsel vm3, v44, v42;
	v60 =	vsel vm3, v45, v43  }
0x4b6: {  	v44 =	vperm.xlane v59, v5;
	v45 =	vperm.xlane v60, v5;
	_ =	sdelay $0x1  }
0x4b7: {  	vm3 =	veq.f32 v44, v59;
	vm10 =	vlt.s32 v45, v60  }
0x4b8: {  	vm11 =	vlt.f32 v44, v59;
	vm3 =	vmand vm3, vm10  }
0x4b9: {  	vm3 =	vmor vm11, vm3  }
0x4ba: {  	v42 =	vsel vm3, v44, v59;
	v43 =	vsel vm3, v45, v60  }
0x4bb: {  	v44 =	vperm.xlane v42, v6;
	v45 =	vperm.xlane v43, v6;
	_ =	sdelay $0x1  }
0x4bc: {  	vm3 =	veq.f32 v44, v42;
	vm12 =	vlt.s32 v45, v43  }
0x4bd: {  	vm13 =	vlt.f32 v44, v42;
	vm3 =	vmand vm3, vm12  }
0x4be: {  	vm3 =	vmor vm13, vm3  }
0x4bf: {  	v42 =	vsel vm3, v44, v42;
	v43 =	vsel vm3, v45, v43  }
0x4c0: {  	v44 =	vperm.xlane v42, v7;
	v45 =	vperm.xlane v43, v7;
	_ =	sdelay $0x1  }
0x4c1: {  	vm3 =	veq.f32 v44, v42;
	vm14 =	vlt.s32 v45, v43  }
0x4c2: {  	vm15 =	vlt.f32 v44, v42;
	vm3 =	vmand vm3, vm14  }
0x4c3: {  	vm3 =	vmor vm15, vm3  }
0x4c4: {  	v61 =	vsel vm3, v45, v43  }
0x4c5: {  	(v2sf) =	vpush v61, $0x0;
	_ =	sdelay $0xe  }
0x4c6: {  	s20 =	spop (v2sf)  }
0x4c7: {  	s21 =	sand.u32 $0xF, s20  }
0x4c8: {  	s22 =	sshra.s32 s20, $0x1F;
	p1 =	slt.s32 s20, $0x1;
	p2 =	sne.s32 s21, $0x0  }
0x4c9: {  	s31 =	sshrl.u32 s22, $0x1C;
	p1 =	por !p1, !p2  }
0x4ca: {  	s22 =	simm.s32 $0x1;
	s21 =	sadd.s32 s31, s20;
	p1 =	por !p1, !p1  }
0x4cb: {  	s21 =	sshrl.u32 s21, $0x4;
	s22 =	simm.s32 @!p1 $0x0  }
0x4cc: {  	s21 =	ssub.s32 s21, s22  }
0x4cd: {  	s21 =	sshll.u32 s21, $0x4  }
0x4ce: {  	v62 =	vld [tilespmem:s21+$0xC580];
	_ =	sdelay $0x1  }
.Ltmp60:
0x4cf: {  	s20 =	ssub.s32 s20, s21;
	(pc) =	sbr.rel @p0 .LBB2_82-.Ltmp60, $4  }
0x4d0: {  	v42 =	vmov s20  }
0x4d1: {  	vm3 =	veq.s32 v42, v0  }
0x4d2: {  	v46 =	vimm.s32 $0x40000000;
	v63 =	vsel vm3, $0x7F61B1E6, v62  }
0x4d3: {  	v47 =	vimm.s32 $0x40000000;
	v44 =	vimm.f32 $3.000000010e+38;
	v45 =	vimm.f32 $3.000000010e+38;
	v43 =	vld [tilespmem:s21+$0xC800];
	[tilespmem:s21+$0xC580] =	vst v63  }
0x4d4: {  	s20 =	simm.s32 $0xC580  }
0x4d5: {  	p1 =	sne.s32 s19, $0x1;
	v44 =	vld [tilespmem:s20+$0x0]  }
.Ltmp61:
0x4d6: {  	_ = 	snop;
	(pc) =	sbr.rel @!p1 .LBB2_81-.Ltmp61, $3  }
0x4d7: {  	_ =	sdelay $0x1  }
0x4d8: {  	v47 =	vimm.f32 $3.000000010e+38;
	s20 =	simm.s32 $0x0  }
0x4d9: {  	s21 =	sadd.s32 $0xFFFFFFFF, s19;
	s22 =	simm.s32 $0xC590;
	v48 =	vimm.s32 $0x40000000;
	v49 =	vor.u32 s20, v0;
	vm3 =	vlt.f32 v44, v45  }
.LBB2_80:
0x4da: {  	p1 =	sne.s32 s21, $0x1;
	s21 =	sadd.s32 $0xFFFFFFFF, s21;
	v47 =	vsel vm3, v44, v47;
	v44 =	vld [tilespmem:s22+$0x0];
	v48 =	vsel vm3, v49, v48  }
.Ltmp62:
0x4db: {  	(pc) =	sbr.rel @p1 .LBB2_80-.Ltmp62, $3  }
0x4dc: {  	_ =	sdelay $0x1  }
0x4dd: {  	s20 =	sadd.s32 $0x10, s20  }
0x4de: {  	s22 =	sadd.s32 $0x10, s22;
	v49 =	vor.u32 s20, v0;
	vm3 =	vlt.f32 v44, v47  }
.LBB2_81:
0x4df: {  	v44 =	vsel vm3, v44, v47;
	v47 =	vsel vm3, v49, v48  }
.LBB2_82:
0x4e0: {  	v48 =	vperm.xlane v44, v4;
	v49 =	vperm.xlane v47, v4;
	_ =	sdelay $0x1  }
0x4e1: {  	vm3 =	veq.f32 v48, v44;
	vm4 =	vlt.s32 v49, v47  }
0x4e2: {  	vm5 =	vlt.f32 v48, v44;
	vm3 =	vmand vm3, vm4  }
0x4e3: {  	vm3 =	vmor vm5, vm3  }
0x4e4: {  	v59 =	vsel vm3, v48, v44;
	v60 =	vsel vm3, v49, v47  }
0x4e5: {  	v48 =	vperm.xlane v59, v5;
	v49 =	vperm.xlane v60, v5;
	_ =	sdelay $0x1  }
0x4e6: {  	vm3 =	veq.f32 v48, v59;
	vm10 =	vlt.s32 v49, v60  }
0x4e7: {  	vm11 =	vlt.f32 v48, v59;
	vm3 =	vmand vm3, vm10  }
0x4e8: {  	vm3 =	vmor vm11, vm3  }
0x4e9: {  	v44 =	vsel vm3, v48, v59;
	v47 =	vsel vm3, v49, v60  }
0x4ea: {  	v48 =	vperm.xlane v44, v6;
	v49 =	vperm.xlane v47, v6;
	_ =	sdelay $0x1  }
0x4eb: {  	vm3 =	veq.f32 v48, v44;
	vm12 =	vlt.s32 v49, v47  }
0x4ec: {  	vm13 =	vlt.f32 v48, v44;
	vm3 =	vmand vm3, vm12  }
0x4ed: {  	vm3 =	vmor vm13, vm3  }
0x4ee: {  	v44 =	vsel vm3, v48, v44;
	v47 =	vsel vm3, v49, v47  }
0x4ef: {  	v48 =	vperm.xlane v44, v7;
	v49 =	vperm.xlane v47, v7;
	_ =	sdelay $0x1  }
0x4f0: {  	vm3 =	veq.f32 v48, v44;
	vm14 =	vlt.s32 v49, v47  }
0x4f1: {  	vm15 =	vlt.f32 v48, v44;
	vm3 =	vmand vm3, vm14  }
0x4f2: {  	vm3 =	vmor vm15, vm3  }
0x4f3: {  	v61 =	vsel vm3, v49, v47  }
0x4f4: {  	(v2sf) =	vpush v61, $0x0;
	_ =	sdelay $0xe  }
0x4f5: {  	s20 =	spop (v2sf)  }
0x4f6: {  	s21 =	sand.u32 $0xF, s20  }
0x4f7: {  	s22 =	sshra.s32 s20, $0x1F;
	p1 =	slt.s32 s20, $0x1;
	p2 =	sne.s32 s21, $0x0  }
0x4f8: {  	s31 =	sshrl.u32 s22, $0x1C;
	p1 =	por !p1, !p2  }
0x4f9: {  	s22 =	simm.s32 $0x1;
	s21 =	sadd.s32 s31, s20;
	p1 =	por !p1, !p1  }
0x4fa: {  	s21 =	sshrl.u32 s21, $0x4;
	s22 =	simm.s32 @!p1 $0x0  }
0x4fb: {  	s21 =	ssub.s32 s21, s22  }
0x4fc: {  	s21 =	sshll.u32 s21, $0x4  }
0x4fd: {  	v62 =	vld [tilespmem:s21+$0xC580];
	_ =	sdelay $0x1  }
.Ltmp63:
0x4fe: {  	s20 =	ssub.s32 s20, s21;
	(pc) =	sbr.rel @p0 .LBB2_86-.Ltmp63, $4  }
0x4ff: {  	v44 =	vmov s20  }
0x500: {  	vm3 =	veq.s32 v44, v0  }
0x501: {  	v63 =	vsel vm3, $0x7F61B1E6, v62  }
0x502: {  	v47 =	vld [tilespmem:s21+$0xC800];
	[tilespmem:s21+$0xC580] =	vst v63  }
0x503: {  	s20 =	simm.s32 $0xC580  }
0x504: {  	p0 =	sne.s32 s19, $0x1;
	v48 =	vld [tilespmem:s20+$0x0]  }
.Ltmp64:
0x505: {  	_ = 	snop;
	(pc) =	sbr.rel @!p0 .LBB2_85-.Ltmp64, $3  }
0x506: {  	_ =	sdelay $0x1  }
0x507: {  	s20 =	simm.s32 $0x0  }
0x508: {  	s19 =	sadd.s32 $0xFFFFFFFF, s19;
	s21 =	simm.s32 $0xC590;
	v49 =	vor.u32 s20, v0;
	vm3 =	vlt.f32 v48, v45  }
.LBB2_84:
0x509: {  	p0 =	sne.s32 s19, $0x1;
	s19 =	sadd.s32 $0xFFFFFFFF, s19;
	v45 =	vsel vm3, v48, v45;
	v48 =	vld [tilespmem:s21+$0x0];
	v46 =	vsel vm3, v49, v46  }
.Ltmp65:
0x50a: {  	(pc) =	sbr.rel @p0 .LBB2_84-.Ltmp65, $3  }
0x50b: {  	_ =	sdelay $0x1  }
0x50c: {  	s20 =	sadd.s32 $0x10, s20  }
0x50d: {  	s21 =	sadd.s32 $0x10, s21;
	v49 =	vor.u32 s20, v0;
	vm3 =	vlt.f32 v48, v45  }
.Ltmp66:
0x50e: {  	_ = 	snop;
	(pc) =	sbr.rel .LBB2_85-.Ltmp66, $1  }
0x50f: {  	_ =	sdelay $0x3  }
.LBB2_88:
0x510: {  	_ =	sfence.sel $0x180000  }
0x511: {  	[bflag:$0x0] =	sbarrier.arrive $0xFFFF  }
0x512: {  	p0 =	sne.s32 s4, $0x0;
	_ =	strace $0x90000047  }
0x513: {  	s0 =	sadd.s32 @!p0 $0x100000, s5;
	[bflag:$0x2] =	sbarrier.arrive $0xFFFF  }
0x514: {  	[sflag:s0] =	ssyncadd.tile.s32 @!p0 $0x1;
	_ =	shalt  }
.Lfunc_end2:
_tile_overlayer_lowered:
.L_overlay_start_2:
0x515: {  	(tag) =	ssettag $0x2  }
0x516: {  	s0 =	rddreg [dreg:$0x0];
	s2 =	stileid.u32  }
0x517: {  	s1 =	rddreg [dreg:$0x1];
	p0 =	sne.s32 s2, $0x0  }
0x518: {  	s3 =	rddreg [dreg:$0x2];
	[bflag:$0x3] =	sbarrier.arrive $0xFFFF;
	s2 =	simm.s32 @!p0 $0x1C01  }
0x519: {  	[timem:s3], [sflag:s2] =	dma.local @!p0 [hbm:s0], s1  }
0x51a: {  	s0 =	simm.s32 @!p0 $0x1  }
0x51b: {  	_ =	swait.ge @!p0 [sflag:s0], s1  }
0x51c: {  	s1 =	ssub.s32 @!p0 $0x0, s1;
	[sflag:s0] =	ssyncset.done @!p0 $0x0  }
0x51d: {  	[sflag:s0] =	ssyncadd.s32 @!p0 s1  }
0x51e: {  	[bflag:$0x3] =	sbarrier.arrive $0xFFFF  }
0x51f: {  	_ =	shalt  }

</sc_bundles>
